<compile_context>
chip_gen: v7x
topology: tpu7x:2x2x1
jax: 0.10.2.dev20260603
libtpu: 0.0.44.dev20260713+nightly
codegen_flags: <defaults>
</compile_context>

<pallas_src>
import functools

import jax
import jax.numpy as jnp
from jax import lax
from jax.experimental import pallas as pl
from jax.experimental.pallas import tpu as pltpu
from jax.experimental.pallas import tpu_sc as plsc

N = 10000
E = 320000
P = 50000
H = 128
DP = 16
L = 3

NC = 2
NS = 16
NW = NC * NS

EB = 80
ET = E // NW
MB = 128
E2 = 327680
ETP = E2 // NW
CPT = ETP // MB
QT = CPT // 4
NP = 10240
ROWS_T = NP // NS
RB = 80
RCH = ROWS_T // RB

PADP = 100352
PT = PADP // NW
PB = 112

_F32 = jnp.float32


def _mesh():
    return plsc.VectorSubcoreMesh(
        core_axis_name="c", subcore_axis_name="s",
        num_cores=NC, num_subcores=NS)


def _sc_deg(dst, zeros16, ones16):
    @functools.partial(
        pl.kernel,
        out_type=jax.ShapeDtypeStruct((NC, NP, 16), _F32),
        mesh=_mesh(),
        scratch_types=[
            pltpu.VMEM((EB,), jnp.int32),
            pltpu.VMEM((EB, 16), _F32),
            pltpu.VMEM((RB, 16), _F32),
            pltpu.VMEM_SHARED((NP, 16), _F32),
        ],
    )
    def k(dst_hbm, z_hbm, one_hbm, out_hbm, dst_v, ones_v, stage_v, acc):
        c = lax.axis_index("c")
        s = lax.axis_index("s")
        wid = s * NC + c
        r0 = s * ROWS_T
        pltpu.sync_copy(one_hbm, ones_v)
        for j in range(RCH):
            pltpu.sync_copy(z_hbm.at[pl.ds(r0 + j * RB, RB)], stage_v)
            pltpu.sync_copy(stage_v, acc.at[pl.ds(r0 + j * RB, RB)])
        plsc.subcore_barrier()

        def body(i, carry):
            off = wid * ET + i * EB
            pltpu.sync_copy(dst_hbm.at[pl.ds(off, EB)], dst_v)
            pltpu.sync_copy(ones_v, acc.at[dst_v], add=True)
            return carry

        lax.fori_loop(0, ET // EB, body, 0)
        plsc.subcore_barrier()
        for j in range(RCH):
            pltpu.sync_copy(acc.at[pl.ds(r0 + j * RB, RB)], stage_v)
            pltpu.sync_copy(stage_v, out_hbm.at[c, pl.ds(r0 + j * RB, RB)])

    return k(dst, zeros16, ones16)


def _sc_msg(src_p, dst_p, hp, zeros128):
    @functools.partial(
        pl.kernel,
        out_type=jax.ShapeDtypeStruct((NC, NP, H), _F32),
        mesh=_mesh(),
        scratch_types=[
            pltpu.VMEM((MB,), jnp.int32), pltpu.VMEM((MB,), jnp.int32),
            pltpu.VMEM((MB,), jnp.int32), pltpu.VMEM((MB,), jnp.int32),
            pltpu.VMEM((MB,), jnp.int32), pltpu.VMEM((MB,), jnp.int32),
            pltpu.VMEM((MB,), jnp.int32), pltpu.VMEM((MB,), jnp.int32),
            pltpu.VMEM((MB, H), _F32), pltpu.VMEM((MB, H), _F32),
            pltpu.VMEM((RB, H), _F32),
            pltpu.VMEM_SHARED((NP, H), _F32),
            pltpu.SemaphoreType.DMA, pltpu.SemaphoreType.DMA,
            pltpu.SemaphoreType.DMA, pltpu.SemaphoreType.DMA,
            pltpu.SemaphoreType.DMA, pltpu.SemaphoreType.DMA,
            pltpu.SemaphoreType.DMA, pltpu.SemaphoreType.DMA,
        ],
    )
    def k(src_hbm, dst_hbm, h_hbm, z_hbm, out_hbm,
          sv0, dv0, sv1, dv1, sv2, dv2, sv3, dv3,
          ra, rb_, stage_v, acc,
          i0, i1, i2, i3, g0, g1, s0, s1):
        c = lax.axis_index("c")
        s = lax.axis_index("s")
        wid = s * NC + c
        base = wid * ETP
        r0 = s * ROWS_T

        sv = [sv0, sv1, sv2, sv3]
        dv = [dv0, dv1, dv2, dv3]
        isem = [i0, i1, i2, i3]

        def idx_load(j, cq):
            off = base + cq * MB
            pltpu.async_copy(src_hbm.at[pl.ds(off, MB)], sv[j], isem[j])
            pltpu.async_copy(dst_hbm.at[pl.ds(off, MB)], dv[j], isem[j])

        def idx_wait(j):
            pltpu.make_async_copy(src_hbm.at[pl.ds(0, MB)], sv[j], isem[j]).wait()
            pltpu.make_async_copy(dst_hbm.at[pl.ds(0, MB)], dv[j], isem[j]).wait()

        def gat(j, rbuf, gsem):
            pltpu.async_copy(h_hbm.at[sv[j]], rbuf, gsem)

        def gat_wait(j, rbuf, gsem):
            pltpu.make_async_copy(h_hbm.at[sv[j]], rbuf, gsem).wait()

        def scat(j, rbuf, ssem):
            pltpu.async_copy(rbuf, acc.at[dv[j]], ssem, add=True)

        def scat_wait(j, rbuf, ssem):
            pltpu.make_async_copy(rbuf, acc.at[dv[j]], ssem).wait()

        for j in range(RCH):
            pltpu.sync_copy(z_hbm.at[pl.ds(r0 + j * RB, RB)], stage_v)
            pltpu.sync_copy(stage_v, acc.at[pl.ds(r0 + j * RB, RB)])
        plsc.subcore_barrier()

        def body(i, carry):
            off = base + i * MB
            pltpu.sync_copy(src_hbm.at[pl.ds(off, MB)], sv0)
            pltpu.sync_copy(dst_hbm.at[pl.ds(off, MB)], dv0)
            pltpu.async_copy(h_hbm.at[sv0], ra, g0).wait()
            pltpu.sync_copy(ra, acc.at[dv0], add=True)
            return carry

        lax.fori_loop(0, CPT, body, 0)
        plsc.subcore_barrier()
        for j in range(RCH):
            pltpu.sync_copy(acc.at[pl.ds(r0 + j * RB, RB)], stage_v)
            pltpu.sync_copy(stage_v, out_hbm.at[c, pl.ds(r0 + j * RB, RB)])

    return k(dst, zeros16, ones16)


def _sc_msg(src_p, dst_p, hp, zeros128):
    @functools.partial(
        pl.kernel,
        out_type=jax.ShapeDtypeStruct((NC, NP, H), _F32),
        mesh=_mesh(),
        scratch_types=[
            pltpu.VMEM((MB,), jnp.int32), pltpu.VMEM((MB,), jnp.int32),
            pltpu.VMEM((MB,), jnp.int32), pltpu.VMEM((MB,), jnp.int32),
            pltpu.VMEM((MB,), jnp.int32), pltpu.VMEM((MB,), jnp.int32),
            pltpu.VMEM((MB,), jnp.int32), pltpu.VMEM((MB,), jnp.int32),
            pltpu.VMEM((MB, H), _F32), pltpu.VMEM((MB, H), _F32),
            pltpu.VMEM((RB, H), _F32),
            pltpu.VMEM_SHARED((NP, H), _F32),
            pltpu.SemaphoreType.DMA, pltpu.SemaphoreType.DMA,
            pltpu.SemaphoreType.DMA, pltpu.SemaphoreType.DMA,
            pltpu.SemaphoreType.DMA, pltpu.SemaphoreType.DMA,
            pltpu.SemaphoreType.DMA, pltpu.SemaphoreType.DMA,
        ],
    )
    def k(src_hbm, dst_hbm, h_hbm, z_hbm, out_hbm,
          sv0, dv0, sv1, dv1, sv2, dv2, sv3, dv3,
          ra, rb_, stage_v, acc,
          i0, i1, i2, i3, g0, g1, s0, s1):
        c = lax.axis_index("c")
        s = lax.axis_index("s")
        wid = s * NC + c
        base = wid * ETP
        r0 = s * ROWS_T

        sv = [sv0, sv1, sv2, sv3]
        dv = [dv0, dv1, dv2, dv3]
        isem = [i0, i1, i2, i3]

        def idx_load(j, cq):
            off = base + cq * MB
            pltpu.async_copy(src_hbm.at[pl.ds(off, MB)], sv[j], isem[j])
            pltpu.async_copy(dst_hbm.at[pl.ds(off, MB)], dv[j], isem[j])

        def idx_wait(j):
            pltpu.make_async_copy(src_hbm.at[pl.ds(0, MB)], sv[j], isem[j]).wait()
            pltpu.make_async_copy(dst_hbm.at[pl.ds(0, MB)], dv[j], isem[j]).wait()

        def gat(j, rbuf, gsem):
            pltpu.async_copy(h_hbm.at[sv[j]], rbuf, gsem)

        def gat_wait(j, rbuf, gsem):
            pltpu.make_async_copy(h_hbm.at[sv[j]], rbuf, gsem).wait()

        def scat(j, rbuf, ssem):
            pltpu.async_copy(rbuf, acc.at[dv[j]], ssem, add=True)

        def scat_wait(j, rbuf, ssem):
            pltpu.make_async_copy(rbuf, acc.at[dv[j]], ssem).wait()

        for j in range(RCH):
            pltpu.sync_copy(z_hbm.at[pl.ds(r0 + j * RB, RB)], stage_v)
            pltpu.sync_copy(stage_v, acc.at[pl.ds(r0 + j * RB, RB)])
        plsc.subcore_barrier()

        pltpu.sync_copy(src_hbm.at[pl.ds(base, MB)], sv0)
        pltpu.sync_copy(dst_hbm.at[pl.ds(base, MB)], dv0)

        def body(t, carry):
            q = t * 2
            d0 = pltpu.async_copy(h_hbm.at[sv0], ra, g0)
            off1 = base + (q + 1) * MB
            pltpu.sync_copy(src_hbm.at[pl.ds(off1, MB)], sv1)
            pltpu.sync_copy(dst_hbm.at[pl.ds(off1, MB)], dv1)
            d0.wait()
            d1 = pltpu.async_copy(h_hbm.at[sv1], rb_, g1)
            pltpu.sync_copy(ra, acc.at[dv0], add=True)

            @pl.when(t < CPT // 2 - 1)
            def _():
                off2 = base + (q + 2) * MB
                pltpu.sync_copy(src_hbm.at[pl.ds(off2, MB)], sv0)
                pltpu.sync_copy(dst_hbm.at[pl.ds(off2, MB)], dv0)

            d1.wait()
            pltpu.sync_copy(rb_, acc.at[dv1], add=True)
            return carry

        lax.fori_loop(0, CPT // 2, body, 0)
        plsc.subcore_barrier()
        for j in range(RCH):
            pltpu.sync_copy(acc.at[pl.ds(r0 + j * RB, RB)], stage_v)
            pltpu.sync_copy(stage_v, out_hbm.at[c, pl.ds(r0 + j * RB, RB)])

    return k(dst, zeros16, ones16)


def _sc_msg(src_p, dst_p, hp, zeros128):
    @functools.partial(
        pl.kernel,
        out_type=jax.ShapeDtypeStruct((NC, NP, H), _F32),
        mesh=_mesh(),
        scratch_types=[
            pltpu.VMEM((MB,), jnp.int32), pltpu.VMEM((MB,), jnp.int32),
            pltpu.VMEM((MB,), jnp.int32), pltpu.VMEM((MB,), jnp.int32),
            pltpu.VMEM((MB,), jnp.int32), pltpu.VMEM((MB,), jnp.int32),
            pltpu.VMEM((MB,), jnp.int32), pltpu.VMEM((MB,), jnp.int32),
            pltpu.VMEM((MB, H), _F32), pltpu.VMEM((MB, H), _F32),
            pltpu.VMEM((RB, H), _F32),
            pltpu.VMEM_SHARED((NP, H), _F32),
            pltpu.SemaphoreType.DMA, pltpu.SemaphoreType.DMA,
            pltpu.SemaphoreType.DMA, pltpu.SemaphoreType.DMA,
            pltpu.SemaphoreType.DMA, pltpu.SemaphoreType.DMA,
            pltpu.SemaphoreType.DMA, pltpu.SemaphoreType.DMA,
        ],
    )
    def k(src_hbm, dst_hbm, h_hbm, z_hbm, out_hbm,
          sv0, dv0, sv1, dv1, sv2, dv2, sv3, dv3,
          ra, rb_, stage_v, acc,
          i0, i1, i2, i3, g0, g1, s0, s1):
        c = lax.axis_index("c")
        s = lax.axis_index("s")
        wid = s * NC + c
        base = wid * ETP
        r0 = s * ROWS_T

        sv = [sv0, sv1, sv2, sv3]
        dv = [dv0, dv1, dv2, dv3]
        isem = [i0, i1, i2, i3]

        def idx_load(j, cq):
            off = base + cq * MB
            pltpu.async_copy(src_hbm.at[pl.ds(off, MB)], sv[j], isem[j])
            pltpu.async_copy(dst_hbm.at[pl.ds(off, MB)], dv[j], isem[j])

        def idx_wait(j):
            pltpu.make_async_copy(src_hbm.at[pl.ds(0, MB)], sv[j], isem[j]).wait()
            pltpu.make_async_copy(dst_hbm.at[pl.ds(0, MB)], dv[j], isem[j]).wait()

        def gat(j, rbuf, gsem):
            pltpu.async_copy(h_hbm.at[sv[j]], rbuf, gsem)

        def gat_wait(j, rbuf, gsem):
            pltpu.make_async_copy(h_hbm.at[sv[j]], rbuf, gsem).wait()

        def scat(j, rbuf, ssem):
            pltpu.async_copy(rbuf, acc.at[dv[j]], ssem, add=True)

        def scat_wait(j, rbuf, ssem):
            pltpu.make_async_copy(rbuf, acc.at[dv[j]], ssem).wait()

        for j in range(RCH):
            pltpu.sync_copy(z_hbm.at[pl.ds(r0 + j * RB, RB)], stage_v)
            pltpu.sync_copy(stage_v, acc.at[pl.ds(r0 + j * RB, RB)])
        plsc.subcore_barrier()

        pltpu.sync_copy(src_hbm.at[pl.ds(base, MB)], sv0)
        pltpu.sync_copy(dst_hbm.at[pl.ds(base, MB)], dv0)
        gat(0, ra, g0)

        def body(t, carry):
            q = t * 2

            off1 = base + (q + 1) * MB
            pltpu.sync_copy(src_hbm.at[pl.ds(off1, MB)], sv1)
            pltpu.sync_copy(dst_hbm.at[pl.ds(off1, MB)], dv1)
            gat_wait(0, ra, g0)
            pltpu.sync_copy(ra, acc.at[dv0], add=True)
            gat(1, rb_, g1)

            @pl.when(t < CPT // 2 - 1)
            def _():
                off2 = base + (q + 2) * MB
                pltpu.sync_copy(src_hbm.at[pl.ds(off2, MB)], sv0)
                pltpu.sync_copy(dst_hbm.at[pl.ds(off2, MB)], dv0)

            gat_wait(1, rb_, g1)
            pltpu.sync_copy(rb_, acc.at[dv1], add=True)

            @pl.when(t < CPT // 2 - 1)
            def _():
                gat(0, ra, g0)

            return carry

        lax.fori_loop(0, CPT // 2, body, 0)
        plsc.subcore_barrier()
        for j in range(RCH):
            pltpu.sync_copy(acc.at[pl.ds(r0 + j * RB, RB)], stage_v)
            pltpu.sync_copy(stage_v, out_hbm.at[c, pl.ds(r0 + j * RB, RB)])

    return k(dst, zeros16, ones16)


def _sc_msg(src_p, dst_p, hp, zeros128):
    @functools.partial(
        pl.kernel,
        out_type=jax.ShapeDtypeStruct((NC, NP, H), _F32),
        mesh=_mesh(),
        scratch_types=[
            pltpu.VMEM((MB,), jnp.int32), pltpu.VMEM((MB,), jnp.int32),
            pltpu.VMEM((MB,), jnp.int32), pltpu.VMEM((MB,), jnp.int32),
            pltpu.VMEM((MB,), jnp.int32), pltpu.VMEM((MB,), jnp.int32),
            pltpu.VMEM((MB,), jnp.int32), pltpu.VMEM((MB,), jnp.int32),
            pltpu.VMEM((MB, H), _F32), pltpu.VMEM((MB, H), _F32),
            pltpu.VMEM((RB, H), _F32),
            pltpu.VMEM_SHARED((NP, H), _F32),
            pltpu.SemaphoreType.DMA, pltpu.SemaphoreType.DMA,
            pltpu.SemaphoreType.DMA, pltpu.SemaphoreType.DMA,
            pltpu.SemaphoreType.DMA, pltpu.SemaphoreType.DMA,
            pltpu.SemaphoreType.DMA, pltpu.SemaphoreType.DMA,
        ],
    )
    def k(src_hbm, dst_hbm, h_hbm, z_hbm, out_hbm,
          sv0, dv0, sv1, dv1, sv2, dv2, sv3, dv3,
          ra, rb_, stage_v, acc,
          i0, i1, i2, i3, g0, g1, s0, s1):
        c = lax.axis_index("c")
        s = lax.axis_index("s")
        wid = s * NC + c
        base = wid * ETP
        r0 = s * ROWS_T

        sv = [sv0, sv1, sv2, sv3]
        dv = [dv0, dv1, dv2, dv3]
        isem = [i0, i1, i2, i3]

        def idx_load(j, cq):
            off = base + cq * MB
            pltpu.async_copy(src_hbm.at[pl.ds(off, MB)], sv[j], isem[j])
            pltpu.async_copy(dst_hbm.at[pl.ds(off, MB)], dv[j], isem[j])

        def idx_wait(j):
            pltpu.make_async_copy(src_hbm.at[pl.ds(0, MB)], sv[j], isem[j]).wait()
            pltpu.make_async_copy(dst_hbm.at[pl.ds(0, MB)], dv[j], isem[j]).wait()

        def gat(j, rbuf, gsem):
            pltpu.async_copy(h_hbm.at[sv[j]], rbuf, gsem)

        def gat_wait(j, rbuf, gsem):
            pltpu.make_async_copy(h_hbm.at[sv[j]], rbuf, gsem).wait()

        def scat(j, rbuf, ssem):
            pltpu.async_copy(rbuf, acc.at[dv[j]], ssem, add=True)

        def scat_wait(j, rbuf, ssem):
            pltpu.make_async_copy(rbuf, acc.at[dv[j]], ssem).wait()

        for j in range(RCH):
            pltpu.sync_copy(z_hbm.at[pl.ds(r0 + j * RB, RB)], stage_v)
            pltpu.sync_copy(stage_v, acc.at[pl.ds(r0 + j * RB, RB)])
        plsc.subcore_barrier()

        def body(t, carry):
            q = t * 2

            off = base + q * MB
            pltpu.sync_copy(src_hbm.at[pl.ds(off, MB)], sv0)
            pltpu.sync_copy(dst_hbm.at[pl.ds(off, MB)], dv0)
            pltpu.async_copy(h_hbm.at[sv0], ra, g0).wait()

            @pl.when(t > 0)
            def _():
                scat_wait(1, rb_, s1)

            scat(0, ra, s0)

            off2 = base + (q + 1) * MB
            pltpu.sync_copy(src_hbm.at[pl.ds(off2, MB)], sv1)
            pltpu.sync_copy(dst_hbm.at[pl.ds(off2, MB)], dv1)
            pltpu.async_copy(h_hbm.at[sv1], rb_, g1).wait()

            scat_wait(0, ra, s0)
            scat(1, rb_, s1)
            return carry

        lax.fori_loop(0, CPT // 2, body, 0)
        scat_wait(1, rb_, s1)
        plsc.subcore_barrier()
        for j in range(RCH):
            pltpu.sync_copy(acc.at[pl.ds(r0 + j * RB, RB)], stage_v)
            pltpu.sync_copy(stage_v, out_hbm.at[c, pl.ds(r0 + j * RB, RB)])

    return k(src_p, dst_p, hp, zeros128)


def _sc_pairs(table, cidx):
    @functools.partial(
        pl.kernel,
        out_type=jax.ShapeDtypeStruct((PADP, H), _F32),
        mesh=_mesh(),
        scratch_types=[
            pltpu.VMEM((PB,), jnp.int32),
            pltpu.VMEM((PB, H), _F32),
            pltpu.SemaphoreType.DMA,
        ],
    )
    def k(tab_hbm, idx_hbm, out_hbm, idx_v, rows_v, sem):
        c = lax.axis_index("c")
        s = lax.axis_index("s")
        wid = s * NC + c

        def body(i, carry):
            off = wid * PT + i * PB
            pltpu.sync_copy(idx_hbm.at[pl.ds(off, PB)], idx_v)
            pltpu.async_copy(tab_hbm.at[idx_v], rows_v, sem).wait()
            pltpu.sync_copy(rows_v, out_hbm.at[pl.ds(off, PB)])
            return carry

        lax.fori_loop(0, PT // PB, body, 0)

    return k(table, cidx)


def _tc_pre(atom, W_emb, b_emb, degp, W0):
    def body(a_ref, we_ref, be_ref, dp_ref, w0_ref, hp_ref, dis_ref):
        deg = dp_ref[0] + dp_ref[1] + 1.0
        dis = lax.rsqrt(deg)
        dis_ref[...] = dis
        x0 = jnp.dot(a_ref[...], we_ref[...],
                     preferred_element_type=_F32) + be_ref[...]
        hp_ref[...] = jnp.dot(x0, w0_ref[...],
                              preferred_element_type=_F32) * dis[:, :1]

    return pl.pallas_call(
        body,
        grid=(1,),
        in_specs=[
            pl.BlockSpec((N, H), lambda i: (0, 0)),
            pl.BlockSpec((H, H), lambda i: (0, 0)),
            pl.BlockSpec((1, H), lambda i: (0, 0)),
            pl.BlockSpec((NC, N, 16), lambda i: (0, 0, 0)),
            pl.BlockSpec((H, H), lambda i: (0, 0)),
        ],
        out_specs=(pl.BlockSpec((N, H), lambda i: (0, 0)),
                   pl.BlockSpec((N, 16), lambda i: (0, 0))),
        out_shape=(jax.ShapeDtypeStruct((N, H), _F32),
                   jax.ShapeDtypeStruct((N, 16), _F32)),
    )(atom, W_emb, b_emb, degp, W0)


def _bn_relu(p0, p1, hp, d, b, g, bt):
    out = (p0 + p1 + hp) * d + b
    m = jnp.mean(out, axis=0, keepdims=True)
    cen = out - m
    v = jnp.mean(cen * cen, axis=0, keepdims=True)
    xn = cen * lax.rsqrt(v + 1e-5) * g + bt
    return jnp.maximum(xn, 0.0)


def _tc_mid(p, hp, dis, b, g, bt, W_next):
    def body(p_ref, hp_ref, dis_ref, b_ref, g_ref, bt_ref, w_ref, o_ref):
        d = dis_ref[...][:, :1]
        x = _bn_relu(p_ref[0], p_ref[1], hp_ref[...], d,
                     b_ref[...], g_ref[...], bt_ref[...])
        o_ref[...] = jnp.dot(x, w_ref[...], preferred_element_type=_F32) * d

    return pl.pallas_call(
        body,
        grid=(1,),
        in_specs=[
            pl.BlockSpec((NC, N, H), lambda i: (0, 0, 0)),
            pl.BlockSpec((N, H), lambda i: (0, 0)),
            pl.BlockSpec((N, 16), lambda i: (0, 0)),
            pl.BlockSpec((1, H), lambda i: (0, 0)),
            pl.BlockSpec((1, H), lambda i: (0, 0)),
            pl.BlockSpec((1, H), lambda i: (0, 0)),
            pl.BlockSpec((H, H), lambda i: (0, 0)),
        ],
        out_specs=pl.BlockSpec((N, H), lambda i: (0, 0)),
        out_shape=jax.ShapeDtypeStruct((N, H), _F32),
    )(p, hp, dis, b, g, bt, W_next)


def _tc_last(p, hp, dis, b, g, bt, W1a, W1b):
    def body(p_ref, hp_ref, dis_ref, b_ref, g_ref, bt_ref,
             wa_ref, wb_ref, t_ref):
        d = dis_ref[...][:, :1]
        x = _bn_relu(p_ref[0], p_ref[1], hp_ref[...], d,
                     b_ref[...], g_ref[...], bt_ref[...])
        t_ref[0:N, :] = jnp.dot(x, wa_ref[...], preferred_element_type=_F32)
        t_ref[N:2 * N, :] = jnp.dot(x, wb_ref[...],
                                    preferred_element_type=_F32)

    return pl.pallas_call(
        body,
        grid=(1,),
        in_specs=[
            pl.BlockSpec((NC, N, H), lambda i: (0, 0, 0)),
            pl.BlockSpec((N, H), lambda i: (0, 0)),
            pl.BlockSpec((N, 16), lambda i: (0, 0)),
            pl.BlockSpec((1, H), lambda i: (0, 0)),
            pl.BlockSpec((1, H), lambda i: (0, 0)),
            pl.BlockSpec((1, H), lambda i: (0, 0)),
            pl.BlockSpec((H, H), lambda i: (0, 0)),
            pl.BlockSpec((H, H), lambda i: (0, 0)),
        ],
        out_specs=pl.BlockSpec((2 * N, H), lambda i: (0, 0)),
        out_shape=jax.ShapeDtypeStruct((2 * N, H), _F32),
    )(p, hp, dis, b, g, bt, W1a, W1b)


def _tc_mlp(R, pf, W1c, b1, W2, b2, W3, b3):
    BM = 2000
    nblk = P // BM

    def body(a_ref, b_ref, pf_ref, w1c_ref, b1_ref, w2_ref, b2_ref,
             w3_ref, b3_ref, o_ref):
        h1 = jnp.maximum(
            a_ref[...] + b_ref[...]
            + jnp.dot(pf_ref[...], w1c_ref[...], preferred_element_type=_F32)
            + b1_ref[...], 0.0)
        h2 = jnp.maximum(
            jnp.dot(h1, w2_ref[...], preferred_element_type=_F32)
            + b2_ref[...], 0.0)
        o_ref[...] = jnp.dot(h2, w3_ref[...],
                             preferred_element_type=_F32) + b3_ref[...]

    return pl.pallas_call(
        body,
        grid=(nblk,),
        in_specs=[
            pl.BlockSpec((BM, H), lambda i: (i, 0)),
            pl.BlockSpec((BM, H), lambda i: (i + nblk, 0)),
            pl.BlockSpec((BM, DP), lambda i: (i, 0)),
            pl.BlockSpec((DP, H), lambda i: (0, 0)),
            pl.BlockSpec((1, H), lambda i: (0, 0)),
            pl.BlockSpec((H, H // 2), lambda i: (0, 0)),
            pl.BlockSpec((1, H // 2), lambda i: (0, 0)),
            pl.BlockSpec((H // 2, 1), lambda i: (0, 0)),
            pl.BlockSpec((1, 1), lambda i: (0, 0)),
        ],
        out_specs=pl.BlockSpec((BM, 1), lambda i: (i, 0)),
        out_shape=jax.ShapeDtypeStruct((P, 1), _F32),
    )(R, R, pf, W1c, b1, W2, b2, W3, b3)


def kernel(atom_features, edge_index, pair_indices, pair_features,
           W_emb, b_emb, conv_W, conv_b, bn_gamma, bn_beta,
           mlp_W1, mlp_b1, mlp_W2, mlp_b2, mlp_W3, mlp_b3):
    src = edge_index[0]
    dst = edge_index[1]

    zeros16 = jnp.zeros((NP, 16), _F32)
    ones16 = jnp.ones((EB, 16), _F32)
    zeros128 = jnp.zeros((NP, H), _F32)

    src_p = jnp.concatenate([src, jnp.zeros((E2 - E,), jnp.int32)])
    dst_p = jnp.concatenate(
        [dst, N + (jnp.arange(E2 - E, dtype=jnp.int32) % (NP - N))])

    degp = _sc_deg(dst, zeros16, ones16)
    hp, dis = _tc_pre(atom_features, W_emb, b_emb[None, :], degp, conv_W[0])

    W1a = mlp_W1[0:H]
    W1b = mlp_W1[H:2 * H]
    W1c = mlp_W1[2 * H:]

    for i in range(L):
        pmsg = _sc_msg(src_p, dst_p, hp, zeros128)
        if i < L - 1:
            hp = _tc_mid(pmsg, hp, dis, conv_b[i][None, :],
                         bn_gamma[i][None, :], bn_beta[i][None, :],
                         conv_W[i + 1])
        else:
            T = _tc_last(pmsg, hp, dis, conv_b[i][None, :],
                         bn_gamma[i][None, :], bn_beta[i][None, :],
                         W1a, W1b)

    cidx = jnp.concatenate([
        pair_indices[:, 0],
        pair_indices[:, 1] + N,
        jnp.zeros((PADP - 2 * P,), jnp.int32),
    ])
    R = _sc_pairs(T, cidx)

    return _tc_mlp(R, pair_features, W1c, mlp_b1[None, :],
                   mlp_W2, mlp_b2[None, :], mlp_W3, mlp_b3[None, :])

# --- scband reference (transcript-rebuilt; emitter-appended) ---
"""Pipeline reference for scband-coupling-gcn-16329465660189 (READ-ONLY COPY).

The authoritative reference and input builder live on the scoring server;
editing this copy changes nothing except your own understanding.
"""

import jax, jax.numpy as jnp
import numpy as np

N = 10000
E = 320000
P = 50000
D_ATOM = 128
D_PAIR = 16
H = 128
L = 3


def setup_inputs(seed: int = 0) -> dict:
    key = jax.random.key(seed)
    ks = jax.random.split(key, 20)
    inp = {}
    inp["atom_features"] = jax.random.normal(ks[0], (N, D_ATOM), dtype=jnp.float32)
    inp["edge_index"] = jax.random.randint(ks[1], (2, E), 0, N, dtype=jnp.int32)
    inp["pair_indices"] = jax.random.randint(ks[2], (P, 2), 0, N, dtype=jnp.int32)
    inp["pair_features"] = jax.random.normal(ks[3], (P, D_PAIR), dtype=jnp.float32)
    # parameters
    inp["W_emb"] = jax.random.normal(ks[4], (D_ATOM, H), dtype=jnp.float32) * (1.0 / np.sqrt(D_ATOM))
    inp["b_emb"] = jnp.zeros((H,), dtype=jnp.float32)
    inp["conv_W"] = jax.random.normal(ks[5], (L, H, H), dtype=jnp.float32) * (1.0 / np.sqrt(H))
    inp["conv_b"] = jnp.zeros((L, H), dtype=jnp.float32)
    inp["bn_gamma"] = jnp.ones((L, H), dtype=jnp.float32)
    inp["bn_beta"] = jnp.zeros((L, H), dtype=jnp.float32)
    inp["mlp_W1"] = jax.random.normal(ks[6], (2 * H + D_PAIR, H), dtype=jnp.float32) * (1.0 / np.sqrt(2 * H + D_PAIR))
    inp["mlp_b1"] = jnp.zeros((H,), dtype=jnp.float32)
    inp["mlp_W2"] = jax.random.normal(ks[7], (H, H // 2), dtype=jnp.float32) * (1.0 / np.sqrt(H))
    inp["mlp_b2"] = jnp.zeros((H // 2,), dtype=jnp.float32)
    inp["mlp_W3"] = jax.random.normal(ks[8], (H // 2, 1), dtype=jnp.float32) * (1.0 / np.sqrt(H // 2))
    inp["mlp_b3"] = jnp.zeros((1,), dtype=jnp.float32)
    return inp


def reference(atom_features, edge_index, pair_indices, pair_features, W_emb, b_emb, conv_W, conv_b, bn_gamma, bn_beta, mlp_W1, mlp_b1, mlp_W2, mlp_b2, mlp_W3, mlp_b3):
    num_nodes = atom_features.shape[0]
    x = atom_features @ W_emb + b_emb
    # GCN normalization with self loops (PyG gcn_norm, source_to_target flow)
    src0, dst0 = edge_index[0], edge_index[1]
    loop = jnp.arange(num_nodes, dtype=src0.dtype)
    src = jnp.concatenate([src0, loop])
    dst = jnp.concatenate([dst0, loop])
    deg = jnp.zeros((num_nodes,), dtype=x.dtype).at[dst].add(1.0)
    deg_inv_sqrt = jnp.where(deg > 0, deg ** -0.5, 0.0)
    norm = deg_inv_sqrt[src] * deg_inv_sqrt[dst]
    for i in range(L):
        h = x @ conv_W[i]
        msg = h[src] * norm[:, None]
        out = jnp.zeros_like(h).at[dst].add(msg) + conv_b[i]
        # BatchNorm over nodes (training-mode batch statistics)
        mean = out.mean(axis=0)
        var = out.var(axis=0)
        out = (out - mean) / jnp.sqrt(var + 1e-5) * bn_gamma[i] + bn_beta[i]
        x = jax.nn.relu(out)
        # dropout is identity in eval mode
    a0 = x[pair_indices[:, 0]]
    a1 = x[pair_indices[:, 1]]
    comb = jnp.concatenate([a0, a1, pair_features], axis=1)
    h1 = jax.nn.relu(comb @ mlp_W1 + mlp_b1)
    h2 = jax.nn.relu(h1 @ mlp_W2 + mlp_b2)
    return h2 @ mlp_W3 + mlp_b3

if __name__ == "__main__":
    import jax
    _d = setup_inputs()
    print(jax.jit(kernel)(*tuple(_d.values())))

</pallas_src>

<mosaic_0001>
#map = affine_map<(d0, d1) -> (0)>
#map1 = affine_map<(d0, d1) -> (0, 0)>
#map2 = affine_map<(d0, d1) -> (0, 0, 0)>
module attributes {stable_mosaic.version = 14 : i64} {
  func.func @k(%arg0: i32, %arg1: i32, %arg2: memref<327680xi32, #tpu.memory_space<hbm>>, %arg3: memref<327680xi32, #tpu.memory_space<hbm>>, %arg4: memref<10000x128xf32, #tpu.memory_space<hbm>>, %arg5: memref<10240x128xf32, #tpu.memory_space<hbm>>, %arg6: memref<2x10240x128xf32, #tpu.memory_space<hbm>>, %arg7: memref<128xi32, #tpu.memory_space<vmem>>, %arg8: memref<128xi32, #tpu.memory_space<vmem>>, %arg9: memref<128xi32, #tpu.memory_space<vmem>>, %arg10: memref<128xi32, #tpu.memory_space<vmem>>, %arg11: memref<128xi32, #tpu.memory_space<vmem>>, %arg12: memref<128xi32, #tpu.memory_space<vmem>>, %arg13: memref<128xi32, #tpu.memory_space<vmem>>, %arg14: memref<128xi32, #tpu.memory_space<vmem>>, %arg15: memref<128x128xf32, #tpu.memory_space<vmem>>, %arg16: memref<128x128xf32, #tpu.memory_space<vmem>>, %arg17: memref<80x128xf32, #tpu.memory_space<vmem>>, %arg18: memref<10240x128xf32, #tpu.memory_space<vmem_shared>>, %arg19: memref<!tpu.dma_semaphore, #tpu.memory_space<semaphore_mem>>, %arg20: memref<!tpu.dma_semaphore, #tpu.memory_space<semaphore_mem>>, %arg21: memref<!tpu.dma_semaphore, #tpu.memory_space<semaphore_mem>>, %arg22: memref<!tpu.dma_semaphore, #tpu.memory_space<semaphore_mem>>, %arg23: memref<!tpu.dma_semaphore, #tpu.memory_space<semaphore_mem>>, %arg24: memref<!tpu.dma_semaphore, #tpu.memory_space<semaphore_mem>>, %arg25: memref<!tpu.dma_semaphore, #tpu.memory_space<semaphore_mem>>, %arg26: memref<!tpu.dma_semaphore, #tpu.memory_space<semaphore_mem>>) attributes {dimension_semantics = [#tpu.dimension_semantics<core_parallel>, #tpu.dimension_semantics<subcore_parallel>], iteration_bounds = array<i64: 2, 16>, scalar_prefetch = 0 : i64, scratch_operands = 20 : i64, tpu.core_type = #tpu.core_type<sc_vector_subcore>, window_params = [{transform_indices = #map}, {transform_indices = #map}, {transform_indices = #map1}, {transform_indices = #map1}, {transform_indices = #map2}]} {
    %mul3A = arith.constant 2 : i32
    %mul3A_0 = arith.muli %arg1, %mul3A : i32
    %add3A = arith.addi %mul3A_0, %arg0 : i32
    %mul3A_1 = arith.constant 10240 : i32
    %mul3A_2 = arith.muli %add3A, %mul3A_1 : i32
    %mul3A_3 = arith.constant 640 : i32
    %mul3A_4 = arith.muli %arg1, %mul3A_3 : i32
    %add3A_5 = arith.constant 0 : i32
    %add3A_6 = arith.addi %mul3A_4, %add3A_5 : i32
    "tpu.region"() ({
      %run_scoped3A = tpu.sem_alloc : memref<!tpu.dma_semaphore, #tpu.memory_space<semaphore_mem>>
      %dma_start3A = arith.constant 0 : i32
      %dma_start3A_77 = tpu.memref_slice %arg5[%add3A_6, %dma_start3A] : memref<10240x128xf32, #tpu.memory_space<hbm>> -> memref<80x128xf32, #tpu.memory_space<hbm>>
      %dma_start3A_78 = arith.constant 0 : i32
      %dma_start3A_79 = tpu.memref_slice %arg5[%add3A_6, %dma_start3A_78] : memref<10240x128xf32, #tpu.memory_space<hbm>> -> memref<80x128xf32, #tpu.memory_space<hbm>>
      tpu.enqueue_dma source(%dma_start3A_79 : memref<80x128xf32, #tpu.memory_space<hbm>>) target(%arg17 : memref<80x128xf32, #tpu.memory_space<vmem>>) target_semaphore(%run_scoped3A : memref<!tpu.dma_semaphore, #tpu.memory_space<semaphore_mem>>)
      %dma_wait3A_80 = arith.constant 0 : i32
      %dma_wait3A_81 = tpu.memref_slice %arg5[%add3A_6, %dma_wait3A_80] : memref<10240x128xf32, #tpu.memory_space<hbm>> -> memref<80x128xf32, #tpu.memory_space<hbm>>
      %dma_wait3A_82 = arith.constant 0 : i32
      %dma_wait3A_83 = tpu.memref_slice %arg5[%add3A_6, %dma_wait3A_82] : memref<10240x128xf32, #tpu.memory_space<hbm>> -> memref<80x128xf32, #tpu.memory_space<hbm>>
      tpu.wait_dma2 semaphore(%run_scoped3A : memref<!tpu.dma_semaphore, #tpu.memory_space<semaphore_mem>>) src(%dma_wait3A_83 : memref<80x128xf32, #tpu.memory_space<hbm>>) dst(%arg17 : memref<80x128xf32, #tpu.memory_space<vmem>>)
      tpu.yield
    }) : () -> ()
    %add3A_7 = arith.constant 0 : i32
    %add3A_8 = arith.addi %mul3A_4, %add3A_7 : i32
    "tpu.region"() ({
      %run_scoped3A = tpu.sem_alloc : memref<!tpu.dma_semaphore, #tpu.memory_space<semaphore_mem>>
      %dma_start3A = arith.constant 0 : i32
      %dma_start3A_77 = tpu.memref_slice %arg18[%add3A_8, %dma_start3A] : memref<10240x128xf32, #tpu.memory_space<vmem_shared>> -> memref<80x128xf32, #tpu.memory_space<vmem_shared>>
      %dma_start3A_78 = arith.constant 0 : i32
      %dma_start3A_79 = tpu.memref_slice %arg18[%add3A_8, %dma_start3A_78] : memref<10240x128xf32, #tpu.memory_space<vmem_shared>> -> memref<80x128xf32, #tpu.memory_space<vmem_shared>>
      tpu.enqueue_dma source(%arg17 : memref<80x128xf32, #tpu.memory_space<vmem>>) target(%dma_start3A_79 : memref<80x128xf32, #tpu.memory_space<vmem_shared>>) target_semaphore(%run_scoped3A : memref<!tpu.dma_semaphore, #tpu.memory_space<semaphore_mem>>)
      %dma_wait3A_80 = arith.constant 0 : i32
      %dma_wait3A_81 = tpu.memref_slice %arg18[%add3A_8, %dma_wait3A_80] : memref<10240x128xf32, #tpu.memory_space<vmem_shared>> -> memref<80x128xf32, #tpu.memory_space<vmem_shared>>
      %dma_wait3A_82 = arith.constant 0 : i32
      %dma_wait3A_83 = tpu.memref_slice %arg18[%add3A_8, %dma_wait3A_82] : memref<10240x128xf32, #tpu.memory_space<vmem_shared>> -> memref<80x128xf32, #tpu.memory_space<vmem_shared>>
      tpu.wait_dma2 semaphore(%run_scoped3A : memref<!tpu.dma_semaphore, #tpu.memory_space<semaphore_mem>>) src(%arg17 : memref<80x128xf32, #tpu.memory_space<vmem>>) dst(%dma_wait3A_83 : memref<80x128xf32, #tpu.memory_space<vmem_shared>>)
      tpu.yield
    }) : () -> ()
    %add3A_9 = arith.constant 80 : i32
    %add3A_10 = arith.addi %mul3A_4, %add3A_9 : i32
    "tpu.region"() ({
      %run_scoped3A = tpu.sem_alloc : memref<!tpu.dma_semaphore, #tpu.memory_space<semaphore_mem>>
      %dma_start3A = arith.constant 0 : i32
      %dma_start3A_77 = tpu.memref_slice %arg5[%add3A_10, %dma_start3A] : memref<10240x128xf32, #tpu.memory_space<hbm>> -> memref<80x128xf32, #tpu.memory_space<hbm>>
      %dma_start3A_78 = arith.constant 0 : i32
      %dma_start3A_79 = tpu.memref_slice %arg5[%add3A_10, %dma_start3A_78] : memref<10240x128xf32, #tpu.memory_space<hbm>> -> memref<80x128xf32, #tpu.memory_space<hbm>>
      tpu.enqueue_dma source(%dma_start3A_79 : memref<80x128xf32, #tpu.memory_space<hbm>>) target(%arg17 : memref<80x128xf32, #tpu.memory_space<vmem>>) target_semaphore(%run_scoped3A : memref<!tpu.dma_semaphore, #tpu.memory_space<semaphore_mem>>)
      %dma_wait3A_80 = arith.constant 0 : i32
      %dma_wait3A_81 = tpu.memref_slice %arg5[%add3A_10, %dma_wait3A_80] : memref<10240x128xf32, #tpu.memory_space<hbm>> -> memref<80x128xf32, #tpu.memory_space<hbm>>
      %dma_wait3A_82 = arith.constant 0 : i32
      %dma_wait3A_83 = tpu.memref_slice %arg5[%add3A_10, %dma_wait3A_82] : memref<10240x128xf32, #tpu.memory_space<hbm>> -> memref<80x128xf32, #tpu.memory_space<hbm>>
      tpu.wait_dma2 semaphore(%run_scoped3A : memref<!tpu.dma_semaphore, #tpu.memory_space<semaphore_mem>>) src(%dma_wait3A_83 : memref<80x128xf32, #tpu.memory_space<hbm>>) dst(%arg17 : memref<80x128xf32, #tpu.memory_space<vmem>>)
      tpu.yield
    }) : () -> ()
    %add3A_11 = arith.constant 80 : i32
    %add3A_12 = arith.addi %mul3A_4, %add3A_11 : i32
    "tpu.region"() ({
      %run_scoped3A = tpu.sem_alloc : memref<!tpu.dma_semaphore, #tpu.memory_space<semaphore_mem>>
      %dma_start3A = arith.constant 0 : i32
      %dma_start3A_77 = tpu.memref_slice %arg18[%add3A_12, %dma_start3A] : memref<10240x128xf32, #tpu.memory_space<vmem_shared>> -> memref<80x128xf32, #tpu.memory_space<vmem_shared>>
      %dma_start3A_78 = arith.constant 0 : i32
      %dma_start3A_79 = tpu.memref_slice %arg18[%add3A_12, %dma_start3A_78] : memref<10240x128xf32, #tpu.memory_space<vmem_shared>> -> memref<80x128xf32, #tpu.memory_space<vmem_shared>>
      tpu.enqueue_dma source(%arg17 : memref<80x128xf32, #tpu.memory_space<vmem>>) target(%dma_start3A_79 : memref<80x128xf32, #tpu.memory_space<vmem_shared>>) target_semaphore(%run_scoped3A : memref<!tpu.dma_semaphore, #tpu.memory_space<semaphore_mem>>)
      %dma_wait3A_80 = arith.constant 0 : i32
      %dma_wait3A_81 = tpu.memref_slice %arg18[%add3A_12, %dma_wait3A_80] : memref<10240x128xf32, #tpu.memory_space<vmem_shared>> -> memref<80x128xf32, #tpu.memory_space<vmem_shared>>
      %dma_wait3A_82 = arith.constant 0 : i32
      %dma_wait3A_83 = tpu.memref_slice %arg18[%add3A_12, %dma_wait3A_82] : memref<10240x128xf32, #tpu.memory_space<vmem_shared>> -> memref<80x128xf32, #tpu.memory_space<vmem_shared>>
      tpu.wait_dma2 semaphore(%run_scoped3A : memref<!tpu.dma_semaphore, #tpu.memory_space<semaphore_mem>>) src(%arg17 : memref<80x128xf32, #tpu.memory_space<vmem>>) dst(%dma_wait3A_83 : memref<80x128xf32, #tpu.memory_space<vmem_shared>>)
      tpu.yield
    }) : () -> ()
    %add3A_13 = arith.constant 160 : i32
    %add3A_14 = arith.addi %mul3A_4, %add3A_13 : i32
    "tpu.region"() ({
      %run_scoped3A = tpu.sem_alloc : memref<!tpu.dma_semaphore, #tpu.memory_space<semaphore_mem>>
      %dma_start3A = arith.constant 0 : i32
      %dma_start3A_77 = tpu.memref_slice %arg5[%add3A_14, %dma_start3A] : memref<10240x128xf32, #tpu.memory_space<hbm>> -> memref<80x128xf32, #tpu.memory_space<hbm>>
      %dma_start3A_78 = arith.constant 0 : i32
      %dma_start3A_79 = tpu.memref_slice %arg5[%add3A_14, %dma_start3A_78] : memref<10240x128xf32, #tpu.memory_space<hbm>> -> memref<80x128xf32, #tpu.memory_space<hbm>>
      tpu.enqueue_dma source(%dma_start3A_79 : memref<80x128xf32, #tpu.memory_space<hbm>>) target(%arg17 : memref<80x128xf32, #tpu.memory_space<vmem>>) target_semaphore(%run_scoped3A : memref<!tpu.dma_semaphore, #tpu.memory_space<semaphore_mem>>)
      %dma_wait3A_80 = arith.constant 0 : i32
      %dma_wait3A_81 = tpu.memref_slice %arg5[%add3A_14, %dma_wait3A_80] : memref<10240x128xf32, #tpu.memory_space<hbm>> -> memref<80x128xf32, #tpu.memory_space<hbm>>
      %dma_wait3A_82 = arith.constant 0 : i32
      %dma_wait3A_83 = tpu.memref_slice %arg5[%add3A_14, %dma_wait3A_82] : memref<10240x128xf32, #tpu.memory_space<hbm>> -> memref<80x128xf32, #tpu.memory_space<hbm>>
      tpu.wait_dma2 semaphore(%run_scoped3A : memref<!tpu.dma_semaphore, #tpu.memory_space<semaphore_mem>>) src(%dma_wait3A_83 : memref<80x128xf32, #tpu.memory_space<hbm>>) dst(%arg17 : memref<80x128xf32, #tpu.memory_space<vmem>>)
      tpu.yield
    }) : () -> ()
    %add3A_15 = arith.constant 160 : i32
    %add3A_16 = arith.addi %mul3A_4, %add3A_15 : i32
    "tpu.region"() ({
      %run_scoped3A = tpu.sem_alloc : memref<!tpu.dma_semaphore, #tpu.memory_space<semaphore_mem>>
      %dma_start3A = arith.constant 0 : i32
      %dma_start3A_77 = tpu.memref_slice %arg18[%add3A_16, %dma_start3A] : memref<10240x128xf32, #tpu.memory_space<vmem_shared>> -> memref<80x128xf32, #tpu.memory_space<vmem_shared>>
      %dma_start3A_78 = arith.constant 0 : i32
      %dma_start3A_79 = tpu.memref_slice %arg18[%add3A_16, %dma_start3A_78] : memref<10240x128xf32, #tpu.memory_space<vmem_shared>> -> memref<80x128xf32, #tpu.memory_space<vmem_shared>>
      tpu.enqueue_dma source(%arg17 : memref<80x128xf32, #tpu.memory_space<vmem>>) target(%dma_start3A_79 : memref<80x128xf32, #tpu.memory_space<vmem_shared>>) target_semaphore(%run_scoped3A : memref<!tpu.dma_semaphore, #tpu.memory_space<semaphore_mem>>)
      %dma_wait3A_80 = arith.constant 0 : i32
      %dma_wait3A_81 = tpu.memref_slice %arg18[%add3A_16, %dma_wait3A_80] : memref<10240x128xf32, #tpu.memory_space<vmem_shared>> -> memref<80x128xf32, #tpu.memory_space<vmem_shared>>
      %dma_wait3A_82 = arith.constant 0 : i32
      %dma_wait3A_83 = tpu.memref_slice %arg18[%add3A_16, %dma_wait3A_82] : memref<10240x128xf32, #tpu.memory_space<vmem_shared>> -> memref<80x128xf32, #tpu.memory_space<vmem_shared>>
      tpu.wait_dma2 semaphore(%run_scoped3A : memref<!tpu.dma_semaphore, #tpu.memory_space<semaphore_mem>>) src(%arg17 : memref<80x128xf32, #tpu.memory_space<vmem>>) dst(%dma_wait3A_83 : memref<80x128xf32, #tpu.memory_space<vmem_shared>>)
      tpu.yield
    }) : () -> ()
    %add3A_17 = arith.constant 240 : i32
    %add3A_18 = arith.addi %mul3A_4, %add3A_17 : i32
    "tpu.region"() ({
      %run_scoped3A = tpu.sem_alloc : memref<!tpu.dma_semaphore, #tpu.memory_space<semaphore_mem>>
      %dma_start3A = arith.constant 0 : i32
      %dma_start3A_77 = tpu.memref_slice %arg5[%add3A_18, %dma_start3A] : memref<10240x128xf32, #tpu.memory_space<hbm>> -> memref<80x128xf32, #tpu.memory_space<hbm>>
      %dma_start3A_78 = arith.constant 0 : i32
      %dma_start3A_79 = tpu.memref_slice %arg5[%add3A_18, %dma_start3A_78] : memref<10240x128xf32, #tpu.memory_space<hbm>> -> memref<80x128xf32, #tpu.memory_space<hbm>>
      tpu.enqueue_dma source(%dma_start3A_79 : memref<80x128xf32, #tpu.memory_space<hbm>>) target(%arg17 : memref<80x128xf32, #tpu.memory_space<vmem>>) target_semaphore(%run_scoped3A : memref<!tpu.dma_semaphore, #tpu.memory_space<semaphore_mem>>)
      %dma_wait3A_80 = arith.constant 0 : i32
      %dma_wait3A_81 = tpu.memref_slice %arg5[%add3A_18, %dma_wait3A_80] : memref<10240x128xf32, #tpu.memory_space<hbm>> -> memref<80x128xf32, #tpu.memory_space<hbm>>
      %dma_wait3A_82 = arith.constant 0 : i32
      %dma_wait3A_83 = tpu.memref_slice %arg5[%add3A_18, %dma_wait3A_82] : memref<10240x128xf32, #tpu.memory_space<hbm>> -> memref<80x128xf32, #tpu.memory_space<hbm>>
      tpu.wait_dma2 semaphore(%run_scoped3A : memref<!tpu.dma_semaphore, #tpu.memory_space<semaphore_mem>>) src(%dma_wait3A_83 : memref<80x128xf32, #tpu.memory_space<hbm>>) dst(%arg17 : memref<80x128xf32, #tpu.memory_space<vmem>>)
      tpu.yield
    }) : () -> ()
    %add3A_19 = arith.constant 240 : i32
    %add3A_20 = arith.addi %mul3A_4, %add3A_19 : i32
    "tpu.region"() ({
      %run_scoped3A = tpu.sem_alloc : memref<!tpu.dma_semaphore, #tpu.memory_space<semaphore_mem>>
      %dma_start3A = arith.constant 0 : i32
      %dma_start3A_77 = tpu.memref_slice %arg18[%add3A_20, %dma_start3A] : memref<10240x128xf32, #tpu.memory_space<vmem_shared>> -> memref<80x128xf32, #tpu.memory_space<vmem_shared>>
      %dma_start3A_78 = arith.constant 0 : i32
      %dma_start3A_79 = tpu.memref_slice %arg18[%add3A_20, %dma_start3A_78] : memref<10240x128xf32, #tpu.memory_space<vmem_shared>> -> memref<80x128xf32, #tpu.memory_space<vmem_shared>>
      tpu.enqueue_dma source(%arg17 : memref<80x128xf32, #tpu.memory_space<vmem>>) target(%dma_start3A_79 : memref<80x128xf32, #tpu.memory_space<vmem_shared>>) target_semaphore(%run_scoped3A : memref<!tpu.dma_semaphore, #tpu.memory_space<semaphore_mem>>)
      %dma_wait3A_80 = arith.constant 0 : i32
      %dma_wait3A_81 = tpu.memref_slice %arg18[%add3A_20, %dma_wait3A_80] : memref<10240x128xf32, #tpu.memory_space<vmem_shared>> -> memref<80x128xf32, #tpu.memory_space<vmem_shared>>
      %dma_wait3A_82 = arith.constant 0 : i32
      %dma_wait3A_83 = tpu.memref_slice %arg18[%add3A_20, %dma_wait3A_82] : memref<10240x128xf32, #tpu.memory_space<vmem_shared>> -> memref<80x128xf32, #tpu.memory_space<vmem_shared>>
      tpu.wait_dma2 semaphore(%run_scoped3A : memref<!tpu.dma_semaphore, #tpu.memory_space<semaphore_mem>>) src(%arg17 : memref<80x128xf32, #tpu.memory_space<vmem>>) dst(%dma_wait3A_83 : memref<80x128xf32, #tpu.memory_space<vmem_shared>>)
      tpu.yield
    }) : () -> ()
    %add3A_21 = arith.constant 320 : i32
    %add3A_22 = arith.addi %mul3A_4, %add3A_21 : i32
    "tpu.region"() ({
      %run_scoped3A = tpu.sem_alloc : memref<!tpu.dma_semaphore, #tpu.memory_space<semaphore_mem>>
      %dma_start3A = arith.constant 0 : i32
      %dma_start3A_77 = tpu.memref_slice %arg5[%add3A_22, %dma_start3A] : memref<10240x128xf32, #tpu.memory_space<hbm>> -> memref<80x128xf32, #tpu.memory_space<hbm>>
      %dma_start3A_78 = arith.constant 0 : i32
      %dma_start3A_79 = tpu.memref_slice %arg5[%add3A_22, %dma_start3A_78] : memref<10240x128xf32, #tpu.memory_space<hbm>> -> memref<80x128xf32, #tpu.memory_space<hbm>>
      tpu.enqueue_dma source(%dma_start3A_79 : memref<80x128xf32, #tpu.memory_space<hbm>>) target(%arg17 : memref<80x128xf32, #tpu.memory_space<vmem>>) target_semaphore(%run_scoped3A : memref<!tpu.dma_semaphore, #tpu.memory_space<semaphore_mem>>)
      %dma_wait3A_80 = arith.constant 0 : i32
      %dma_wait3A_81 = tpu.memref_slice %arg5[%add3A_22, %dma_wait3A_80] : memref<10240x128xf32, #tpu.memory_space<hbm>> -> memref<80x128xf32, #tpu.memory_space<hbm>>
      %dma_wait3A_82 = arith.constant 0 : i32
      %dma_wait3A_83 = tpu.memref_slice %arg5[%add3A_22, %dma_wait3A_82] : memref<10240x128xf32, #tpu.memory_space<hbm>> -> memref<80x128xf32, #tpu.memory_space<hbm>>
      tpu.wait_dma2 semaphore(%run_scoped3A : memref<!tpu.dma_semaphore, #tpu.memory_space<semaphore_mem>>) src(%dma_wait3A_83 : memref<80x128xf32, #tpu.memory_space<hbm>>) dst(%arg17 : memref<80x128xf32, #tpu.memory_space<vmem>>)
      tpu.yield
    }) : () -> ()
    %add3A_23 = arith.constant 320 : i32
    %add3A_24 = arith.addi %mul3A_4, %add3A_23 : i32
    "tpu.region"() ({
      %run_scoped3A = tpu.sem_alloc : memref<!tpu.dma_semaphore, #tpu.memory_space<semaphore_mem>>
      %dma_start3A = arith.constant 0 : i32
      %dma_start3A_77 = tpu.memref_slice %arg18[%add3A_24, %dma_start3A] : memref<10240x128xf32, #tpu.memory_space<vmem_shared>> -> memref<80x128xf32, #tpu.memory_space<vmem_shared>>
      %dma_start3A_78 = arith.constant 0 : i32
      %dma_start3A_79 = tpu.memref_slice %arg18[%add3A_24, %dma_start3A_78] : memref<10240x128xf32, #tpu.memory_space<vmem_shared>> -> memref<80x128xf32, #tpu.memory_space<vmem_shared>>
      tpu.enqueue_dma source(%arg17 : memref<80x128xf32, #tpu.memory_space<vmem>>) target(%dma_start3A_79 : memref<80x128xf32, #tpu.memory_space<vmem_shared>>) target_semaphore(%run_scoped3A : memref<!tpu.dma_semaphore, #tpu.memory_space<semaphore_mem>>)
      %dma_wait3A_80 = arith.constant 0 : i32
      %dma_wait3A_81 = tpu.memref_slice %arg18[%add3A_24, %dma_wait3A_80] : memref<10240x128xf32, #tpu.memory_space<vmem_shared>> -> memref<80x128xf32, #tpu.memory_space<vmem_shared>>
      %dma_wait3A_82 = arith.constant 0 : i32
      %dma_wait3A_83 = tpu.memref_slice %arg18[%add3A_24, %dma_wait3A_82] : memref<10240x128xf32, #tpu.memory_space<vmem_shared>> -> memref<80x128xf32, #tpu.memory_space<vmem_shared>>
      tpu.wait_dma2 semaphore(%run_scoped3A : memref<!tpu.dma_semaphore, #tpu.memory_space<semaphore_mem>>) src(%arg17 : memref<80x128xf32, #tpu.memory_space<vmem>>) dst(%dma_wait3A_83 : memref<80x128xf32, #tpu.memory_space<vmem_shared>>)
      tpu.yield
    }) : () -> ()
    %add3A_25 = arith.constant 400 : i32
    %add3A_26 = arith.addi %mul3A_4, %add3A_25 : i32
    "tpu.region"() ({
      %run_scoped3A = tpu.sem_alloc : memref<!tpu.dma_semaphore, #tpu.memory_space<semaphore_mem>>
      %dma_start3A = arith.constant 0 : i32
      %dma_start3A_77 = tpu.memref_slice %arg5[%add3A_26, %dma_start3A] : memref<10240x128xf32, #tpu.memory_space<hbm>> -> memref<80x128xf32, #tpu.memory_space<hbm>>
      %dma_start3A_78 = arith.constant 0 : i32
      %dma_start3A_79 = tpu.memref_slice %arg5[%add3A_26, %dma_start3A_78] : memref<10240x128xf32, #tpu.memory_space<hbm>> -> memref<80x128xf32, #tpu.memory_space<hbm>>
      tpu.enqueue_dma source(%dma_start3A_79 : memref<80x128xf32, #tpu.memory_space<hbm>>) target(%arg17 : memref<80x128xf32, #tpu.memory_space<vmem>>) target_semaphore(%run_scoped3A : memref<!tpu.dma_semaphore, #tpu.memory_space<semaphore_mem>>)
      %dma_wait3A_80 = arith.constant 0 : i32
      %dma_wait3A_81 = tpu.memref_slice %arg5[%add3A_26, %dma_wait3A_80] : memref<10240x128xf32, #tpu.memory_space<hbm>> -> memref<80x128xf32, #tpu.memory_space<hbm>>
      %dma_wait3A_82 = arith.constant 0 : i32
      %dma_wait3A_83 = tpu.memref_slice %arg5[%add3A_26, %dma_wait3A_82] : memref<10240x128xf32, #tpu.memory_space<hbm>> -> memref<80x128xf32, #tpu.memory_space<hbm>>
      tpu.wait_dma2 semaphore(%run_scoped3A : memref<!tpu.dma_semaphore, #tpu.memory_space<semaphore_mem>>) src(%dma_wait3A_83 : memref<80x128xf32, #tpu.memory_space<hbm>>) dst(%arg17 : memref<80x128xf32, #tpu.memory_space<vmem>>)
      tpu.yield
    }) : () -> ()
    %add3A_27 = arith.constant 400 : i32
    %add3A_28 = arith.addi %mul3A_4, %add3A_27 : i32
    "tpu.region"() ({
      %run_scoped3A = tpu.sem_alloc : memref<!tpu.dma_semaphore, #tpu.memory_space<semaphore_mem>>
      %dma_start3A = arith.constant 0 : i32
      %dma_start3A_77 = tpu.memref_slice %arg18[%add3A_28, %dma_start3A] : memref<10240x128xf32, #tpu.memory_space<vmem_shared>> -> memref<80x128xf32, #tpu.memory_space<vmem_shared>>
      %dma_start3A_78 = arith.constant 0 : i32
      %dma_start3A_79 = tpu.memref_slice %arg18[%add3A_28, %dma_start3A_78] : memref<10240x128xf32, #tpu.memory_space<vmem_shared>> -> memref<80x128xf32, #tpu.memory_space<vmem_shared>>
      tpu.enqueue_dma source(%arg17 : memref<80x128xf32, #tpu.memory_space<vmem>>) target(%dma_start3A_79 : memref<80x128xf32, #tpu.memory_space<vmem_shared>>) target_semaphore(%run_scoped3A : memref<!tpu.dma_semaphore, #tpu.memory_space<semaphore_mem>>)
      %dma_wait3A_80 = arith.constant 0 : i32
      %dma_wait3A_81 = tpu.memref_slice %arg18[%add3A_28, %dma_wait3A_80] : memref<10240x128xf32, #tpu.memory_space<vmem_shared>> -> memref<80x128xf32, #tpu.memory_space<vmem_shared>>
      %dma_wait3A_82 = arith.constant 0 : i32
      %dma_wait3A_83 = tpu.memref_slice %arg18[%add3A_28, %dma_wait3A_82] : memref<10240x128xf32, #tpu.memory_space<vmem_shared>> -> memref<80x128xf32, #tpu.memory_space<vmem_shared>>
      tpu.wait_dma2 semaphore(%run_scoped3A : memref<!tpu.dma_semaphore, #tpu.memory_space<semaphore_mem>>) src(%arg17 : memref<80x128xf32, #tpu.memory_space<vmem>>) dst(%dma_wait3A_83 : memref<80x128xf32, #tpu.memory_space<vmem_shared>>)
      tpu.yield
    }) : () -> ()
    %add3A_29 = arith.constant 480 : i32
    %add3A_30 = arith.addi %mul3A_4, %add3A_29 : i32
    "tpu.region"() ({
      %run_scoped3A = tpu.sem_alloc : memref<!tpu.dma_semaphore, #tpu.memory_space<semaphore_mem>>
      %dma_start3A = arith.constant 0 : i32
      %dma_start3A_77 = tpu.memref_slice %arg5[%add3A_30, %dma_start3A] : memref<10240x128xf32, #tpu.memory_space<hbm>> -> memref<80x128xf32, #tpu.memory_space<hbm>>
      %dma_start3A_78 = arith.constant 0 : i32
      %dma_start3A_79 = tpu.memref_slice %arg5[%add3A_30, %dma_start3A_78] : memref<10240x128xf32, #tpu.memory_space<hbm>> -> memref<80x128xf32, #tpu.memory_space<hbm>>
      tpu.enqueue_dma source(%dma_start3A_79 : memref<80x128xf32, #tpu.memory_space<hbm>>) target(%arg17 : memref<80x128xf32, #tpu.memory_space<vmem>>) target_semaphore(%run_scoped3A : memref<!tpu.dma_semaphore, #tpu.memory_space<semaphore_mem>>)
      %dma_wait3A_80 = arith.constant 0 : i32
      %dma_wait3A_81 = tpu.memref_slice %arg5[%add3A_30, %dma_wait3A_80] : memref<10240x128xf32, #tpu.memory_space<hbm>> -> memref<80x128xf32, #tpu.memory_space<hbm>>
      %dma_wait3A_82 = arith.constant 0 : i32
      %dma_wait3A_83 = tpu.memref_slice %arg5[%add3A_30, %dma_wait3A_82] : memref<10240x128xf32, #tpu.memory_space<hbm>> -> memref<80x128xf32, #tpu.memory_space<hbm>>
      tpu.wait_dma2 semaphore(%run_scoped3A : memref<!tpu.dma_semaphore, #tpu.memory_space<semaphore_mem>>) src(%dma_wait3A_83 : memref<80x128xf32, #tpu.memory_space<hbm>>) dst(%arg17 : memref<80x128xf32, #tpu.memory_space<vmem>>)
      tpu.yield
    }) : () -> ()
    %add3A_31 = arith.constant 480 : i32
    %add3A_32 = arith.addi %mul3A_4, %add3A_31 : i32
    "tpu.region"() ({
      %run_scoped3A = tpu.sem_alloc : memref<!tpu.dma_semaphore, #tpu.memory_space<semaphore_mem>>
      %dma_start3A = arith.constant 0 : i32
      %dma_start3A_77 = tpu.memref_slice %arg18[%add3A_32, %dma_start3A] : memref<10240x128xf32, #tpu.memory_space<vmem_shared>> -> memref<80x128xf32, #tpu.memory_space<vmem_shared>>
      %dma_start3A_78 = arith.constant 0 : i32
      %dma_start3A_79 = tpu.memref_slice %arg18[%add3A_32, %dma_start3A_78] : memref<10240x128xf32, #tpu.memory_space<vmem_shared>> -> memref<80x128xf32, #tpu.memory_space<vmem_shared>>
      tpu.enqueue_dma source(%arg17 : memref<80x128xf32, #tpu.memory_space<vmem>>) target(%dma_start3A_79 : memref<80x128xf32, #tpu.memory_space<vmem_shared>>) target_semaphore(%run_scoped3A : memref<!tpu.dma_semaphore, #tpu.memory_space<semaphore_mem>>)
      %dma_wait3A_80 = arith.constant 0 : i32
      %dma_wait3A_81 = tpu.memref_slice %arg18[%add3A_32, %dma_wait3A_80] : memref<10240x128xf32, #tpu.memory_space<vmem_shared>> -> memref<80x128xf32, #tpu.memory_space<vmem_shared>>
      %dma_wait3A_82 = arith.constant 0 : i32
      %dma_wait3A_83 = tpu.memref_slice %arg18[%add3A_32, %dma_wait3A_82] : memref<10240x128xf32, #tpu.memory_space<vmem_shared>> -> memref<80x128xf32, #tpu.memory_space<vmem_shared>>
      tpu.wait_dma2 semaphore(%run_scoped3A : memref<!tpu.dma_semaphore, #tpu.memory_space<semaphore_mem>>) src(%arg17 : memref<80x128xf32, #tpu.memory_space<vmem>>) dst(%dma_wait3A_83 : memref<80x128xf32, #tpu.memory_space<vmem_shared>>)
      tpu.yield
    }) : () -> ()
    %add3A_33 = arith.constant 560 : i32
    %add3A_34 = arith.addi %mul3A_4, %add3A_33 : i32
    "tpu.region"() ({
      %run_scoped3A = tpu.sem_alloc : memref<!tpu.dma_semaphore, #tpu.memory_space<semaphore_mem>>
      %dma_start3A = arith.constant 0 : i32
      %dma_start3A_77 = tpu.memref_slice %arg5[%add3A_34, %dma_start3A] : memref<10240x128xf32, #tpu.memory_space<hbm>> -> memref<80x128xf32, #tpu.memory_space<hbm>>
      %dma_start3A_78 = arith.constant 0 : i32
      %dma_start3A_79 = tpu.memref_slice %arg5[%add3A_34, %dma_start3A_78] : memref<10240x128xf32, #tpu.memory_space<hbm>> -> memref<80x128xf32, #tpu.memory_space<hbm>>
      tpu.enqueue_dma source(%dma_start3A_79 : memref<80x128xf32, #tpu.memory_space<hbm>>) target(%arg17 : memref<80x128xf32, #tpu.memory_space<vmem>>) target_semaphore(%run_scoped3A : memref<!tpu.dma_semaphore, #tpu.memory_space<semaphore_mem>>)
      %dma_wait3A_80 = arith.constant 0 : i32
      %dma_wait3A_81 = tpu.memref_slice %arg5[%add3A_34, %dma_wait3A_80] : memref<10240x128xf32, #tpu.memory_space<hbm>> -> memref<80x128xf32, #tpu.memory_space<hbm>>
      %dma_wait3A_82 = arith.constant 0 : i32
      %dma_wait3A_83 = tpu.memref_slice %arg5[%add3A_34, %dma_wait3A_82] : memref<10240x128xf32, #tpu.memory_space<hbm>> -> memref<80x128xf32, #tpu.memory_space<hbm>>
      tpu.wait_dma2 semaphore(%run_scoped3A : memref<!tpu.dma_semaphore, #tpu.memory_space<semaphore_mem>>) src(%dma_wait3A_83 : memref<80x128xf32, #tpu.memory_space<hbm>>) dst(%arg17 : memref<80x128xf32, #tpu.memory_space<vmem>>)
      tpu.yield
    }) : () -> ()
    %add3A_35 = arith.constant 560 : i32
    %add3A_36 = arith.addi %mul3A_4, %add3A_35 : i32
    "tpu.region"() ({
      %run_scoped3A = tpu.sem_alloc : memref<!tpu.dma_semaphore, #tpu.memory_space<semaphore_mem>>
      %dma_start3A = arith.constant 0 : i32
      %dma_start3A_77 = tpu.memref_slice %arg18[%add3A_36, %dma_start3A] : memref<10240x128xf32, #tpu.memory_space<vmem_shared>> -> memref<80x128xf32, #tpu.memory_space<vmem_shared>>
      %dma_start3A_78 = arith.constant 0 : i32
      %dma_start3A_79 = tpu.memref_slice %arg18[%add3A_36, %dma_start3A_78] : memref<10240x128xf32, #tpu.memory_space<vmem_shared>> -> memref<80x128xf32, #tpu.memory_space<vmem_shared>>
      tpu.enqueue_dma source(%arg17 : memref<80x128xf32, #tpu.memory_space<vmem>>) target(%dma_start3A_79 : memref<80x128xf32, #tpu.memory_space<vmem_shared>>) target_semaphore(%run_scoped3A : memref<!tpu.dma_semaphore, #tpu.memory_space<semaphore_mem>>)
      %dma_wait3A_80 = arith.constant 0 : i32
      %dma_wait3A_81 = tpu.memref_slice %arg18[%add3A_36, %dma_wait3A_80] : memref<10240x128xf32, #tpu.memory_space<vmem_shared>> -> memref<80x128xf32, #tpu.memory_space<vmem_shared>>
      %dma_wait3A_82 = arith.constant 0 : i32
      %dma_wait3A_83 = tpu.memref_slice %arg18[%add3A_36, %dma_wait3A_82] : memref<10240x128xf32, #tpu.memory_space<vmem_shared>> -> memref<80x128xf32, #tpu.memory_space<vmem_shared>>
      tpu.wait_dma2 semaphore(%run_scoped3A : memref<!tpu.dma_semaphore, #tpu.memory_space<semaphore_mem>>) src(%arg17 : memref<80x128xf32, #tpu.memory_space<vmem>>) dst(%dma_wait3A_83 : memref<80x128xf32, #tpu.memory_space<vmem_shared>>)
      tpu.yield
    }) : () -> ()
    %barrier3A = arith.constant 0 : index
    tpu.barrier barrier_id(%barrier3A)
    %scan3A = arith.constant 0 : i32
    %scan3A_37 = arith.constant 0 : i32
    %scan3A_38 = arith.constant 40 : i32
    %scan3A_39 = arith.addi %scan3A_37, %scan3A_38 : i32
    %scan3A_40 = arith.constant 1 : i32
    scf.for %scan3A_77 = %scan3A_37 to %scan3A_39 step %scan3A_40  : i32 {
      %mul3A_78 = arith.constant 2 : i32
      %mul3A_79 = arith.muli %scan3A_77, %mul3A_78 : i32
      %mul3A_80 = arith.constant 128 : i32
      %mul3A_81 = arith.muli %mul3A_79, %mul3A_80 : i32
      %add3A_82 = arith.addi %mul3A_2, %mul3A_81 : i32
      "tpu.region"() ({
        %run_scoped3A = tpu.sem_alloc : memref<!tpu.dma_semaphore, #tpu.memory_space<semaphore_mem>>
        %dma_start3A_110 = tpu.memref_slice %arg2[%add3A_82] : memref<327680xi32, #tpu.memory_space<hbm>> -> memref<128xi32, #tpu.memory_space<hbm>>
        %dma_start3A_111 = tpu.memref_slice %arg2[%add3A_82] : memref<327680xi32, #tpu.memory_space<hbm>> -> memref<128xi32, #tpu.memory_space<hbm>>
        tpu.enqueue_dma source(%dma_start3A_111 : memref<128xi32, #tpu.memory_space<hbm>>) target(%arg7 : memref<128xi32, #tpu.memory_space<vmem>>) target_semaphore(%run_scoped3A : memref<!tpu.dma_semaphore, #tpu.memory_space<semaphore_mem>>)
        %dma_wait3A_112 = tpu.memref_slice %arg2[%add3A_82] : memref<327680xi32, #tpu.memory_space<hbm>> -> memref<128xi32, #tpu.memory_space<hbm>>
        %dma_wait3A_113 = tpu.memref_slice %arg2[%add3A_82] : memref<327680xi32, #tpu.memory_space<hbm>> -> memref<128xi32, #tpu.memory_space<hbm>>
        tpu.wait_dma2 semaphore(%run_scoped3A : memref<!tpu.dma_semaphore, #tpu.memory_space<semaphore_mem>>) src(%dma_wait3A_113 : memref<128xi32, #tpu.memory_space<hbm>>) dst(%arg7 : memref<128xi32, #tpu.memory_space<vmem>>)
        tpu.yield
      }) : () -> ()
      "tpu.region"() ({
        %run_scoped3A = tpu.sem_alloc : memref<!tpu.dma_semaphore, #tpu.memory_space<semaphore_mem>>
        %dma_start3A_110 = tpu.memref_slice %arg3[%add3A_82] : memref<327680xi32, #tpu.memory_space<hbm>> -> memref<128xi32, #tpu.memory_space<hbm>>
        %dma_start3A_111 = tpu.memref_slice %arg3[%add3A_82] : memref<327680xi32, #tpu.memory_space<hbm>> -> memref<128xi32, #tpu.memory_space<hbm>>
        tpu.enqueue_dma source(%dma_start3A_111 : memref<128xi32, #tpu.memory_space<hbm>>) target(%arg8 : memref<128xi32, #tpu.memory_space<vmem>>) target_semaphore(%run_scoped3A : memref<!tpu.dma_semaphore, #tpu.memory_space<semaphore_mem>>)
        %dma_wait3A_112 = tpu.memref_slice %arg3[%add3A_82] : memref<327680xi32, #tpu.memory_space<hbm>> -> memref<128xi32, #tpu.memory_space<hbm>>
        %dma_wait3A_113 = tpu.memref_slice %arg3[%add3A_82] : memref<327680xi32, #tpu.memory_space<hbm>> -> memref<128xi32, #tpu.memory_space<hbm>>
        tpu.wait_dma2 semaphore(%run_scoped3A : memref<!tpu.dma_semaphore, #tpu.memory_space<semaphore_mem>>) src(%dma_wait3A_113 : memref<128xi32, #tpu.memory_space<hbm>>) dst(%arg8 : memref<128xi32, #tpu.memory_space<vmem>>)
        tpu.yield
      }) : () -> ()
      %dma_start3A = arith.constant 0 : i32
      %dma_start3A_83 = arith.constant 0 : i32
      %dma_start3A_84 = tpu.memref_slice %arg4[%dma_start3A, %dma_start3A_83] : memref<10000x128xf32, #tpu.memory_space<hbm>> -> memref<10000x128xf32, #tpu.memory_space<hbm>>
      tpu.enqueue_indirect_dma source(%dma_start3A_84 : memref<10000x128xf32, #tpu.memory_space<hbm>>) target(%arg15 : memref<128x128xf32, #tpu.memory_space<vmem>>) offsets(%arg7 : memref<128xi32, #tpu.memory_space<vmem>>) semaphore(%arg23 : memref<!tpu.dma_semaphore, #tpu.memory_space<semaphore_mem>>)
      %dma_wait3A_85 = arith.constant 0 : i32
      %dma_wait3A_86 = arith.constant 0 : i32
      %dma_wait3A_87 = tpu.memref_slice %arg4[%dma_wait3A_85, %dma_wait3A_86] : memref<10000x128xf32, #tpu.memory_space<hbm>> -> memref<10000x128xf32, #tpu.memory_space<hbm>>
      tpu.wait_indirect_dma semaphore(%arg23 : memref<!tpu.dma_semaphore, #tpu.memory_space<semaphore_mem>>) src(%dma_wait3A_87 : memref<10000x128xf32, #tpu.memory_space<hbm>>) dst(%arg15 : memref<128x128xf32, #tpu.memory_space<vmem>>)
      %gt3A = arith.constant 0 : i32
      %gt3A_88 = arith.cmpi sgt, %scan3A_77, %gt3A : i32
      %convert_element_type3A = arith.extui %gt3A_88 : i1 to i32
      %cond3A = arith.constant 0 : i32
      %cond3A_89 = arith.cmpi ne, %convert_element_type3A, %cond3A : i32
      scf.if %cond3A_89 {
        %dma_wait3A_110 = arith.constant 0 : i32
        %dma_wait3A_111 = arith.constant 0 : i32
        %dma_wait3A_112 = tpu.memref_slice %arg18[%dma_wait3A_110, %dma_wait3A_111] : memref<10240x128xf32, #tpu.memory_space<vmem_shared>> -> memref<10240x128xf32, #tpu.memory_space<vmem_shared>>
        tpu.wait_indirect_dma semaphore(%arg26 : memref<!tpu.dma_semaphore, #tpu.memory_space<semaphore_mem>>) src(%arg16 : memref<128x128xf32, #tpu.memory_space<vmem>>) dst(%dma_wait3A_112 : memref<10240x128xf32, #tpu.memory_space<vmem_shared>>)
      } else {
      }
      %dma_start3A_90 = arith.constant 0 : i32
      %dma_start3A_91 = arith.constant 0 : i32
      %dma_start3A_92 = tpu.memref_slice %arg18[%dma_start3A_90, %dma_start3A_91] : memref<10240x128xf32, #tpu.memory_space<vmem_shared>> -> memref<10240x128xf32, #tpu.memory_space<vmem_shared>>
      tpu.enqueue_indirect_dma source(%arg15 : memref<128x128xf32, #tpu.memory_space<vmem>>) target(%dma_start3A_92 : memref<10240x128xf32, #tpu.memory_space<vmem_shared>>) offsets(%arg8 : memref<128xi32, #tpu.memory_space<vmem>>) semaphore(%arg25 : memref<!tpu.dma_semaphore, #tpu.memory_space<semaphore_mem>>) {add = true}
      %add3A_93 = arith.constant 1 : i32
      %add3A_94 = arith.addi %mul3A_79, %add3A_93 : i32
      %mul3A_95 = arith.constant 128 : i32
      %mul3A_96 = arith.muli %add3A_94, %mul3A_95 : i32
      %add3A_97 = arith.addi %mul3A_2, %mul3A_96 : i32
      "tpu.region"() ({
        %run_scoped3A = tpu.sem_alloc : memref<!tpu.dma_semaphore, #tpu.memory_space<semaphore_mem>>
        %dma_start3A_110 = tpu.memref_slice %arg2[%add3A_97] : memref<327680xi32, #tpu.memory_space<hbm>> -> memref<128xi32, #tpu.memory_space<hbm>>
        %dma_start3A_111 = tpu.memref_slice %arg2[%add3A_97] : memref<327680xi32, #tpu.memory_space<hbm>> -> memref<128xi32, #tpu.memory_space<hbm>>
        tpu.enqueue_dma source(%dma_start3A_111 : memref<128xi32, #tpu.memory_space<hbm>>) target(%arg9 : memref<128xi32, #tpu.memory_space<vmem>>) target_semaphore(%run_scoped3A : memref<!tpu.dma_semaphore, #tpu.memory_space<semaphore_mem>>)
        %dma_wait3A_112 = tpu.memref_slice %arg2[%add3A_97] : memref<327680xi32, #tpu.memory_space<hbm>> -> memref<128xi32, #tpu.memory_space<hbm>>
        %dma_wait3A_113 = tpu.memref_slice %arg2[%add3A_97] : memref<327680xi32, #tpu.memory_space<hbm>> -> memref<128xi32, #tpu.memory_space<hbm>>
        tpu.wait_dma2 semaphore(%run_scoped3A : memref<!tpu.dma_semaphore, #tpu.memory_space<semaphore_mem>>) src(%dma_wait3A_113 : memref<128xi32, #tpu.memory_space<hbm>>) dst(%arg9 : memref<128xi32, #tpu.memory_space<vmem>>)
        tpu.yield
      }) : () -> ()
      "tpu.region"() ({
        %run_scoped3A = tpu.sem_alloc : memref<!tpu.dma_semaphore, #tpu.memory_space<semaphore_mem>>
        %dma_start3A_110 = tpu.memref_slice %arg3[%add3A_97] : memref<327680xi32, #tpu.memory_space<hbm>> -> memref<128xi32, #tpu.memory_space<hbm>>
        %dma_start3A_111 = tpu.memref_slice %arg3[%add3A_97] : memref<327680xi32, #tpu.memory_space<hbm>> -> memref<128xi32, #tpu.memory_space<hbm>>
        tpu.enqueue_dma source(%dma_start3A_111 : memref<128xi32, #tpu.memory_space<hbm>>) target(%arg10 : memref<128xi32, #tpu.memory_space<vmem>>) target_semaphore(%run_scoped3A : memref<!tpu.dma_semaphore, #tpu.memory_space<semaphore_mem>>)
        %dma_wait3A_112 = tpu.memref_slice %arg3[%add3A_97] : memref<327680xi32, #tpu.memory_space<hbm>> -> memref<128xi32, #tpu.memory_space<hbm>>
        %dma_wait3A_113 = tpu.memref_slice %arg3[%add3A_97] : memref<327680xi32, #tpu.memory_space<hbm>> -> memref<128xi32, #tpu.memory_space<hbm>>
        tpu.wait_dma2 semaphore(%run_scoped3A : memref<!tpu.dma_semaphore, #tpu.memory_space<semaphore_mem>>) src(%dma_wait3A_113 : memref<128xi32, #tpu.memory_space<hbm>>) dst(%arg10 : memref<128xi32, #tpu.memory_space<vmem>>)
        tpu.yield
      }) : () -> ()
      %dma_start3A_98 = arith.constant 0 : i32
      %dma_start3A_99 = arith.constant 0 : i32
      %dma_start3A_100 = tpu.memref_slice %arg4[%dma_start3A_98, %dma_start3A_99] : memref<10000x128xf32, #tpu.memory_space<hbm>> -> memref<10000x128xf32, #tpu.memory_space<hbm>>
      tpu.enqueue_indirect_dma source(%dma_start3A_100 : memref<10000x128xf32, #tpu.memory_space<hbm>>) target(%arg16 : memref<128x128xf32, #tpu.memory_space<vmem>>) offsets(%arg9 : memref<128xi32, #tpu.memory_space<vmem>>) semaphore(%arg24 : memref<!tpu.dma_semaphore, #tpu.memory_space<semaphore_mem>>)
      %dma_wait3A_101 = arith.constant 0 : i32
      %dma_wait3A_102 = arith.constant 0 : i32
      %dma_wait3A_103 = tpu.memref_slice %arg4[%dma_wait3A_101, %dma_wait3A_102] : memref<10000x128xf32, #tpu.memory_space<hbm>> -> memref<10000x128xf32, #tpu.memory_space<hbm>>
      tpu.wait_indirect_dma semaphore(%arg24 : memref<!tpu.dma_semaphore, #tpu.memory_space<semaphore_mem>>) src(%dma_wait3A_103 : memref<10000x128xf32, #tpu.memory_space<hbm>>) dst(%arg16 : memref<128x128xf32, #tpu.memory_space<vmem>>)
      %dma_wait3A_104 = arith.constant 0 : i32
      %dma_wait3A_105 = arith.constant 0 : i32
      %dma_wait3A_106 = tpu.memref_slice %arg18[%dma_wait3A_104, %dma_wait3A_105] : memref<10240x128xf32, #tpu.memory_space<vmem_shared>> -> memref<10240x128xf32, #tpu.memory_space<vmem_shared>>
      tpu.wait_indirect_dma semaphore(%arg25 : memref<!tpu.dma_semaphore, #tpu.memory_space<semaphore_mem>>) src(%arg15 : memref<128x128xf32, #tpu.memory_space<vmem>>) dst(%dma_wait3A_106 : memref<10240x128xf32, #tpu.memory_space<vmem_shared>>)
      %dma_start3A_107 = arith.constant 0 : i32
      %dma_start3A_108 = arith.constant 0 : i32
      %dma_start3A_109 = tpu.memref_slice %arg18[%dma_start3A_107, %dma_start3A_108] : memref<10240x128xf32, #tpu.memory_space<vmem_shared>> -> memref<10240x128xf32, #tpu.memory_space<vmem_shared>>
      tpu.enqueue_indirect_dma source(%arg16 : memref<128x128xf32, #tpu.memory_space<vmem>>) target(%dma_start3A_109 : memref<10240x128xf32, #tpu.memory_space<vmem_shared>>) offsets(%arg10 : memref<128xi32, #tpu.memory_space<vmem>>) semaphore(%arg26 : memref<!tpu.dma_semaphore, #tpu.memory_space<semaphore_mem>>) {add = true}
    }
    %scan3A_41 = arith.constant 40 : i32
    %dma_wait3A = arith.constant 0 : i32
    %dma_wait3A_42 = arith.constant 0 : i32
    %dma_wait3A_43 = tpu.memref_slice %arg18[%dma_wait3A, %dma_wait3A_42] : memref<10240x128xf32, #tpu.memory_space<vmem_shared>> -> memref<10240x128xf32, #tpu.memory_space<vmem_shared>>
    tpu.wait_indirect_dma semaphore(%arg26 : memref<!tpu.dma_semaphore, #tpu.memory_space<semaphore_mem>>) src(%arg16 : memref<128x128xf32, #tpu.memory_space<vmem>>) dst(%dma_wait3A_43 : memref<10240x128xf32, #tpu.memory_space<vmem_shared>>)
    %barrier3A_44 = arith.constant 0 : index
    tpu.barrier barrier_id(%barrier3A_44)
    %add3A_45 = arith.constant 0 : i32
    %add3A_46 = arith.addi %mul3A_4, %add3A_45 : i32
    "tpu.region"() ({
      %run_scoped3A = tpu.sem_alloc : memref<!tpu.dma_semaphore, #tpu.memory_space<semaphore_mem>>
      %dma_start3A = arith.constant 0 : i32
      %dma_start3A_77 = tpu.memref_slice %arg18[%add3A_46, %dma_start3A] : memref<10240x128xf32, #tpu.memory_space<vmem_shared>> -> memref<80x128xf32, #tpu.memory_space<vmem_shared>>
      %dma_start3A_78 = arith.constant 0 : i32
      %dma_start3A_79 = tpu.memref_slice %arg18[%add3A_46, %dma_start3A_78] : memref<10240x128xf32, #tpu.memory_space<vmem_shared>> -> memref<80x128xf32, #tpu.memory_space<vmem_shared>>
      tpu.enqueue_dma source(%dma_start3A_79 : memref<80x128xf32, #tpu.memory_space<vmem_shared>>) target(%arg17 : memref<80x128xf32, #tpu.memory_space<vmem>>) target_semaphore(%run_scoped3A : memref<!tpu.dma_semaphore, #tpu.memory_space<semaphore_mem>>)
      %dma_wait3A_80 = arith.constant 0 : i32
      %dma_wait3A_81 = tpu.memref_slice %arg18[%add3A_46, %dma_wait3A_80] : memref<10240x128xf32, #tpu.memory_space<vmem_shared>> -> memref<80x128xf32, #tpu.memory_space<vmem_shared>>
      %dma_wait3A_82 = arith.constant 0 : i32
      %dma_wait3A_83 = tpu.memref_slice %arg18[%add3A_46, %dma_wait3A_82] : memref<10240x128xf32, #tpu.memory_space<vmem_shared>> -> memref<80x128xf32, #tpu.memory_space<vmem_shared>>
      tpu.wait_dma2 semaphore(%run_scoped3A : memref<!tpu.dma_semaphore, #tpu.memory_space<semaphore_mem>>) src(%dma_wait3A_83 : memref<80x128xf32, #tpu.memory_space<vmem_shared>>) dst(%arg17 : memref<80x128xf32, #tpu.memory_space<vmem>>)
      tpu.yield
    }) : () -> ()
    %add3A_47 = arith.constant 0 : i32
    %add3A_48 = arith.addi %mul3A_4, %add3A_47 : i32
    "tpu.region"() ({
      %run_scoped3A = tpu.sem_alloc : memref<!tpu.dma_semaphore, #tpu.memory_space<semaphore_mem>>
      %dma_start3A = arith.constant 0 : i32
      %dma_start3A_77 = tpu.memref_slice %arg6[%arg0, %add3A_48, %dma_start3A] : memref<2x10240x128xf32, #tpu.memory_space<hbm>> -> memref<1x80x128xf32, #tpu.memory_space<hbm>>
      %dma_start3A_78 = tpu.memref_squeeze %dma_start3A_77 : memref<1x80x128xf32, #tpu.memory_space<hbm>> -> memref<80x128xf32, #tpu.memory_space<hbm>>
      %dma_start3A_79 = arith.constant 0 : i32
      %dma_start3A_80 = tpu.memref_slice %arg6[%arg0, %add3A_48, %dma_start3A_79] : memref<2x10240x128xf32, #tpu.memory_space<hbm>> -> memref<1x80x128xf32, #tpu.memory_space<hbm>>
      %dma_start3A_81 = tpu.memref_squeeze %dma_start3A_80 : memref<1x80x128xf32, #tpu.memory_space<hbm>> -> memref<80x128xf32, #tpu.memory_space<hbm>>
      tpu.enqueue_dma source(%arg17 : memref<80x128xf32, #tpu.memory_space<vmem>>) target(%dma_start3A_81 : memref<80x128xf32, #tpu.memory_space<hbm>>) target_semaphore(%run_scoped3A : memref<!tpu.dma_semaphore, #tpu.memory_space<semaphore_mem>>)
      %dma_wait3A_82 = arith.constant 0 : i32
      %dma_wait3A_83 = tpu.memref_slice %arg6[%arg0, %add3A_48, %dma_wait3A_82] : memref<2x10240x128xf32, #tpu.memory_space<hbm>> -> memref<1x80x128xf32, #tpu.memory_space<hbm>>
      %dma_wait3A_84 = tpu.memref_squeeze %dma_wait3A_83 : memref<1x80x128xf32, #tpu.memory_space<hbm>> -> memref<80x128xf32, #tpu.memory_space<hbm>>
      %dma_wait3A_85 = arith.constant 0 : i32
      %dma_wait3A_86 = tpu.memref_slice %arg6[%arg0, %add3A_48, %dma_wait3A_85] : memref<2x10240x128xf32, #tpu.memory_space<hbm>> -> memref<1x80x128xf32, #tpu.memory_space<hbm>>
      %dma_wait3A_87 = tpu.memref_squeeze %dma_wait3A_86 : memref<1x80x128xf32, #tpu.memory_space<hbm>> -> memref<80x128xf32, #tpu.memory_space<hbm>>
      tpu.wait_dma2 semaphore(%run_scoped3A : memref<!tpu.dma_semaphore, #tpu.memory_space<semaphore_mem>>) src(%arg17 : memref<80x128xf32, #tpu.memory_space<vmem>>) dst(%dma_wait3A_87 : memref<80x128xf32, #tpu.memory_space<hbm>>)
      tpu.yield
    }) : () -> ()
    %add3A_49 = arith.constant 80 : i32
    %add3A_50 = arith.addi %mul3A_4, %add3A_49 : i32
    "tpu.region"() ({
      %run_scoped3A = tpu.sem_alloc : memref<!tpu.dma_semaphore, #tpu.memory_space<semaphore_mem>>
      %dma_start3A = arith.constant 0 : i32
      %dma_start3A_77 = tpu.memref_slice %arg18[%add3A_50, %dma_start3A] : memref<10240x128xf32, #tpu.memory_space<vmem_shared>> -> memref<80x128xf32, #tpu.memory_space<vmem_shared>>
      %dma_start3A_78 = arith.constant 0 : i32
      %dma_start3A_79 = tpu.memref_slice %arg18[%add3A_50, %dma_start3A_78] : memref<10240x128xf32, #tpu.memory_space<vmem_shared>> -> memref<80x128xf32, #tpu.memory_space<vmem_shared>>
      tpu.enqueue_dma source(%dma_start3A_79 : memref<80x128xf32, #tpu.memory_space<vmem_shared>>) target(%arg17 : memref<80x128xf32, #tpu.memory_space<vmem>>) target_semaphore(%run_scoped3A : memref<!tpu.dma_semaphore, #tpu.memory_space<semaphore_mem>>)
      %dma_wait3A_80 = arith.constant 0 : i32
      %dma_wait3A_81 = tpu.memref_slice %arg18[%add3A_50, %dma_wait3A_80] : memref<10240x128xf32, #tpu.memory_space<vmem_shared>> -> memref<80x128xf32, #tpu.memory_space<vmem_shared>>
      %dma_wait3A_82 = arith.constant 0 : i32
      %dma_wait3A_83 = tpu.memref_slice %arg18[%add3A_50, %dma_wait3A_82] : memref<10240x128xf32, #tpu.memory_space<vmem_shared>> -> memref<80x128xf32, #tpu.memory_space<vmem_shared>>
      tpu.wait_dma2 semaphore(%run_scoped3A : memref<!tpu.dma_semaphore, #tpu.memory_space<semaphore_mem>>) src(%dma_wait3A_83 : memref<80x128xf32, #tpu.memory_space<vmem_shared>>) dst(%arg17 : memref<80x128xf32, #tpu.memory_space<vmem>>)
      tpu.yield
    }) : () -> ()
    %add3A_51 = arith.constant 80 : i32
    %add3A_52 = arith.addi %mul3A_4, %add3A_51 : i32
    "tpu.region"() ({
      %run_scoped3A = tpu.sem_alloc : memref<!tpu.dma_semaphore, #tpu.memory_space<semaphore_mem>>
      %dma_start3A = arith.constant 0 : i32
      %dma_start3A_77 = tpu.memref_slice %arg6[%arg0, %add3A_52, %dma_start3A] : memref<2x10240x128xf32, #tpu.memory_space<hbm>> -> memref<1x80x128xf32, #tpu.memory_space<hbm>>
      %dma_start3A_78 = tpu.memref_squeeze %dma_start3A_77 : memref<1x80x128xf32, #tpu.memory_space<hbm>> -> memref<80x128xf32, #tpu.memory_space<hbm>>
      %dma_start3A_79 = arith.constant 0 : i32
      %dma_start3A_80 = tpu.memref_slice %arg6[%arg0, %add3A_52, %dma_start3A_79] : memref<2x10240x128xf32, #tpu.memory_space<hbm>> -> memref<1x80x128xf32, #tpu.memory_space<hbm>>
      %dma_start3A_81 = tpu.memref_squeeze %dma_start3A_80 : memref<1x80x128xf32, #tpu.memory_space<hbm>> -> memref<80x128xf32, #tpu.memory_space<hbm>>
      tpu.enqueue_dma source(%arg17 : memref<80x128xf32, #tpu.memory_space<vmem>>) target(%dma_start3A_81 : memref<80x128xf32, #tpu.memory_space<hbm>>) target_semaphore(%run_scoped3A : memref<!tpu.dma_semaphore, #tpu.memory_space<semaphore_mem>>)
      %dma_wait3A_82 = arith.constant 0 : i32
      %dma_wait3A_83 = tpu.memref_slice %arg6[%arg0, %add3A_52, %dma_wait3A_82] : memref<2x10240x128xf32, #tpu.memory_space<hbm>> -> memref<1x80x128xf32, #tpu.memory_space<hbm>>
      %dma_wait3A_84 = tpu.memref_squeeze %dma_wait3A_83 : memref<1x80x128xf32, #tpu.memory_space<hbm>> -> memref<80x128xf32, #tpu.memory_space<hbm>>
      %dma_wait3A_85 = arith.constant 0 : i32
      %dma_wait3A_86 = tpu.memref_slice %arg6[%arg0, %add3A_52, %dma_wait3A_85] : memref<2x10240x128xf32, #tpu.memory_space<hbm>> -> memref<1x80x128xf32, #tpu.memory_space<hbm>>
      %dma_wait3A_87 = tpu.memref_squeeze %dma_wait3A_86 : memref<1x80x128xf32, #tpu.memory_space<hbm>> -> memref<80x128xf32, #tpu.memory_space<hbm>>
      tpu.wait_dma2 semaphore(%run_scoped3A : memref<!tpu.dma_semaphore, #tpu.memory_space<semaphore_mem>>) src(%arg17 : memref<80x128xf32, #tpu.memory_space<vmem>>) dst(%dma_wait3A_87 : memref<80x128xf32, #tpu.memory_space<hbm>>)
      tpu.yield
    }) : () -> ()
    %add3A_53 = arith.constant 160 : i32
    %add3A_54 = arith.addi %mul3A_4, %add3A_53 : i32
    "tpu.region"() ({
      %run_scoped3A = tpu.sem_alloc : memref<!tpu.dma_semaphore, #tpu.memory_space<semaphore_mem>>
      %dma_start3A = arith.constant 0 : i32
      %dma_start3A_77 = tpu.memref_slice %arg18[%add3A_54, %dma_start3A] : memref<10240x128xf32, #tpu.memory_space<vmem_shared>> -> memref<80x128xf32, #tpu.memory_space<vmem_shared>>
      %dma_start3A_78 = arith.constant 0 : i32
      %dma_start3A_79 = tpu.memref_slice %arg18[%add3A_54, %dma_start3A_78] : memref<10240x128xf32, #tpu.memory_space<vmem_shared>> -> memref<80x128xf32, #tpu.memory_space<vmem_shared>>
      tpu.enqueue_dma source(%dma_start3A_79 : memref<80x128xf32, #tpu.memory_space<vmem_shared>>) target(%arg17 : memref<80x128xf32, #tpu.memory_space<vmem>>) target_semaphore(%run_scoped3A : memref<!tpu.dma_semaphore, #tpu.memory_space<semaphore_mem>>)
      %dma_wait3A_80 = arith.constant 0 : i32
      %dma_wait3A_81 = tpu.memref_slice %arg18[%add3A_54, %dma_wait3A_80] : memref<10240x128xf32, #tpu.memory_space<vmem_shared>> -> memref<80x128xf32, #tpu.memory_space<vmem_shared>>
      %dma_wait3A_82 = arith.constant 0 : i32
      %dma_wait3A_83 = tpu.memref_slice %arg18[%add3A_54, %dma_wait3A_82] : memref<10240x128xf32, #tpu.memory_space<vmem_shared>> -> memref<80x128xf32, #tpu.memory_space<vmem_shared>>
      tpu.wait_dma2 semaphore(%run_scoped3A : memref<!tpu.dma_semaphore, #tpu.memory_space<semaphore_mem>>) src(%dma_wait3A_83 : memref<80x128xf32, #tpu.memory_space<vmem_shared>>) dst(%arg17 : memref<80x128xf32, #tpu.memory_space<vmem>>)
      tpu.yield
    }) : () -> ()
    %add3A_55 = arith.constant 160 : i32
    %add3A_56 = arith.addi %mul3A_4, %add3A_55 : i32
    "tpu.region"() ({
      %run_scoped3A = tpu.sem_alloc : memref<!tpu.dma_semaphore, #tpu.memory_space<semaphore_mem>>
      %dma_start3A = arith.constant 0 : i32
      %dma_start3A_77 = tpu.memref_slice %arg6[%arg0, %add3A_56, %dma_start3A] : memref<2x10240x128xf32, #tpu.memory_space<hbm>> -> memref<1x80x128xf32, #tpu.memory_space<hbm>>
      %dma_start3A_78 = tpu.memref_squeeze %dma_start3A_77 : memref<1x80x128xf32, #tpu.memory_space<hbm>> -> memref<80x128xf32, #tpu.memory_space<hbm>>
      %dma_start3A_79 = arith.constant 0 : i32
      %dma_start3A_80 = tpu.memref_slice %arg6[%arg0, %add3A_56, %dma_start3A_79] : memref<2x10240x128xf32, #tpu.memory_space<hbm>> -> memref<1x80x128xf32, #tpu.memory_space<hbm>>
      %dma_start3A_81 = tpu.memref_squeeze %dma_start3A_80 : memref<1x80x128xf32, #tpu.memory_space<hbm>> -> memref<80x128xf32, #tpu.memory_space<hbm>>
      tpu.enqueue_dma source(%arg17 : memref<80x128xf32, #tpu.memory_space<vmem>>) target(%dma_start3A_81 : memref<80x128xf32, #tpu.memory_space<hbm>>) target_semaphore(%run_scoped3A : memref<!tpu.dma_semaphore, #tpu.memory_space<semaphore_mem>>)
      %dma_wait3A_82 = arith.constant 0 : i32
      %dma_wait3A_83 = tpu.memref_slice %arg6[%arg0, %add3A_56, %dma_wait3A_82] : memref<2x10240x128xf32, #tpu.memory_space<hbm>> -> memref<1x80x128xf32, #tpu.memory_space<hbm>>
      %dma_wait3A_84 = tpu.memref_squeeze %dma_wait3A_83 : memref<1x80x128xf32, #tpu.memory_space<hbm>> -> memref<80x128xf32, #tpu.memory_space<hbm>>
      %dma_wait3A_85 = arith.constant 0 : i32
      %dma_wait3A_86 = tpu.memref_slice %arg6[%arg0, %add3A_56, %dma_wait3A_85] : memref<2x10240x128xf32, #tpu.memory_space<hbm>> -> memref<1x80x128xf32, #tpu.memory_space<hbm>>
      %dma_wait3A_87 = tpu.memref_squeeze %dma_wait3A_86 : memref<1x80x128xf32, #tpu.memory_space<hbm>> -> memref<80x128xf32, #tpu.memory_space<hbm>>
      tpu.wait_dma2 semaphore(%run_scoped3A : memref<!tpu.dma_semaphore, #tpu.memory_space<semaphore_mem>>) src(%arg17 : memref<80x128xf32, #tpu.memory_space<vmem>>) dst(%dma_wait3A_87 : memref<80x128xf32, #tpu.memory_space<hbm>>)
      tpu.yield
    }) : () -> ()
    %add3A_57 = arith.constant 240 : i32
    %add3A_58 = arith.addi %mul3A_4, %add3A_57 : i32
    "tpu.region"() ({
      %run_scoped3A = tpu.sem_alloc : memref<!tpu.dma_semaphore, #tpu.memory_space<semaphore_mem>>
      %dma_start3A = arith.constant 0 : i32
      %dma_start3A_77 = tpu.memref_slice %arg18[%add3A_58, %dma_start3A] : memref<10240x128xf32, #tpu.memory_space<vmem_shared>> -> memref<80x128xf32, #tpu.memory_space<vmem_shared>>
      %dma_start3A_78 = arith.constant 0 : i32
      %dma_start3A_79 = tpu.memref_slice %arg18[%add3A_58, %dma_start3A_78] : memref<10240x128xf32, #tpu.memory_space<vmem_shared>> -> memref<80x128xf32, #tpu.memory_space<vmem_shared>>
      tpu.enqueue_dma source(%dma_start3A_79 : memref<80x128xf32, #tpu.memory_space<vmem_shared>>) target(%arg17 : memref<80x128xf32, #tpu.memory_space<vmem>>) target_semaphore(%run_scoped3A : memref<!tpu.dma_semaphore, #tpu.memory_space<semaphore_mem>>)
      %dma_wait3A_80 = arith.constant 0 : i32
      %dma_wait3A_81 = tpu.memref_slice %arg18[%add3A_58, %dma_wait3A_80] : memref<10240x128xf32, #tpu.memory_space<vmem_shared>> -> memref<80x128xf32, #tpu.memory_space<vmem_shared>>
      %dma_wait3A_82 = arith.constant 0 : i32
      %dma_wait3A_83 = tpu.memref_slice %arg18[%add3A_58, %dma_wait3A_82] : memref<10240x128xf32, #tpu.memory_space<vmem_shared>> -> memref<80x128xf32, #tpu.memory_space<vmem_shared>>
      tpu.wait_dma2 semaphore(%run_scoped3A : memref<!tpu.dma_semaphore, #tpu.memory_space<semaphore_mem>>) src(%dma_wait3A_83 : memref<80x128xf32, #tpu.memory_space<vmem_shared>>) dst(%arg17 : memref<80x128xf32, #tpu.memory_space<vmem>>)
      tpu.yield
    }) : () -> ()
    %add3A_59 = arith.constant 240 : i32
    %add3A_60 = arith.addi %mul3A_4, %add3A_59 : i32
    "tpu.region"() ({
      %run_scoped3A = tpu.sem_alloc : memref<!tpu.dma_semaphore, #tpu.memory_space<semaphore_mem>>
      %dma_start3A = arith.constant 0 : i32
      %dma_start3A_77 = tpu.memref_slice %arg6[%arg0, %add3A_60, %dma_start3A] : memref<2x10240x128xf32, #tpu.memory_space<hbm>> -> memref<1x80x128xf32, #tpu.memory_space<hbm>>
      %dma_start3A_78 = tpu.memref_squeeze %dma_start3A_77 : memref<1x80x128xf32, #tpu.memory_space<hbm>> -> memref<80x128xf32, #tpu.memory_space<hbm>>
      %dma_start3A_79 = arith.constant 0 : i32
      %dma_start3A_80 = tpu.memref_slice %arg6[%arg0, %add3A_60, %dma_start3A_79] : memref<2x10240x128xf32, #tpu.memory_space<hbm>> -> memref<1x80x128xf32, #tpu.memory_space<hbm>>
      %dma_start3A_81 = tpu.memref_squeeze %dma_start3A_80 : memref<1x80x128xf32, #tpu.memory_space<hbm>> -> memref<80x128xf32, #tpu.memory_space<hbm>>
      tpu.enqueue_dma source(%arg17 : memref<80x128xf32, #tpu.memory_space<vmem>>) target(%dma_start3A_81 : memref<80x128xf32, #tpu.memory_space<hbm>>) target_semaphore(%run_scoped3A : memref<!tpu.dma_semaphore, #tpu.memory_space<semaphore_mem>>)
      %dma_wait3A_82 = arith.constant 0 : i32
      %dma_wait3A_83 = tpu.memref_slice %arg6[%arg0, %add3A_60, %dma_wait3A_82] : memref<2x10240x128xf32, #tpu.memory_space<hbm>> -> memref<1x80x128xf32, #tpu.memory_space<hbm>>
      %dma_wait3A_84 = tpu.memref_squeeze %dma_wait3A_83 : memref<1x80x128xf32, #tpu.memory_space<hbm>> -> memref<80x128xf32, #tpu.memory_space<hbm>>
      %dma_wait3A_85 = arith.constant 0 : i32
      %dma_wait3A_86 = tpu.memref_slice %arg6[%arg0, %add3A_60, %dma_wait3A_85] : memref<2x10240x128xf32, #tpu.memory_space<hbm>> -> memref<1x80x128xf32, #tpu.memory_space<hbm>>
      %dma_wait3A_87 = tpu.memref_squeeze %dma_wait3A_86 : memref<1x80x128xf32, #tpu.memory_space<hbm>> -> memref<80x128xf32, #tpu.memory_space<hbm>>
      tpu.wait_dma2 semaphore(%run_scoped3A : memref<!tpu.dma_semaphore, #tpu.memory_space<semaphore_mem>>) src(%arg17 : memref<80x128xf32, #tpu.memory_space<vmem>>) dst(%dma_wait3A_87 : memref<80x128xf32, #tpu.memory_space<hbm>>)
      tpu.yield
    }) : () -> ()
    %add3A_61 = arith.constant 320 : i32
    %add3A_62 = arith.addi %mul3A_4, %add3A_61 : i32
    "tpu.region"() ({
      %run_scoped3A = tpu.sem_alloc : memref<!tpu.dma_semaphore, #tpu.memory_space<semaphore_mem>>
      %dma_start3A = arith.constant 0 : i32
      %dma_start3A_77 = tpu.memref_slice %arg18[%add3A_62, %dma_start3A] : memref<10240x128xf32, #tpu.memory_space<vmem_shared>> -> memref<80x128xf32, #tpu.memory_space<vmem_shared>>
      %dma_start3A_78 = arith.constant 0 : i32
      %dma_start3A_79 = tpu.memref_slice %arg18[%add3A_62, %dma_start3A_78] : memref<10240x128xf32, #tpu.memory_space<vmem_shared>> -> memref<80x128xf32, #tpu.memory_space<vmem_shared>>
      tpu.enqueue_dma source(%dma_start3A_79 : memref<80x128xf32, #tpu.memory_space<vmem_shared>>) target(%arg17 : memref<80x128xf32, #tpu.memory_space<vmem>>) target_semaphore(%run_scoped3A : memref<!tpu.dma_semaphore, #tpu.memory_space<semaphore_mem>>)
      %dma_wait3A_80 = arith.constant 0 : i32
      %dma_wait3A_81 = tpu.memref_slice %arg18[%add3A_62, %dma_wait3A_80] : memref<10240x128xf32, #tpu.memory_space<vmem_shared>> -> memref<80x128xf32, #tpu.memory_space<vmem_shared>>
      %dma_wait3A_82 = arith.constant 0 : i32
      %dma_wait3A_83 = tpu.memref_slice %arg18[%add3A_62, %dma_wait3A_82] : memref<10240x128xf32, #tpu.memory_space<vmem_shared>> -> memref<80x128xf32, #tpu.memory_space<vmem_shared>>
      tpu.wait_dma2 semaphore(%run_scoped3A : memref<!tpu.dma_semaphore, #tpu.memory_space<semaphore_mem>>) src(%dma_wait3A_83 : memref<80x128xf32, #tpu.memory_space<vmem_shared>>) dst(%arg17 : memref<80x128xf32, #tpu.memory_space<vmem>>)
      tpu.yield
    }) : () -> ()
    %add3A_63 = arith.constant 320 : i32
    %add3A_64 = arith.addi %mul3A_4, %add3A_63 : i32
    "tpu.region"() ({
      %run_scoped3A = tpu.sem_alloc : memref<!tpu.dma_semaphore, #tpu.memory_space<semaphore_mem>>
      %dma_start3A = arith.constant 0 : i32
      %dma_start3A_77 = tpu.memref_slice %arg6[%arg0, %add3A_64, %dma_start3A] : memref<2x10240x128xf32, #tpu.memory_space<hbm>> -> memref<1x80x128xf32, #tpu.memory_space<hbm>>
      %dma_start3A_78 = tpu.memref_squeeze %dma_start3A_77 : memref<1x80x128xf32, #tpu.memory_space<hbm>> -> memref<80x128xf32, #tpu.memory_space<hbm>>
      %dma_start3A_79 = arith.constant 0 : i32
      %dma_start3A_80 = tpu.memref_slice %arg6[%arg0, %add3A_64, %dma_start3A_79] : memref<2x10240x128xf32, #tpu.memory_space<hbm>> -> memref<1x80x128xf32, #tpu.memory_space<hbm>>
      %dma_start3A_81 = tpu.memref_squeeze %dma_start3A_80 : memref<1x80x128xf32, #tpu.memory_space<hbm>> -> memref<80x128xf32, #tpu.memory_space<hbm>>
      tpu.enqueue_dma source(%arg17 : memref<80x128xf32, #tpu.memory_space<vmem>>) target(%dma_start3A_81 : memref<80x128xf32, #tpu.memory_space<hbm>>) target_semaphore(%run_scoped3A : memref<!tpu.dma_semaphore, #tpu.memory_space<semaphore_mem>>)
      %dma_wait3A_82 = arith.constant 0 : i32
      %dma_wait3A_83 = tpu.memref_slice %arg6[%arg0, %add3A_64, %dma_wait3A_82] : memref<2x10240x128xf32, #tpu.memory_space<hbm>> -> memref<1x80x128xf32, #tpu.memory_space<hbm>>
      %dma_wait3A_84 = tpu.memref_squeeze %dma_wait3A_83 : memref<1x80x128xf32, #tpu.memory_space<hbm>> -> memref<80x128xf32, #tpu.memory_space<hbm>>
      %dma_wait3A_85 = arith.constant 0 : i32
      %dma_wait3A_86 = tpu.memref_slice %arg6[%arg0, %add3A_64, %dma_wait3A_85] : memref<2x10240x128xf32, #tpu.memory_space<hbm>> -> memref<1x80x128xf32, #tpu.memory_space<hbm>>
      %dma_wait3A_87 = tpu.memref_squeeze %dma_wait3A_86 : memref<1x80x128xf32, #tpu.memory_space<hbm>> -> memref<80x128xf32, #tpu.memory_space<hbm>>
      tpu.wait_dma2 semaphore(%run_scoped3A : memref<!tpu.dma_semaphore, #tpu.memory_space<semaphore_mem>>) src(%arg17 : memref<80x128xf32, #tpu.memory_space<vmem>>) dst(%dma_wait3A_87 : memref<80x128xf32, #tpu.memory_space<hbm>>)
      tpu.yield
    }) : () -> ()
    %add3A_65 = arith.constant 400 : i32
    %add3A_66 = arith.addi %mul3A_4, %add3A_65 : i32
    "tpu.region"() ({
      %run_scoped3A = tpu.sem_alloc : memref<!tpu.dma_semaphore, #tpu.memory_space<semaphore_mem>>
      %dma_start3A = arith.constant 0 : i32
      %dma_start3A_77 = tpu.memref_slice %arg18[%add3A_66, %dma_start3A] : memref<10240x128xf32, #tpu.memory_space<vmem_shared>> -> memref<80x128xf32, #tpu.memory_space<vmem_shared>>
      %dma_start3A_78 = arith.constant 0 : i32
      %dma_start3A_79 = tpu.memref_slice %arg18[%add3A_66, %dma_start3A_78] : memref<10240x128xf32, #tpu.memory_space<vmem_shared>> -> memref<80x128xf32, #tpu.memory_space<vmem_shared>>
      tpu.enqueue_dma source(%dma_start3A_79 : memref<80x128xf32, #tpu.memory_space<vmem_shared>>) target(%arg17 : memref<80x128xf32, #tpu.memory_space<vmem>>) target_semaphore(%run_scoped3A : memref<!tpu.dma_semaphore, #tpu.memory_space<semaphore_mem>>)
      %dma_wait3A_80 = arith.constant 0 : i32
      %dma_wait3A_81 = tpu.memref_slice %arg18[%add3A_66, %dma_wait3A_80] : memref<10240x128xf32, #tpu.memory_space<vmem_shared>> -> memref<80x128xf32, #tpu.memory_space<vmem_shared>>
      %dma_wait3A_82 = arith.constant 0 : i32
      %dma_wait3A_83 = tpu.memref_slice %arg18[%add3A_66, %dma_wait3A_82] : memref<10240x128xf32, #tpu.memory_space<vmem_shared>> -> memref<80x128xf32, #tpu.memory_space<vmem_shared>>
      tpu.wait_dma2 semaphore(%run_scoped3A : memref<!tpu.dma_semaphore, #tpu.memory_space<semaphore_mem>>) src(%dma_wait3A_83 : memref<80x128xf32, #tpu.memory_space<vmem_shared>>) dst(%arg17 : memref<80x128xf32, #tpu.memory_space<vmem>>)
      tpu.yield
    }) : () -> ()
    %add3A_67 = arith.constant 400 : i32
    %add3A_68 = arith.addi %mul3A_4, %add3A_67 : i32
    "tpu.region"() ({
      %run_scoped3A = tpu.sem_alloc : memref<!tpu.dma_semaphore, #tpu.memory_space<semaphore_mem>>
      %dma_start3A = arith.constant 0 : i32
      %dma_start3A_77 = tpu.memref_slice %arg6[%arg0, %add3A_68, %dma_start3A] : memref<2x10240x128xf32, #tpu.memory_space<hbm>> -> memref<1x80x128xf32, #tpu.memory_space<hbm>>
      %dma_start3A_78 = tpu.memref_squeeze %dma_start3A_77 : memref<1x80x128xf32, #tpu.memory_space<hbm>> -> memref<80x128xf32, #tpu.memory_space<hbm>>
      %dma_start3A_79 = arith.constant 0 : i32
      %dma_start3A_80 = tpu.memref_slice %arg6[%arg0, %add3A_68, %dma_start3A_79] : memref<2x10240x128xf32, #tpu.memory_space<hbm>> -> memref<1x80x128xf32, #tpu.memory_space<hbm>>
      %dma_start3A_81 = tpu.memref_squeeze %dma_start3A_80 : memref<1x80x128xf32, #tpu.memory_space<hbm>> -> memref<80x128xf32, #tpu.memory_space<hbm>>
      tpu.enqueue_dma source(%arg17 : memref<80x128xf32, #tpu.memory_space<vmem>>) target(%dma_start3A_81 : memref<80x128xf32, #tpu.memory_space<hbm>>) target_semaphore(%run_scoped3A : memref<!tpu.dma_semaphore, #tpu.memory_space<semaphore_mem>>)
      %dma_wait3A_82 = arith.constant 0 : i32
      %dma_wait3A_83 = tpu.memref_slice %arg6[%arg0, %add3A_68, %dma_wait3A_82] : memref<2x10240x128xf32, #tpu.memory_space<hbm>> -> memref<1x80x128xf32, #tpu.memory_space<hbm>>
      %dma_wait3A_84 = tpu.memref_squeeze %dma_wait3A_83 : memref<1x80x128xf32, #tpu.memory_space<hbm>> -> memref<80x128xf32, #tpu.memory_space<hbm>>
      %dma_wait3A_85 = arith.constant 0 : i32
      %dma_wait3A_86 = tpu.memref_slice %arg6[%arg0, %add3A_68, %dma_wait3A_85] : memref<2x10240x128xf32, #tpu.memory_space<hbm>> -> memref<1x80x128xf32, #tpu.memory_space<hbm>>
      %dma_wait3A_87 = tpu.memref_squeeze %dma_wait3A_86 : memref<1x80x128xf32, #tpu.memory_space<hbm>> -> memref<80x128xf32, #tpu.memory_space<hbm>>
      tpu.wait_dma2 semaphore(%run_scoped3A : memref<!tpu.dma_semaphore, #tpu.memory_space<semaphore_mem>>) src(%arg17 : memref<80x128xf32, #tpu.memory_space<vmem>>) dst(%dma_wait3A_87 : memref<80x128xf32, #tpu.memory_space<hbm>>)
      tpu.yield
    }) : () -> ()
    %add3A_69 = arith.constant 480 : i32
    %add3A_70 = arith.addi %mul3A_4, %add3A_69 : i32
    "tpu.region"() ({
      %run_scoped3A = tpu.sem_alloc : memref<!tpu.dma_semaphore, #tpu.memory_space<semaphore_mem>>
      %dma_start3A = arith.constant 0 : i32
      %dma_start3A_77 = tpu.memref_slice %arg18[%add3A_70, %dma_start3A] : memref<10240x128xf32, #tpu.memory_space<vmem_shared>> -> memref<80x128xf32, #tpu.memory_space<vmem_shared>>
      %dma_start3A_78 = arith.constant 0 : i32
      %dma_start3A_79 = tpu.memref_slice %arg18[%add3A_70, %dma_start3A_78] : memref<10240x128xf32, #tpu.memory_space<vmem_shared>> -> memref<80x128xf32, #tpu.memory_space<vmem_shared>>
      tpu.enqueue_dma source(%dma_start3A_79 : memref<80x128xf32, #tpu.memory_space<vmem_shared>>) target(%arg17 : memref<80x128xf32, #tpu.memory_space<vmem>>) target_semaphore(%run_scoped3A : memref<!tpu.dma_semaphore, #tpu.memory_space<semaphore_mem>>)
      %dma_wait3A_80 = arith.constant 0 : i32
      %dma_wait3A_81 = tpu.memref_slice %arg18[%add3A_70, %dma_wait3A_80] : memref<10240x128xf32, #tpu.memory_space<vmem_shared>> -> memref<80x128xf32, #tpu.memory_space<vmem_shared>>
      %dma_wait3A_82 = arith.constant 0 : i32
      %dma_wait3A_83 = tpu.memref_slice %arg18[%add3A_70, %dma_wait3A_82] : memref<10240x128xf32, #tpu.memory_space<vmem_shared>> -> memref<80x128xf32, #tpu.memory_space<vmem_shared>>
      tpu.wait_dma2 semaphore(%run_scoped3A : memref<!tpu.dma_semaphore, #tpu.memory_space<semaphore_mem>>) src(%dma_wait3A_83 : memref<80x128xf32, #tpu.memory_space<vmem_shared>>) dst(%arg17 : memref<80x128xf32, #tpu.memory_space<vmem>>)
      tpu.yield
    }) : () -> ()
    %add3A_71 = arith.constant 480 : i32
    %add3A_72 = arith.addi %mul3A_4, %add3A_71 : i32
    "tpu.region"() ({
      %run_scoped3A = tpu.sem_alloc : memref<!tpu.dma_semaphore, #tpu.memory_space<semaphore_mem>>
      %dma_start3A = arith.constant 0 : i32
      %dma_start3A_77 = tpu.memref_slice %arg6[%arg0, %add3A_72, %dma_start3A] : memref<2x10240x128xf32, #tpu.memory_space<hbm>> -> memref<1x80x128xf32, #tpu.memory_space<hbm>>
      %dma_start3A_78 = tpu.memref_squeeze %dma_start3A_77 : memref<1x80x128xf32, #tpu.memory_space<hbm>> -> memref<80x128xf32, #tpu.memory_space<hbm>>
      %dma_start3A_79 = arith.constant 0 : i32
      %dma_start3A_80 = tpu.memref_slice %arg6[%arg0, %add3A_72, %dma_start3A_79] : memref<2x10240x128xf32, #tpu.memory_space<hbm>> -> memref<1x80x128xf32, #tpu.memory_space<hbm>>
      %dma_start3A_81 = tpu.memref_squeeze %dma_start3A_80 : memref<1x80x128xf32, #tpu.memory_space<hbm>> -> memref<80x128xf32, #tpu.memory_space<hbm>>
      tpu.enqueue_dma source(%arg17 : memref<80x128xf32, #tpu.memory_space<vmem>>) target(%dma_start3A_81 : memref<80x128xf32, #tpu.memory_space<hbm>>) target_semaphore(%run_scoped3A : memref<!tpu.dma_semaphore, #tpu.memory_space<semaphore_mem>>)
      %dma_wait3A_82 = arith.constant 0 : i32
      %dma_wait3A_83 = tpu.memref_slice %arg6[%arg0, %add3A_72, %dma_wait3A_82] : memref<2x10240x128xf32, #tpu.memory_space<hbm>> -> memref<1x80x128xf32, #tpu.memory_space<hbm>>
      %dma_wait3A_84 = tpu.memref_squeeze %dma_wait3A_83 : memref<1x80x128xf32, #tpu.memory_space<hbm>> -> memref<80x128xf32, #tpu.memory_space<hbm>>
      %dma_wait3A_85 = arith.constant 0 : i32
      %dma_wait3A_86 = tpu.memref_slice %arg6[%arg0, %add3A_72, %dma_wait3A_85] : memref<2x10240x128xf32, #tpu.memory_space<hbm>> -> memref<1x80x128xf32, #tpu.memory_space<hbm>>
      %dma_wait3A_87 = tpu.memref_squeeze %dma_wait3A_86 : memref<1x80x128xf32, #tpu.memory_space<hbm>> -> memref<80x128xf32, #tpu.memory_space<hbm>>
      tpu.wait_dma2 semaphore(%run_scoped3A : memref<!tpu.dma_semaphore, #tpu.memory_space<semaphore_mem>>) src(%arg17 : memref<80x128xf32, #tpu.memory_space<vmem>>) dst(%dma_wait3A_87 : memref<80x128xf32, #tpu.memory_space<hbm>>)
      tpu.yield
    }) : () -> ()
    %add3A_73 = arith.constant 560 : i32
    %add3A_74 = arith.addi %mul3A_4, %add3A_73 : i32
    "tpu.region"() ({
      %run_scoped3A = tpu.sem_alloc : memref<!tpu.dma_semaphore, #tpu.memory_space<semaphore_mem>>
      %dma_start3A = arith.constant 0 : i32
      %dma_start3A_77 = tpu.memref_slice %arg18[%add3A_74, %dma_start3A] : memref<10240x128xf32, #tpu.memory_space<vmem_shared>> -> memref<80x128xf32, #tpu.memory_space<vmem_shared>>
      %dma_start3A_78 = arith.constant 0 : i32
      %dma_start3A_79 = tpu.memref_slice %arg18[%add3A_74, %dma_start3A_78] : memref<10240x128xf32, #tpu.memory_space<vmem_shared>> -> memref<80x128xf32, #tpu.memory_space<vmem_shared>>
      tpu.enqueue_dma source(%dma_start3A_79 : memref<80x128xf32, #tpu.memory_space<vmem_shared>>) target(%arg17 : memref<80x128xf32, #tpu.memory_space<vmem>>) target_semaphore(%run_scoped3A : memref<!tpu.dma_semaphore, #tpu.memory_space<semaphore_mem>>)
      %dma_wait3A_80 = arith.constant 0 : i32
      %dma_wait3A_81 = tpu.memref_slice %arg18[%add3A_74, %dma_wait3A_80] : memref<10240x128xf32, #tpu.memory_space<vmem_shared>> -> memref<80x128xf32, #tpu.memory_space<vmem_shared>>
      %dma_wait3A_82 = arith.constant 0 : i32
      %dma_wait3A_83 = tpu.memref_slice %arg18[%add3A_74, %dma_wait3A_82] : memref<10240x128xf32, #tpu.memory_space<vmem_shared>> -> memref<80x128xf32, #tpu.memory_space<vmem_shared>>
      tpu.wait_dma2 semaphore(%run_scoped3A : memref<!tpu.dma_semaphore, #tpu.memory_space<semaphore_mem>>) src(%dma_wait3A_83 : memref<80x128xf32, #tpu.memory_space<vmem_shared>>) dst(%arg17 : memref<80x128xf32, #tpu.memory_space<vmem>>)
      tpu.yield
    }) : () -> ()
    %add3A_75 = arith.constant 560 : i32
    %add3A_76 = arith.addi %mul3A_4, %add3A_75 : i32
    "tpu.region"() ({
      %run_scoped3A = tpu.sem_alloc : memref<!tpu.dma_semaphore, #tpu.memory_space<semaphore_mem>>
      %dma_start3A = arith.constant 0 : i32
      %dma_start3A_77 = tpu.memref_slice %arg6[%arg0, %add3A_76, %dma_start3A] : memref<2x10240x128xf32, #tpu.memory_space<hbm>> -> memref<1x80x128xf32, #tpu.memory_space<hbm>>
      %dma_start3A_78 = tpu.memref_squeeze %dma_start3A_77 : memref<1x80x128xf32, #tpu.memory_space<hbm>> -> memref<80x128xf32, #tpu.memory_space<hbm>>
      %dma_start3A_79 = arith.constant 0 : i32
      %dma_start3A_80 = tpu.memref_slice %arg6[%arg0, %add3A_76, %dma_start3A_79] : memref<2x10240x128xf32, #tpu.memory_space<hbm>> -> memref<1x80x128xf32, #tpu.memory_space<hbm>>
      %dma_start3A_81 = tpu.memref_squeeze %dma_start3A_80 : memref<1x80x128xf32, #tpu.memory_space<hbm>> -> memref<80x128xf32, #tpu.memory_space<hbm>>
      tpu.enqueue_dma source(%arg17 : memref<80x128xf32, #tpu.memory_space<vmem>>) target(%dma_start3A_81 : memref<80x128xf32, #tpu.memory_space<hbm>>) target_semaphore(%run_scoped3A : memref<!tpu.dma_semaphore, #tpu.memory_space<semaphore_mem>>)
      %dma_wait3A_82 = arith.constant 0 : i32
      %dma_wait3A_83 = tpu.memref_slice %arg6[%arg0, %add3A_76, %dma_wait3A_82] : memref<2x10240x128xf32, #tpu.memory_space<hbm>> -> memref<1x80x128xf32, #tpu.memory_space<hbm>>
      %dma_wait3A_84 = tpu.memref_squeeze %dma_wait3A_83 : memref<1x80x128xf32, #tpu.memory_space<hbm>> -> memref<80x128xf32, #tpu.memory_space<hbm>>
      %dma_wait3A_85 = arith.constant 0 : i32
      %dma_wait3A_86 = tpu.memref_slice %arg6[%arg0, %add3A_76, %dma_wait3A_85] : memref<2x10240x128xf32, #tpu.memory_space<hbm>> -> memref<1x80x128xf32, #tpu.memory_space<hbm>>
      %dma_wait3A_87 = tpu.memref_squeeze %dma_wait3A_86 : memref<1x80x128xf32, #tpu.memory_space<hbm>> -> memref<80x128xf32, #tpu.memory_space<hbm>>
      tpu.wait_dma2 semaphore(%run_scoped3A : memref<!tpu.dma_semaphore, #tpu.memory_space<semaphore_mem>>) src(%arg17 : memref<80x128xf32, #tpu.memory_space<vmem>>) dst(%dma_wait3A_87 : memref<80x128xf32, #tpu.memory_space<hbm>>)
      tpu.yield
    }) : () -> ()
    return
  }
}

#map = affine_map<(d0, d1) -> (0)>
#map1 = affine_map<(d0, d1) -> (0, 0)>
#map2 = affine_map<(d0, d1) -> (0, 0, 0)>
module attributes {stable_mosaic.version = 14 : i64} {
  func.func @k(%arg0: i32, %arg1: i32, %arg2: memref<327680xi32, #tpu.memory_space<hbm>>, %arg3: memref<327680xi32, #tpu.memory_space<hbm>>, %arg4: memref<10000x128xf32, #tpu.memory_space<hbm>>, %arg5: memref<10240x128xf32, #tpu.memory_space<hbm>>, %arg6: memref<2x10240x128xf32, #tpu.memory_space<hbm>>, %arg7: memref<128xi32, #tpu.memory_space<vmem>>, %arg8: memref<128xi32, #tpu.memory_space<vmem>>, %arg9: memref<128xi32, #tpu.memory_space<vmem>>, %arg10: memref<128xi32, #tpu.memory_space<vmem>>, %arg11: memref<128xi32, #tpu.memory_space<vmem>>, %arg12: memref<128xi32, #tpu.memory_space<vmem>>, %arg13: memref<128xi32, #tpu.memory_space<vmem>>, %arg14: memref<128xi32, #tpu.memory_space<vmem>>, %arg15: memref<128x128xf32, #tpu.memory_space<vmem>>, %arg16: memref<128x128xf32, #tpu.memory_space<vmem>>, %arg17: memref<80x128xf32, #tpu.memory_space<vmem>>, %arg18: memref<10240x128xf32, #tpu.memory_space<vmem_shared>>, %arg19: memref<!tpu.dma_semaphore, #tpu.memory_space<semaphore_mem>>, %arg20: memref<!tpu.dma_semaphore, #tpu.memory_space<semaphore_mem>>, %arg21: memref<!tpu.dma_semaphore, #tpu.memory_space<semaphore_mem>>, %arg22: memref<!tpu.dma_semaphore, #tpu.memory_space<semaphore_mem>>, %arg23: memref<!tpu.dma_semaphore, #tpu.memory_space<semaphore_mem>>, %arg24: memref<!tpu.dma_semaphore, #tpu.memory_space<semaphore_mem>>, %arg25: memref<!tpu.dma_semaphore, #tpu.memory_space<semaphore_mem>>, %arg26: memref<!tpu.dma_semaphore, #tpu.memory_space<semaphore_mem>>) attributes {dimension_semantics = [#tpu.dimension_semantics<core_parallel>, #tpu.dimension_semantics<subcore_parallel>], iteration_bounds = array<i64: 2, 16>, scalar_prefetch = 0 : i64, scratch_operands = 20 : i64, tpu.core_type = #tpu.core_type<sc_vector_subcore>, window_params = [{transform_indices = #map}, {transform_indices = #map}, {transform_indices = #map1}, {transform_indices = #map1}, {transform_indices = #map2}]} {
    %mul3A = arith.constant 2 : i32
    %mul3A_0 = arith.muli %arg1, %mul3A : i32
    %add3A = arith.addi %mul3A_0, %arg0 : i32
    %mul3A_1 = arith.constant 10240 : i32
    %mul3A_2 = arith.muli %add3A, %mul3A_1 : i32
    %mul3A_3 = arith.constant 640 : i32
    %mul3A_4 = arith.muli %arg1, %mul3A_3 : i32
    %add3A_5 = arith.constant 0 : i32
    %add3A_6 = arith.addi %mul3A_4, %add3A_5 : i32
    "tpu.region"() ({
      %run_scoped3A = tpu.sem_alloc : memref<!tpu.dma_semaphore, #tpu.memory_space<semaphore_mem>>
      %dma_start3A = arith.constant 0 : i32
      %dma_start3A_77 = tpu.memref_slice %arg5[%add3A_6, %dma_start3A] : memref<10240x128xf32, #tpu.memory_space<hbm>> -> memref<80x128xf32, #tpu.memory_space<hbm>>
      %dma_start3A_78 = arith.constant 0 : i32
      %dma_start3A_79 = tpu.memref_slice %arg5[%add3A_6, %dma_start3A_78] : memref<10240x128xf32, #tpu.memory_space<hbm>> -> memref<80x128xf32, #tpu.memory_space<hbm>>
      tpu.enqueue_dma source(%dma_start3A_79 : memref<80x128xf32, #tpu.memory_space<hbm>>) target(%arg17 : memref<80x128xf32, #tpu.memory_space<vmem>>) target_semaphore(%run_scoped3A : memref<!tpu.dma_semaphore, #tpu.memory_space<semaphore_mem>>)
      %dma_wait3A_80 = arith.constant 0 : i32
      %dma_wait3A_81 = tpu.memref_slice %arg5[%add3A_6, %dma_wait3A_80] : memref<10240x128xf32, #tpu.memory_space<hbm>> -> memref<80x128xf32, #tpu.memory_space<hbm>>
      %dma_wait3A_82 = arith.constant 0 : i32
      %dma_wait3A_83 = tpu.memref_slice %arg5[%add3A_6, %dma_wait3A_82] : memref<10240x128xf32, #tpu.memory_space<hbm>> -> memref<80x128xf32, #tpu.memory_space<hbm>>
      tpu.wait_dma2 semaphore(%run_scoped3A : memref<!tpu.dma_semaphore, #tpu.memory_space<semaphore_mem>>) src(%dma_wait3A_83 : memref<80x128xf32, #tpu.memory_space<hbm>>) dst(%arg17 : memref<80x128xf32, #tpu.memory_space<vmem>>)
      tpu.yield
    }) : () -> ()
    %add3A_7 = arith.constant 0 : i32
    %add3A_8 = arith.addi %mul3A_4, %add3A_7 : i32
    "tpu.region"() ({
      %run_scoped3A = tpu.sem_alloc : memref<!tpu.dma_semaphore, #tpu.memory_space<semaphore_mem>>
      %dma_start3A = arith.constant 0 : i32
      %dma_start3A_77 = tpu.memref_slice %arg18[%add3A_8, %dma_start3A] : memref<10240x128xf32, #tpu.memory_space<vmem_shared>> -> memref<80x128xf32, #tpu.memory_space<vmem_shared>>
      %dma_start3A_78 = arith.constant 0 : i32
      %dma_start3A_79 = tpu.memref_slice %arg18[%add3A_8, %dma_start3A_78] : memref<10240x128xf32, #tpu.memory_space<vmem_shared>> -> memref<80x128xf32, #tpu.memory_space<vmem_shared>>
      tpu.enqueue_dma source(%arg17 : memref<80x128xf32, #tpu.memory_space<vmem>>) target(%dma_start3A_79 : memref<80x128xf32, #tpu.memory_space<vmem_shared>>) target_semaphore(%run_scoped3A : memref<!tpu.dma_semaphore, #tpu.memory_space<semaphore_mem>>)
      %dma_wait3A_80 = arith.constant 0 : i32
      %dma_wait3A_81 = tpu.memref_slice %arg18[%add3A_8, %dma_wait3A_80] : memref<10240x128xf32, #tpu.memory_space<vmem_shared>> -> memref<80x128xf32, #tpu.memory_space<vmem_shared>>
      %dma_wait3A_82 = arith.constant 0 : i32
      %dma_wait3A_83 = tpu.memref_slice %arg18[%add3A_8, %dma_wait3A_82] : memref<10240x128xf32, #tpu.memory_space<vmem_shared>> -> memref<80x128xf32, #tpu.memory_space<vmem_shared>>
      tpu.wait_dma2 semaphore(%run_scoped3A : memref<!tpu.dma_semaphore, #tpu.memory_space<semaphore_mem>>) src(%arg17 : memref<80x128xf32, #tpu.memory_space<vmem>>) dst(%dma_wait3A_83 : memref<80x128xf32, #tpu.memory_space<vmem_shared>>)
      tpu.yield
    }) : () -> ()
    %add3A_9 = arith.constant 80 : i32
    %add3A_10 = arith.addi %mul3A_4, %add3A_9 : i32
    "tpu.region"() ({
      %run_scoped3A = tpu.sem_alloc : memref<!tpu.dma_semaphore, #tpu.memory_space<semaphore_mem>>
      %dma_start3A = arith.constant 0 : i32
      %dma_start3A_77 = tpu.memref_slice %arg5[%add3A_10, %dma_start3A] : memref<10240x128xf32, #tpu.memory_space<hbm>> -> memref<80x128xf32, #tpu.memory_space<hbm>>
      %dma_start3A_78 = arith.constant 0 : i32
      %dma_start3A_79 = tpu.memref_slice %arg5[%add3A_10, %dma_start3A_78] : memref<10240x128xf32, #tpu.memory_space<hbm>> -> memref<80x128xf32, #tpu.memory_space<hbm>>
      tpu.enqueue_dma source(%dma_start3A_79 : memref<80x128xf32, #tpu.memory_space<hbm>>) target(%arg17 : memref<80x128xf32, #tpu.memory_space<vmem>>) target_semaphore(%run_scoped3A : memref<!tpu.dma_semaphore, #tpu.memory_space<semaphore_mem>>)
      %dma_wait3A_80 = arith.constant 0 : i32
      %dma_wait3A_81 = tpu.memref_slice %arg5[%add3A_10, %dma_wait3A_80] : memref<10240x128xf32, #tpu.memory_space<hbm>> -> memref<80x128xf32, #tpu.memory_space<hbm>>
      %dma_wait3A_82 = arith.constant 0 : i32
      %dma_wait3A_83 = tpu.memref_slice %arg5[%add3A_10, %dma_wait3A_82] : memref<10240x128xf32, #tpu.memory_space<hbm>> -> memref<80x128xf32, #tpu.memory_space<hbm>>
      tpu.wait_dma2 semaphore(%run_scoped3A : memref<!tpu.dma_semaphore, #tpu.memory_space<semaphore_mem>>) src(%dma_wait3A_83 : memref<80x128xf32, #tpu.memory_space<hbm>>) dst(%arg17 : memref<80x128xf32, #tpu.memory_space<vmem>>)
      tpu.yield
    }) : () -> ()
    %add3A_11 = arith.constant 80 : i32
    %add3A_12 = arith.addi %mul3A_4, %add3A_11 : i32
    "tpu.region"() ({
      %run_scoped3A = tpu.sem_alloc : memref<!tpu.dma_semaphore, #tpu.memory_space<semaphore_mem>>
      %dma_start3A = arith.constant 0 : i32
      %dma_start3A_77 = tpu.memref_slice %arg18[%add3A_12, %dma_start3A] : memref<10240x128xf32, #tpu.memory_space<vmem_shared>> -> memref<80x128xf32, #tpu.memory_space<vmem_shared>>
      %dma_start3A_78 = arith.constant 0 : i32
      %dma_start3A_79 = tpu.memref_slice %arg18[%add3A_12, %dma_start3A_78] : memref<10240x128xf32, #tpu.memory_space<vmem_shared>> -> memref<80x128xf32, #tpu.memory_space<vmem_shared>>
      tpu.enqueue_dma source(%arg17 : memref<80x128xf32, #tpu.memory_space<vmem>>) target(%dma_start3A_79 : memref<80x128xf32, #tpu.memory_space<vmem_shared>>) target_semaphore(%run_scoped3A : memref<!tpu.dma_semaphore, #tpu.memory_space<semaphore_mem>>)
      %dma_wait3A_80 = arith.constant 0 : i32
      %dma_wait3A_81 = tpu.memref_slice %arg18[%add3A_12, %dma_wait3A_80] : memref<10240x128xf32, #tpu.memory_space<vmem_shared>> -> memref<80x128xf32, #tpu.memory_space<vmem_shared>>
      %dma_wait3A_82 = arith.constant 0 : i32
      %dma_wait3A_83 = tpu.memref_slice %arg18[%add3A_12, %dma_wait3A_82] : memref<10240x128xf32, #tpu.memory_space<vmem_shared>> -> memref<80x128xf32, #tpu.memory_space<vmem_shared>>
      tpu.wait_dma2 semaphore(%run_scoped3A : memref<!tpu.dma_semaphore, #tpu.memory_space<semaphore_mem>>) src(%arg17 : memref<80x128xf32, #tpu.memory_space<vmem>>) dst(%dma_wait3A_83 : memref<80x128xf32, #tpu.memory_space<vmem_shared>>)
      tpu.yield
    }) : () -> ()
    %add3A_13 = arith.constant 160 : i32
    %add3A_14 = arith.addi %mul3A_4, %add3A_13 : i32
    "tpu.region"() ({
      %run_scoped3A = tpu.sem_alloc : memref<!tpu.dma_semaphore, #tpu.memory_space<semaphore_mem>>
      %dma_start3A = arith.constant 0 : i32
      %dma_start3A_77 = tpu.memref_slice %arg5[%add3A_14, %dma_start3A] : memref<10240x128xf32, #tpu.memory_space<hbm>> -> memref<80x128xf32, #tpu.memory_space<hbm>>
      %dma_start3A_78 = arith.constant 0 : i32
      %dma_start3A_79 = tpu.memref_slice %arg5[%add3A_14, %dma_start3A_78] : memref<10240x128xf32, #tpu.memory_space<hbm>> -> memref<80x128xf32, #tpu.memory_space<hbm>>
      tpu.enqueue_dma source(%dma_start3A_79 : memref<80x128xf32, #tpu.memory_space<hbm>>) target(%arg17 : memref<80x128xf32, #tpu.memory_space<vmem>>) target_semaphore(%run_scoped3A : memref<!tpu.dma_semaphore, #tpu.memory_space<semaphore_mem>>)
      %dma_wait3A_80 = arith.constant 0 : i32
      %dma_wait3A_81 = tpu.memref_slice %arg5[%add3A_14, %dma_wait3A_80] : memref<10240x128xf32, #tpu.memory_space<hbm>> -> memref<80x128xf32, #tpu.memory_space<hbm>>
      %dma_wait3A_82 = arith.constant 0 : i32
      %dma_wait3A_83 = tpu.memref_slice %arg5[%add3A_14, %dma_wait3A_82] : memref<10240x128xf32, #tpu.memory_space<hbm>> -> memref<80x128xf32, #tpu.memory_space<hbm>>
      tpu.wait_dma2 semaphore(%run_scoped3A : memref<!tpu.dma_semaphore, #tpu.memory_space<semaphore_mem>>) src(%dma_wait3A_83 : memref<80x128xf32, #tpu.memory_space<hbm>>) dst(%arg17 : memref<80x128xf32, #tpu.memory_space<vmem>>)
      tpu.yield
    }) : () -> ()
    %add3A_15 = arith.constant 160 : i32
    %add3A_16 = arith.addi %mul3A_4, %add3A_15 : i32
    "tpu.region"() ({
      %run_scoped3A = tpu.sem_alloc : memref<!tpu.dma_semaphore, #tpu.memory_space<semaphore_mem>>
      %dma_start3A = arith.constant 0 : i32
      %dma_start3A_77 = tpu.memref_slice %arg18[%add3A_16, %dma_start3A] : memref<10240x128xf32, #tpu.memory_space<vmem_shared>> -> memref<80x128xf32, #tpu.memory_space<vmem_shared>>
      %dma_start3A_78 = arith.constant 0 : i32
      %dma_start3A_79 = tpu.memref_slice %arg18[%add3A_16, %dma_start3A_78] : memref<10240x128xf32, #tpu.memory_space<vmem_shared>> -> memref<80x128xf32, #tpu.memory_space<vmem_shared>>
      tpu.enqueue_dma source(%arg17 : memref<80x128xf32, #tpu.memory_space<vmem>>) target(%dma_start3A_79 : memref<80x128xf32, #tpu.memory_space<vmem_shared>>) target_semaphore(%run_scoped3A : memref<!tpu.dma_semaphore, #tpu.memory_space<semaphore_mem>>)
      %dma_wait3A_80 = arith.constant 0 : i32
      %dma_wait3A_81 = tpu.memref_slice %arg18[%add3A_16, %dma_wait3A_80] : memref<10240x128xf32, #tpu.memory_space<vmem_shared>> -> memref<80x128xf32, #tpu.memory_space<vmem_shared>>
      %dma_wait3A_82 = arith.constant 0 : i32
      %dma_wait3A_83 = tpu.memref_slice %arg18[%add3A_16, %dma_wait3A_82] : memref<10240x128xf32, #tpu.memory_space<vmem_shared>> -> memref<80x128xf32, #tpu.memory_space<vmem_shared>>
      tpu.wait_dma2 semaphore(%run_scoped3A : memref<!tpu.dma_semaphore, #tpu.memory_space<semaphore_mem>>) src(%arg17 : memref<80x128xf32, #tpu.memory_space<vmem>>) dst(%dma_wait3A_83 : memref<80x128xf32, #tpu.memory_space<vmem_shared>>)
      tpu.yield
    }) : () -> ()
    %add3A_17 = arith.constant 240 : i32
    %add3A_18 = arith.addi %mul3A_4, %add3A_17 : i32
    "tpu.region"() ({
      %run_scoped3A = tpu.sem_alloc : memref<!tpu.dma_semaphore, #tpu.memory_space<semaphore_mem>>
      %dma_start3A = arith.constant 0 : i32
      %dma_start3A_77 = tpu.memref_slice %arg5[%add3A_18, %dma_start3A] : memref<10240x128xf32, #tpu.memory_space<hbm>> -> memref<80x128xf32, #tpu.memory_space<hbm>>
      %dma_start3A_78 = arith.constant 0 : i32
      %dma_start3A_79 = tpu.memref_slice %arg5[%add3A_18, %dma_start3A_78] : memref<10240x128xf32, #tpu.memory_space<hbm>> -> memref<80x128xf32, #tpu.memory_space<hbm>>
      tpu.enqueue_dma source(%dma_start3A_79 : memref<80x128xf32, #tpu.memory_space<hbm>>) target(%arg17 : memref<80x128xf32, #tpu.memory_space<vmem>>) target_semaphore(%run_scoped3A : memref<!tpu.dma_semaphore, #tpu.memory_space<semaphore_mem>>)
      %dma_wait3A_80 = arith.constant 0 : i32
      %dma_wait3A_81 = tpu.memref_slice %arg5[%add3A_18, %dma_wait3A_80] : memref<10240x128xf32, #tpu.memory_space<hbm>> -> memref<80x128xf32, #tpu.memory_space<hbm>>
      %dma_wait3A_82 = arith.constant 0 : i32
      %dma_wait3A_83 = tpu.memref_slice %arg5[%add3A_18, %dma_wait3A_82] : memref<10240x128xf32, #tpu.memory_space<hbm>> -> memref<80x128xf32, #tpu.memory_space<hbm>>
      tpu.wait_dma2 semaphore(%run_scoped3A : memref<!tpu.dma_semaphore, #tpu.memory_space<semaphore_mem>>) src(%dma_wait3A_83 : memref<80x128xf32, #tpu.memory_space<hbm>>) dst(%arg17 : memref<80x128xf32, #tpu.memory_space<vmem>>)
      tpu.yield
    }) : () -> ()
    %add3A_19 = arith.constant 240 : i32
    %add3A_20 = arith.addi %mul3A_4, %add3A_19 : i32
    "tpu.region"() ({
      %run_scoped3A = tpu.sem_alloc : memref<!tpu.dma_semaphore, #tpu.memory_space<semaphore_mem>>
      %dma_start3A = arith.constant 0 : i32
      %dma_start3A_77 = tpu.memref_slice %arg18[%add3A_20, %dma_start3A] : memref<10240x128xf32, #tpu.memory_space<vmem_shared>> -> memref<80x128xf32, #tpu.memory_space<vmem_shared>>
      %dma_start3A_78 = arith.constant 0 : i32
      %dma_start3A_79 = tpu.memref_slice %arg18[%add3A_20, %dma_start3A_78] : memref<10240x128xf32, #tpu.memory_space<vmem_shared>> -> memref<80x128xf32, #tpu.memory_space<vmem_shared>>
      tpu.enqueue_dma source(%arg17 : memref<80x128xf32, #tpu.memory_space<vmem>>) target(%dma_start3A_79 : memref<80x128xf32, #tpu.memory_space<vmem_shared>>) target_semaphore(%run_scoped3A : memref<!tpu.dma_semaphore, #tpu.memory_space<semaphore_mem>>)
      %dma_wait3A_80 = arith.constant 0 : i32
      %dma_wait3A_81 = tpu.memref_slice %arg18[%add3A_20, %dma_wait3A_80] : memref<10240x128xf32, #tpu.memory_space<vmem_shared>> -> memref<80x128xf32, #tpu.memory_space<vmem_shared>>
      %dma_wait3A_82 = arith.constant 0 : i32
      %dma_wait3A_83 = tpu.memref_slice %arg18[%add3A_20, %dma_wait3A_82] : memref<10240x128xf32, #tpu.memory_space<vmem_shared>> -> memref<80x128xf32, #tpu.memory_space<vmem_shared>>
      tpu.wait_dma2 semaphore(%run_scoped3A : memref<!tpu.dma_semaphore, #tpu.memory_space<semaphore_mem>>) src(%arg17 : memref<80x128xf32, #tpu.memory_space<vmem>>) dst(%dma_wait3A_83 : memref<80x128xf32, #tpu.memory_space<vmem_shared>>)
      tpu.yield
    }) : () -> ()
    %add3A_21 = arith.constant 320 : i32
    %add3A_22 = arith.addi %mul3A_4, %add3A_21 : i32
    "tpu.region"() ({
      %run_scoped3A = tpu.sem_alloc : memref<!tpu.dma_semaphore, #tpu.memory_space<semaphore_mem>>
      %dma_start3A = arith.constant 0 : i32
      %dma_start3A_77 = tpu.memref_slice %arg5[%add3A_22, %dma_start3A] : memref<10240x128xf32, #tpu.memory_space<hbm>> -> memref<80x128xf32, #tpu.memory_space<hbm>>
      %dma_start3A_78 = arith.constant 0 : i32
      %dma_start3A_79 = tpu.memref_slice %arg5[%add3A_22, %dma_start3A_78] : memref<10240x128xf32, #tpu.memory_space<hbm>> -> memref<80x128xf32, #tpu.memory_space<hbm>>
      tpu.enqueue_dma source(%dma_start3A_79 : memref<80x128xf32, #tpu.memory_space<hbm>>) target(%arg17 : memref<80x128xf32, #tpu.memory_space<vmem>>) target_semaphore(%run_scoped3A : memref<!tpu.dma_semaphore, #tpu.memory_space<semaphore_mem>>)
      %dma_wait3A_80 = arith.constant 0 : i32
      %dma_wait3A_81 = tpu.memref_slice %arg5[%add3A_22, %dma_wait3A_80] : memref<10240x128xf32, #tpu.memory_space<hbm>> -> memref<80x128xf32, #tpu.memory_space<hbm>>
      %dma_wait3A_82 = arith.constant 0 : i32
      %dma_wait3A_83 = tpu.memref_slice %arg5[%add3A_22, %dma_wait3A_82] : memref<10240x128xf32, #tpu.memory_space<hbm>> -> memref<80x128xf32, #tpu.memory_space<hbm>>
      tpu.wait_dma2 semaphore(%run_scoped3A : memref<!tpu.dma_semaphore, #tpu.memory_space<semaphore_mem>>) src(%dma_wait3A_83 : memref<80x128xf32, #tpu.memory_space<hbm>>) dst(%arg17 : memref<80x128xf32, #tpu.memory_space<vmem>>)
      tpu.yield
    }) : () -> ()
    %add3A_23 = arith.constant 320 : i32
    %add3A_24 = arith.addi %mul3A_4, %add3A_23 : i32
    "tpu.region"() ({
      %run_scoped3A = tpu.sem_alloc : memref<!tpu.dma_semaphore, #tpu.memory_space<semaphore_mem>>
      %dma_start3A = arith.constant 0 : i32
      %dma_start3A_77 = tpu.memref_slice %arg18[%add3A_24, %dma_start3A] : memref<10240x128xf32, #tpu.memory_space<vmem_shared>> -> memref<80x128xf32, #tpu.memory_space<vmem_shared>>
      %dma_start3A_78 = arith.constant 0 : i32
      %dma_start3A_79 = tpu.memref_slice %arg18[%add3A_24, %dma_start3A_78] : memref<10240x128xf32, #tpu.memory_space<vmem_shared>> -> memref<80x128xf32, #tpu.memory_space<vmem_shared>>
      tpu.enqueue_dma source(%arg17 : memref<80x128xf32, #tpu.memory_space<vmem>>) target(%dma_start3A_79 : memref<80x128xf32, #tpu.memory_space<vmem_shared>>) target_semaphore(%run_scoped3A : memref<!tpu.dma_semaphore, #tpu.memory_space<semaphore_mem>>)
      %dma_wait3A_80 = arith.constant 0 : i32
      %dma_wait3A_81 = tpu.memref_slice %arg18[%add3A_24, %dma_wait3A_80] : memref<10240x128xf32, #tpu.memory_space<vmem_shared>> -> memref<80x128xf32, #tpu.memory_space<vmem_shared>>
      %dma_wait3A_82 = arith.constant 0 : i32
      %dma_wait3A_83 = tpu.memref_slice %arg18[%add3A_24, %dma_wait3A_82] : memref<10240x128xf32, #tpu.memory_space<vmem_shared>> -> memref<80x128xf32, #tpu.memory_space<vmem_shared>>
      tpu.wait_dma2 semaphore(%run_scoped3A : memref<!tpu.dma_semaphore, #tpu.memory_space<semaphore_mem>>) src(%arg17 : memref<80x128xf32, #tpu.memory_space<vmem>>) dst(%dma_wait3A_83 : memref<80x128xf32, #tpu.memory_space<vmem_shared>>)
      tpu.yield
    }) : () -> ()
    %add3A_25 = arith.constant 400 : i32
    %add3A_26 = arith.addi %mul3A_4, %add3A_25 : i32
    "tpu.region"() ({
      %run_scoped3A = tpu.sem_alloc : memref<!tpu.dma_semaphore, #tpu.memory_space<semaphore_mem>>
      %dma_start3A = arith.constant 0 : i32
      %dma_start3A_77 = tpu.memref_slice %arg5[%add3A_26, %dma_start3A] : memref<10240x128xf32, #tpu.memory_space<hbm>> -> memref<80x128xf32, #tpu.memory_space<hbm>>
      %dma_start3A_78 = arith.constant 0 : i32
      %dma_start3A_79 = tpu.memref_slice %arg5[%add3A_26, %dma_start3A_78] : memref<10240x128xf32, #tpu.memory_space<hbm>> -> memref<80x128xf32, #tpu.memory_space<hbm>>
      tpu.enqueue_dma source(%dma_start3A_79 : memref<80x128xf32, #tpu.memory_space<hbm>>) target(%arg17 : memref<80x128xf32, #tpu.memory_space<vmem>>) target_semaphore(%run_scoped3A : memref<!tpu.dma_semaphore, #tpu.memory_space<semaphore_mem>>)
      %dma_wait3A_80 = arith.constant 0 : i32
      %dma_wait3A_81 = tpu.memref_slice %arg5[%add3A_26, %dma_wait3A_80] : memref<10240x128xf32, #tpu.memory_space<hbm>> -> memref<80x128xf32, #tpu.memory_space<hbm>>
      %dma_wait3A_82 = arith.constant 0 : i32
      %dma_wait3A_83 = tpu.memref_slice %arg5[%add3A_26, %dma_wait3A_82] : memref<10240x128xf32, #tpu.memory_space<hbm>> -> memref<80x128xf32, #tpu.memory_space<hbm>>
      tpu.wait_dma2 semaphore(%run_scoped3A : memref<!tpu.dma_semaphore, #tpu.memory_space<semaphore_mem>>) src(%dma_wait3A_83 : memref<80x128xf32, #tpu.memory_space<hbm>>) dst(%arg17 : memref<80x128xf32, #tpu.memory_space<vmem>>)
      tpu.yield
    }) : () -> ()
    %add3A_27 = arith.constant 400 : i32
    %add3A_28 = arith.addi %mul3A_4, %add3A_27 : i32
    "tpu.region"() ({
      %run_scoped3A = tpu.sem_alloc : memref<!tpu.dma_semaphore, #tpu.memory_space<semaphore_mem>>
      %dma_start3A = arith.constant 0 : i32
      %dma_start3A_77 = tpu.memref_slice %arg18[%add3A_28, %dma_start3A] : memref<10240x128xf32, #tpu.memory_space<vmem_shared>> -> memref<80x128xf32, #tpu.memory_space<vmem_shared>>
      %dma_start3A_78 = arith.constant 0 : i32
      %dma_start3A_79 = tpu.memref_slice %arg18[%add3A_28, %dma_start3A_78] : memref<10240x128xf32, #tpu.memory_space<vmem_shared>> -> memref<80x128xf32, #tpu.memory_space<vmem_shared>>
      tpu.enqueue_dma source(%arg17 : memref<80x128xf32, #tpu.memory_space<vmem>>) target(%dma_start3A_79 : memref<80x128xf32, #tpu.memory_space<vmem_shared>>) target_semaphore(%run_scoped3A : memref<!tpu.dma_semaphore, #tpu.memory_space<semaphore_mem>>)
      %dma_wait3A_80 = arith.constant 0 : i32
      %dma_wait3A_81 = tpu.memref_slice %arg18[%add3A_28, %dma_wait3A_80] : memref<10240x128xf32, #tpu.memory_space<vmem_shared>> -> memref<80x128xf32, #tpu.memory_space<vmem_shared>>
      %dma_wait3A_82 = arith.constant 0 : i32
      %dma_wait3A_83 = tpu.memref_slice %arg18[%add3A_28, %dma_wait3A_82] : memref<10240x128xf32, #tpu.memory_space<vmem_shared>> -> memref<80x128xf32, #tpu.memory_space<vmem_shared>>
      tpu.wait_dma2 semaphore(%run_scoped3A : memref<!tpu.dma_semaphore, #tpu.memory_space<semaphore_mem>>) src(%arg17 : memref<80x128xf32, #tpu.memory_space<vmem>>) dst(%dma_wait3A_83 : memref<80x128xf32, #tpu.memory_space<vmem_shared>>)
      tpu.yield
    }) : () -> ()
    %add3A_29 = arith.constant 480 : i32
    %add3A_30 = arith.addi %mul3A_4, %add3A_29 : i32
    "tpu.region"() ({
      %run_scoped3A = tpu.sem_alloc : memref<!tpu.dma_semaphore, #tpu.memory_space<semaphore_mem>>
      %dma_start3A = arith.constant 0 : i32
      %dma_start3A_77 = tpu.memref_slice %arg5[%add3A_30, %dma_start3A] : memref<10240x128xf32, #tpu.memory_space<hbm>> -> memref<80x128xf32, #tpu.memory_space<hbm>>
      %dma_start3A_78 = arith.constant 0 : i32
      %dma_start3A_79 = tpu.memref_slice %arg5[%add3A_30, %dma_start3A_78] : memref<10240x128xf32, #tpu.memory_space<hbm>> -> memref<80x128xf32, #tpu.memory_space<hbm>>
      tpu.enqueue_dma source(%dma_start3A_79 : memref<80x128xf32, #tpu.memory_space<hbm>>) target(%arg17 : memref<80x128xf32, #tpu.memory_space<vmem>>) target_semaphore(%run_scoped3A : memref<!tpu.dma_semaphore, #tpu.memory_space<semaphore_mem>>)
      %dma_wait3A_80 = arith.constant 0 : i32
      %dma_wait3A_81 = tpu.memref_slice %arg5[%add3A_30, %dma_wait3A_80] : memref<10240x128xf32, #tpu.memory_space<hbm>> -> memref<80x128xf32, #tpu.memory_space<hbm>>
      %dma_wait3A_82 = arith.constant 0 : i32
      %dma_wait3A_83 = tpu.memref_slice %arg5[%add3A_30, %dma_wait3A_82] : memref<10240x128xf32, #tpu.memory_space<hbm>> -> memref<80x128xf32, #tpu.memory_space<hbm>>
      tpu.wait_dma2 semaphore(%run_scoped3A : memref<!tpu.dma_semaphore, #tpu.memory_space<semaphore_mem>>) src(%dma_wait3A_83 : memref<80x128xf32, #tpu.memory_space<hbm>>) dst(%arg17 : memref<80x128xf32, #tpu.memory_space<vmem>>)
      tpu.yield
    }) : () -> ()
    %add3A_31 = arith.constant 480 : i32
    %add3A_32 = arith.addi %mul3A_4, %add3A_31 : i32
    "tpu.region"() ({
      %run_scoped3A = tpu.sem_alloc : memref<!tpu.dma_semaphore, #tpu.memory_space<semaphore_mem>>
      %dma_start3A = arith.constant 0 : i32
      %dma_start3A_77 = tpu.memref_slice %arg18[%add3A_32, %dma_start3A] : memref<10240x128xf32, #tpu.memory_space<vmem_shared>> -> memref<80x128xf32, #tpu.memory_space<vmem_shared>>
      %dma_start3A_78 = arith.constant 0 : i32
      %dma_start3A_79 = tpu.memref_slice %arg18[%add3A_32, %dma_start3A_78] : memref<10240x128xf32, #tpu.memory_space<vmem_shared>> -> memref<80x128xf32, #tpu.memory_space<vmem_shared>>
      tpu.enqueue_dma source(%arg17 : memref<80x128xf32, #tpu.memory_space<vmem>>) target(%dma_start3A_79 : memref<80x128xf32, #tpu.memory_space<vmem_shared>>) target_semaphore(%run_scoped3A : memref<!tpu.dma_semaphore, #tpu.memory_space<semaphore_mem>>)
      %dma_wait3A_80 = arith.constant 0 : i32
      %dma_wait3A_81 = tpu.memref_slice %arg18[%add3A_32, %dma_wait3A_80] : memref<10240x128xf32, #tpu.memory_space<vmem_shared>> -> memref<80x128xf32, #tpu.memory_space<vmem_shared>>
      %dma_wait3A_82 = arith.constant 0 : i32
      %dma_wait3A_83 = tpu.memref_slice %arg18[%add3A_32, %dma_wait3A_82] : memref<10240x128xf32, #tpu.memory_space<vmem_shared>> -> memref<80x128xf32, #tpu.memory_space<vmem_shared>>
      tpu.wait_dma2 semaphore(%run_scoped3A : memref<!tpu.dma_semaphore, #tpu.memory_space<semaphore_mem>>) src(%arg17 : memref<80x128xf32, #tpu.memory_space<vmem>>) dst(%dma_wait3A_83 : memref<80x128xf32, #tpu.memory_space<vmem_shared>>)
      tpu.yield
    }) : () -> ()
    %add3A_33 = arith.constant 560 : i32
    %add3A_34 = arith.addi %mul3A_4, %add3A_33 : i32
    "tpu.region"() ({
      %run_scoped3A = tpu.sem_alloc : memref<!tpu.dma_semaphore, #tpu.memory_space<semaphore_mem>>
      %dma_start3A = arith.constant 0 : i32
      %dma_start3A_77 = tpu.memref_slice %arg5[%add3A_34, %dma_start3A] : memref<10240x128xf32, #tpu.memory_space<hbm>> -> memref<80x128xf32, #tpu.memory_space<hbm>>
      %dma_start3A_78 = arith.constant 0 : i32
      %dma_start3A_79 = tpu.memref_slice %arg5[%add3A_34, %dma_start3A_78] : memref<10240x128xf32, #tpu.memory_space<hbm>> -> memref<80x128xf32, #tpu.memory_space<hbm>>
      tpu.enqueue_dma source(%dma_start3A_79 : memref<80x128xf32, #tpu.memory_space<hbm>>) target(%arg17 : memref<80x128xf32, #tpu.memory_space<vmem>>) target_semaphore(%run_scoped3A : memref<!tpu.dma_semaphore, #tpu.memory_space<semaphore_mem>>)
      %dma_wait3A_80 = arith.constant 0 : i32
      %dma_wait3A_81 = tpu.memref_slice %arg5[%add3A_34, %dma_wait3A_80] : memref<10240x128xf32, #tpu.memory_space<hbm>> -> memref<80x128xf32, #tpu.memory_space<hbm>>
      %dma_wait3A_82 = arith.constant 0 : i32
      %dma_wait3A_83 = tpu.memref_slice %arg5[%add3A_34, %dma_wait3A_82] : memref<10240x128xf32, #tpu.memory_space<hbm>> -> memref<80x128xf32, #tpu.memory_space<hbm>>
      tpu.wait_dma2 semaphore(%run_scoped3A : memref<!tpu.dma_semaphore, #tpu.memory_space<semaphore_mem>>) src(%dma_wait3A_83 : memref<80x128xf32, #tpu.memory_space<hbm>>) dst(%arg17 : memref<80x128xf32, #tpu.memory_space<vmem>>)
      tpu.yield
    }) : () -> ()
    %add3A_35 = arith.constant 560 : i32
    %add3A_36 = arith.addi %mul3A_4, %add3A_35 : i32
    "tpu.region"() ({
      %run_scoped3A = tpu.sem_alloc : memref<!tpu.dma_semaphore, #tpu.memory_space<semaphore_mem>>
      %dma_start3A = arith.constant 0 : i32
      %dma_start3A_77 = tpu.memref_slice %arg18[%add3A_36, %dma_start3A] : memref<10240x128xf32, #tpu.memory_space<vmem_shared>> -> memref<80x128xf32, #tpu.memory_space<vmem_shared>>
      %dma_start3A_78 = arith.constant 0 : i32
      %dma_start3A_79 = tpu.memref_slice %arg18[%add3A_36, %dma_start3A_78] : memref<10240x128xf32, #tpu.memory_space<vmem_shared>> -> memref<80x128xf32, #tpu.memory_space<vmem_shared>>
      tpu.enqueue_dma source(%arg17 : memref<80x128xf32, #tpu.memory_space<vmem>>) target(%dma_start3A_79 : memref<80x128xf32, #tpu.memory_space<vmem_shared>>) target_semaphore(%run_scoped3A : memref<!tpu.dma_semaphore, #tpu.memory_space<semaphore_mem>>)
      %dma_wait3A_80 = arith.constant 0 : i32
      %dma_wait3A_81 = tpu.memref_slice %arg18[%add3A_36, %dma_wait3A_80] : memref<10240x128xf32, #tpu.memory_space<vmem_shared>> -> memref<80x128xf32, #tpu.memory_space<vmem_shared>>
      %dma_wait3A_82 = arith.constant 0 : i32
      %dma_wait3A_83 = tpu.memref_slice %arg18[%add3A_36, %dma_wait3A_82] : memref<10240x128xf32, #tpu.memory_space<vmem_shared>> -> memref<80x128xf32, #tpu.memory_space<vmem_shared>>
      tpu.wait_dma2 semaphore(%run_scoped3A : memref<!tpu.dma_semaphore, #tpu.memory_space<semaphore_mem>>) src(%arg17 : memref<80x128xf32, #tpu.memory_space<vmem>>) dst(%dma_wait3A_83 : memref<80x128xf32, #tpu.memory_space<vmem_shared>>)
      tpu.yield
    }) : () -> ()
    %barrier3A = arith.constant 0 : index
    tpu.barrier barrier_id(%barrier3A)
    %scan3A = arith.constant 0 : i32
    %scan3A_37 = arith.constant 0 : i32
    %scan3A_38 = arith.constant 40 : i32
    %scan3A_39 = arith.addi %scan3A_37, %scan3A_38 : i32
    %scan3A_40 = arith.constant 1 : i32
    scf.for %scan3A_77 = %scan3A_37 to %scan3A_39 step %scan3A_40  : i32 {
      %mul3A_78 = arith.constant 2 : i32
      %mul3A_79 = arith.muli %scan3A_77, %mul3A_78 : i32
      %mul3A_80 = arith.constant 128 : i32
      %mul3A_81 = arith.muli %mul3A_79, %mul3A_80 : i32
      %add3A_82 = arith.addi %mul3A_2, %mul3A_81 : i32
      "tpu.region"() ({
        %run_scoped3A = tpu.sem_alloc : memref<!tpu.dma_semaphore, #tpu.memory_space<semaphore_mem>>
        %dma_start3A_110 = tpu.memref_slice %arg2[%add3A_82] : memref<327680xi32, #tpu.memory_space<hbm>> -> memref<128xi32, #tpu.memory_space<hbm>>
        %dma_start3A_111 = tpu.memref_slice %arg2[%add3A_82] : memref<327680xi32, #tpu.memory_space<hbm>> -> memref<128xi32, #tpu.memory_space<hbm>>
        tpu.enqueue_dma source(%dma_start3A_111 : memref<128xi32, #tpu.memory_space<hbm>>) target(%arg7 : memref<128xi32, #tpu.memory_space<vmem>>) target_semaphore(%run_scoped3A : memref<!tpu.dma_semaphore, #tpu.memory_space<semaphore_mem>>)
        %dma_wait3A_112 = tpu.memref_slice %arg2[%add3A_82] : memref<327680xi32, #tpu.memory_space<hbm>> -> memref<128xi32, #tpu.memory_space<hbm>>
        %dma_wait3A_113 = tpu.memref_slice %arg2[%add3A_82] : memref<327680xi32, #tpu.memory_space<hbm>> -> memref<128xi32, #tpu.memory_space<hbm>>
        tpu.wait_dma2 semaphore(%run_scoped3A : memref<!tpu.dma_semaphore, #tpu.memory_space<semaphore_mem>>) src(%dma_wait3A_113 : memref<128xi32, #tpu.memory_space<hbm>>) dst(%arg7 : memref<128xi32, #tpu.memory_space<vmem>>)
        tpu.yield
      }) : () -> ()
      "tpu.region"() ({
        %run_scoped3A = tpu.sem_alloc : memref<!tpu.dma_semaphore, #tpu.memory_space<semaphore_mem>>
        %dma_start3A_110 = tpu.memref_slice %arg3[%add3A_82] : memref<327680xi32, #tpu.memory_space<hbm>> -> memref<128xi32, #tpu.memory_space<hbm>>
        %dma_start3A_111 = tpu.memref_slice %arg3[%add3A_82] : memref<327680xi32, #tpu.memory_space<hbm>> -> memref<128xi32, #tpu.memory_space<hbm>>
        tpu.enqueue_dma source(%dma_start3A_111 : memref<128xi32, #tpu.memory_space<hbm>>) target(%arg8 : memref<128xi32, #tpu.memory_space<vmem>>) target_semaphore(%run_scoped3A : memref<!tpu.dma_semaphore, #tpu.memory_space<semaphore_mem>>)
        %dma_wait3A_112 = tpu.memref_slice %arg3[%add3A_82] : memref<327680xi32, #tpu.memory_space<hbm>> -> memref<128xi32, #tpu.memory_space<hbm>>
        %dma_wait3A_113 = tpu.memref_slice %arg3[%add3A_82] : memref<327680xi32, #tpu.memory_space<hbm>> -> memref<128xi32, #tpu.memory_space<hbm>>
        tpu.wait_dma2 semaphore(%run_scoped3A : memref<!tpu.dma_semaphore, #tpu.memory_space<semaphore_mem>>) src(%dma_wait3A_113 : memref<128xi32, #tpu.memory_space<hbm>>) dst(%arg8 : memref<128xi32, #tpu.memory_space<vmem>>)
        tpu.yield
      }) : () -> ()
      %dma_start3A = arith.constant 0 : i32
      %dma_start3A_83 = arith.constant 0 : i32
      %dma_start3A_84 = tpu.memref_slice %arg4[%dma_start3A, %dma_start3A_83] : memref<10000x128xf32, #tpu.memory_space<hbm>> -> memref<10000x128xf32, #tpu.memory_space<hbm>>
      tpu.enqueue_indirect_dma source(%dma_start3A_84 : memref<10000x128xf32, #tpu.memory_space<hbm>>) target(%arg15 : memref<128x128xf32, #tpu.memory_space<vmem>>) offsets(%arg7 : memref<128xi32, #tpu.memory_space<vmem>>) semaphore(%arg23 : memref<!tpu.dma_semaphore, #tpu.memory_space<semaphore_mem>>)
      %dma_wait3A_85 = arith.constant 0 : i32
      %dma_wait3A_86 = arith.constant 0 : i32
      %dma_wait3A_87 = tpu.memref_slice %arg4[%dma_wait3A_85, %dma_wait3A_86] : memref<10000x128xf32, #tpu.memory_space<hbm>> -> memref<10000x128xf32, #tpu.memory_space<hbm>>
      tpu.wait_indirect_dma semaphore(%arg23 : memref<!tpu.dma_semaphore, #tpu.memory_space<semaphore_mem>>) src(%dma_wait3A_87 : memref<10000x128xf32, #tpu.memory_space<hbm>>) dst(%arg15 : memref<128x128xf32, #tpu.memory_space<vmem>>)
      %gt3A = arith.constant 0 : i32
      %gt3A_88 = arith.cmpi sgt, %scan3A_77, %gt3A : i32
      %convert_element_type3A = arith.extui %gt3A_88 : i1 to i32
      %cond3A = arith.constant 0 : i32
      %cond3A_89 = arith.cmpi ne, %convert_element_type3A, %cond3A : i32
      scf.if %cond3A_89 {
        %dma_wait3A_110 = arith.constant 0 : i32
        %dma_wait3A_111 = arith.constant 0 : i32
        %dma_wait3A_112 = tpu.memref_slice %arg18[%dma_wait3A_110, %dma_wait3A_111] : memref<10240x128xf32, #tpu.memory_space<vmem_shared>> -> memref<10240x128xf32, #tpu.memory_space<vmem_shared>>
        tpu.wait_indirect_dma semaphore(%arg26 : memref<!tpu.dma_semaphore, #tpu.memory_space<semaphore_mem>>) src(%arg16 : memref<128x128xf32, #tpu.memory_space<vmem>>) dst(%dma_wait3A_112 : memref<10240x128xf32, #tpu.memory_space<vmem_shared>>)
      } else {
      }
      %dma_start3A_90 = arith.constant 0 : i32
      %dma_start3A_91 = arith.constant 0 : i32
      %dma_start3A_92 = tpu.memref_slice %arg18[%dma_start3A_90, %dma_start3A_91] : memref<10240x128xf32, #tpu.memory_space<vmem_shared>> -> memref<10240x128xf32, #tpu.memory_space<vmem_shared>>
      tpu.enqueue_indirect_dma source(%arg15 : memref<128x128xf32, #tpu.memory_space<vmem>>) target(%dma_start3A_92 : memref<10240x128xf32, #tpu.memory_space<vmem_shared>>) offsets(%arg8 : memref<128xi32, #tpu.memory_space<vmem>>) semaphore(%arg25 : memref<!tpu.dma_semaphore, #tpu.memory_space<semaphore_mem>>) {add = true}
      %add3A_93 = arith.constant 1 : i32
      %add3A_94 = arith.addi %mul3A_79, %add3A_93 : i32
      %mul3A_95 = arith.constant 128 : i32
      %mul3A_96 = arith.muli %add3A_94, %mul3A_95 : i32
      %add3A_97 = arith.addi %mul3A_2, %mul3A_96 : i32
      "tpu.region"() ({
        %run_scoped3A = tpu.sem_alloc : memref<!tpu.dma_semaphore, #tpu.memory_space<semaphore_mem>>
        %dma_start3A_110 = tpu.memref_slice %arg2[%add3A_97] : memref<327680xi32, #tpu.memory_space<hbm>> -> memref<128xi32, #tpu.memory_space<hbm>>
        %dma_start3A_111 = tpu.memref_slice %arg2[%add3A_97] : memref<327680xi32, #tpu.memory_space<hbm>> -> memref<128xi32, #tpu.memory_space<hbm>>
        tpu.enqueue_dma source(%dma_start3A_111 : memref<128xi32, #tpu.memory_space<hbm>>) target(%arg9 : memref<128xi32, #tpu.memory_space<vmem>>) target_semaphore(%run_scoped3A : memref<!tpu.dma_semaphore, #tpu.memory_space<semaphore_mem>>)
        %dma_wait3A_112 = tpu.memref_slice %arg2[%add3A_97] : memref<327680xi32, #tpu.memory_space<hbm>> -> memref<128xi32, #tpu.memory_space<hbm>>
        %dma_wait3A_113 = tpu.memref_slice %arg2[%add3A_97] : memref<327680xi32, #tpu.memory_space<hbm>> -> memref<128xi32, #tpu.memory_space<hbm>>
        tpu.wait_dma2 semaphore(%run_scoped3A : memref<!tpu.dma_semaphore, #tpu.memory_space<semaphore_mem>>) src(%dma_wait3A_113 : memref<128xi32, #tpu.memory_space<hbm>>) dst(%arg9 : memref<128xi32, #tpu.memory_space<vmem>>)
        tpu.yield
      }) : () -> ()
      "tpu.region"() ({
        %run_scoped3A = tpu.sem_alloc : memref<!tpu.dma_semaphore, #tpu.memory_space<semaphore_mem>>
        %dma_start3A_110 = tpu.memref_slice %arg3[%add3A_97] : memref<327680xi32, #tpu.memory_space<hbm>> -> memref<128xi32, #tpu.memory_space<hbm>>
        %dma_start3A_111 = tpu.memref_slice %arg3[%add3A_97] : memref<327680xi32, #tpu.memory_space<hbm>> -> memref<128xi32, #tpu.memory_space<hbm>>
        tpu.enqueue_dma source(%dma_start3A_111 : memref<128xi32, #tpu.memory_space<hbm>>) target(%arg10 : memref<128xi32, #tpu.memory_space<vmem>>) target_semaphore(%run_scoped3A : memref<!tpu.dma_semaphore, #tpu.memory_space<semaphore_mem>>)
        %dma_wait3A_112 = tpu.memref_slice %arg3[%add3A_97] : memref<327680xi32, #tpu.memory_space<hbm>> -> memref<128xi32, #tpu.memory_space<hbm>>
        %dma_wait3A_113 = tpu.memref_slice %arg3[%add3A_97] : memref<327680xi32, #tpu.memory_space<hbm>> -> memref<128xi32, #tpu.memory_space<hbm>>
        tpu.wait_dma2 semaphore(%run_scoped3A : memref<!tpu.dma_semaphore, #tpu.memory_space<semaphore_mem>>) src(%dma_wait3A_113 : memref<128xi32, #tpu.memory_space<hbm>>) dst(%arg10 : memref<128xi32, #tpu.memory_space<vmem>>)
        tpu.yield
      }) : () -> ()
      %dma_start3A_98 = arith.constant 0 : i32
      %dma_start3A_99 = arith.constant 0 : i32
      %dma_start3A_100 = tpu.memref_slice %arg4[%dma_start3A_98, %dma_start3A_99] : memref<10000x128xf32, #tpu.memory_space<hbm>> -> memref<10000x128xf32, #tpu.memory_space<hbm>>
      tpu.enqueue_indirect_dma source(%dma_start3A_100 : memref<10000x128xf32, #tpu.memory_space<hbm>>) target(%arg16 : memref<128x128xf32, #tpu.memory_space<vmem>>) offsets(%arg9 : memref<128xi32, #tpu.memory_space<vmem>>) semaphore(%arg24 : memref<!tpu.dma_semaphore, #tpu.memory_space<semaphore_mem>>)
      %dma_wait3A_101 = arith.constant 0 : i32
      %dma_wait3A_102 = arith.constant 0 : i32
      %dma_wait3A_103 = tpu.memref_slice %arg4[%dma_wait3A_101, %dma_wait3A_102] : memref<10000x128xf32, #tpu.memory_space<hbm>> -> memref<10000x128xf32, #tpu.memory_space<hbm>>
      tpu.wait_indirect_dma semaphore(%arg24 : memref<!tpu.dma_semaphore, #tpu.memory_space<semaphore_mem>>) src(%dma_wait3A_103 : memref<10000x128xf32, #tpu.memory_space<hbm>>) dst(%arg16 : memref<128x128xf32, #tpu.memory_space<vmem>>)
      %dma_wait3A_104 = arith.constant 0 : i32
      %dma_wait3A_105 = arith.constant 0 : i32
      %dma_wait3A_106 = tpu.memref_slice %arg18[%dma_wait3A_104, %dma_wait3A_105] : memref<10240x128xf32, #tpu.memory_space<vmem_shared>> -> memref<10240x128xf32, #tpu.memory_space<vmem_shared>>
      tpu.wait_indirect_dma semaphore(%arg25 : memref<!tpu.dma_semaphore, #tpu.memory_space<semaphore_mem>>) src(%arg15 : memref<128x128xf32, #tpu.memory_space<vmem>>) dst(%dma_wait3A_106 : memref<10240x128xf32, #tpu.memory_space<vmem_shared>>)
      %dma_start3A_107 = arith.constant 0 : i32
      %dma_start3A_108 = arith.constant 0 : i32
      %dma_start3A_109 = tpu.memref_slice %arg18[%dma_start3A_107, %dma_start3A_108] : memref<10240x128xf32, #tpu.memory_space<vmem_shared>> -> memref<10240x128xf32, #tpu.memory_space<vmem_shared>>
      tpu.enqueue_indirect_dma source(%arg16 : memref<128x128xf32, #tpu.memory_space<vmem>>) target(%dma_start3A_109 : memref<10240x128xf32, #tpu.memory_space<vmem_shared>>) offsets(%arg10 : memref<128xi32, #tpu.memory_space<vmem>>) semaphore(%arg26 : memref<!tpu.dma_semaphore, #tpu.memory_space<semaphore_mem>>) {add = true}
    }
    %scan3A_41 = arith.constant 40 : i32
    %dma_wait3A = arith.constant 0 : i32
    %dma_wait3A_42 = arith.constant 0 : i32
    %dma_wait3A_43 = tpu.memref_slice %arg18[%dma_wait3A, %dma_wait3A_42] : memref<10240x128xf32, #tpu.memory_space<vmem_shared>> -> memref<10240x128xf32, #tpu.memory_space<vmem_shared>>
    tpu.wait_indirect_dma semaphore(%arg26 : memref<!tpu.dma_semaphore, #tpu.memory_space<semaphore_mem>>) src(%arg16 : memref<128x128xf32, #tpu.memory_space<vmem>>) dst(%dma_wait3A_43 : memref<10240x128xf32, #tpu.memory_space<vmem_shared>>)
    %barrier3A_44 = arith.constant 0 : index
    tpu.barrier barrier_id(%barrier3A_44)
    %add3A_45 = arith.constant 0 : i32
    %add3A_46 = arith.addi %mul3A_4, %add3A_45 : i32
    "tpu.region"() ({
      %run_scoped3A = tpu.sem_alloc : memref<!tpu.dma_semaphore, #tpu.memory_space<semaphore_mem>>
      %dma_start3A = arith.constant 0 : i32
      %dma_start3A_77 = tpu.memref_slice %arg18[%add3A_46, %dma_start3A] : memref<10240x128xf32, #tpu.memory_space<vmem_shared>> -> memref<80x128xf32, #tpu.memory_space<vmem_shared>>
      %dma_start3A_78 = arith.constant 0 : i32
      %dma_start3A_79 = tpu.memref_slice %arg18[%add3A_46, %dma_start3A_78] : memref<10240x128xf32, #tpu.memory_space<vmem_shared>> -> memref<80x128xf32, #tpu.memory_space<vmem_shared>>
      tpu.enqueue_dma source(%dma_start3A_79 : memref<80x128xf32, #tpu.memory_space<vmem_shared>>) target(%arg17 : memref<80x128xf32, #tpu.memory_space<vmem>>) target_semaphore(%run_scoped3A : memref<!tpu.dma_semaphore, #tpu.memory_space<semaphore_mem>>)
      %dma_wait3A_80 = arith.constant 0 : i32
      %dma_wait3A_81 = tpu.memref_slice %arg18[%add3A_46, %dma_wait3A_80] : memref<10240x128xf32, #tpu.memory_space<vmem_shared>> -> memref<80x128xf32, #tpu.memory_space<vmem_shared>>
      %dma_wait3A_82 = arith.constant 0 : i32
      %dma_wait3A_83 = tpu.memref_slice %arg18[%add3A_46, %dma_wait3A_82] : memref<10240x128xf32, #tpu.memory_space<vmem_shared>> -> memref<80x128xf32, #tpu.memory_space<vmem_shared>>
      tpu.wait_dma2 semaphore(%run_scoped3A : memref<!tpu.dma_semaphore, #tpu.memory_space<semaphore_mem>>) src(%dma_wait3A_83 : memref<80x128xf32, #tpu.memory_space<vmem_shared>>) dst(%arg17 : memref<80x128xf32, #tpu.memory_space<vmem>>)
      tpu.yield
    }) : () -> ()
    %add3A_47 = arith.constant 0 : i32
    %add3A_48 = arith.addi %mul3A_4, %add3A_47 : i32
    "tpu.region"() ({
      %run_scoped3A = tpu.sem_alloc : memref<!tpu.dma_semaphore, #tpu.memory_space<semaphore_mem>>
      %dma_start3A = arith.constant 0 : i32
      %dma_start3A_77 = tpu.memref_slice %arg6[%arg0, %add3A_48, %dma_start3A] : memref<2x10240x128xf32, #tpu.memory_space<hbm>> -> memref<1x80x128xf32, #tpu.memory_space<hbm>>
      %dma_start3A_78 = tpu.memref_squeeze %dma_start3A_77 : memref<1x80x128xf32, #tpu.memory_space<hbm>> -> memref<80x128xf32, #tpu.memory_space<hbm>>
      %dma_start3A_79 = arith.constant 0 : i32
      %dma_start3A_80 = tpu.memref_slice %arg6[%arg0, %add3A_48, %dma_start3A_79] : memref<2x10240x128xf32, #tpu.memory_space<hbm>> -> memref<1x80x128xf32, #tpu.memory_space<hbm>>
      %dma_start3A_81 = tpu.memref_squeeze %dma_start3A_80 : memref<1x80x128xf32, #tpu.memory_space<hbm>> -> memref<80x128xf32, #tpu.memory_space<hbm>>
      tpu.enqueue_dma source(%arg17 : memref<80x128xf32, #tpu.memory_space<vmem>>) target(%dma_start3A_81 : memref<80x128xf32, #tpu.memory_space<hbm>>) target_semaphore(%run_scoped3A : memref<!tpu.dma_semaphore, #tpu.memory_space<semaphore_mem>>)
      %dma_wait3A_82 = arith.constant 0 : i32
      %dma_wait3A_83 = tpu.memref_slice %arg6[%arg0, %add3A_48, %dma_wait3A_82] : memref<2x10240x128xf32, #tpu.memory_space<hbm>> -> memref<1x80x128xf32, #tpu.memory_space<hbm>>
      %dma_wait3A_84 = tpu.memref_squeeze %dma_wait3A_83 : memref<1x80x128xf32, #tpu.memory_space<hbm>> -> memref<80x128xf32, #tpu.memory_space<hbm>>
      %dma_wait3A_85 = arith.constant 0 : i32
      %dma_wait3A_86 = tpu.memref_slice %arg6[%arg0, %add3A_48, %dma_wait3A_85] : memref<2x10240x128xf32, #tpu.memory_space<hbm>> -> memref<1x80x128xf32, #tpu.memory_space<hbm>>
      %dma_wait3A_87 = tpu.memref_squeeze %dma_wait3A_86 : memref<1x80x128xf32, #tpu.memory_space<hbm>> -> memref<80x128xf32, #tpu.memory_space<hbm>>
      tpu.wait_dma2 semaphore(%run_scoped3A : memref<!tpu.dma_semaphore, #tpu.memory_space<semaphore_mem>>) src(%arg17 : memref<80x128xf32, #tpu.memory_space<vmem>>) dst(%dma_wait3A_87 : memref<80x128xf32, #tpu.memory_space<hbm>>)
      tpu.yield
    }) : () -> ()
    %add3A_49 = arith.constant 80 : i32
    %add3A_50 = arith.addi %mul3A_4, %add3A_49 : i32
    "tpu.region"() ({
      %run_scoped3A = tpu.sem_alloc : memref<!tpu.dma_semaphore, #tpu.memory_space<semaphore_mem>>
      %dma_start3A = arith.constant 0 : i32
      %dma_start3A_77 = tpu.memref_slice %arg18[%add3A_50, %dma_start3A] : memref<10240x128xf32, #tpu.memory_space<vmem_shared>> -> memref<80x128xf32, #tpu.memory_space<vmem_shared>>
      %dma_start3A_78 = arith.constant 0 : i32
      %dma_start3A_79 = tpu.memref_slice %arg18[%add3A_50, %dma_start3A_78] : memref<10240x128xf32, #tpu.memory_space<vmem_shared>> -> memref<80x128xf32, #tpu.memory_space<vmem_shared>>
      tpu.enqueue_dma source(%dma_start3A_79 : memref<80x128xf32, #tpu.memory_space<vmem_shared>>) target(%arg17 : memref<80x128xf32, #tpu.memory_space<vmem>>) target_semaphore(%run_scoped3A : memref<!tpu.dma_semaphore, #tpu.memory_space<semaphore_mem>>)
      %dma_wait3A_80 = arith.constant 0 : i32
      %dma_wait3A_81 = tpu.memref_slice %arg18[%add3A_50, %dma_wait3A_80] : memref<10240x128xf32, #tpu.memory_space<vmem_shared>> -> memref<80x128xf32, #tpu.memory_space<vmem_shared>>
      %dma_wait3A_82 = arith.constant 0 : i32
      %dma_wait3A_83 = tpu.memref_slice %arg18[%add3A_50, %dma_wait3A_82] : memref<10240x128xf32, #tpu.memory_space<vmem_shared>> -> memref<80x128xf32, #tpu.memory_space<vmem_shared>>
      tpu.wait_dma2 semaphore(%run_scoped3A : memref<!tpu.dma_semaphore, #tpu.memory_space<semaphore_mem>>) src(%dma_wait3A_83 : memref<80x128xf32, #tpu.memory_space<vmem_shared>>) dst(%arg17 : memref<80x128xf32, #tpu.memory_space<vmem>>)
      tpu.yield
    }) : () -> ()
    %add3A_51 = arith.constant 80 : i32
    %add3A_52 = arith.addi %mul3A_4, %add3A_51 : i32
    "tpu.region"() ({
      %run_scoped3A = tpu.sem_alloc : memref<!tpu.dma_semaphore, #tpu.memory_space<semaphore_mem>>
      %dma_start3A = arith.constant 0 : i32
      %dma_start3A_77 = tpu.memref_slice %arg6[%arg0, %add3A_52, %dma_start3A] : memref<2x10240x128xf32, #tpu.memory_space<hbm>> -> memref<1x80x128xf32, #tpu.memory_space<hbm>>
      %dma_start3A_78 = tpu.memref_squeeze %dma_start3A_77 : memref<1x80x128xf32, #tpu.memory_space<hbm>> -> memref<80x128xf32, #tpu.memory_space<hbm>>
      %dma_start3A_79 = arith.constant 0 : i32
      %dma_start3A_80 = tpu.memref_slice %arg6[%arg0, %add3A_52, %dma_start3A_79] : memref<2x10240x128xf32, #tpu.memory_space<hbm>> -> memref<1x80x128xf32, #tpu.memory_space<hbm>>
      %dma_start3A_81 = tpu.memref_squeeze %dma_start3A_80 : memref<1x80x128xf32, #tpu.memory_space<hbm>> -> memref<80x128xf32, #tpu.memory_space<hbm>>
      tpu.enqueue_dma source(%arg17 : memref<80x128xf32, #tpu.memory_space<vmem>>) target(%dma_start3A_81 : memref<80x128xf32, #tpu.memory_space<hbm>>) target_semaphore(%run_scoped3A : memref<!tpu.dma_semaphore, #tpu.memory_space<semaphore_mem>>)
      %dma_wait3A_82 = arith.constant 0 : i32
      %dma_wait3A_83 = tpu.memref_slice %arg6[%arg0, %add3A_52, %dma_wait3A_82] : memref<2x10240x128xf32, #tpu.memory_space<hbm>> -> memref<1x80x128xf32, #tpu.memory_space<hbm>>
      %dma_wait3A_84 = tpu.memref_squeeze %dma_wait3A_83 : memref<1x80x128xf32, #tpu.memory_space<hbm>> -> memref<80x128xf32, #tpu.memory_space<hbm>>
      %dma_wait3A_85 = arith.constant 0 : i32
      %dma_wait3A_86 = tpu.memref_slice %arg6[%arg0, %add3A_52, %dma_wait3A_85] : memref<2x10240x128xf32, #tpu.memory_space<hbm>> -> memref<1x80x128xf32, #tpu.memory_space<hbm>>
      %dma_wait3A_87 = tpu.memref_squeeze %dma_wait3A_86 : memref<1x80x128xf32, #tpu.memory_space<hbm>> -> memref<80x128xf32, #tpu.memory_space<hbm>>
      tpu.wait_dma2 semaphore(%run_scoped3A : memref<!tpu.dma_semaphore, #tpu.memory_space<semaphore_mem>>) src(%arg17 : memref<80x128xf32, #tpu.memory_space<vmem>>) dst(%dma_wait3A_87 : memref<80x128xf32, #tpu.memory_space<hbm>>)
      tpu.yield
    }) : () -> ()
    %add3A_53 = arith.constant 160 : i32
    %add3A_54 = arith.addi %mul3A_4, %add3A_53 : i32
    "tpu.region"() ({
      %run_scoped3A = tpu.sem_alloc : memref<!tpu.dma_semaphore, #tpu.memory_space<semaphore_mem>>
      %dma_start3A = arith.constant 0 : i32
      %dma_start3A_77 = tpu.memref_slice %arg18[%add3A_54, %dma_start3A] : memref<10240x128xf32, #tpu.memory_space<vmem_shared>> -> memref<80x128xf32, #tpu.memory_space<vmem_shared>>
      %dma_start3A_78 = arith.constant 0 : i32
      %dma_start3A_79 = tpu.memref_slice %arg18[%add3A_54, %dma_start3A_78] : memref<10240x128xf32, #tpu.memory_space<vmem_shared>> -> memref<80x128xf32, #tpu.memory_space<vmem_shared>>
      tpu.enqueue_dma source(%dma_start3A_79 : memref<80x128xf32, #tpu.memory_space<vmem_shared>>) target(%arg17 : memref<80x128xf32, #tpu.memory_space<vmem>>) target_semaphore(%run_scoped3A : memref<!tpu.dma_semaphore, #tpu.memory_space<semaphore_mem>>)
      %dma_wait3A_80 = arith.constant 0 : i32
      %dma_wait3A_81 = tpu.memref_slice %arg18[%add3A_54, %dma_wait3A_80] : memref<10240x128xf32, #tpu.memory_space<vmem_shared>> -> memref<80x128xf32, #tpu.memory_space<vmem_shared>>
      %dma_wait3A_82 = arith.constant 0 : i32
      %dma_wait3A_83 = tpu.memref_slice %arg18[%add3A_54, %dma_wait3A_82] : memref<10240x128xf32, #tpu.memory_space<vmem_shared>> -> memref<80x128xf32, #tpu.memory_space<vmem_shared>>
      tpu.wait_dma2 semaphore(%run_scoped3A : memref<!tpu.dma_semaphore, #tpu.memory_space<semaphore_mem>>) src(%dma_wait3A_83 : memref<80x128xf32, #tpu.memory_space<vmem_shared>>) dst(%arg17 : memref<80x128xf32, #tpu.memory_space<vmem>>)
      tpu.yield
    }) : () -> ()
    %add3A_55 = arith.constant 160 : i32
    %add3A_56 = arith.addi %mul3A_4, %add3A_55 : i32
    "tpu.region"() ({
      %run_scoped3A = tpu.sem_alloc : memref<!tpu.dma_semaphore, #tpu.memory_space<semaphore_mem>>
      %dma_start3A = arith.constant 0 : i32
      %dma_start3A_77 = tpu.memref_slice %arg6[%arg0, %add3A_56, %dma_start3A] : memref<2x10240x128xf32, #tpu.memory_space<hbm>> -> memref<1x80x128xf32, #tpu.memory_space<hbm>>
      %dma_start3A_78 = tpu.memref_squeeze %dma_start3A_77 : memref<1x80x128xf32, #tpu.memory_space<hbm>> -> memref<80x128xf32, #tpu.memory_space<hbm>>
      %dma_start3A_79 = arith.constant 0 : i32
      %dma_start3A_80 = tpu.memref_slice %arg6[%arg0, %add3A_56, %dma_start3A_79] : memref<2x10240x128xf32, #tpu.memory_space<hbm>> -> memref<1x80x128xf32, #tpu.memory_space<hbm>>
      %dma_start3A_81 = tpu.memref_squeeze %dma_start3A_80 : memref<1x80x128xf32, #tpu.memory_space<hbm>> -> memref<80x128xf32, #tpu.memory_space<hbm>>
      tpu.enqueue_dma source(%arg17 : memref<80x128xf32, #tpu.memory_space<vmem>>) target(%dma_start3A_81 : memref<80x128xf32, #tpu.memory_space<hbm>>) target_semaphore(%run_scoped3A : memref<!tpu.dma_semaphore, #tpu.memory_space<semaphore_mem>>)
      %dma_wait3A_82 = arith.constant 0 : i32
      %dma_wait3A_83 = tpu.memref_slice %arg6[%arg0, %add3A_56, %dma_wait3A_82] : memref<2x10240x128xf32, #tpu.memory_space<hbm>> -> memref<1x80x128xf32, #tpu.memory_space<hbm>>
      %dma_wait3A_84 = tpu.memref_squeeze %dma_wait3A_83 : memref<1x80x128xf32, #tpu.memory_space<hbm>> -> memref<80x128xf32, #tpu.memory_space<hbm>>
      %dma_wait3A_85 = arith.constant 0 : i32
      %dma_wait3A_86 = tpu.memref_slice %arg6[%arg0, %add3A_56, %dma_wait3A_85] : memref<2x10240x128xf32, #tpu.memory_space<hbm>> -> memref<1x80x128xf32, #tpu.memory_space<hbm>>
      %dma_wait3A_87 = tpu.memref_squeeze %dma_wait3A_86 : memref<1x80x128xf32, #tpu.memory_space<hbm>> -> memref<80x128xf32, #tpu.memory_space<hbm>>
      tpu.wait_dma2 semaphore(%run_scoped3A : memref<!tpu.dma_semaphore, #tpu.memory_space<semaphore_mem>>) src(%arg17 : memref<80x128xf32, #tpu.memory_space<vmem>>) dst(%dma_wait3A_87 : memref<80x128xf32, #tpu.memory_space<hbm>>)
      tpu.yield
    }) : () -> ()
    %add3A_57 = arith.constant 240 : i32
    %add3A_58 = arith.addi %mul3A_4, %add3A_57 : i32
    "tpu.region"() ({
      %run_scoped3A = tpu.sem_alloc : memref<!tpu.dma_semaphore, #tpu.memory_space<semaphore_mem>>
      %dma_start3A = arith.constant 0 : i32
      %dma_start3A_77 = tpu.memref_slice %arg18[%add3A_58, %dma_start3A] : memref<10240x128xf32, #tpu.memory_space<vmem_shared>> -> memref<80x128xf32, #tpu.memory_space<vmem_shared>>
      %dma_start3A_78 = arith.constant 0 : i32
      %dma_start3A_79 = tpu.memref_slice %arg18[%add3A_58, %dma_start3A_78] : memref<10240x128xf32, #tpu.memory_space<vmem_shared>> -> memref<80x128xf32, #tpu.memory_space<vmem_shared>>
      tpu.enqueue_dma source(%dma_start3A_79 : memref<80x128xf32, #tpu.memory_space<vmem_shared>>) target(%arg17 : memref<80x128xf32, #tpu.memory_space<vmem>>) target_semaphore(%run_scoped3A : memref<!tpu.dma_semaphore, #tpu.memory_space<semaphore_mem>>)
      %dma_wait3A_80 = arith.constant 0 : i32
      %dma_wait3A_81 = tpu.memref_slice %arg18[%add3A_58, %dma_wait3A_80] : memref<10240x128xf32, #tpu.memory_space<vmem_shared>> -> memref<80x128xf32, #tpu.memory_space<vmem_shared>>
      %dma_wait3A_82 = arith.constant 0 : i32
      %dma_wait3A_83 = tpu.memref_slice %arg18[%add3A_58, %dma_wait3A_82] : memref<10240x128xf32, #tpu.memory_space<vmem_shared>> -> memref<80x128xf32, #tpu.memory_space<vmem_shared>>
      tpu.wait_dma2 semaphore(%run_scoped3A : memref<!tpu.dma_semaphore, #tpu.memory_space<semaphore_mem>>) src(%dma_wait3A_83 : memref<80x128xf32, #tpu.memory_space<vmem_shared>>) dst(%arg17 : memref<80x128xf32, #tpu.memory_space<vmem>>)
      tpu.yield
    }) : () -> ()
    %add3A_59 = arith.constant 240 : i32
    %add3A_60 = arith.addi %mul3A_4, %add3A_59 : i32
    "tpu.region"() ({
      %run_scoped3A = tpu.sem_alloc : memref<!tpu.dma_semaphore, #tpu.memory_space<semaphore_mem>>
      %dma_start3A = arith.constant 0 : i32
      %dma_start3A_77 = tpu.memref_slice %arg6[%arg0, %add3A_60, %dma_start3A] : memref<2x10240x128xf32, #tpu.memory_space<hbm>> -> memref<1x80x128xf32, #tpu.memory_space<hbm>>
      %dma_start3A_78 = tpu.memref_squeeze %dma_start3A_77 : memref<1x80x128xf32, #tpu.memory_space<hbm>> -> memref<80x128xf32, #tpu.memory_space<hbm>>
      %dma_start3A_79 = arith.constant 0 : i32
      %dma_start3A_80 = tpu.memref_slice %arg6[%arg0, %add3A_60, %dma_start3A_79] : memref<2x10240x128xf32, #tpu.memory_space<hbm>> -> memref<1x80x128xf32, #tpu.memory_space<hbm>>
      %dma_start3A_81 = tpu.memref_squeeze %dma_start3A_80 : memref<1x80x128xf32, #tpu.memory_space<hbm>> -> memref<80x128xf32, #tpu.memory_space<hbm>>
      tpu.enqueue_dma source(%arg17 : memref<80x128xf32, #tpu.memory_space<vmem>>) target(%dma_start3A_81 : memref<80x128xf32, #tpu.memory_space<hbm>>) target_semaphore(%run_scoped3A : memref<!tpu.dma_semaphore, #tpu.memory_space<semaphore_mem>>)
      %dma_wait3A_82 = arith.constant 0 : i32
      %dma_wait3A_83 = tpu.memref_slice %arg6[%arg0, %add3A_60, %dma_wait3A_82] : memref<2x10240x128xf32, #tpu.memory_space<hbm>> -> memref<1x80x128xf32, #tpu.memory_space<hbm>>
      %dma_wait3A_84 = tpu.memref_squeeze %dma_wait3A_83 : memref<1x80x128xf32, #tpu.memory_space<hbm>> -> memref<80x128xf32, #tpu.memory_space<hbm>>
      %dma_wait3A_85 = arith.constant 0 : i32
      %dma_wait3A_86 = tpu.memref_slice %arg6[%arg0, %add3A_60, %dma_wait3A_85] : memref<2x10240x128xf32, #tpu.memory_space<hbm>> -> memref<1x80x128xf32, #tpu.memory_space<hbm>>
      %dma_wait3A_87 = tpu.memref_squeeze %dma_wait3A_86 : memref<1x80x128xf32, #tpu.memory_space<hbm>> -> memref<80x128xf32, #tpu.memory_space<hbm>>
      tpu.wait_dma2 semaphore(%run_scoped3A : memref<!tpu.dma_semaphore, #tpu.memory_space<semaphore_mem>>) src(%arg17 : memref<80x128xf32, #tpu.memory_space<vmem>>) dst(%dma_wait3A_87 : memref<80x128xf32, #tpu.memory_space<hbm>>)
      tpu.yield
    }) : () -> ()
    %add3A_61 = arith.constant 320 : i32
    %add3A_62 = arith.addi %mul3A_4, %add3A_61 : i32
    "tpu.region"() ({
      %run_scoped3A = tpu.sem_alloc : memref<!tpu.dma_semaphore, #tpu.memory_space<semaphore_mem>>
      %dma_start3A = arith.constant 0 : i32
      %dma_start3A_77 = tpu.memref_slice %arg18[%add3A_62, %dma_start3A] : memref<10240x128xf32, #tpu.memory_space<vmem_shared>> -> memref<80x128xf32, #tpu.memory_space<vmem_shared>>
      %dma_start3A_78 = arith.constant 0 : i32
      %dma_start3A_79 = tpu.memref_slice %arg18[%add3A_62, %dma_start3A_78] : memref<10240x128xf32, #tpu.memory_space<vmem_shared>> -> memref<80x128xf32, #tpu.memory_space<vmem_shared>>
      tpu.enqueue_dma source(%dma_start3A_79 : memref<80x128xf32, #tpu.memory_space<vmem_shared>>) target(%arg17 : memref<80x128xf32, #tpu.memory_space<vmem>>) target_semaphore(%run_scoped3A : memref<!tpu.dma_semaphore, #tpu.memory_space<semaphore_mem>>)
      %dma_wait3A_80 = arith.constant 0 : i32
      %dma_wait3A_81 = tpu.memref_slice %arg18[%add3A_62, %dma_wait3A_80] : memref<10240x128xf32, #tpu.memory_space<vmem_shared>> -> memref<80x128xf32, #tpu.memory_space<vmem_shared>>
      %dma_wait3A_82 = arith.constant 0 : i32
      %dma_wait3A_83 = tpu.memref_slice %arg18[%add3A_62, %dma_wait3A_82] : memref<10240x128xf32, #tpu.memory_space<vmem_shared>> -> memref<80x128xf32, #tpu.memory_space<vmem_shared>>
      tpu.wait_dma2 semaphore(%run_scoped3A : memref<!tpu.dma_semaphore, #tpu.memory_space<semaphore_mem>>) src(%dma_wait3A_83 : memref<80x128xf32, #tpu.memory_space<vmem_shared>>) dst(%arg17 : memref<80x128xf32, #tpu.memory_space<vmem>>)
      tpu.yield
    }) : () -> ()
    %add3A_63 = arith.constant 320 : i32
    %add3A_64 = arith.addi %mul3A_4, %add3A_63 : i32
    "tpu.region"() ({
      %run_scoped3A = tpu.sem_alloc : memref<!tpu.dma_semaphore, #tpu.memory_space<semaphore_mem>>
      %dma_start3A = arith.constant 0 : i32
      %dma_start3A_77 = tpu.memref_slice %arg6[%arg0, %add3A_64, %dma_start3A] : memref<2x10240x128xf32, #tpu.memory_space<hbm>> -> memref<1x80x128xf32, #tpu.memory_space<hbm>>
      %dma_start3A_78 = tpu.memref_squeeze %dma_start3A_77 : memref<1x80x128xf32, #tpu.memory_space<hbm>> -> memref<80x128xf32, #tpu.memory_space<hbm>>
      %dma_start3A_79 = arith.constant 0 : i32
      %dma_start3A_80 = tpu.memref_slice %arg6[%arg0, %add3A_64, %dma_start3A_79] : memref<2x10240x128xf32, #tpu.memory_space<hbm>> -> memref<1x80x128xf32, #tpu.memory_space<hbm>>
      %dma_start3A_81 = tpu.memref_squeeze %dma_start3A_80 : memref<1x80x128xf32, #tpu.memory_space<hbm>> -> memref<80x128xf32, #tpu.memory_space<hbm>>
      tpu.enqueue_dma source(%arg17 : memref<80x128xf32, #tpu.memory_space<vmem>>) target(%dma_start3A_81 : memref<80x128xf32, #tpu.memory_space<hbm>>) target_semaphore(%run_scoped3A : memref<!tpu.dma_semaphore, #tpu.memory_space<semaphore_mem>>)
      %dma_wait3A_82 = arith.constant 0 : i32
      %dma_wait3A_83 = tpu.memref_slice %arg6[%arg0, %add3A_64, %dma_wait3A_82] : memref<2x10240x128xf32, #tpu.memory_space<hbm>> -> memref<1x80x128xf32, #tpu.memory_space<hbm>>
      %dma_wait3A_84 = tpu.memref_squeeze %dma_wait3A_83 : memref<1x80x128xf32, #tpu.memory_space<hbm>> -> memref<80x128xf32, #tpu.memory_space<hbm>>
      %dma_wait3A_85 = arith.constant 0 : i32
      %dma_wait3A_86 = tpu.memref_slice %arg6[%arg0, %add3A_64, %dma_wait3A_85] : memref<2x10240x128xf32, #tpu.memory_space<hbm>> -> memref<1x80x128xf32, #tpu.memory_space<hbm>>
      %dma_wait3A_87 = tpu.memref_squeeze %dma_wait3A_86 : memref<1x80x128xf32, #tpu.memory_space<hbm>> -> memref<80x128xf32, #tpu.memory_space<hbm>>
      tpu.wait_dma2 semaphore(%run_scoped3A : memref<!tpu.dma_semaphore, #tpu.memory_space<semaphore_mem>>) src(%arg17 : memref<80x128xf32, #tpu.memory_space<vmem>>) dst(%dma_wait3A_87 : memref<80x128xf32, #tpu.memory_space<hbm>>)
      tpu.yield
    }) : () -> ()
    %add3A_65 = arith.constant 400 : i32
    %add3A_66 = arith.addi %mul3A_4, %add3A_65 : i32
    "tpu.region"() ({
      %run_scoped3A = tpu.sem_alloc : memref<!tpu.dma_semaphore, #tpu.memory_space<semaphore_mem>>
      %dma_start3A = arith.constant 0 : i32
      %dma_start3A_77 = tpu.memref_slice %arg18[%add3A_66, %dma_start3A] : memref<10240x128xf32, #tpu.memory_space<vmem_shared>> -> memref<80x128xf32, #tpu.memory_space<vmem_shared>>
      %dma_start3A_78 = arith.constant 0 : i32
      %dma_start3A_79 = tpu.memref_slice %arg18[%add3A_66, %dma_start3A_78] : memref<10240x128xf32, #tpu.memory_space<vmem_shared>> -> memref<80x128xf32, #tpu.memory_space<vmem_shared>>
      tpu.enqueue_dma source(%dma_start3A_79 : memref<80x128xf32, #tpu.memory_space<vmem_shared>>) target(%arg17 : memref<80x128xf32, #tpu.memory_space<vmem>>) target_semaphore(%run_scoped3A : memref<!tpu.dma_semaphore, #tpu.memory_space<semaphore_mem>>)
      %dma_wait3A_80 = arith.constant 0 : i32
      %dma_wait3A_81 = tpu.memref_slice %arg18[%add3A_66, %dma_wait3A_80] : memref<10240x128xf32, #tpu.memory_space<vmem_shared>> -> memref<80x128xf32, #tpu.memory_space<vmem_shared>>
      %dma_wait3A_82 = arith.constant 0 : i32
      %dma_wait3A_83 = tpu.memref_slice %arg18[%add3A_66, %dma_wait3A_82] : memref<10240x128xf32, #tpu.memory_space<vmem_shared>> -> memref<80x128xf32, #tpu.memory_space<vmem_shared>>
      tpu.wait_dma2 semaphore(%run_scoped3A : memref<!tpu.dma_semaphore, #tpu.memory_space<semaphore_mem>>) src(%dma_wait3A_83 : memref<80x128xf32, #tpu.memory_space<vmem_shared>>) dst(%arg17 : memref<80x128xf32, #tpu.memory_space<vmem>>)
      tpu.yield
    }) : () -> ()
    %add3A_67 = arith.constant 400 : i32
    %add3A_68 = arith.addi %mul3A_4, %add3A_67 : i32
    "tpu.region"() ({
      %run_scoped3A = tpu.sem_alloc : memref<!tpu.dma_semaphore, #tpu.memory_space<semaphore_mem>>
      %dma_start3A = arith.constant 0 : i32
      %dma_start3A_77 = tpu.memref_slice %arg6[%arg0, %add3A_68, %dma_start3A] : memref<2x10240x128xf32, #tpu.memory_space<hbm>> -> memref<1x80x128xf32, #tpu.memory_space<hbm>>
      %dma_start3A_78 = tpu.memref_squeeze %dma_start3A_77 : memref<1x80x128xf32, #tpu.memory_space<hbm>> -> memref<80x128xf32, #tpu.memory_space<hbm>>
      %dma_start3A_79 = arith.constant 0 : i32
      %dma_start3A_80 = tpu.memref_slice %arg6[%arg0, %add3A_68, %dma_start3A_79] : memref<2x10240x128xf32, #tpu.memory_space<hbm>> -> memref<1x80x128xf32, #tpu.memory_space<hbm>>
      %dma_start3A_81 = tpu.memref_squeeze %dma_start3A_80 : memref<1x80x128xf32, #tpu.memory_space<hbm>> -> memref<80x128xf32, #tpu.memory_space<hbm>>
      tpu.enqueue_dma source(%arg17 : memref<80x128xf32, #tpu.memory_space<vmem>>) target(%dma_start3A_81 : memref<80x128xf32, #tpu.memory_space<hbm>>) target_semaphore(%run_scoped3A : memref<!tpu.dma_semaphore, #tpu.memory_space<semaphore_mem>>)
      %dma_wait3A_82 = arith.constant 0 : i32
      %dma_wait3A_83 = tpu.memref_slice %arg6[%arg0, %add3A_68, %dma_wait3A_82] : memref<2x10240x128xf32, #tpu.memory_space<hbm>> -> memref<1x80x128xf32, #tpu.memory_space<hbm>>
      %dma_wait3A_84 = tpu.memref_squeeze %dma_wait3A_83 : memref<1x80x128xf32, #tpu.memory_space<hbm>> -> memref<80x128xf32, #tpu.memory_space<hbm>>
      %dma_wait3A_85 = arith.constant 0 : i32
      %dma_wait3A_86 = tpu.memref_slice %arg6[%arg0, %add3A_68, %dma_wait3A_85] : memref<2x10240x128xf32, #tpu.memory_space<hbm>> -> memref<1x80x128xf32, #tpu.memory_space<hbm>>
      %dma_wait3A_87 = tpu.memref_squeeze %dma_wait3A_86 : memref<1x80x128xf32, #tpu.memory_space<hbm>> -> memref<80x128xf32, #tpu.memory_space<hbm>>
      tpu.wait_dma2 semaphore(%run_scoped3A : memref<!tpu.dma_semaphore, #tpu.memory_space<semaphore_mem>>) src(%arg17 : memref<80x128xf32, #tpu.memory_space<vmem>>) dst(%dma_wait3A_87 : memref<80x128xf32, #tpu.memory_space<hbm>>)
      tpu.yield
    }) : () -> ()
    %add3A_69 = arith.constant 480 : i32
    %add3A_70 = arith.addi %mul3A_4, %add3A_69 : i32
    "tpu.region"() ({
      %run_scoped3A = tpu.sem_alloc : memref<!tpu.dma_semaphore, #tpu.memory_space<semaphore_mem>>
      %dma_start3A = arith.constant 0 : i32
      %dma_start3A_77 = tpu.memref_slice %arg18[%add3A_70, %dma_start3A] : memref<10240x128xf32, #tpu.memory_space<vmem_shared>> -> memref<80x128xf32, #tpu.memory_space<vmem_shared>>
      %dma_start3A_78 = arith.constant 0 : i32
      %dma_start3A_79 = tpu.memref_slice %arg18[%add3A_70, %dma_start3A_78] : memref<10240x128xf32, #tpu.memory_space<vmem_shared>> -> memref<80x128xf32, #tpu.memory_space<vmem_shared>>
      tpu.enqueue_dma source(%dma_start3A_79 : memref<80x128xf32, #tpu.memory_space<vmem_shared>>) target(%arg17 : memref<80x128xf32, #tpu.memory_space<vmem>>) target_semaphore(%run_scoped3A : memref<!tpu.dma_semaphore, #tpu.memory_space<semaphore_mem>>)
      %dma_wait3A_80 = arith.constant 0 : i32
      %dma_wait3A_81 = tpu.memref_slice %arg18[%add3A_70, %dma_wait3A_80] : memref<10240x128xf32, #tpu.memory_space<vmem_shared>> -> memref<80x128xf32, #tpu.memory_space<vmem_shared>>
      %dma_wait3A_82 = arith.constant 0 : i32
      %dma_wait3A_83 = tpu.memref_slice %arg18[%add3A_70, %dma_wait3A_82] : memref<10240x128xf32, #tpu.memory_space<vmem_shared>> -> memref<80x128xf32, #tpu.memory_space<vmem_shared>>
      tpu.wait_dma2 semaphore(%run_scoped3A : memref<!tpu.dma_semaphore, #tpu.memory_space<semaphore_mem>>) src(%dma_wait3A_83 : memref<80x128xf32, #tpu.memory_space<vmem_shared>>) dst(%arg17 : memref<80x128xf32, #tpu.memory_space<vmem>>)
      tpu.yield
    }) : () -> ()
    %add3A_71 = arith.constant 480 : i32
    %add3A_72 = arith.addi %mul3A_4, %add3A_71 : i32
    "tpu.region"() ({
      %run_scoped3A = tpu.sem_alloc : memref<!tpu.dma_semaphore, #tpu.memory_space<semaphore_mem>>
      %dma_start3A = arith.constant 0 : i32
      %dma_start3A_77 = tpu.memref_slice %arg6[%arg0, %add3A_72, %dma_start3A] : memref<2x10240x128xf32, #tpu.memory_space<hbm>> -> memref<1x80x128xf32, #tpu.memory_space<hbm>>
      %dma_start3A_78 = tpu.memref_squeeze %dma_start3A_77 : memref<1x80x128xf32, #tpu.memory_space<hbm>> -> memref<80x128xf32, #tpu.memory_space<hbm>>
      %dma_start3A_79 = arith.constant 0 : i32
      %dma_start3A_80 = tpu.memref_slice %arg6[%arg0, %add3A_72, %dma_start3A_79] : memref<2x10240x128xf32, #tpu.memory_space<hbm>> -> memref<1x80x128xf32, #tpu.memory_space<hbm>>
      %dma_start3A_81 = tpu.memref_squeeze %dma_start3A_80 : memref<1x80x128xf32, #tpu.memory_space<hbm>> -> memref<80x128xf32, #tpu.memory_space<hbm>>
      tpu.enqueue_dma source(%arg17 : memref<80x128xf32, #tpu.memory_space<vmem>>) target(%dma_start3A_81 : memref<80x128xf32, #tpu.memory_space<hbm>>) target_semaphore(%run_scoped3A : memref<!tpu.dma_semaphore, #tpu.memory_space<semaphore_mem>>)
      %dma_wait3A_82 = arith.constant 0 : i32
      %dma_wait3A_83 = tpu.memref_slice %arg6[%arg0, %add3A_72, %dma_wait3A_82] : memref<2x10240x128xf32, #tpu.memory_space<hbm>> -> memref<1x80x128xf32, #tpu.memory_space<hbm>>
      %dma_wait3A_84 = tpu.memref_squeeze %dma_wait3A_83 : memref<1x80x128xf32, #tpu.memory_space<hbm>> -> memref<80x128xf32, #tpu.memory_space<hbm>>
      %dma_wait3A_85 = arith.constant 0 : i32
      %dma_wait3A_86 = tpu.memref_slice %arg6[%arg0, %add3A_72, %dma_wait3A_85] : memref<2x10240x128xf32, #tpu.memory_space<hbm>> -> memref<1x80x128xf32, #tpu.memory_space<hbm>>
      %dma_wait3A_87 = tpu.memref_squeeze %dma_wait3A_86 : memref<1x80x128xf32, #tpu.memory_space<hbm>> -> memref<80x128xf32, #tpu.memory_space<hbm>>
      tpu.wait_dma2 semaphore(%run_scoped3A : memref<!tpu.dma_semaphore, #tpu.memory_space<semaphore_mem>>) src(%arg17 : memref<80x128xf32, #tpu.memory_space<vmem>>) dst(%dma_wait3A_87 : memref<80x128xf32, #tpu.memory_space<hbm>>)
      tpu.yield
    }) : () -> ()
    %add3A_73 = arith.constant 560 : i32
    %add3A_74 = arith.addi %mul3A_4, %add3A_73 : i32
    "tpu.region"() ({
      %run_scoped3A = tpu.sem_alloc : memref<!tpu.dma_semaphore, #tpu.memory_space<semaphore_mem>>
      %dma_start3A = arith.constant 0 : i32
      %dma_start3A_77 = tpu.memref_slice %arg18[%add3A_74, %dma_start3A] : memref<10240x128xf32, #tpu.memory_space<vmem_shared>> -> memref<80x128xf32, #tpu.memory_space<vmem_shared>>
      %dma_start3A_78 = arith.constant 0 : i32
      %dma_start3A_79 = tpu.memref_slice %arg18[%add3A_74, %dma_start3A_78] : memref<10240x128xf32, #tpu.memory_space<vmem_shared>> -> memref<80x128xf32, #tpu.memory_space<vmem_shared>>
      tpu.enqueue_dma source(%dma_start3A_79 : memref<80x128xf32, #tpu.memory_space<vmem_shared>>) target(%arg17 : memref<80x128xf32, #tpu.memory_space<vmem>>) target_semaphore(%run_scoped3A : memref<!tpu.dma_semaphore, #tpu.memory_space<semaphore_mem>>)
      %dma_wait3A_80 = arith.constant 0 : i32
      %dma_wait3A_81 = tpu.memref_slice %arg18[%add3A_74, %dma_wait3A_80] : memref<10240x128xf32, #tpu.memory_space<vmem_shared>> -> memref<80x128xf32, #tpu.memory_space<vmem_shared>>
      %dma_wait3A_82 = arith.constant 0 : i32
      %dma_wait3A_83 = tpu.memref_slice %arg18[%add3A_74, %dma_wait3A_82] : memref<10240x128xf32, #tpu.memory_space<vmem_shared>> -> memref<80x128xf32, #tpu.memory_space<vmem_shared>>
      tpu.wait_dma2 semaphore(%run_scoped3A : memref<!tpu.dma_semaphore, #tpu.memory_space<semaphore_mem>>) src(%dma_wait3A_83 : memref<80x128xf32, #tpu.memory_space<vmem_shared>>) dst(%arg17 : memref<80x128xf32, #tpu.memory_space<vmem>>)
      tpu.yield
    }) : () -> ()
    %add3A_75 = arith.constant 560 : i32
    %add3A_76 = arith.addi %mul3A_4, %add3A_75 : i32
    "tpu.region"() ({
      %run_scoped3A = tpu.sem_alloc : memref<!tpu.dma_semaphore, #tpu.memory_space<semaphore_mem>>
      %dma_start3A = arith.constant 0 : i32
      %dma_start3A_77 = tpu.memref_slice %arg6[%arg0, %add3A_76, %dma_start3A] : memref<2x10240x128xf32, #tpu.memory_space<hbm>> -> memref<1x80x128xf32, #tpu.memory_space<hbm>>
      %dma_start3A_78 = tpu.memref_squeeze %dma_start3A_77 : memref<1x80x128xf32, #tpu.memory_space<hbm>> -> memref<80x128xf32, #tpu.memory_space<hbm>>
      %dma_start3A_79 = arith.constant 0 : i32
      %dma_start3A_80 = tpu.memref_slice %arg6[%arg0, %add3A_76, %dma_start3A_79] : memref<2x10240x128xf32, #tpu.memory_space<hbm>> -> memref<1x80x128xf32, #tpu.memory_space<hbm>>
      %dma_start3A_81 = tpu.memref_squeeze %dma_start3A_80 : memref<1x80x128xf32, #tpu.memory_space<hbm>> -> memref<80x128xf32, #tpu.memory_space<hbm>>
      tpu.enqueue_dma source(%arg17 : memref<80x128xf32, #tpu.memory_space<vmem>>) target(%dma_start3A_81 : memref<80x128xf32, #tpu.memory_space<hbm>>) target_semaphore(%run_scoped3A : memref<!tpu.dma_semaphore, #tpu.memory_space<semaphore_mem>>)
      %dma_wait3A_82 = arith.constant 0 : i32
      %dma_wait3A_83 = tpu.memref_slice %arg6[%arg0, %add3A_76, %dma_wait3A_82] : memref<2x10240x128xf32, #tpu.memory_space<hbm>> -> memref<1x80x128xf32, #tpu.memory_space<hbm>>
      %dma_wait3A_84 = tpu.memref_squeeze %dma_wait3A_83 : memref<1x80x128xf32, #tpu.memory_space<hbm>> -> memref<80x128xf32, #tpu.memory_space<hbm>>
      %dma_wait3A_85 = arith.constant 0 : i32
      %dma_wait3A_86 = tpu.memref_slice %arg6[%arg0, %add3A_76, %dma_wait3A_85] : memref<2x10240x128xf32, #tpu.memory_space<hbm>> -> memref<1x80x128xf32, #tpu.memory_space<hbm>>
      %dma_wait3A_87 = tpu.memref_squeeze %dma_wait3A_86 : memref<1x80x128xf32, #tpu.memory_space<hbm>> -> memref<80x128xf32, #tpu.memory_space<hbm>>
      tpu.wait_dma2 semaphore(%run_scoped3A : memref<!tpu.dma_semaphore, #tpu.memory_space<semaphore_mem>>) src(%arg17 : memref<80x128xf32, #tpu.memory_space<vmem>>) dst(%dma_wait3A_87 : memref<80x128xf32, #tpu.memory_space<hbm>>)
      tpu.yield
    }) : () -> ()
    return
  }
}

#map = affine_map<(d0, d1) -> (0)>
#map1 = affine_map<(d0, d1) -> (0, 0)>
#map2 = affine_map<(d0, d1) -> (0, 0, 0)>
module attributes {stable_mosaic.version = 14 : i64} {
  func.func @k(%arg0: i32, %arg1: i32, %arg2: memref<320000xi32, #tpu.memory_space<hbm>>, %arg3: memref<10240x16xf32, #tpu.memory_space<hbm>>, %arg4: memref<80x16xf32, #tpu.memory_space<hbm>>, %arg5: memref<2x10240x16xf32, #tpu.memory_space<hbm>>, %arg6: memref<80xi32, #tpu.memory_space<vmem>>, %arg7: memref<80x16xf32, #tpu.memory_space<vmem>>, %arg8: memref<80x16xf32, #tpu.memory_space<vmem>>, %arg9: memref<10240x16xf32, #tpu.memory_space<vmem_shared>>) attributes {dimension_semantics = [#tpu.dimension_semantics<core_parallel>, #tpu.dimension_semantics<subcore_parallel>], iteration_bounds = array<i64: 2, 16>, scalar_prefetch = 0 : i64, scratch_operands = 4 : i64, tpu.core_type = #tpu.core_type<sc_vector_subcore>, window_params = [{transform_indices = #map}, {transform_indices = #map1}, {transform_indices = #map1}, {transform_indices = #map2}]} {
    %mul3A = arith.constant 2 : i32
    %mul3A_0 = arith.muli %arg1, %mul3A : i32
    %add3A = arith.addi %mul3A_0, %arg0 : i32
    %mul3A_1 = arith.constant 640 : i32
    %mul3A_2 = arith.muli %arg1, %mul3A_1 : i32
    "tpu.region"() ({
      %run_scoped3A = tpu.sem_alloc : memref<!tpu.dma_semaphore, #tpu.memory_space<semaphore_mem>>
      tpu.enqueue_dma source(%arg4 : memref<80x16xf32, #tpu.memory_space<hbm>>) target(%arg7 : memref<80x16xf32, #tpu.memory_space<vmem>>) target_semaphore(%run_scoped3A : memref<!tpu.dma_semaphore, #tpu.memory_space<semaphore_mem>>)
      tpu.wait_dma2 semaphore(%run_scoped3A : memref<!tpu.dma_semaphore, #tpu.memory_space<semaphore_mem>>) src(%arg4 : memref<80x16xf32, #tpu.memory_space<hbm>>) dst(%arg7 : memref<80x16xf32, #tpu.memory_space<vmem>>)
      tpu.yield
    }) : () -> ()
    %add3A_3 = arith.constant 0 : i32
    %add3A_4 = arith.addi %mul3A_2, %add3A_3 : i32
    "tpu.region"() ({
      %run_scoped3A = tpu.sem_alloc : memref<!tpu.dma_semaphore, #tpu.memory_space<semaphore_mem>>
      %dma_start3A = arith.constant 0 : i32
      %dma_start3A_73 = tpu.memref_slice %arg3[%add3A_4, %dma_start3A] : memref<10240x16xf32, #tpu.memory_space<hbm>> -> memref<80x16xf32, #tpu.memory_space<hbm>>
      %dma_start3A_74 = arith.constant 0 : i32
      %dma_start3A_75 = tpu.memref_slice %arg3[%add3A_4, %dma_start3A_74] : memref<10240x16xf32, #tpu.memory_space<hbm>> -> memref<80x16xf32, #tpu.memory_space<hbm>>
      tpu.enqueue_dma source(%dma_start3A_75 : memref<80x16xf32, #tpu.memory_space<hbm>>) target(%arg8 : memref<80x16xf32, #tpu.memory_space<vmem>>) target_semaphore(%run_scoped3A : memref<!tpu.dma_semaphore, #tpu.memory_space<semaphore_mem>>)
      %dma_wait3A = arith.constant 0 : i32
      %dma_wait3A_76 = tpu.memref_slice %arg3[%add3A_4, %dma_wait3A] : memref<10240x16xf32, #tpu.memory_space<hbm>> -> memref<80x16xf32, #tpu.memory_space<hbm>>
      %dma_wait3A_77 = arith.constant 0 : i32
      %dma_wait3A_78 = tpu.memref_slice %arg3[%add3A_4, %dma_wait3A_77] : memref<10240x16xf32, #tpu.memory_space<hbm>> -> memref<80x16xf32, #tpu.memory_space<hbm>>
      tpu.wait_dma2 semaphore(%run_scoped3A : memref<!tpu.dma_semaphore, #tpu.memory_space<semaphore_mem>>) src(%dma_wait3A_78 : memref<80x16xf32, #tpu.memory_space<hbm>>) dst(%arg8 : memref<80x16xf32, #tpu.memory_space<vmem>>)
      tpu.yield
    }) : () -> ()
    %add3A_5 = arith.constant 0 : i32
    %add3A_6 = arith.addi %mul3A_2, %add3A_5 : i32
    "tpu.region"() ({
      %run_scoped3A = tpu.sem_alloc : memref<!tpu.dma_semaphore, #tpu.memory_space<semaphore_mem>>
      %dma_start3A = arith.constant 0 : i32
      %dma_start3A_73 = tpu.memref_slice %arg9[%add3A_6, %dma_start3A] : memref<10240x16xf32, #tpu.memory_space<vmem_shared>> -> memref<80x16xf32, #tpu.memory_space<vmem_shared>>
      %dma_start3A_74 = arith.constant 0 : i32
      %dma_start3A_75 = tpu.memref_slice %arg9[%add3A_6, %dma_start3A_74] : memref<10240x16xf32, #tpu.memory_space<vmem_shared>> -> memref<80x16xf32, #tpu.memory_space<vmem_shared>>
      tpu.enqueue_dma source(%arg8 : memref<80x16xf32, #tpu.memory_space<vmem>>) target(%dma_start3A_75 : memref<80x16xf32, #tpu.memory_space<vmem_shared>>) target_semaphore(%run_scoped3A : memref<!tpu.dma_semaphore, #tpu.memory_space<semaphore_mem>>)
      %dma_wait3A = arith.constant 0 : i32
      %dma_wait3A_76 = tpu.memref_slice %arg9[%add3A_6, %dma_wait3A] : memref<10240x16xf32, #tpu.memory_space<vmem_shared>> -> memref<80x16xf32, #tpu.memory_space<vmem_shared>>
      %dma_wait3A_77 = arith.constant 0 : i32
      %dma_wait3A_78 = tpu.memref_slice %arg9[%add3A_6, %dma_wait3A_77] : memref<10240x16xf32, #tpu.memory_space<vmem_shared>> -> memref<80x16xf32, #tpu.memory_space<vmem_shared>>
      tpu.wait_dma2 semaphore(%run_scoped3A : memref<!tpu.dma_semaphore, #tpu.memory_space<semaphore_mem>>) src(%arg8 : memref<80x16xf32, #tpu.memory_space<vmem>>) dst(%dma_wait3A_78 : memref<80x16xf32, #tpu.memory_space<vmem_shared>>)
      tpu.yield
    }) : () -> ()
    %add3A_7 = arith.constant 80 : i32
    %add3A_8 = arith.addi %mul3A_2, %add3A_7 : i32
    "tpu.region"() ({
      %run_scoped3A = tpu.sem_alloc : memref<!tpu.dma_semaphore, #tpu.memory_space<semaphore_mem>>
      %dma_start3A = arith.constant 0 : i32
      %dma_start3A_73 = tpu.memref_slice %arg3[%add3A_8, %dma_start3A] : memref<10240x16xf32, #tpu.memory_space<hbm>> -> memref<80x16xf32, #tpu.memory_space<hbm>>
      %dma_start3A_74 = arith.constant 0 : i32
      %dma_start3A_75 = tpu.memref_slice %arg3[%add3A_8, %dma_start3A_74] : memref<10240x16xf32, #tpu.memory_space<hbm>> -> memref<80x16xf32, #tpu.memory_space<hbm>>
      tpu.enqueue_dma source(%dma_start3A_75 : memref<80x16xf32, #tpu.memory_space<hbm>>) target(%arg8 : memref<80x16xf32, #tpu.memory_space<vmem>>) target_semaphore(%run_scoped3A : memref<!tpu.dma_semaphore, #tpu.memory_space<semaphore_mem>>)
      %dma_wait3A = arith.constant 0 : i32
      %dma_wait3A_76 = tpu.memref_slice %arg3[%add3A_8, %dma_wait3A] : memref<10240x16xf32, #tpu.memory_space<hbm>> -> memref<80x16xf32, #tpu.memory_space<hbm>>
      %dma_wait3A_77 = arith.constant 0 : i32
      %dma_wait3A_78 = tpu.memref_slice %arg3[%add3A_8, %dma_wait3A_77] : memref<10240x16xf32, #tpu.memory_space<hbm>> -> memref<80x16xf32, #tpu.memory_space<hbm>>
      tpu.wait_dma2 semaphore(%run_scoped3A : memref<!tpu.dma_semaphore, #tpu.memory_space<semaphore_mem>>) src(%dma_wait3A_78 : memref<80x16xf32, #tpu.memory_space<hbm>>) dst(%arg8 : memref<80x16xf32, #tpu.memory_space<vmem>>)
      tpu.yield
    }) : () -> ()
    %add3A_9 = arith.constant 80 : i32
    %add3A_10 = arith.addi %mul3A_2, %add3A_9 : i32
    "tpu.region"() ({
      %run_scoped3A = tpu.sem_alloc : memref<!tpu.dma_semaphore, #tpu.memory_space<semaphore_mem>>
      %dma_start3A = arith.constant 0 : i32
      %dma_start3A_73 = tpu.memref_slice %arg9[%add3A_10, %dma_start3A] : memref<10240x16xf32, #tpu.memory_space<vmem_shared>> -> memref<80x16xf32, #tpu.memory_space<vmem_shared>>
      %dma_start3A_74 = arith.constant 0 : i32
      %dma_start3A_75 = tpu.memref_slice %arg9[%add3A_10, %dma_start3A_74] : memref<10240x16xf32, #tpu.memory_space<vmem_shared>> -> memref<80x16xf32, #tpu.memory_space<vmem_shared>>
      tpu.enqueue_dma source(%arg8 : memref<80x16xf32, #tpu.memory_space<vmem>>) target(%dma_start3A_75 : memref<80x16xf32, #tpu.memory_space<vmem_shared>>) target_semaphore(%run_scoped3A : memref<!tpu.dma_semaphore, #tpu.memory_space<semaphore_mem>>)
      %dma_wait3A = arith.constant 0 : i32
      %dma_wait3A_76 = tpu.memref_slice %arg9[%add3A_10, %dma_wait3A] : memref<10240x16xf32, #tpu.memory_space<vmem_shared>> -> memref<80x16xf32, #tpu.memory_space<vmem_shared>>
      %dma_wait3A_77 = arith.constant 0 : i32
      %dma_wait3A_78 = tpu.memref_slice %arg9[%add3A_10, %dma_wait3A_77] : memref<10240x16xf32, #tpu.memory_space<vmem_shared>> -> memref<80x16xf32, #tpu.memory_space<vmem_shared>>
      tpu.wait_dma2 semaphore(%run_scoped3A : memref<!tpu.dma_semaphore, #tpu.memory_space<semaphore_mem>>) src(%arg8 : memref<80x16xf32, #tpu.memory_space<vmem>>) dst(%dma_wait3A_78 : memref<80x16xf32, #tpu.memory_space<vmem_shared>>)
      tpu.yield
    }) : () -> ()
    %add3A_11 = arith.constant 160 : i32
    %add3A_12 = arith.addi %mul3A_2, %add3A_11 : i32
    "tpu.region"() ({
      %run_scoped3A = tpu.sem_alloc : memref<!tpu.dma_semaphore, #tpu.memory_space<semaphore_mem>>
      %dma_start3A = arith.constant 0 : i32
      %dma_start3A_73 = tpu.memref_slice %arg3[%add3A_12, %dma_start3A] : memref<10240x16xf32, #tpu.memory_space<hbm>> -> memref<80x16xf32, #tpu.memory_space<hbm>>
      %dma_start3A_74 = arith.constant 0 : i32
      %dma_start3A_75 = tpu.memref_slice %arg3[%add3A_12, %dma_start3A_74] : memref<10240x16xf32, #tpu.memory_space<hbm>> -> memref<80x16xf32, #tpu.memory_space<hbm>>
      tpu.enqueue_dma source(%dma_start3A_75 : memref<80x16xf32, #tpu.memory_space<hbm>>) target(%arg8 : memref<80x16xf32, #tpu.memory_space<vmem>>) target_semaphore(%run_scoped3A : memref<!tpu.dma_semaphore, #tpu.memory_space<semaphore_mem>>)
      %dma_wait3A = arith.constant 0 : i32
      %dma_wait3A_76 = tpu.memref_slice %arg3[%add3A_12, %dma_wait3A] : memref<10240x16xf32, #tpu.memory_space<hbm>> -> memref<80x16xf32, #tpu.memory_space<hbm>>
      %dma_wait3A_77 = arith.constant 0 : i32
      %dma_wait3A_78 = tpu.memref_slice %arg3[%add3A_12, %dma_wait3A_77] : memref<10240x16xf32, #tpu.memory_space<hbm>> -> memref<80x16xf32, #tpu.memory_space<hbm>>
      tpu.wait_dma2 semaphore(%run_scoped3A : memref<!tpu.dma_semaphore, #tpu.memory_space<semaphore_mem>>) src(%dma_wait3A_78 : memref<80x16xf32, #tpu.memory_space<hbm>>) dst(%arg8 : memref<80x16xf32, #tpu.memory_space<vmem>>)
      tpu.yield
    }) : () -> ()
    %add3A_13 = arith.constant 160 : i32
    %add3A_14 = arith.addi %mul3A_2, %add3A_13 : i32
    "tpu.region"() ({
      %run_scoped3A = tpu.sem_alloc : memref<!tpu.dma_semaphore, #tpu.memory_space<semaphore_mem>>
      %dma_start3A = arith.constant 0 : i32
      %dma_start3A_73 = tpu.memref_slice %arg9[%add3A_14, %dma_start3A] : memref<10240x16xf32, #tpu.memory_space<vmem_shared>> -> memref<80x16xf32, #tpu.memory_space<vmem_shared>>
      %dma_start3A_74 = arith.constant 0 : i32
      %dma_start3A_75 = tpu.memref_slice %arg9[%add3A_14, %dma_start3A_74] : memref<10240x16xf32, #tpu.memory_space<vmem_shared>> -> memref<80x16xf32, #tpu.memory_space<vmem_shared>>
      tpu.enqueue_dma source(%arg8 : memref<80x16xf32, #tpu.memory_space<vmem>>) target(%dma_start3A_75 : memref<80x16xf32, #tpu.memory_space<vmem_shared>>) target_semaphore(%run_scoped3A : memref<!tpu.dma_semaphore, #tpu.memory_space<semaphore_mem>>)
      %dma_wait3A = arith.constant 0 : i32
      %dma_wait3A_76 = tpu.memref_slice %arg9[%add3A_14, %dma_wait3A] : memref<10240x16xf32, #tpu.memory_space<vmem_shared>> -> memref<80x16xf32, #tpu.memory_space<vmem_shared>>
      %dma_wait3A_77 = arith.constant 0 : i32
      %dma_wait3A_78 = tpu.memref_slice %arg9[%add3A_14, %dma_wait3A_77] : memref<10240x16xf32, #tpu.memory_space<vmem_shared>> -> memref<80x16xf32, #tpu.memory_space<vmem_shared>>
      tpu.wait_dma2 semaphore(%run_scoped3A : memref<!tpu.dma_semaphore, #tpu.memory_space<semaphore_mem>>) src(%arg8 : memref<80x16xf32, #tpu.memory_space<vmem>>) dst(%dma_wait3A_78 : memref<80x16xf32, #tpu.memory_space<vmem_shared>>)
      tpu.yield
    }) : () -> ()
    %add3A_15 = arith.constant 240 : i32
    %add3A_16 = arith.addi %mul3A_2, %add3A_15 : i32
    "tpu.region"() ({
      %run_scoped3A = tpu.sem_alloc : memref<!tpu.dma_semaphore, #tpu.memory_space<semaphore_mem>>
      %dma_start3A = arith.constant 0 : i32
      %dma_start3A_73 = tpu.memref_slice %arg3[%add3A_16, %dma_start3A] : memref<10240x16xf32, #tpu.memory_space<hbm>> -> memref<80x16xf32, #tpu.memory_space<hbm>>
      %dma_start3A_74 = arith.constant 0 : i32
      %dma_start3A_75 = tpu.memref_slice %arg3[%add3A_16, %dma_start3A_74] : memref<10240x16xf32, #tpu.memory_space<hbm>> -> memref<80x16xf32, #tpu.memory_space<hbm>>
      tpu.enqueue_dma source(%dma_start3A_75 : memref<80x16xf32, #tpu.memory_space<hbm>>) target(%arg8 : memref<80x16xf32, #tpu.memory_space<vmem>>) target_semaphore(%run_scoped3A : memref<!tpu.dma_semaphore, #tpu.memory_space<semaphore_mem>>)
      %dma_wait3A = arith.constant 0 : i32
      %dma_wait3A_76 = tpu.memref_slice %arg3[%add3A_16, %dma_wait3A] : memref<10240x16xf32, #tpu.memory_space<hbm>> -> memref<80x16xf32, #tpu.memory_space<hbm>>
      %dma_wait3A_77 = arith.constant 0 : i32
      %dma_wait3A_78 = tpu.memref_slice %arg3[%add3A_16, %dma_wait3A_77] : memref<10240x16xf32, #tpu.memory_space<hbm>> -> memref<80x16xf32, #tpu.memory_space<hbm>>
      tpu.wait_dma2 semaphore(%run_scoped3A : memref<!tpu.dma_semaphore, #tpu.memory_space<semaphore_mem>>) src(%dma_wait3A_78 : memref<80x16xf32, #tpu.memory_space<hbm>>) dst(%arg8 : memref<80x16xf32, #tpu.memory_space<vmem>>)
      tpu.yield
    }) : () -> ()
    %add3A_17 = arith.constant 240 : i32
    %add3A_18 = arith.addi %mul3A_2, %add3A_17 : i32
    "tpu.region"() ({
      %run_scoped3A = tpu.sem_alloc : memref<!tpu.dma_semaphore, #tpu.memory_space<semaphore_mem>>
      %dma_start3A = arith.constant 0 : i32
      %dma_start3A_73 = tpu.memref_slice %arg9[%add3A_18, %dma_start3A] : memref<10240x16xf32, #tpu.memory_space<vmem_shared>> -> memref<80x16xf32, #tpu.memory_space<vmem_shared>>
      %dma_start3A_74 = arith.constant 0 : i32
      %dma_start3A_75 = tpu.memref_slice %arg9[%add3A_18, %dma_start3A_74] : memref<10240x16xf32, #tpu.memory_space<vmem_shared>> -> memref<80x16xf32, #tpu.memory_space<vmem_shared>>
      tpu.enqueue_dma source(%arg8 : memref<80x16xf32, #tpu.memory_space<vmem>>) target(%dma_start3A_75 : memref<80x16xf32, #tpu.memory_space<vmem_shared>>) target_semaphore(%run_scoped3A : memref<!tpu.dma_semaphore, #tpu.memory_space<semaphore_mem>>)
      %dma_wait3A = arith.constant 0 : i32
      %dma_wait3A_76 = tpu.memref_slice %arg9[%add3A_18, %dma_wait3A] : memref<10240x16xf32, #tpu.memory_space<vmem_shared>> -> memref<80x16xf32, #tpu.memory_space<vmem_shared>>
      %dma_wait3A_77 = arith.constant 0 : i32
      %dma_wait3A_78 = tpu.memref_slice %arg9[%add3A_18, %dma_wait3A_77] : memref<10240x16xf32, #tpu.memory_space<vmem_shared>> -> memref<80x16xf32, #tpu.memory_space<vmem_shared>>
      tpu.wait_dma2 semaphore(%run_scoped3A : memref<!tpu.dma_semaphore, #tpu.memory_space<semaphore_mem>>) src(%arg8 : memref<80x16xf32, #tpu.memory_space<vmem>>) dst(%dma_wait3A_78 : memref<80x16xf32, #tpu.memory_space<vmem_shared>>)
      tpu.yield
    }) : () -> ()
    %add3A_19 = arith.constant 320 : i32
    %add3A_20 = arith.addi %mul3A_2, %add3A_19 : i32
    "tpu.region"() ({
      %run_scoped3A = tpu.sem_alloc : memref<!tpu.dma_semaphore, #tpu.memory_space<semaphore_mem>>
      %dma_start3A = arith.constant 0 : i32
      %dma_start3A_73 = tpu.memref_slice %arg3[%add3A_20, %dma_start3A] : memref<10240x16xf32, #tpu.memory_space<hbm>> -> memref<80x16xf32, #tpu.memory_space<hbm>>
      %dma_start3A_74 = arith.constant 0 : i32
      %dma_start3A_75 = tpu.memref_slice %arg3[%add3A_20, %dma_start3A_74] : memref<10240x16xf32, #tpu.memory_space<hbm>> -> memref<80x16xf32, #tpu.memory_space<hbm>>
      tpu.enqueue_dma source(%dma_start3A_75 : memref<80x16xf32, #tpu.memory_space<hbm>>) target(%arg8 : memref<80x16xf32, #tpu.memory_space<vmem>>) target_semaphore(%run_scoped3A : memref<!tpu.dma_semaphore, #tpu.memory_space<semaphore_mem>>)
      %dma_wait3A = arith.constant 0 : i32
      %dma_wait3A_76 = tpu.memref_slice %arg3[%add3A_20, %dma_wait3A] : memref<10240x16xf32, #tpu.memory_space<hbm>> -> memref<80x16xf32, #tpu.memory_space<hbm>>
      %dma_wait3A_77 = arith.constant 0 : i32
      %dma_wait3A_78 = tpu.memref_slice %arg3[%add3A_20, %dma_wait3A_77] : memref<10240x16xf32, #tpu.memory_space<hbm>> -> memref<80x16xf32, #tpu.memory_space<hbm>>
      tpu.wait_dma2 semaphore(%run_scoped3A : memref<!tpu.dma_semaphore, #tpu.memory_space<semaphore_mem>>) src(%dma_wait3A_78 : memref<80x16xf32, #tpu.memory_space<hbm>>) dst(%arg8 : memref<80x16xf32, #tpu.memory_space<vmem>>)
      tpu.yield
    }) : () -> ()
    %add3A_21 = arith.constant 320 : i32
    %add3A_22 = arith.addi %mul3A_2, %add3A_21 : i32
    "tpu.region"() ({
      %run_scoped3A = tpu.sem_alloc : memref<!tpu.dma_semaphore, #tpu.memory_space<semaphore_mem>>
      %dma_start3A = arith.constant 0 : i32
      %dma_start3A_73 = tpu.memref_slice %arg9[%add3A_22, %dma_start3A] : memref<10240x16xf32, #tpu.memory_space<vmem_shared>> -> memref<80x16xf32, #tpu.memory_space<vmem_shared>>
      %dma_start3A_74 = arith.constant 0 : i32
      %dma_start3A_75 = tpu.memref_slice %arg9[%add3A_22, %dma_start3A_74] : memref<10240x16xf32, #tpu.memory_space<vmem_shared>> -> memref<80x16xf32, #tpu.memory_space<vmem_shared>>
      tpu.enqueue_dma source(%arg8 : memref<80x16xf32, #tpu.memory_space<vmem>>) target(%dma_start3A_75 : memref<80x16xf32, #tpu.memory_space<vmem_shared>>) target_semaphore(%run_scoped3A : memref<!tpu.dma_semaphore, #tpu.memory_space<semaphore_mem>>)
      %dma_wait3A = arith.constant 0 : i32
      %dma_wait3A_76 = tpu.memref_slice %arg9[%add3A_22, %dma_wait3A] : memref<10240x16xf32, #tpu.memory_space<vmem_shared>> -> memref<80x16xf32, #tpu.memory_space<vmem_shared>>
      %dma_wait3A_77 = arith.constant 0 : i32
      %dma_wait3A_78 = tpu.memref_slice %arg9[%add3A_22, %dma_wait3A_77] : memref<10240x16xf32, #tpu.memory_space<vmem_shared>> -> memref<80x16xf32, #tpu.memory_space<vmem_shared>>
      tpu.wait_dma2 semaphore(%run_scoped3A : memref<!tpu.dma_semaphore, #tpu.memory_space<semaphore_mem>>) src(%arg8 : memref<80x16xf32, #tpu.memory_space<vmem>>) dst(%dma_wait3A_78 : memref<80x16xf32, #tpu.memory_space<vmem_shared>>)
      tpu.yield
    }) : () -> ()
    %add3A_23 = arith.constant 400 : i32
    %add3A_24 = arith.addi %mul3A_2, %add3A_23 : i32
    "tpu.region"() ({
      %run_scoped3A = tpu.sem_alloc : memref<!tpu.dma_semaphore, #tpu.memory_space<semaphore_mem>>
      %dma_start3A = arith.constant 0 : i32
      %dma_start3A_73 = tpu.memref_slice %arg3[%add3A_24, %dma_start3A] : memref<10240x16xf32, #tpu.memory_space<hbm>> -> memref<80x16xf32, #tpu.memory_space<hbm>>
      %dma_start3A_74 = arith.constant 0 : i32
      %dma_start3A_75 = tpu.memref_slice %arg3[%add3A_24, %dma_start3A_74] : memref<10240x16xf32, #tpu.memory_space<hbm>> -> memref<80x16xf32, #tpu.memory_space<hbm>>
      tpu.enqueue_dma source(%dma_start3A_75 : memref<80x16xf32, #tpu.memory_space<hbm>>) target(%arg8 : memref<80x16xf32, #tpu.memory_space<vmem>>) target_semaphore(%run_scoped3A : memref<!tpu.dma_semaphore, #tpu.memory_space<semaphore_mem>>)
      %dma_wait3A = arith.constant 0 : i32
      %dma_wait3A_76 = tpu.memref_slice %arg3[%add3A_24, %dma_wait3A] : memref<10240x16xf32, #tpu.memory_space<hbm>> -> memref<80x16xf32, #tpu.memory_space<hbm>>
      %dma_wait3A_77 = arith.constant 0 : i32
      %dma_wait3A_78 = tpu.memref_slice %arg3[%add3A_24, %dma_wait3A_77] : memref<10240x16xf32, #tpu.memory_space<hbm>> -> memref<80x16xf32, #tpu.memory_space<hbm>>
      tpu.wait_dma2 semaphore(%run_scoped3A : memref<!tpu.dma_semaphore, #tpu.memory_space<semaphore_mem>>) src(%dma_wait3A_78 : memref<80x16xf32, #tpu.memory_space<hbm>>) dst(%arg8 : memref<80x16xf32, #tpu.memory_space<vmem>>)
      tpu.yield
    }) : () -> ()
    %add3A_25 = arith.constant 400 : i32
    %add3A_26 = arith.addi %mul3A_2, %add3A_25 : i32
    "tpu.region"() ({
      %run_scoped3A = tpu.sem_alloc : memref<!tpu.dma_semaphore, #tpu.memory_space<semaphore_mem>>
      %dma_start3A = arith.constant 0 : i32
      %dma_start3A_73 = tpu.memref_slice %arg9[%add3A_26, %dma_start3A] : memref<10240x16xf32, #tpu.memory_space<vmem_shared>> -> memref<80x16xf32, #tpu.memory_space<vmem_shared>>
      %dma_start3A_74 = arith.constant 0 : i32
      %dma_start3A_75 = tpu.memref_slice %arg9[%add3A_26, %dma_start3A_74] : memref<10240x16xf32, #tpu.memory_space<vmem_shared>> -> memref<80x16xf32, #tpu.memory_space<vmem_shared>>
      tpu.enqueue_dma source(%arg8 : memref<80x16xf32, #tpu.memory_space<vmem>>) target(%dma_start3A_75 : memref<80x16xf32, #tpu.memory_space<vmem_shared>>) target_semaphore(%run_scoped3A : memref<!tpu.dma_semaphore, #tpu.memory_space<semaphore_mem>>)
      %dma_wait3A = arith.constant 0 : i32
      %dma_wait3A_76 = tpu.memref_slice %arg9[%add3A_26, %dma_wait3A] : memref<10240x16xf32, #tpu.memory_space<vmem_shared>> -> memref<80x16xf32, #tpu.memory_space<vmem_shared>>
      %dma_wait3A_77 = arith.constant 0 : i32
      %dma_wait3A_78 = tpu.memref_slice %arg9[%add3A_26, %dma_wait3A_77] : memref<10240x16xf32, #tpu.memory_space<vmem_shared>> -> memref<80x16xf32, #tpu.memory_space<vmem_shared>>
      tpu.wait_dma2 semaphore(%run_scoped3A : memref<!tpu.dma_semaphore, #tpu.memory_space<semaphore_mem>>) src(%arg8 : memref<80x16xf32, #tpu.memory_space<vmem>>) dst(%dma_wait3A_78 : memref<80x16xf32, #tpu.memory_space<vmem_shared>>)
      tpu.yield
    }) : () -> ()
    %add3A_27 = arith.constant 480 : i32
    %add3A_28 = arith.addi %mul3A_2, %add3A_27 : i32
    "tpu.region"() ({
      %run_scoped3A = tpu.sem_alloc : memref<!tpu.dma_semaphore, #tpu.memory_space<semaphore_mem>>
      %dma_start3A = arith.constant 0 : i32
      %dma_start3A_73 = tpu.memref_slice %arg3[%add3A_28, %dma_start3A] : memref<10240x16xf32, #tpu.memory_space<hbm>> -> memref<80x16xf32, #tpu.memory_space<hbm>>
      %dma_start3A_74 = arith.constant 0 : i32
      %dma_start3A_75 = tpu.memref_slice %arg3[%add3A_28, %dma_start3A_74] : memref<10240x16xf32, #tpu.memory_space<hbm>> -> memref<80x16xf32, #tpu.memory_space<hbm>>
      tpu.enqueue_dma source(%dma_start3A_75 : memref<80x16xf32, #tpu.memory_space<hbm>>) target(%arg8 : memref<80x16xf32, #tpu.memory_space<vmem>>) target_semaphore(%run_scoped3A : memref<!tpu.dma_semaphore, #tpu.memory_space<semaphore_mem>>)
      %dma_wait3A = arith.constant 0 : i32
      %dma_wait3A_76 = tpu.memref_slice %arg3[%add3A_28, %dma_wait3A] : memref<10240x16xf32, #tpu.memory_space<hbm>> -> memref<80x16xf32, #tpu.memory_space<hbm>>
      %dma_wait3A_77 = arith.constant 0 : i32
      %dma_wait3A_78 = tpu.memref_slice %arg3[%add3A_28, %dma_wait3A_77] : memref<10240x16xf32, #tpu.memory_space<hbm>> -> memref<80x16xf32, #tpu.memory_space<hbm>>
      tpu.wait_dma2 semaphore(%run_scoped3A : memref<!tpu.dma_semaphore, #tpu.memory_space<semaphore_mem>>) src(%dma_wait3A_78 : memref<80x16xf32, #tpu.memory_space<hbm>>) dst(%arg8 : memref<80x16xf32, #tpu.memory_space<vmem>>)
      tpu.yield
    }) : () -> ()
    %add3A_29 = arith.constant 480 : i32
    %add3A_30 = arith.addi %mul3A_2, %add3A_29 : i32
    "tpu.region"() ({
      %run_scoped3A = tpu.sem_alloc : memref<!tpu.dma_semaphore, #tpu.memory_space<semaphore_mem>>
      %dma_start3A = arith.constant 0 : i32
      %dma_start3A_73 = tpu.memref_slice %arg9[%add3A_30, %dma_start3A] : memref<10240x16xf32, #tpu.memory_space<vmem_shared>> -> memref<80x16xf32, #tpu.memory_space<vmem_shared>>
      %dma_start3A_74 = arith.constant 0 : i32
      %dma_start3A_75 = tpu.memref_slice %arg9[%add3A_30, %dma_start3A_74] : memref<10240x16xf32, #tpu.memory_space<vmem_shared>> -> memref<80x16xf32, #tpu.memory_space<vmem_shared>>
      tpu.enqueue_dma source(%arg8 : memref<80x16xf32, #tpu.memory_space<vmem>>) target(%dma_start3A_75 : memref<80x16xf32, #tpu.memory_space<vmem_shared>>) target_semaphore(%run_scoped3A : memref<!tpu.dma_semaphore, #tpu.memory_space<semaphore_mem>>)
      %dma_wait3A = arith.constant 0 : i32
      %dma_wait3A_76 = tpu.memref_slice %arg9[%add3A_30, %dma_wait3A] : memref<10240x16xf32, #tpu.memory_space<vmem_shared>> -> memref<80x16xf32, #tpu.memory_space<vmem_shared>>
      %dma_wait3A_77 = arith.constant 0 : i32
      %dma_wait3A_78 = tpu.memref_slice %arg9[%add3A_30, %dma_wait3A_77] : memref<10240x16xf32, #tpu.memory_space<vmem_shared>> -> memref<80x16xf32, #tpu.memory_space<vmem_shared>>
      tpu.wait_dma2 semaphore(%run_scoped3A : memref<!tpu.dma_semaphore, #tpu.memory_space<semaphore_mem>>) src(%arg8 : memref<80x16xf32, #tpu.memory_space<vmem>>) dst(%dma_wait3A_78 : memref<80x16xf32, #tpu.memory_space<vmem_shared>>)
      tpu.yield
    }) : () -> ()
    %add3A_31 = arith.constant 560 : i32
    %add3A_32 = arith.addi %mul3A_2, %add3A_31 : i32
    "tpu.region"() ({
      %run_scoped3A = tpu.sem_alloc : memref<!tpu.dma_semaphore, #tpu.memory_space<semaphore_mem>>
      %dma_start3A = arith.constant 0 : i32
      %dma_start3A_73 = tpu.memref_slice %arg3[%add3A_32, %dma_start3A] : memref<10240x16xf32, #tpu.memory_space<hbm>> -> memref<80x16xf32, #tpu.memory_space<hbm>>
      %dma_start3A_74 = arith.constant 0 : i32
      %dma_start3A_75 = tpu.memref_slice %arg3[%add3A_32, %dma_start3A_74] : memref<10240x16xf32, #tpu.memory_space<hbm>> -> memref<80x16xf32, #tpu.memory_space<hbm>>
      tpu.enqueue_dma source(%dma_start3A_75 : memref<80x16xf32, #tpu.memory_space<hbm>>) target(%arg8 : memref<80x16xf32, #tpu.memory_space<vmem>>) target_semaphore(%run_scoped3A : memref<!tpu.dma_semaphore, #tpu.memory_space<semaphore_mem>>)
      %dma_wait3A = arith.constant 0 : i32
      %dma_wait3A_76 = tpu.memref_slice %arg3[%add3A_32, %dma_wait3A] : memref<10240x16xf32, #tpu.memory_space<hbm>> -> memref<80x16xf32, #tpu.memory_space<hbm>>
      %dma_wait3A_77 = arith.constant 0 : i32
      %dma_wait3A_78 = tpu.memref_slice %arg3[%add3A_32, %dma_wait3A_77] : memref<10240x16xf32, #tpu.memory_space<hbm>> -> memref<80x16xf32, #tpu.memory_space<hbm>>
      tpu.wait_dma2 semaphore(%run_scoped3A : memref<!tpu.dma_semaphore, #tpu.memory_space<semaphore_mem>>) src(%dma_wait3A_78 : memref<80x16xf32, #tpu.memory_space<hbm>>) dst(%arg8 : memref<80x16xf32, #tpu.memory_space<vmem>>)
      tpu.yield
    }) : () -> ()
    %add3A_33 = arith.constant 560 : i32
    %add3A_34 = arith.addi %mul3A_2, %add3A_33 : i32
    "tpu.region"() ({
      %run_scoped3A = tpu.sem_alloc : memref<!tpu.dma_semaphore, #tpu.memory_space<semaphore_mem>>
      %dma_start3A = arith.constant 0 : i32
      %dma_start3A_73 = tpu.memref_slice %arg9[%add3A_34, %dma_start3A] : memref<10240x16xf32, #tpu.memory_space<vmem_shared>> -> memref<80x16xf32, #tpu.memory_space<vmem_shared>>
      %dma_start3A_74 = arith.constant 0 : i32
      %dma_start3A_75 = tpu.memref_slice %arg9[%add3A_34, %dma_start3A_74] : memref<10240x16xf32, #tpu.memory_space<vmem_shared>> -> memref<80x16xf32, #tpu.memory_space<vmem_shared>>
      tpu.enqueue_dma source(%arg8 : memref<80x16xf32, #tpu.memory_space<vmem>>) target(%dma_start3A_75 : memref<80x16xf32, #tpu.memory_space<vmem_shared>>) target_semaphore(%run_scoped3A : memref<!tpu.dma_semaphore, #tpu.memory_space<semaphore_mem>>)
      %dma_wait3A = arith.constant 0 : i32
      %dma_wait3A_76 = tpu.memref_slice %arg9[%add3A_34, %dma_wait3A] : memref<10240x16xf32, #tpu.memory_space<vmem_shared>> -> memref<80x16xf32, #tpu.memory_space<vmem_shared>>
      %dma_wait3A_77 = arith.constant 0 : i32
      %dma_wait3A_78 = tpu.memref_slice %arg9[%add3A_34, %dma_wait3A_77] : memref<10240x16xf32, #tpu.memory_space<vmem_shared>> -> memref<80x16xf32, #tpu.memory_space<vmem_shared>>
      tpu.wait_dma2 semaphore(%run_scoped3A : memref<!tpu.dma_semaphore, #tpu.memory_space<semaphore_mem>>) src(%arg8 : memref<80x16xf32, #tpu.memory_space<vmem>>) dst(%dma_wait3A_78 : memref<80x16xf32, #tpu.memory_space<vmem_shared>>)
      tpu.yield
    }) : () -> ()
    %barrier3A = arith.constant 0 : index
    tpu.barrier barrier_id(%barrier3A)
    %scan3A = arith.constant 0 : i32
    %scan3A_35 = arith.constant 0 : i32
    %scan3A_36 = arith.constant 125 : i32
    %scan3A_37 = arith.addi %scan3A_35, %scan3A_36 : i32
    %scan3A_38 = arith.constant 1 : i32
    scf.for %scan3A_73 = %scan3A_35 to %scan3A_37 step %scan3A_38  : i32 {
      %mul3A_74 = arith.constant 10000 : i32
      %mul3A_75 = arith.muli %add3A, %mul3A_74 : i32
      %mul3A_76 = arith.constant 80 : i32
      %mul3A_77 = arith.muli %scan3A_73, %mul3A_76 : i32
      %add3A_78 = arith.addi %mul3A_75, %mul3A_77 : i32
      "tpu.region"() ({
        %run_scoped3A = tpu.sem_alloc : memref<!tpu.dma_semaphore, #tpu.memory_space<semaphore_mem>>
        %dma_start3A = tpu.memref_slice %arg2[%add3A_78] : memref<320000xi32, #tpu.memory_space<hbm>> -> memref<80xi32, #tpu.memory_space<hbm>>
        %dma_start3A_79 = tpu.memref_slice %arg2[%add3A_78] : memref<320000xi32, #tpu.memory_space<hbm>> -> memref<80xi32, #tpu.memory_space<hbm>>
        tpu.enqueue_dma source(%dma_start3A_79 : memref<80xi32, #tpu.memory_space<hbm>>) target(%arg6 : memref<80xi32, #tpu.memory_space<vmem>>) target_semaphore(%run_scoped3A : memref<!tpu.dma_semaphore, #tpu.memory_space<semaphore_mem>>)
        %dma_wait3A = tpu.memref_slice %arg2[%add3A_78] : memref<320000xi32, #tpu.memory_space<hbm>> -> memref<80xi32, #tpu.memory_space<hbm>>
        %dma_wait3A_80 = tpu.memref_slice %arg2[%add3A_78] : memref<320000xi32, #tpu.memory_space<hbm>> -> memref<80xi32, #tpu.memory_space<hbm>>
        tpu.wait_dma2 semaphore(%run_scoped3A : memref<!tpu.dma_semaphore, #tpu.memory_space<semaphore_mem>>) src(%dma_wait3A_80 : memref<80xi32, #tpu.memory_space<hbm>>) dst(%arg6 : memref<80xi32, #tpu.memory_space<vmem>>)
        tpu.yield
      }) : () -> ()
      "tpu.region"() ({
        %run_scoped3A = tpu.sem_alloc : memref<!tpu.dma_semaphore, #tpu.memory_space<semaphore_mem>>
        %dma_start3A = arith.constant 0 : i32
        %dma_start3A_79 = arith.constant 0 : i32
        %dma_start3A_80 = tpu.memref_slice %arg9[%dma_start3A, %dma_start3A_79] : memref<10240x16xf32, #tpu.memory_space<vmem_shared>> -> memref<10240x16xf32, #tpu.memory_space<vmem_shared>>
        tpu.enqueue_indirect_dma source(%arg7 : memref<80x16xf32, #tpu.memory_space<vmem>>) target(%dma_start3A_80 : memref<10240x16xf32, #tpu.memory_space<vmem_shared>>) offsets(%arg6 : memref<80xi32, #tpu.memory_space<vmem>>) semaphore(%run_scoped3A : memref<!tpu.dma_semaphore, #tpu.memory_space<semaphore_mem>>) {add = true}
        %dma_wait3A = arith.constant 0 : i32
        %dma_wait3A_81 = arith.constant 0 : i32
        %dma_wait3A_82 = tpu.memref_slice %arg9[%dma_wait3A, %dma_wait3A_81] : memref<10240x16xf32, #tpu.memory_space<vmem_shared>> -> memref<10240x16xf32, #tpu.memory_space<vmem_shared>>
        tpu.wait_indirect_dma semaphore(%run_scoped3A : memref<!tpu.dma_semaphore, #tpu.memory_space<semaphore_mem>>) src(%arg7 : memref<80x16xf32, #tpu.memory_space<vmem>>) dst(%dma_wait3A_82 : memref<10240x16xf32, #tpu.memory_space<vmem_shared>>)
        tpu.yield
      }) : () -> ()
    }
    %scan3A_39 = arith.constant 125 : i32
    %barrier3A_40 = arith.constant 0 : index
    tpu.barrier barrier_id(%barrier3A_40)
    %add3A_41 = arith.constant 0 : i32
    %add3A_42 = arith.addi %mul3A_2, %add3A_41 : i32
    "tpu.region"() ({
      %run_scoped3A = tpu.sem_alloc : memref<!tpu.dma_semaphore, #tpu.memory_space<semaphore_mem>>
      %dma_start3A = arith.constant 0 : i32
      %dma_start3A_73 = tpu.memref_slice %arg9[%add3A_42, %dma_start3A] : memref<10240x16xf32, #tpu.memory_space<vmem_shared>> -> memref<80x16xf32, #tpu.memory_space<vmem_shared>>
      %dma_start3A_74 = arith.constant 0 : i32
      %dma_start3A_75 = tpu.memref_slice %arg9[%add3A_42, %dma_start3A_74] : memref<10240x16xf32, #tpu.memory_space<vmem_shared>> -> memref<80x16xf32, #tpu.memory_space<vmem_shared>>
      tpu.enqueue_dma source(%dma_start3A_75 : memref<80x16xf32, #tpu.memory_space<vmem_shared>>) target(%arg8 : memref<80x16xf32, #tpu.memory_space<vmem>>) target_semaphore(%run_scoped3A : memref<!tpu.dma_semaphore, #tpu.memory_space<semaphore_mem>>)
      %dma_wait3A = arith.constant 0 : i32
      %dma_wait3A_76 = tpu.memref_slice %arg9[%add3A_42, %dma_wait3A] : memref<10240x16xf32, #tpu.memory_space<vmem_shared>> -> memref<80x16xf32, #tpu.memory_space<vmem_shared>>
      %dma_wait3A_77 = arith.constant 0 : i32
      %dma_wait3A_78 = tpu.memref_slice %arg9[%add3A_42, %dma_wait3A_77] : memref<10240x16xf32, #tpu.memory_space<vmem_shared>> -> memref<80x16xf32, #tpu.memory_space<vmem_shared>>
      tpu.wait_dma2 semaphore(%run_scoped3A : memref<!tpu.dma_semaphore, #tpu.memory_space<semaphore_mem>>) src(%dma_wait3A_78 : memref<80x16xf32, #tpu.memory_space<vmem_shared>>) dst(%arg8 : memref<80x16xf32, #tpu.memory_space<vmem>>)
      tpu.yield
    }) : () -> ()
    %add3A_43 = arith.constant 0 : i32
    %add3A_44 = arith.addi %mul3A_2, %add3A_43 : i32
    "tpu.region"() ({
      %run_scoped3A = tpu.sem_alloc : memref<!tpu.dma_semaphore, #tpu.memory_space<semaphore_mem>>
      %dma_start3A = arith.constant 0 : i32
      %dma_start3A_73 = tpu.memref_slice %arg5[%arg0, %add3A_44, %dma_start3A] : memref<2x10240x16xf32, #tpu.memory_space<hbm>> -> memref<1x80x16xf32, #tpu.memory_space<hbm>>
      %dma_start3A_74 = tpu.memref_squeeze %dma_start3A_73 : memref<1x80x16xf32, #tpu.memory_space<hbm>> -> memref<80x16xf32, #tpu.memory_space<hbm>>
      %dma_start3A_75 = arith.constant 0 : i32
      %dma_start3A_76 = tpu.memref_slice %arg5[%arg0, %add3A_44, %dma_start3A_75] : memref<2x10240x16xf32, #tpu.memory_space<hbm>> -> memref<1x80x16xf32, #tpu.memory_space<hbm>>
      %dma_start3A_77 = tpu.memref_squeeze %dma_start3A_76 : memref<1x80x16xf32, #tpu.memory_space<hbm>> -> memref<80x16xf32, #tpu.memory_space<hbm>>
      tpu.enqueue_dma source(%arg8 : memref<80x16xf32, #tpu.memory_space<vmem>>) target(%dma_start3A_77 : memref<80x16xf32, #tpu.memory_space<hbm>>) target_semaphore(%run_scoped3A : memref<!tpu.dma_semaphore, #tpu.memory_space<semaphore_mem>>)
      %dma_wait3A = arith.constant 0 : i32
      %dma_wait3A_78 = tpu.memref_slice %arg5[%arg0, %add3A_44, %dma_wait3A] : memref<2x10240x16xf32, #tpu.memory_space<hbm>> -> memref<1x80x16xf32, #tpu.memory_space<hbm>>
      %dma_wait3A_79 = tpu.memref_squeeze %dma_wait3A_78 : memref<1x80x16xf32, #tpu.memory_space<hbm>> -> memref<80x16xf32, #tpu.memory_space<hbm>>
      %dma_wait3A_80 = arith.constant 0 : i32
      %dma_wait3A_81 = tpu.memref_slice %arg5[%arg0, %add3A_44, %dma_wait3A_80] : memref<2x10240x16xf32, #tpu.memory_space<hbm>> -> memref<1x80x16xf32, #tpu.memory_space<hbm>>
      %dma_wait3A_82 = tpu.memref_squeeze %dma_wait3A_81 : memref<1x80x16xf32, #tpu.memory_space<hbm>> -> memref<80x16xf32, #tpu.memory_space<hbm>>
      tpu.wait_dma2 semaphore(%run_scoped3A : memref<!tpu.dma_semaphore, #tpu.memory_space<semaphore_mem>>) src(%arg8 : memref<80x16xf32, #tpu.memory_space<vmem>>) dst(%dma_wait3A_82 : memref<80x16xf32, #tpu.memory_space<hbm>>)
      tpu.yield
    }) : () -> ()
    %add3A_45 = arith.constant 80 : i32
    %add3A_46 = arith.addi %mul3A_2, %add3A_45 : i32
    "tpu.region"() ({
      %run_scoped3A = tpu.sem_alloc : memref<!tpu.dma_semaphore, #tpu.memory_space<semaphore_mem>>
      %dma_start3A = arith.constant 0 : i32
      %dma_start3A_73 = tpu.memref_slice %arg9[%add3A_46, %dma_start3A] : memref<10240x16xf32, #tpu.memory_space<vmem_shared>> -> memref<80x16xf32, #tpu.memory_space<vmem_shared>>
      %dma_start3A_74 = arith.constant 0 : i32
      %dma_start3A_75 = tpu.memref_slice %arg9[%add3A_46, %dma_start3A_74] : memref<10240x16xf32, #tpu.memory_space<vmem_shared>> -> memref<80x16xf32, #tpu.memory_space<vmem_shared>>
      tpu.enqueue_dma source(%dma_start3A_75 : memref<80x16xf32, #tpu.memory_space<vmem_shared>>) target(%arg8 : memref<80x16xf32, #tpu.memory_space<vmem>>) target_semaphore(%run_scoped3A : memref<!tpu.dma_semaphore, #tpu.memory_space<semaphore_mem>>)
      %dma_wait3A = arith.constant 0 : i32
      %dma_wait3A_76 = tpu.memref_slice %arg9[%add3A_46, %dma_wait3A] : memref<10240x16xf32, #tpu.memory_space<vmem_shared>> -> memref<80x16xf32, #tpu.memory_space<vmem_shared>>
      %dma_wait3A_77 = arith.constant 0 : i32
      %dma_wait3A_78 = tpu.memref_slice %arg9[%add3A_46, %dma_wait3A_77] : memref<10240x16xf32, #tpu.memory_space<vmem_shared>> -> memref<80x16xf32, #tpu.memory_space<vmem_shared>>
      tpu.wait_dma2 semaphore(%run_scoped3A : memref<!tpu.dma_semaphore, #tpu.memory_space<semaphore_mem>>) src(%dma_wait3A_78 : memref<80x16xf32, #tpu.memory_space<vmem_shared>>) dst(%arg8 : memref<80x16xf32, #tpu.memory_space<vmem>>)
      tpu.yield
    }) : () -> ()
    %add3A_47 = arith.constant 80 : i32
    %add3A_48 = arith.addi %mul3A_2, %add3A_47 : i32
    "tpu.region"() ({
      %run_scoped3A = tpu.sem_alloc : memref<!tpu.dma_semaphore, #tpu.memory_space<semaphore_mem>>
      %dma_start3A = arith.constant 0 : i32
      %dma_start3A_73 = tpu.memref_slice %arg5[%arg0, %add3A_48, %dma_start3A] : memref<2x10240x16xf32, #tpu.memory_space<hbm>> -> memref<1x80x16xf32, #tpu.memory_space<hbm>>
      %dma_start3A_74 = tpu.memref_squeeze %dma_start3A_73 : memref<1x80x16xf32, #tpu.memory_space<hbm>> -> memref<80x16xf32, #tpu.memory_space<hbm>>
      %dma_start3A_75 = arith.constant 0 : i32
      %dma_start3A_76 = tpu.memref_slice %arg5[%arg0, %add3A_48, %dma_start3A_75] : memref<2x10240x16xf32, #tpu.memory_space<hbm>> -> memref<1x80x16xf32, #tpu.memory_space<hbm>>
      %dma_start3A_77 = tpu.memref_squeeze %dma_start3A_76 : memref<1x80x16xf32, #tpu.memory_space<hbm>> -> memref<80x16xf32, #tpu.memory_space<hbm>>
      tpu.enqueue_dma source(%arg8 : memref<80x16xf32, #tpu.memory_space<vmem>>) target(%dma_start3A_77 : memref<80x16xf32, #tpu.memory_space<hbm>>) target_semaphore(%run_scoped3A : memref<!tpu.dma_semaphore, #tpu.memory_space<semaphore_mem>>)
      %dma_wait3A = arith.constant 0 : i32
      %dma_wait3A_78 = tpu.memref_slice %arg5[%arg0, %add3A_48, %dma_wait3A] : memref<2x10240x16xf32, #tpu.memory_space<hbm>> -> memref<1x80x16xf32, #tpu.memory_space<hbm>>
      %dma_wait3A_79 = tpu.memref_squeeze %dma_wait3A_78 : memref<1x80x16xf32, #tpu.memory_space<hbm>> -> memref<80x16xf32, #tpu.memory_space<hbm>>
      %dma_wait3A_80 = arith.constant 0 : i32
      %dma_wait3A_81 = tpu.memref_slice %arg5[%arg0, %add3A_48, %dma_wait3A_80] : memref<2x10240x16xf32, #tpu.memory_space<hbm>> -> memref<1x80x16xf32, #tpu.memory_space<hbm>>
      %dma_wait3A_82 = tpu.memref_squeeze %dma_wait3A_81 : memref<1x80x16xf32, #tpu.memory_space<hbm>> -> memref<80x16xf32, #tpu.memory_space<hbm>>
      tpu.wait_dma2 semaphore(%run_scoped3A : memref<!tpu.dma_semaphore, #tpu.memory_space<semaphore_mem>>) src(%arg8 : memref<80x16xf32, #tpu.memory_space<vmem>>) dst(%dma_wait3A_82 : memref<80x16xf32, #tpu.memory_space<hbm>>)
      tpu.yield
    }) : () -> ()
    %add3A_49 = arith.constant 160 : i32
    %add3A_50 = arith.addi %mul3A_2, %add3A_49 : i32
    "tpu.region"() ({
      %run_scoped3A = tpu.sem_alloc : memref<!tpu.dma_semaphore, #tpu.memory_space<semaphore_mem>>
      %dma_start3A = arith.constant 0 : i32
      %dma_start3A_73 = tpu.memref_slice %arg9[%add3A_50, %dma_start3A] : memref<10240x16xf32, #tpu.memory_space<vmem_shared>> -> memref<80x16xf32, #tpu.memory_space<vmem_shared>>
      %dma_start3A_74 = arith.constant 0 : i32
      %dma_start3A_75 = tpu.memref_slice %arg9[%add3A_50, %dma_start3A_74] : memref<10240x16xf32, #tpu.memory_space<vmem_shared>> -> memref<80x16xf32, #tpu.memory_space<vmem_shared>>
      tpu.enqueue_dma source(%dma_start3A_75 : memref<80x16xf32, #tpu.memory_space<vmem_shared>>) target(%arg8 : memref<80x16xf32, #tpu.memory_space<vmem>>) target_semaphore(%run_scoped3A : memref<!tpu.dma_semaphore, #tpu.memory_space<semaphore_mem>>)
      %dma_wait3A = arith.constant 0 : i32
      %dma_wait3A_76 = tpu.memref_slice %arg9[%add3A_50, %dma_wait3A] : memref<10240x16xf32, #tpu.memory_space<vmem_shared>> -> memref<80x16xf32, #tpu.memory_space<vmem_shared>>
      %dma_wait3A_77 = arith.constant 0 : i32
      %dma_wait3A_78 = tpu.memref_slice %arg9[%add3A_50, %dma_wait3A_77] : memref<10240x16xf32, #tpu.memory_space<vmem_shared>> -> memref<80x16xf32, #tpu.memory_space<vmem_shared>>
      tpu.wait_dma2 semaphore(%run_scoped3A : memref<!tpu.dma_semaphore, #tpu.memory_space<semaphore_mem>>) src(%dma_wait3A_78 : memref<80x16xf32, #tpu.memory_space<vmem_shared>>) dst(%arg8 : memref<80x16xf32, #tpu.memory_space<vmem>>)
      tpu.yield
    }) : () -> ()
    %add3A_51 = arith.constant 160 : i32
    %add3A_52 = arith.addi %mul3A_2, %add3A_51 : i32
    "tpu.region"() ({
      %run_scoped3A = tpu.sem_alloc : memref<!tpu.dma_semaphore, #tpu.memory_space<semaphore_mem>>
      %dma_start3A = arith.constant 0 : i32
      %dma_start3A_73 = tpu.memref_slice %arg5[%arg0, %add3A_52, %dma_start3A] : memref<2x10240x16xf32, #tpu.memory_space<hbm>> -> memref<1x80x16xf32, #tpu.memory_space<hbm>>
      %dma_start3A_74 = tpu.memref_squeeze %dma_start3A_73 : memref<1x80x16xf32, #tpu.memory_space<hbm>> -> memref<80x16xf32, #tpu.memory_space<hbm>>
      %dma_start3A_75 = arith.constant 0 : i32
      %dma_start3A_76 = tpu.memref_slice %arg5[%arg0, %add3A_52, %dma_start3A_75] : memref<2x10240x16xf32, #tpu.memory_space<hbm>> -> memref<1x80x16xf32, #tpu.memory_space<hbm>>
      %dma_start3A_77 = tpu.memref_squeeze %dma_start3A_76 : memref<1x80x16xf32, #tpu.memory_space<hbm>> -> memref<80x16xf32, #tpu.memory_space<hbm>>
      tpu.enqueue_dma source(%arg8 : memref<80x16xf32, #tpu.memory_space<vmem>>) target(%dma_start3A_77 : memref<80x16xf32, #tpu.memory_space<hbm>>) target_semaphore(%run_scoped3A : memref<!tpu.dma_semaphore, #tpu.memory_space<semaphore_mem>>)
      %dma_wait3A = arith.constant 0 : i32
      %dma_wait3A_78 = tpu.memref_slice %arg5[%arg0, %add3A_52, %dma_wait3A] : memref<2x10240x16xf32, #tpu.memory_space<hbm>> -> memref<1x80x16xf32, #tpu.memory_space<hbm>>
      %dma_wait3A_79 = tpu.memref_squeeze %dma_wait3A_78 : memref<1x80x16xf32, #tpu.memory_space<hbm>> -> memref<80x16xf32, #tpu.memory_space<hbm>>
      %dma_wait3A_80 = arith.constant 0 : i32
      %dma_wait3A_81 = tpu.memref_slice %arg5[%arg0, %add3A_52, %dma_wait3A_80] : memref<2x10240x16xf32, #tpu.memory_space<hbm>> -> memref<1x80x16xf32, #tpu.memory_space<hbm>>
      %dma_wait3A_82 = tpu.memref_squeeze %dma_wait3A_81 : memref<1x80x16xf32, #tpu.memory_space<hbm>> -> memref<80x16xf32, #tpu.memory_space<hbm>>
      tpu.wait_dma2 semaphore(%run_scoped3A : memref<!tpu.dma_semaphore, #tpu.memory_space<semaphore_mem>>) src(%arg8 : memref<80x16xf32, #tpu.memory_space<vmem>>) dst(%dma_wait3A_82 : memref<80x16xf32, #tpu.memory_space<hbm>>)
      tpu.yield
    }) : () -> ()
    %add3A_53 = arith.constant 240 : i32
    %add3A_54 = arith.addi %mul3A_2, %add3A_53 : i32
    "tpu.region"() ({
      %run_scoped3A = tpu.sem_alloc : memref<!tpu.dma_semaphore, #tpu.memory_space<semaphore_mem>>
      %dma_start3A = arith.constant 0 : i32
      %dma_start3A_73 = tpu.memref_slice %arg9[%add3A_54, %dma_start3A] : memref<10240x16xf32, #tpu.memory_space<vmem_shared>> -> memref<80x16xf32, #tpu.memory_space<vmem_shared>>
      %dma_start3A_74 = arith.constant 0 : i32
      %dma_start3A_75 = tpu.memref_slice %arg9[%add3A_54, %dma_start3A_74] : memref<10240x16xf32, #tpu.memory_space<vmem_shared>> -> memref<80x16xf32, #tpu.memory_space<vmem_shared>>
      tpu.enqueue_dma source(%dma_start3A_75 : memref<80x16xf32, #tpu.memory_space<vmem_shared>>) target(%arg8 : memref<80x16xf32, #tpu.memory_space<vmem>>) target_semaphore(%run_scoped3A : memref<!tpu.dma_semaphore, #tpu.memory_space<semaphore_mem>>)
      %dma_wait3A = arith.constant 0 : i32
      %dma_wait3A_76 = tpu.memref_slice %arg9[%add3A_54, %dma_wait3A] : memref<10240x16xf32, #tpu.memory_space<vmem_shared>> -> memref<80x16xf32, #tpu.memory_space<vmem_shared>>
      %dma_wait3A_77 = arith.constant 0 : i32
      %dma_wait3A_78 = tpu.memref_slice %arg9[%add3A_54, %dma_wait3A_77] : memref<10240x16xf32, #tpu.memory_space<vmem_shared>> -> memref<80x16xf32, #tpu.memory_space<vmem_shared>>
      tpu.wait_dma2 semaphore(%run_scoped3A : memref<!tpu.dma_semaphore, #tpu.memory_space<semaphore_mem>>) src(%dma_wait3A_78 : memref<80x16xf32, #tpu.memory_space<vmem_shared>>) dst(%arg8 : memref<80x16xf32, #tpu.memory_space<vmem>>)
      tpu.yield
    }) : () -> ()
    %add3A_55 = arith.constant 240 : i32
    %add3A_56 = arith.addi %mul3A_2, %add3A_55 : i32
    "tpu.region"() ({
      %run_scoped3A = tpu.sem_alloc : memref<!tpu.dma_semaphore, #tpu.memory_space<semaphore_mem>>
      %dma_start3A = arith.constant 0 : i32
      %dma_start3A_73 = tpu.memref_slice %arg5[%arg0, %add3A_56, %dma_start3A] : memref<2x10240x16xf32, #tpu.memory_space<hbm>> -> memref<1x80x16xf32, #tpu.memory_space<hbm>>
      %dma_start3A_74 = tpu.memref_squeeze %dma_start3A_73 : memref<1x80x16xf32, #tpu.memory_space<hbm>> -> memref<80x16xf32, #tpu.memory_space<hbm>>
      %dma_start3A_75 = arith.constant 0 : i32
      %dma_start3A_76 = tpu.memref_slice %arg5[%arg0, %add3A_56, %dma_start3A_75] : memref<2x10240x16xf32, #tpu.memory_space<hbm>> -> memref<1x80x16xf32, #tpu.memory_space<hbm>>
      %dma_start3A_77 = tpu.memref_squeeze %dma_start3A_76 : memref<1x80x16xf32, #tpu.memory_space<hbm>> -> memref<80x16xf32, #tpu.memory_space<hbm>>
      tpu.enqueue_dma source(%arg8 : memref<80x16xf32, #tpu.memory_space<vmem>>) target(%dma_start3A_77 : memref<80x16xf32, #tpu.memory_space<hbm>>) target_semaphore(%run_scoped3A : memref<!tpu.dma_semaphore, #tpu.memory_space<semaphore_mem>>)
      %dma_wait3A = arith.constant 0 : i32
      %dma_wait3A_78 = tpu.memref_slice %arg5[%arg0, %add3A_56, %dma_wait3A] : memref<2x10240x16xf32, #tpu.memory_space<hbm>> -> memref<1x80x16xf32, #tpu.memory_space<hbm>>
      %dma_wait3A_79 = tpu.memref_squeeze %dma_wait3A_78 : memref<1x80x16xf32, #tpu.memory_space<hbm>> -> memref<80x16xf32, #tpu.memory_space<hbm>>
      %dma_wait3A_80 = arith.constant 0 : i32
      %dma_wait3A_81 = tpu.memref_slice %arg5[%arg0, %add3A_56, %dma_wait3A_80] : memref<2x10240x16xf32, #tpu.memory_space<hbm>> -> memref<1x80x16xf32, #tpu.memory_space<hbm>>
      %dma_wait3A_82 = tpu.memref_squeeze %dma_wait3A_81 : memref<1x80x16xf32, #tpu.memory_space<hbm>> -> memref<80x16xf32, #tpu.memory_space<hbm>>
      tpu.wait_dma2 semaphore(%run_scoped3A : memref<!tpu.dma_semaphore, #tpu.memory_space<semaphore_mem>>) src(%arg8 : memref<80x16xf32, #tpu.memory_space<vmem>>) dst(%dma_wait3A_82 : memref<80x16xf32, #tpu.memory_space<hbm>>)
      tpu.yield
    }) : () -> ()
    %add3A_57 = arith.constant 320 : i32
    %add3A_58 = arith.addi %mul3A_2, %add3A_57 : i32
    "tpu.region"() ({
      %run_scoped3A = tpu.sem_alloc : memref<!tpu.dma_semaphore, #tpu.memory_space<semaphore_mem>>
      %dma_start3A = arith.constant 0 : i32
      %dma_start3A_73 = tpu.memref_slice %arg9[%add3A_58, %dma_start3A] : memref<10240x16xf32, #tpu.memory_space<vmem_shared>> -> memref<80x16xf32, #tpu.memory_space<vmem_shared>>
      %dma_start3A_74 = arith.constant 0 : i32
      %dma_start3A_75 = tpu.memref_slice %arg9[%add3A_58, %dma_start3A_74] : memref<10240x16xf32, #tpu.memory_space<vmem_shared>> -> memref<80x16xf32, #tpu.memory_space<vmem_shared>>
      tpu.enqueue_dma source(%dma_start3A_75 : memref<80x16xf32, #tpu.memory_space<vmem_shared>>) target(%arg8 : memref<80x16xf32, #tpu.memory_space<vmem>>) target_semaphore(%run_scoped3A : memref<!tpu.dma_semaphore, #tpu.memory_space<semaphore_mem>>)
      %dma_wait3A = arith.constant 0 : i32
      %dma_wait3A_76 = tpu.memref_slice %arg9[%add3A_58, %dma_wait3A] : memref<10240x16xf32, #tpu.memory_space<vmem_shared>> -> memref<80x16xf32, #tpu.memory_space<vmem_shared>>
      %dma_wait3A_77 = arith.constant 0 : i32
      %dma_wait3A_78 = tpu.memref_slice %arg9[%add3A_58, %dma_wait3A_77] : memref<10240x16xf32, #tpu.memory_space<vmem_shared>> -> memref<80x16xf32, #tpu.memory_space<vmem_shared>>
      tpu.wait_dma2 semaphore(%run_scoped3A : memref<!tpu.dma_semaphore, #tpu.memory_space<semaphore_mem>>) src(%dma_wait3A_78 : memref<80x16xf32, #tpu.memory_space<vmem_shared>>) dst(%arg8 : memref<80x16xf32, #tpu.memory_space<vmem>>)
      tpu.yield
    }) : () -> ()
    %add3A_59 = arith.constant 320 : i32
    %add3A_60 = arith.addi %mul3A_2, %add3A_59 : i32
    "tpu.region"() ({
      %run_scoped3A = tpu.sem_alloc : memref<!tpu.dma_semaphore, #tpu.memory_space<semaphore_mem>>
      %dma_start3A = arith.constant 0 : i32
      %dma_start3A_73 = tpu.memref_slice %arg5[%arg0, %add3A_60, %dma_start3A] : memref<2x10240x16xf32, #tpu.memory_space<hbm>> -> memref<1x80x16xf32, #tpu.memory_space<hbm>>
      %dma_start3A_74 = tpu.memref_squeeze %dma_start3A_73 : memref<1x80x16xf32, #tpu.memory_space<hbm>> -> memref<80x16xf32, #tpu.memory_space<hbm>>
      %dma_start3A_75 = arith.constant 0 : i32
      %dma_start3A_76 = tpu.memref_slice %arg5[%arg0, %add3A_60, %dma_start3A_75] : memref<2x10240x16xf32, #tpu.memory_space<hbm>> -> memref<1x80x16xf32, #tpu.memory_space<hbm>>
      %dma_start3A_77 = tpu.memref_squeeze %dma_start3A_76 : memref<1x80x16xf32, #tpu.memory_space<hbm>> -> memref<80x16xf32, #tpu.memory_space<hbm>>
      tpu.enqueue_dma source(%arg8 : memref<80x16xf32, #tpu.memory_space<vmem>>) target(%dma_start3A_77 : memref<80x16xf32, #tpu.memory_space<hbm>>) target_semaphore(%run_scoped3A : memref<!tpu.dma_semaphore, #tpu.memory_space<semaphore_mem>>)
      %dma_wait3A = arith.constant 0 : i32
      %dma_wait3A_78 = tpu.memref_slice %arg5[%arg0, %add3A_60, %dma_wait3A] : memref<2x10240x16xf32, #tpu.memory_space<hbm>> -> memref<1x80x16xf32, #tpu.memory_space<hbm>>
      %dma_wait3A_79 = tpu.memref_squeeze %dma_wait3A_78 : memref<1x80x16xf32, #tpu.memory_space<hbm>> -> memref<80x16xf32, #tpu.memory_space<hbm>>
      %dma_wait3A_80 = arith.constant 0 : i32
      %dma_wait3A_81 = tpu.memref_slice %arg5[%arg0, %add3A_60, %dma_wait3A_80] : memref<2x10240x16xf32, #tpu.memory_space<hbm>> -> memref<1x80x16xf32, #tpu.memory_space<hbm>>
      %dma_wait3A_82 = tpu.memref_squeeze %dma_wait3A_81 : memref<1x80x16xf32, #tpu.memory_space<hbm>> -> memref<80x16xf32, #tpu.memory_space<hbm>>
      tpu.wait_dma2 semaphore(%run_scoped3A : memref<!tpu.dma_semaphore, #tpu.memory_space<semaphore_mem>>) src(%arg8 : memref<80x16xf32, #tpu.memory_space<vmem>>) dst(%dma_wait3A_82 : memref<80x16xf32, #tpu.memory_space<hbm>>)
      tpu.yield
    }) : () -> ()
    %add3A_61 = arith.constant 400 : i32
    %add3A_62 = arith.addi %mul3A_2, %add3A_61 : i32
    "tpu.region"() ({
      %run_scoped3A = tpu.sem_alloc : memref<!tpu.dma_semaphore, #tpu.memory_space<semaphore_mem>>
      %dma_start3A = arith.constant 0 : i32
      %dma_start3A_73 = tpu.memref_slice %arg9[%add3A_62, %dma_start3A] : memref<10240x16xf32, #tpu.memory_space<vmem_shared>> -> memref<80x16xf32, #tpu.memory_space<vmem_shared>>
      %dma_start3A_74 = arith.constant 0 : i32
      %dma_start3A_75 = tpu.memref_slice %arg9[%add3A_62, %dma_start3A_74] : memref<10240x16xf32, #tpu.memory_space<vmem_shared>> -> memref<80x16xf32, #tpu.memory_space<vmem_shared>>
      tpu.enqueue_dma source(%dma_start3A_75 : memref<80x16xf32, #tpu.memory_space<vmem_shared>>) target(%arg8 : memref<80x16xf32, #tpu.memory_space<vmem>>) target_semaphore(%run_scoped3A : memref<!tpu.dma_semaphore, #tpu.memory_space<semaphore_mem>>)
      %dma_wait3A = arith.constant 0 : i32
      %dma_wait3A_76 = tpu.memref_slice %arg9[%add3A_62, %dma_wait3A] : memref<10240x16xf32, #tpu.memory_space<vmem_shared>> -> memref<80x16xf32, #tpu.memory_space<vmem_shared>>
      %dma_wait3A_77 = arith.constant 0 : i32
      %dma_wait3A_78 = tpu.memref_slice %arg9[%add3A_62, %dma_wait3A_77] : memref<10240x16xf32, #tpu.memory_space<vmem_shared>> -> memref<80x16xf32, #tpu.memory_space<vmem_shared>>
      tpu.wait_dma2 semaphore(%run_scoped3A : memref<!tpu.dma_semaphore, #tpu.memory_space<semaphore_mem>>) src(%dma_wait3A_78 : memref<80x16xf32, #tpu.memory_space<vmem_shared>>) dst(%arg8 : memref<80x16xf32, #tpu.memory_space<vmem>>)
      tpu.yield
    }) : () -> ()
    %add3A_63 = arith.constant 400 : i32
    %add3A_64 = arith.addi %mul3A_2, %add3A_63 : i32
    "tpu.region"() ({
      %run_scoped3A = tpu.sem_alloc : memref<!tpu.dma_semaphore, #tpu.memory_space<semaphore_mem>>
      %dma_start3A = arith.constant 0 : i32
      %dma_start3A_73 = tpu.memref_slice %arg5[%arg0, %add3A_64, %dma_start3A] : memref<2x10240x16xf32, #tpu.memory_space<hbm>> -> memref<1x80x16xf32, #tpu.memory_space<hbm>>
      %dma_start3A_74 = tpu.memref_squeeze %dma_start3A_73 : memref<1x80x16xf32, #tpu.memory_space<hbm>> -> memref<80x16xf32, #tpu.memory_space<hbm>>
      %dma_start3A_75 = arith.constant 0 : i32
      %dma_start3A_76 = tpu.memref_slice %arg5[%arg0, %add3A_64, %dma_start3A_75] : memref<2x10240x16xf32, #tpu.memory_space<hbm>> -> memref<1x80x16xf32, #tpu.memory_space<hbm>>
      %dma_start3A_77 = tpu.memref_squeeze %dma_start3A_76 : memref<1x80x16xf32, #tpu.memory_space<hbm>> -> memref<80x16xf32, #tpu.memory_space<hbm>>
      tpu.enqueue_dma source(%arg8 : memref<80x16xf32, #tpu.memory_space<vmem>>) target(%dma_start3A_77 : memref<80x16xf32, #tpu.memory_space<hbm>>) target_semaphore(%run_scoped3A : memref<!tpu.dma_semaphore, #tpu.memory_space<semaphore_mem>>)
      %dma_wait3A = arith.constant 0 : i32
      %dma_wait3A_78 = tpu.memref_slice %arg5[%arg0, %add3A_64, %dma_wait3A] : memref<2x10240x16xf32, #tpu.memory_space<hbm>> -> memref<1x80x16xf32, #tpu.memory_space<hbm>>
      %dma_wait3A_79 = tpu.memref_squeeze %dma_wait3A_78 : memref<1x80x16xf32, #tpu.memory_space<hbm>> -> memref<80x16xf32, #tpu.memory_space<hbm>>
      %dma_wait3A_80 = arith.constant 0 : i32
      %dma_wait3A_81 = tpu.memref_slice %arg5[%arg0, %add3A_64, %dma_wait3A_80] : memref<2x10240x16xf32, #tpu.memory_space<hbm>> -> memref<1x80x16xf32, #tpu.memory_space<hbm>>
      %dma_wait3A_82 = tpu.memref_squeeze %dma_wait3A_81 : memref<1x80x16xf32, #tpu.memory_space<hbm>> -> memref<80x16xf32, #tpu.memory_space<hbm>>
      tpu.wait_dma2 semaphore(%run_scoped3A : memref<!tpu.dma_semaphore, #tpu.memory_space<semaphore_mem>>) src(%arg8 : memref<80x16xf32, #tpu.memory_space<vmem>>) dst(%dma_wait3A_82 : memref<80x16xf32, #tpu.memory_space<hbm>>)
      tpu.yield
    }) : () -> ()
    %add3A_65 = arith.constant 480 : i32
    %add3A_66 = arith.addi %mul3A_2, %add3A_65 : i32
    "tpu.region"() ({
      %run_scoped3A = tpu.sem_alloc : memref<!tpu.dma_semaphore, #tpu.memory_space<semaphore_mem>>
      %dma_start3A = arith.constant 0 : i32
      %dma_start3A_73 = tpu.memref_slice %arg9[%add3A_66, %dma_start3A] : memref<10240x16xf32, #tpu.memory_space<vmem_shared>> -> memref<80x16xf32, #tpu.memory_space<vmem_shared>>
      %dma_start3A_74 = arith.constant 0 : i32
      %dma_start3A_75 = tpu.memref_slice %arg9[%add3A_66, %dma_start3A_74] : memref<10240x16xf32, #tpu.memory_space<vmem_shared>> -> memref<80x16xf32, #tpu.memory_space<vmem_shared>>
      tpu.enqueue_dma source(%dma_start3A_75 : memref<80x16xf32, #tpu.memory_space<vmem_shared>>) target(%arg8 : memref<80x16xf32, #tpu.memory_space<vmem>>) target_semaphore(%run_scoped3A : memref<!tpu.dma_semaphore, #tpu.memory_space<semaphore_mem>>)
      %dma_wait3A = arith.constant 0 : i32
      %dma_wait3A_76 = tpu.memref_slice %arg9[%add3A_66, %dma_wait3A] : memref<10240x16xf32, #tpu.memory_space<vmem_shared>> -> memref<80x16xf32, #tpu.memory_space<vmem_shared>>
      %dma_wait3A_77 = arith.constant 0 : i32
      %dma_wait3A_78 = tpu.memref_slice %arg9[%add3A_66, %dma_wait3A_77] : memref<10240x16xf32, #tpu.memory_space<vmem_shared>> -> memref<80x16xf32, #tpu.memory_space<vmem_shared>>
      tpu.wait_dma2 semaphore(%run_scoped3A : memref<!tpu.dma_semaphore, #tpu.memory_space<semaphore_mem>>) src(%dma_wait3A_78 : memref<80x16xf32, #tpu.memory_space<vmem_shared>>) dst(%arg8 : memref<80x16xf32, #tpu.memory_space<vmem>>)
      tpu.yield
    }) : () -> ()
    %add3A_67 = arith.constant 480 : i32
    %add3A_68 = arith.addi %mul3A_2, %add3A_67 : i32
    "tpu.region"() ({
      %run_scoped3A = tpu.sem_alloc : memref<!tpu.dma_semaphore, #tpu.memory_space<semaphore_mem>>
      %dma_start3A = arith.constant 0 : i32
      %dma_start3A_73 = tpu.memref_slice %arg5[%arg0, %add3A_68, %dma_start3A] : memref<2x10240x16xf32, #tpu.memory_space<hbm>> -> memref<1x80x16xf32, #tpu.memory_space<hbm>>
      %dma_start3A_74 = tpu.memref_squeeze %dma_start3A_73 : memref<1x80x16xf32, #tpu.memory_space<hbm>> -> memref<80x16xf32, #tpu.memory_space<hbm>>
      %dma_start3A_75 = arith.constant 0 : i32
      %dma_start3A_76 = tpu.memref_slice %arg5[%arg0, %add3A_68, %dma_start3A_75] : memref<2x10240x16xf32, #tpu.memory_space<hbm>> -> memref<1x80x16xf32, #tpu.memory_space<hbm>>
      %dma_start3A_77 = tpu.memref_squeeze %dma_start3A_76 : memref<1x80x16xf32, #tpu.memory_space<hbm>> -> memref<80x16xf32, #tpu.memory_space<hbm>>
      tpu.enqueue_dma source(%arg8 : memref<80x16xf32, #tpu.memory_space<vmem>>) target(%dma_start3A_77 : memref<80x16xf32, #tpu.memory_space<hbm>>) target_semaphore(%run_scoped3A : memref<!tpu.dma_semaphore, #tpu.memory_space<semaphore_mem>>)
      %dma_wait3A = arith.constant 0 : i32
      %dma_wait3A_78 = tpu.memref_slice %arg5[%arg0, %add3A_68, %dma_wait3A] : memref<2x10240x16xf32, #tpu.memory_space<hbm>> -> memref<1x80x16xf32, #tpu.memory_space<hbm>>
      %dma_wait3A_79 = tpu.memref_squeeze %dma_wait3A_78 : memref<1x80x16xf32, #tpu.memory_space<hbm>> -> memref<80x16xf32, #tpu.memory_space<hbm>>
      %dma_wait3A_80 = arith.constant 0 : i32
      %dma_wait3A_81 = tpu.memref_slice %arg5[%arg0, %add3A_68, %dma_wait3A_80] : memref<2x10240x16xf32, #tpu.memory_space<hbm>> -> memref<1x80x16xf32, #tpu.memory_space<hbm>>
      %dma_wait3A_82 = tpu.memref_squeeze %dma_wait3A_81 : memref<1x80x16xf32, #tpu.memory_space<hbm>> -> memref<80x16xf32, #tpu.memory_space<hbm>>
      tpu.wait_dma2 semaphore(%run_scoped3A : memref<!tpu.dma_semaphore, #tpu.memory_space<semaphore_mem>>) src(%arg8 : memref<80x16xf32, #tpu.memory_space<vmem>>) dst(%dma_wait3A_82 : memref<80x16xf32, #tpu.memory_space<hbm>>)
      tpu.yield
    }) : () -> ()
    %add3A_69 = arith.constant 560 : i32
    %add3A_70 = arith.addi %mul3A_2, %add3A_69 : i32
    "tpu.region"() ({
      %run_scoped3A = tpu.sem_alloc : memref<!tpu.dma_semaphore, #tpu.memory_space<semaphore_mem>>
      %dma_start3A = arith.constant 0 : i32
      %dma_start3A_73 = tpu.memref_slice %arg9[%add3A_70, %dma_start3A] : memref<10240x16xf32, #tpu.memory_space<vmem_shared>> -> memref<80x16xf32, #tpu.memory_space<vmem_shared>>
      %dma_start3A_74 = arith.constant 0 : i32
      %dma_start3A_75 = tpu.memref_slice %arg9[%add3A_70, %dma_start3A_74] : memref<10240x16xf32, #tpu.memory_space<vmem_shared>> -> memref<80x16xf32, #tpu.memory_space<vmem_shared>>
      tpu.enqueue_dma source(%dma_start3A_75 : memref<80x16xf32, #tpu.memory_space<vmem_shared>>) target(%arg8 : memref<80x16xf32, #tpu.memory_space<vmem>>) target_semaphore(%run_scoped3A : memref<!tpu.dma_semaphore, #tpu.memory_space<semaphore_mem>>)
      %dma_wait3A = arith.constant 0 : i32
      %dma_wait3A_76 = tpu.memref_slice %arg9[%add3A_70, %dma_wait3A] : memref<10240x16xf32, #tpu.memory_space<vmem_shared>> -> memref<80x16xf32, #tpu.memory_space<vmem_shared>>
      %dma_wait3A_77 = arith.constant 0 : i32
      %dma_wait3A_78 = tpu.memref_slice %arg9[%add3A_70, %dma_wait3A_77] : memref<10240x16xf32, #tpu.memory_space<vmem_shared>> -> memref<80x16xf32, #tpu.memory_space<vmem_shared>>
      tpu.wait_dma2 semaphore(%run_scoped3A : memref<!tpu.dma_semaphore, #tpu.memory_space<semaphore_mem>>) src(%dma_wait3A_78 : memref<80x16xf32, #tpu.memory_space<vmem_shared>>) dst(%arg8 : memref<80x16xf32, #tpu.memory_space<vmem>>)
      tpu.yield
    }) : () -> ()
    %add3A_71 = arith.constant 560 : i32
    %add3A_72 = arith.addi %mul3A_2, %add3A_71 : i32
    "tpu.region"() ({
      %run_scoped3A = tpu.sem_alloc : memref<!tpu.dma_semaphore, #tpu.memory_space<semaphore_mem>>
      %dma_start3A = arith.constant 0 : i32
      %dma_start3A_73 = tpu.memref_slice %arg5[%arg0, %add3A_72, %dma_start3A] : memref<2x10240x16xf32, #tpu.memory_space<hbm>> -> memref<1x80x16xf32, #tpu.memory_space<hbm>>
      %dma_start3A_74 = tpu.memref_squeeze %dma_start3A_73 : memref<1x80x16xf32, #tpu.memory_space<hbm>> -> memref<80x16xf32, #tpu.memory_space<hbm>>
      %dma_start3A_75 = arith.constant 0 : i32
      %dma_start3A_76 = tpu.memref_slice %arg5[%arg0, %add3A_72, %dma_start3A_75] : memref<2x10240x16xf32, #tpu.memory_space<hbm>> -> memref<1x80x16xf32, #tpu.memory_space<hbm>>
      %dma_start3A_77 = tpu.memref_squeeze %dma_start3A_76 : memref<1x80x16xf32, #tpu.memory_space<hbm>> -> memref<80x16xf32, #tpu.memory_space<hbm>>
      tpu.enqueue_dma source(%arg8 : memref<80x16xf32, #tpu.memory_space<vmem>>) target(%dma_start3A_77 : memref<80x16xf32, #tpu.memory_space<hbm>>) target_semaphore(%run_scoped3A : memref<!tpu.dma_semaphore, #tpu.memory_space<semaphore_mem>>)
      %dma_wait3A = arith.constant 0 : i32
      %dma_wait3A_78 = tpu.memref_slice %arg5[%arg0, %add3A_72, %dma_wait3A] : memref<2x10240x16xf32, #tpu.memory_space<hbm>> -> memref<1x80x16xf32, #tpu.memory_space<hbm>>
      %dma_wait3A_79 = tpu.memref_squeeze %dma_wait3A_78 : memref<1x80x16xf32, #tpu.memory_space<hbm>> -> memref<80x16xf32, #tpu.memory_space<hbm>>
      %dma_wait3A_80 = arith.constant 0 : i32
      %dma_wait3A_81 = tpu.memref_slice %arg5[%arg0, %add3A_72, %dma_wait3A_80] : memref<2x10240x16xf32, #tpu.memory_space<hbm>> -> memref<1x80x16xf32, #tpu.memory_space<hbm>>
      %dma_wait3A_82 = tpu.memref_squeeze %dma_wait3A_81 : memref<1x80x16xf32, #tpu.memory_space<hbm>> -> memref<80x16xf32, #tpu.memory_space<hbm>>
      tpu.wait_dma2 semaphore(%run_scoped3A : memref<!tpu.dma_semaphore, #tpu.memory_space<semaphore_mem>>) src(%arg8 : memref<80x16xf32, #tpu.memory_space<vmem>>) dst(%dma_wait3A_82 : memref<80x16xf32, #tpu.memory_space<hbm>>)
      tpu.yield
    }) : () -> ()
    return
  }
}

#map = affine_map<(d0, d1) -> (0)>
#map1 = affine_map<(d0, d1) -> (0, 0)>
#map2 = affine_map<(d0, d1) -> (0, 0, 0)>
module attributes {stable_mosaic.version = 14 : i64} {
  func.func @k(%arg0: i32, %arg1: i32, %arg2: memref<327680xi32, #tpu.memory_space<hbm>>, %arg3: memref<327680xi32, #tpu.memory_space<hbm>>, %arg4: memref<10000x128xf32, #tpu.memory_space<hbm>>, %arg5: memref<10240x128xf32, #tpu.memory_space<hbm>>, %arg6: memref<2x10240x128xf32, #tpu.memory_space<hbm>>, %arg7: memref<128xi32, #tpu.memory_space<vmem>>, %arg8: memref<128xi32, #tpu.memory_space<vmem>>, %arg9: memref<128xi32, #tpu.memory_space<vmem>>, %arg10: memref<128xi32, #tpu.memory_space<vmem>>, %arg11: memref<128xi32, #tpu.memory_space<vmem>>, %arg12: memref<128xi32, #tpu.memory_space<vmem>>, %arg13: memref<128xi32, #tpu.memory_space<vmem>>, %arg14: memref<128xi32, #tpu.memory_space<vmem>>, %arg15: memref<128x128xf32, #tpu.memory_space<vmem>>, %arg16: memref<128x128xf32, #tpu.memory_space<vmem>>, %arg17: memref<80x128xf32, #tpu.memory_space<vmem>>, %arg18: memref<10240x128xf32, #tpu.memory_space<vmem_shared>>, %arg19: memref<!tpu.dma_semaphore, #tpu.memory_space<semaphore_mem>>, %arg20: memref<!tpu.dma_semaphore, #tpu.memory_space<semaphore_mem>>, %arg21: memref<!tpu.dma_semaphore, #tpu.memory_space<semaphore_mem>>, %arg22: memref<!tpu.dma_semaphore, #tpu.memory_space<semaphore_mem>>, %arg23: memref<!tpu.dma_semaphore, #tpu.memory_space<semaphore_mem>>, %arg24: memref<!tpu.dma_semaphore, #tpu.memory_space<semaphore_mem>>, %arg25: memref<!tpu.dma_semaphore, #tpu.memory_space<semaphore_mem>>, %arg26: memref<!tpu.dma_semaphore, #tpu.memory_space<semaphore_mem>>) attributes {dimension_semantics = [#tpu.dimension_semantics<core_parallel>, #tpu.dimension_semantics<subcore_parallel>], iteration_bounds = array<i64: 2, 16>, scalar_prefetch = 0 : i64, scratch_operands = 20 : i64, tpu.core_type = #tpu.core_type<sc_vector_subcore>, window_params = [{transform_indices = #map}, {transform_indices = #map}, {transform_indices = #map1}, {transform_indices = #map1}, {transform_indices = #map2}]} {
    %mul3A = arith.constant 2 : i32
    %mul3A_0 = arith.muli %arg1, %mul3A : i32
    %add3A = arith.addi %mul3A_0, %arg0 : i32
    %mul3A_1 = arith.constant 10240 : i32
    %mul3A_2 = arith.muli %add3A, %mul3A_1 : i32
    %mul3A_3 = arith.constant 640 : i32
    %mul3A_4 = arith.muli %arg1, %mul3A_3 : i32
    %add3A_5 = arith.constant 0 : i32
    %add3A_6 = arith.addi %mul3A_4, %add3A_5 : i32
    "tpu.region"() ({
      %run_scoped3A = tpu.sem_alloc : memref<!tpu.dma_semaphore, #tpu.memory_space<semaphore_mem>>
      %dma_start3A = arith.constant 0 : i32
      %dma_start3A_77 = tpu.memref_slice %arg5[%add3A_6, %dma_start3A] : memref<10240x128xf32, #tpu.memory_space<hbm>> -> memref<80x128xf32, #tpu.memory_space<hbm>>
      %dma_start3A_78 = arith.constant 0 : i32
      %dma_start3A_79 = tpu.memref_slice %arg5[%add3A_6, %dma_start3A_78] : memref<10240x128xf32, #tpu.memory_space<hbm>> -> memref<80x128xf32, #tpu.memory_space<hbm>>
      tpu.enqueue_dma source(%dma_start3A_79 : memref<80x128xf32, #tpu.memory_space<hbm>>) target(%arg17 : memref<80x128xf32, #tpu.memory_space<vmem>>) target_semaphore(%run_scoped3A : memref<!tpu.dma_semaphore, #tpu.memory_space<semaphore_mem>>)
      %dma_wait3A_80 = arith.constant 0 : i32
      %dma_wait3A_81 = tpu.memref_slice %arg5[%add3A_6, %dma_wait3A_80] : memref<10240x128xf32, #tpu.memory_space<hbm>> -> memref<80x128xf32, #tpu.memory_space<hbm>>
      %dma_wait3A_82 = arith.constant 0 : i32
      %dma_wait3A_83 = tpu.memref_slice %arg5[%add3A_6, %dma_wait3A_82] : memref<10240x128xf32, #tpu.memory_space<hbm>> -> memref<80x128xf32, #tpu.memory_space<hbm>>
      tpu.wait_dma2 semaphore(%run_scoped3A : memref<!tpu.dma_semaphore, #tpu.memory_space<semaphore_mem>>) src(%dma_wait3A_83 : memref<80x128xf32, #tpu.memory_space<hbm>>) dst(%arg17 : memref<80x128xf32, #tpu.memory_space<vmem>>)
      tpu.yield
    }) : () -> ()
    %add3A_7 = arith.constant 0 : i32
    %add3A_8 = arith.addi %mul3A_4, %add3A_7 : i32
    "tpu.region"() ({
      %run_scoped3A = tpu.sem_alloc : memref<!tpu.dma_semaphore, #tpu.memory_space<semaphore_mem>>
      %dma_start3A = arith.constant 0 : i32
      %dma_start3A_77 = tpu.memref_slice %arg18[%add3A_8, %dma_start3A] : memref<10240x128xf32, #tpu.memory_space<vmem_shared>> -> memref<80x128xf32, #tpu.memory_space<vmem_shared>>
      %dma_start3A_78 = arith.constant 0 : i32
      %dma_start3A_79 = tpu.memref_slice %arg18[%add3A_8, %dma_start3A_78] : memref<10240x128xf32, #tpu.memory_space<vmem_shared>> -> memref<80x128xf32, #tpu.memory_space<vmem_shared>>
      tpu.enqueue_dma source(%arg17 : memref<80x128xf32, #tpu.memory_space<vmem>>) target(%dma_start3A_79 : memref<80x128xf32, #tpu.memory_space<vmem_shared>>) target_semaphore(%run_scoped3A : memref<!tpu.dma_semaphore, #tpu.memory_space<semaphore_mem>>)
      %dma_wait3A_80 = arith.constant 0 : i32
      %dma_wait3A_81 = tpu.memref_slice %arg18[%add3A_8, %dma_wait3A_80] : memref<10240x128xf32, #tpu.memory_space<vmem_shared>> -> memref<80x128xf32, #tpu.memory_space<vmem_shared>>
      %dma_wait3A_82 = arith.constant 0 : i32
      %dma_wait3A_83 = tpu.memref_slice %arg18[%add3A_8, %dma_wait3A_82] : memref<10240x128xf32, #tpu.memory_space<vmem_shared>> -> memref<80x128xf32, #tpu.memory_space<vmem_shared>>
      tpu.wait_dma2 semaphore(%run_scoped3A : memref<!tpu.dma_semaphore, #tpu.memory_space<semaphore_mem>>) src(%arg17 : memref<80x128xf32, #tpu.memory_space<vmem>>) dst(%dma_wait3A_83 : memref<80x128xf32, #tpu.memory_space<vmem_shared>>)
      tpu.yield
    }) : () -> ()
    %add3A_9 = arith.constant 80 : i32
    %add3A_10 = arith.addi %mul3A_4, %add3A_9 : i32
    "tpu.region"() ({
      %run_scoped3A = tpu.sem_alloc : memref<!tpu.dma_semaphore, #tpu.memory_space<semaphore_mem>>
      %dma_start3A = arith.constant 0 : i32
      %dma_start3A_77 = tpu.memref_slice %arg5[%add3A_10, %dma_start3A] : memref<10240x128xf32, #tpu.memory_space<hbm>> -> memref<80x128xf32, #tpu.memory_space<hbm>>
      %dma_start3A_78 = arith.constant 0 : i32
      %dma_start3A_79 = tpu.memref_slice %arg5[%add3A_10, %dma_start3A_78] : memref<10240x128xf32, #tpu.memory_space<hbm>> -> memref<80x128xf32, #tpu.memory_space<hbm>>
      tpu.enqueue_dma source(%dma_start3A_79 : memref<80x128xf32, #tpu.memory_space<hbm>>) target(%arg17 : memref<80x128xf32, #tpu.memory_space<vmem>>) target_semaphore(%run_scoped3A : memref<!tpu.dma_semaphore, #tpu.memory_space<semaphore_mem>>)
      %dma_wait3A_80 = arith.constant 0 : i32
      %dma_wait3A_81 = tpu.memref_slice %arg5[%add3A_10, %dma_wait3A_80] : memref<10240x128xf32, #tpu.memory_space<hbm>> -> memref<80x128xf32, #tpu.memory_space<hbm>>
      %dma_wait3A_82 = arith.constant 0 : i32
      %dma_wait3A_83 = tpu.memref_slice %arg5[%add3A_10, %dma_wait3A_82] : memref<10240x128xf32, #tpu.memory_space<hbm>> -> memref<80x128xf32, #tpu.memory_space<hbm>>
      tpu.wait_dma2 semaphore(%run_scoped3A : memref<!tpu.dma_semaphore, #tpu.memory_space<semaphore_mem>>) src(%dma_wait3A_83 : memref<80x128xf32, #tpu.memory_space<hbm>>) dst(%arg17 : memref<80x128xf32, #tpu.memory_space<vmem>>)
      tpu.yield
    }) : () -> ()
    %add3A_11 = arith.constant 80 : i32
    %add3A_12 = arith.addi %mul3A_4, %add3A_11 : i32
    "tpu.region"() ({
      %run_scoped3A = tpu.sem_alloc : memref<!tpu.dma_semaphore, #tpu.memory_space<semaphore_mem>>
      %dma_start3A = arith.constant 0 : i32
      %dma_start3A_77 = tpu.memref_slice %arg18[%add3A_12, %dma_start3A] : memref<10240x128xf32, #tpu.memory_space<vmem_shared>> -> memref<80x128xf32, #tpu.memory_space<vmem_shared>>
      %dma_start3A_78 = arith.constant 0 : i32
      %dma_start3A_79 = tpu.memref_slice %arg18[%add3A_12, %dma_start3A_78] : memref<10240x128xf32, #tpu.memory_space<vmem_shared>> -> memref<80x128xf32, #tpu.memory_space<vmem_shared>>
      tpu.enqueue_dma source(%arg17 : memref<80x128xf32, #tpu.memory_space<vmem>>) target(%dma_start3A_79 : memref<80x128xf32, #tpu.memory_space<vmem_shared>>) target_semaphore(%run_scoped3A : memref<!tpu.dma_semaphore, #tpu.memory_space<semaphore_mem>>)
      %dma_wait3A_80 = arith.constant 0 : i32
      %dma_wait3A_81 = tpu.memref_slice %arg18[%add3A_12, %dma_wait3A_80] : memref<10240x128xf32, #tpu.memory_space<vmem_shared>> -> memref<80x128xf32, #tpu.memory_space<vmem_shared>>
      %dma_wait3A_82 = arith.constant 0 : i32
      %dma_wait3A_83 = tpu.memref_slice %arg18[%add3A_12, %dma_wait3A_82] : memref<10240x128xf32, #tpu.memory_space<vmem_shared>> -> memref<80x128xf32, #tpu.memory_space<vmem_shared>>
      tpu.wait_dma2 semaphore(%run_scoped3A : memref<!tpu.dma_semaphore, #tpu.memory_space<semaphore_mem>>) src(%arg17 : memref<80x128xf32, #tpu.memory_space<vmem>>) dst(%dma_wait3A_83 : memref<80x128xf32, #tpu.memory_space<vmem_shared>>)
      tpu.yield
    }) : () -> ()
    %add3A_13 = arith.constant 160 : i32
    %add3A_14 = arith.addi %mul3A_4, %add3A_13 : i32
    "tpu.region"() ({
      %run_scoped3A = tpu.sem_alloc : memref<!tpu.dma_semaphore, #tpu.memory_space<semaphore_mem>>
      %dma_start3A = arith.constant 0 : i32
      %dma_start3A_77 = tpu.memref_slice %arg5[%add3A_14, %dma_start3A] : memref<10240x128xf32, #tpu.memory_space<hbm>> -> memref<80x128xf32, #tpu.memory_space<hbm>>
      %dma_start3A_78 = arith.constant 0 : i32
      %dma_start3A_79 = tpu.memref_slice %arg5[%add3A_14, %dma_start3A_78] : memref<10240x128xf32, #tpu.memory_space<hbm>> -> memref<80x128xf32, #tpu.memory_space<hbm>>
      tpu.enqueue_dma source(%dma_start3A_79 : memref<80x128xf32, #tpu.memory_space<hbm>>) target(%arg17 : memref<80x128xf32, #tpu.memory_space<vmem>>) target_semaphore(%run_scoped3A : memref<!tpu.dma_semaphore, #tpu.memory_space<semaphore_mem>>)
      %dma_wait3A_80 = arith.constant 0 : i32
      %dma_wait3A_81 = tpu.memref_slice %arg5[%add3A_14, %dma_wait3A_80] : memref<10240x128xf32, #tpu.memory_space<hbm>> -> memref<80x128xf32, #tpu.memory_space<hbm>>
      %dma_wait3A_82 = arith.constant 0 : i32
      %dma_wait3A_83 = tpu.memref_slice %arg5[%add3A_14, %dma_wait3A_82] : memref<10240x128xf32, #tpu.memory_space<hbm>> -> memref<80x128xf32, #tpu.memory_space<hbm>>
      tpu.wait_dma2 semaphore(%run_scoped3A : memref<!tpu.dma_semaphore, #tpu.memory_space<semaphore_mem>>) src(%dma_wait3A_83 : memref<80x128xf32, #tpu.memory_space<hbm>>) dst(%arg17 : memref<80x128xf32, #tpu.memory_space<vmem>>)
      tpu.yield
    }) : () -> ()
    %add3A_15 = arith.constant 160 : i32
    %add3A_16 = arith.addi %mul3A_4, %add3A_15 : i32
    "tpu.region"() ({
      %run_scoped3A = tpu.sem_alloc : memref<!tpu.dma_semaphore, #tpu.memory_space<semaphore_mem>>
      %dma_start3A = arith.constant 0 : i32
      %dma_start3A_77 = tpu.memref_slice %arg18[%add3A_16, %dma_start3A] : memref<10240x128xf32, #tpu.memory_space<vmem_shared>> -> memref<80x128xf32, #tpu.memory_space<vmem_shared>>
      %dma_start3A_78 = arith.constant 0 : i32
      %dma_start3A_79 = tpu.memref_slice %arg18[%add3A_16, %dma_start3A_78] : memref<10240x128xf32, #tpu.memory_space<vmem_shared>> -> memref<80x128xf32, #tpu.memory_space<vmem_shared>>
      tpu.enqueue_dma source(%arg17 : memref<80x128xf32, #tpu.memory_space<vmem>>) target(%dma_start3A_79 : memref<80x128xf32, #tpu.memory_space<vmem_shared>>) target_semaphore(%run_scoped3A : memref<!tpu.dma_semaphore, #tpu.memory_space<semaphore_mem>>)
      %dma_wait3A_80 = arith.constant 0 : i32
      %dma_wait3A_81 = tpu.memref_slice %arg18[%add3A_16, %dma_wait3A_80] : memref<10240x128xf32, #tpu.memory_space<vmem_shared>> -> memref<80x128xf32, #tpu.memory_space<vmem_shared>>
      %dma_wait3A_82 = arith.constant 0 : i32
      %dma_wait3A_83 = tpu.memref_slice %arg18[%add3A_16, %dma_wait3A_82] : memref<10240x128xf32, #tpu.memory_space<vmem_shared>> -> memref<80x128xf32, #tpu.memory_space<vmem_shared>>
      tpu.wait_dma2 semaphore(%run_scoped3A : memref<!tpu.dma_semaphore, #tpu.memory_space<semaphore_mem>>) src(%arg17 : memref<80x128xf32, #tpu.memory_space<vmem>>) dst(%dma_wait3A_83 : memref<80x128xf32, #tpu.memory_space<vmem_shared>>)
      tpu.yield
    }) : () -> ()
    %add3A_17 = arith.constant 240 : i32
    %add3A_18 = arith.addi %mul3A_4, %add3A_17 : i32
    "tpu.region"() ({
      %run_scoped3A = tpu.sem_alloc : memref<!tpu.dma_semaphore, #tpu.memory_space<semaphore_mem>>
      %dma_start3A = arith.constant 0 : i32
      %dma_start3A_77 = tpu.memref_slice %arg5[%add3A_18, %dma_start3A] : memref<10240x128xf32, #tpu.memory_space<hbm>> -> memref<80x128xf32, #tpu.memory_space<hbm>>
      %dma_start3A_78 = arith.constant 0 : i32
      %dma_start3A_79 = tpu.memref_slice %arg5[%add3A_18, %dma_start3A_78] : memref<10240x128xf32, #tpu.memory_space<hbm>> -> memref<80x128xf32, #tpu.memory_space<hbm>>
      tpu.enqueue_dma source(%dma_start3A_79 : memref<80x128xf32, #tpu.memory_space<hbm>>) target(%arg17 : memref<80x128xf32, #tpu.memory_space<vmem>>) target_semaphore(%run_scoped3A : memref<!tpu.dma_semaphore, #tpu.memory_space<semaphore_mem>>)
      %dma_wait3A_80 = arith.constant 0 : i32
      %dma_wait3A_81 = tpu.memref_slice %arg5[%add3A_18, %dma_wait3A_80] : memref<10240x128xf32, #tpu.memory_space<hbm>> -> memref<80x128xf32, #tpu.memory_space<hbm>>
      %dma_wait3A_82 = arith.constant 0 : i32
      %dma_wait3A_83 = tpu.memref_slice %arg5[%add3A_18, %dma_wait3A_82] : memref<10240x128xf32, #tpu.memory_space<hbm>> -> memref<80x128xf32, #tpu.memory_space<hbm>>
      tpu.wait_dma2 semaphore(%run_scoped3A : memref<!tpu.dma_semaphore, #tpu.memory_space<semaphore_mem>>) src(%dma_wait3A_83 : memref<80x128xf32, #tpu.memory_space<hbm>>) dst(%arg17 : memref<80x128xf32, #tpu.memory_space<vmem>>)
      tpu.yield
    }) : () -> ()
    %add3A_19 = arith.constant 240 : i32
    %add3A_20 = arith.addi %mul3A_4, %add3A_19 : i32
    "tpu.region"() ({
      %run_scoped3A = tpu.sem_alloc : memref<!tpu.dma_semaphore, #tpu.memory_space<semaphore_mem>>
      %dma_start3A = arith.constant 0 : i32
      %dma_start3A_77 = tpu.memref_slice %arg18[%add3A_20, %dma_start3A] : memref<10240x128xf32, #tpu.memory_space<vmem_shared>> -> memref<80x128xf32, #tpu.memory_space<vmem_shared>>
      %dma_start3A_78 = arith.constant 0 : i32
      %dma_start3A_79 = tpu.memref_slice %arg18[%add3A_20, %dma_start3A_78] : memref<10240x128xf32, #tpu.memory_space<vmem_shared>> -> memref<80x128xf32, #tpu.memory_space<vmem_shared>>
      tpu.enqueue_dma source(%arg17 : memref<80x128xf32, #tpu.memory_space<vmem>>) target(%dma_start3A_79 : memref<80x128xf32, #tpu.memory_space<vmem_shared>>) target_semaphore(%run_scoped3A : memref<!tpu.dma_semaphore, #tpu.memory_space<semaphore_mem>>)
      %dma_wait3A_80 = arith.constant 0 : i32
      %dma_wait3A_81 = tpu.memref_slice %arg18[%add3A_20, %dma_wait3A_80] : memref<10240x128xf32, #tpu.memory_space<vmem_shared>> -> memref<80x128xf32, #tpu.memory_space<vmem_shared>>
      %dma_wait3A_82 = arith.constant 0 : i32
      %dma_wait3A_83 = tpu.memref_slice %arg18[%add3A_20, %dma_wait3A_82] : memref<10240x128xf32, #tpu.memory_space<vmem_shared>> -> memref<80x128xf32, #tpu.memory_space<vmem_shared>>
      tpu.wait_dma2 semaphore(%run_scoped3A : memref<!tpu.dma_semaphore, #tpu.memory_space<semaphore_mem>>) src(%arg17 : memref<80x128xf32, #tpu.memory_space<vmem>>) dst(%dma_wait3A_83 : memref<80x128xf32, #tpu.memory_space<vmem_shared>>)
      tpu.yield
    }) : () -> ()
    %add3A_21 = arith.constant 320 : i32
    %add3A_22 = arith.addi %mul3A_4, %add3A_21 : i32
    "tpu.region"() ({
      %run_scoped3A = tpu.sem_alloc : memref<!tpu.dma_semaphore, #tpu.memory_space<semaphore_mem>>
      %dma_start3A = arith.constant 0 : i32
      %dma_start3A_77 = tpu.memref_slice %arg5[%add3A_22, %dma_start3A] : memref<10240x128xf32, #tpu.memory_space<hbm>> -> memref<80x128xf32, #tpu.memory_space<hbm>>
      %dma_start3A_78 = arith.constant 0 : i32
      %dma_start3A_79 = tpu.memref_slice %arg5[%add3A_22, %dma_start3A_78] : memref<10240x128xf32, #tpu.memory_space<hbm>> -> memref<80x128xf32, #tpu.memory_space<hbm>>
      tpu.enqueue_dma source(%dma_start3A_79 : memref<80x128xf32, #tpu.memory_space<hbm>>) target(%arg17 : memref<80x128xf32, #tpu.memory_space<vmem>>) target_semaphore(%run_scoped3A : memref<!tpu.dma_semaphore, #tpu.memory_space<semaphore_mem>>)
      %dma_wait3A_80 = arith.constant 0 : i32
      %dma_wait3A_81 = tpu.memref_slice %arg5[%add3A_22, %dma_wait3A_80] : memref<10240x128xf32, #tpu.memory_space<hbm>> -> memref<80x128xf32, #tpu.memory_space<hbm>>
      %dma_wait3A_82 = arith.constant 0 : i32
      %dma_wait3A_83 = tpu.memref_slice %arg5[%add3A_22, %dma_wait3A_82] : memref<10240x128xf32, #tpu.memory_space<hbm>> -> memref<80x128xf32, #tpu.memory_space<hbm>>
      tpu.wait_dma2 semaphore(%run_scoped3A : memref<!tpu.dma_semaphore, #tpu.memory_space<semaphore_mem>>) src(%dma_wait3A_83 : memref<80x128xf32, #tpu.memory_space<hbm>>) dst(%arg17 : memref<80x128xf32, #tpu.memory_space<vmem>>)
      tpu.yield
    }) : () -> ()
    %add3A_23 = arith.constant 320 : i32
    %add3A_24 = arith.addi %mul3A_4, %add3A_23 : i32
    "tpu.region"() ({
      %run_scoped3A = tpu.sem_alloc : memref<!tpu.dma_semaphore, #tpu.memory_space<semaphore_mem>>
      %dma_start3A = arith.constant 0 : i32
      %dma_start3A_77 = tpu.memref_slice %arg18[%add3A_24, %dma_start3A] : memref<10240x128xf32, #tpu.memory_space<vmem_shared>> -> memref<80x128xf32, #tpu.memory_space<vmem_shared>>
      %dma_start3A_78 = arith.constant 0 : i32
      %dma_start3A_79 = tpu.memref_slice %arg18[%add3A_24, %dma_start3A_78] : memref<10240x128xf32, #tpu.memory_space<vmem_shared>> -> memref<80x128xf32, #tpu.memory_space<vmem_shared>>
      tpu.enqueue_dma source(%arg17 : memref<80x128xf32, #tpu.memory_space<vmem>>) target(%dma_start3A_79 : memref<80x128xf32, #tpu.memory_space<vmem_shared>>) target_semaphore(%run_scoped3A : memref<!tpu.dma_semaphore, #tpu.memory_space<semaphore_mem>>)
      %dma_wait3A_80 = arith.constant 0 : i32
      %dma_wait3A_81 = tpu.memref_slice %arg18[%add3A_24, %dma_wait3A_80] : memref<10240x128xf32, #tpu.memory_space<vmem_shared>> -> memref<80x128xf32, #tpu.memory_space<vmem_shared>>
      %dma_wait3A_82 = arith.constant 0 : i32
      %dma_wait3A_83 = tpu.memref_slice %arg18[%add3A_24, %dma_wait3A_82] : memref<10240x128xf32, #tpu.memory_space<vmem_shared>> -> memref<80x128xf32, #tpu.memory_space<vmem_shared>>
      tpu.wait_dma2 semaphore(%run_scoped3A : memref<!tpu.dma_semaphore, #tpu.memory_space<semaphore_mem>>) src(%arg17 : memref<80x128xf32, #tpu.memory_space<vmem>>) dst(%dma_wait3A_83 : memref<80x128xf32, #tpu.memory_space<vmem_shared>>)
      tpu.yield
    }) : () -> ()
    %add3A_25 = arith.constant 400 : i32
    %add3A_26 = arith.addi %mul3A_4, %add3A_25 : i32
    "tpu.region"() ({
      %run_scoped3A = tpu.sem_alloc : memref<!tpu.dma_semaphore, #tpu.memory_space<semaphore_mem>>
      %dma_start3A = arith.constant 0 : i32
      %dma_start3A_77 = tpu.memref_slice %arg5[%add3A_26, %dma_start3A] : memref<10240x128xf32, #tpu.memory_space<hbm>> -> memref<80x128xf32, #tpu.memory_space<hbm>>
      %dma_start3A_78 = arith.constant 0 : i32
      %dma_start3A_79 = tpu.memref_slice %arg5[%add3A_26, %dma_start3A_78] : memref<10240x128xf32, #tpu.memory_space<hbm>> -> memref<80x128xf32, #tpu.memory_space<hbm>>
      tpu.enqueue_dma source(%dma_start3A_79 : memref<80x128xf32, #tpu.memory_space<hbm>>) target(%arg17 : memref<80x128xf32, #tpu.memory_space<vmem>>) target_semaphore(%run_scoped3A : memref<!tpu.dma_semaphore, #tpu.memory_space<semaphore_mem>>)
      %dma_wait3A_80 = arith.constant 0 : i32
      %dma_wait3A_81 = tpu.memref_slice %arg5[%add3A_26, %dma_wait3A_80] : memref<10240x128xf32, #tpu.memory_space<hbm>> -> memref<80x128xf32, #tpu.memory_space<hbm>>
      %dma_wait3A_82 = arith.constant 0 : i32
      %dma_wait3A_83 = tpu.memref_slice %arg5[%add3A_26, %dma_wait3A_82] : memref<10240x128xf32, #tpu.memory_space<hbm>> -> memref<80x128xf32, #tpu.memory_space<hbm>>
      tpu.wait_dma2 semaphore(%run_scoped3A : memref<!tpu.dma_semaphore, #tpu.memory_space<semaphore_mem>>) src(%dma_wait3A_83 : memref<80x128xf32, #tpu.memory_space<hbm>>) dst(%arg17 : memref<80x128xf32, #tpu.memory_space<vmem>>)
      tpu.yield
    }) : () -> ()
    %add3A_27 = arith.constant 400 : i32
    %add3A_28 = arith.addi %mul3A_4, %add3A_27 : i32
    "tpu.region"() ({
      %run_scoped3A = tpu.sem_alloc : memref<!tpu.dma_semaphore, #tpu.memory_space<semaphore_mem>>
      %dma_start3A = arith.constant 0 : i32
      %dma_start3A_77 = tpu.memref_slice %arg18[%add3A_28, %dma_start3A] : memref<10240x128xf32, #tpu.memory_space<vmem_shared>> -> memref<80x128xf32, #tpu.memory_space<vmem_shared>>
      %dma_start3A_78 = arith.constant 0 : i32
      %dma_start3A_79 = tpu.memref_slice %arg18[%add3A_28, %dma_start3A_78] : memref<10240x128xf32, #tpu.memory_space<vmem_shared>> -> memref<80x128xf32, #tpu.memory_space<vmem_shared>>
      tpu.enqueue_dma source(%arg17 : memref<80x128xf32, #tpu.memory_space<vmem>>) target(%dma_start3A_79 : memref<80x128xf32, #tpu.memory_space<vmem_shared>>) target_semaphore(%run_scoped3A : memref<!tpu.dma_semaphore, #tpu.memory_space<semaphore_mem>>)
      %dma_wait3A_80 = arith.constant 0 : i32
      %dma_wait3A_81 = tpu.memref_slice %arg18[%add3A_28, %dma_wait3A_80] : memref<10240x128xf32, #tpu.memory_space<vmem_shared>> -> memref<80x128xf32, #tpu.memory_space<vmem_shared>>
      %dma_wait3A_82 = arith.constant 0 : i32
      %dma_wait3A_83 = tpu.memref_slice %arg18[%add3A_28, %dma_wait3A_82] : memref<10240x128xf32, #tpu.memory_space<vmem_shared>> -> memref<80x128xf32, #tpu.memory_space<vmem_shared>>
      tpu.wait_dma2 semaphore(%run_scoped3A : memref<!tpu.dma_semaphore, #tpu.memory_space<semaphore_mem>>) src(%arg17 : memref<80x128xf32, #tpu.memory_space<vmem>>) dst(%dma_wait3A_83 : memref<80x128xf32, #tpu.memory_space<vmem_shared>>)
      tpu.yield
    }) : () -> ()
    %add3A_29 = arith.constant 480 : i32
    %add3A_30 = arith.addi %mul3A_4, %add3A_29 : i32
    "tpu.region"() ({
      %run_scoped3A = tpu.sem_alloc : memref<!tpu.dma_semaphore, #tpu.memory_space<semaphore_mem>>
      %dma_start3A = arith.constant 0 : i32
      %dma_start3A_77 = tpu.memref_slice %arg5[%add3A_30, %dma_start3A] : memref<10240x128xf32, #tpu.memory_space<hbm>> -> memref<80x128xf32, #tpu.memory_space<hbm>>
      %dma_start3A_78 = arith.constant 0 : i32
      %dma_start3A_79 = tpu.memref_slice %arg5[%add3A_30, %dma_start3A_78] : memref<10240x128xf32, #tpu.memory_space<hbm>> -> memref<80x128xf32, #tpu.memory_space<hbm>>
      tpu.enqueue_dma source(%dma_start3A_79 : memref<80x128xf32, #tpu.memory_space<hbm>>) target(%arg17 : memref<80x128xf32, #tpu.memory_space<vmem>>) target_semaphore(%run_scoped3A : memref<!tpu.dma_semaphore, #tpu.memory_space<semaphore_mem>>)
      %dma_wait3A_80 = arith.constant 0 : i32
      %dma_wait3A_81 = tpu.memref_slice %arg5[%add3A_30, %dma_wait3A_80] : memref<10240x128xf32, #tpu.memory_space<hbm>> -> memref<80x128xf32, #tpu.memory_space<hbm>>
      %dma_wait3A_82 = arith.constant 0 : i32
      %dma_wait3A_83 = tpu.memref_slice %arg5[%add3A_30, %dma_wait3A_82] : memref<10240x128xf32, #tpu.memory_space<hbm>> -> memref<80x128xf32, #tpu.memory_space<hbm>>
      tpu.wait_dma2 semaphore(%run_scoped3A : memref<!tpu.dma_semaphore, #tpu.memory_space<semaphore_mem>>) src(%dma_wait3A_83 : memref<80x128xf32, #tpu.memory_space<hbm>>) dst(%arg17 : memref<80x128xf32, #tpu.memory_space<vmem>>)
      tpu.yield
    }) : () -> ()
    %add3A_31 = arith.constant 480 : i32
    %add3A_32 = arith.addi %mul3A_4, %add3A_31 : i32
    "tpu.region"() ({
      %run_scoped3A = tpu.sem_alloc : memref<!tpu.dma_semaphore, #tpu.memory_space<semaphore_mem>>
      %dma_start3A = arith.constant 0 : i32
      %dma_start3A_77 = tpu.memref_slice %arg18[%add3A_32, %dma_start3A] : memref<10240x128xf32, #tpu.memory_space<vmem_shared>> -> memref<80x128xf32, #tpu.memory_space<vmem_shared>>
      %dma_start3A_78 = arith.constant 0 : i32
      %dma_start3A_79 = tpu.memref_slice %arg18[%add3A_32, %dma_start3A_78] : memref<10240x128xf32, #tpu.memory_space<vmem_shared>> -> memref<80x128xf32, #tpu.memory_space<vmem_shared>>
      tpu.enqueue_dma source(%arg17 : memref<80x128xf32, #tpu.memory_space<vmem>>) target(%dma_start3A_79 : memref<80x128xf32, #tpu.memory_space<vmem_shared>>) target_semaphore(%run_scoped3A : memref<!tpu.dma_semaphore, #tpu.memory_space<semaphore_mem>>)
      %dma_wait3A_80 = arith.constant 0 : i32
      %dma_wait3A_81 = tpu.memref_slice %arg18[%add3A_32, %dma_wait3A_80] : memref<10240x128xf32, #tpu.memory_space<vmem_shared>> -> memref<80x128xf32, #tpu.memory_space<vmem_shared>>
      %dma_wait3A_82 = arith.constant 0 : i32
      %dma_wait3A_83 = tpu.memref_slice %arg18[%add3A_32, %dma_wait3A_82] : memref<10240x128xf32, #tpu.memory_space<vmem_shared>> -> memref<80x128xf32, #tpu.memory_space<vmem_shared>>
      tpu.wait_dma2 semaphore(%run_scoped3A : memref<!tpu.dma_semaphore, #tpu.memory_space<semaphore_mem>>) src(%arg17 : memref<80x128xf32, #tpu.memory_space<vmem>>) dst(%dma_wait3A_83 : memref<80x128xf32, #tpu.memory_space<vmem_shared>>)
      tpu.yield
    }) : () -> ()
    %add3A_33 = arith.constant 560 : i32
    %add3A_34 = arith.addi %mul3A_4, %add3A_33 : i32
    "tpu.region"() ({
      %run_scoped3A = tpu.sem_alloc : memref<!tpu.dma_semaphore, #tpu.memory_space<semaphore_mem>>
      %dma_start3A = arith.constant 0 : i32
      %dma_start3A_77 = tpu.memref_slice %arg5[%add3A_34, %dma_start3A] : memref<10240x128xf32, #tpu.memory_space<hbm>> -> memref<80x128xf32, #tpu.memory_space<hbm>>
      %dma_start3A_78 = arith.constant 0 : i32
      %dma_start3A_79 = tpu.memref_slice %arg5[%add3A_34, %dma_start3A_78] : memref<10240x128xf32, #tpu.memory_space<hbm>> -> memref<80x128xf32, #tpu.memory_space<hbm>>
      tpu.enqueue_dma source(%dma_start3A_79 : memref<80x128xf32, #tpu.memory_space<hbm>>) target(%arg17 : memref<80x128xf32, #tpu.memory_space<vmem>>) target_semaphore(%run_scoped3A : memref<!tpu.dma_semaphore, #tpu.memory_space<semaphore_mem>>)
      %dma_wait3A_80 = arith.constant 0 : i32
      %dma_wait3A_81 = tpu.memref_slice %arg5[%add3A_34, %dma_wait3A_80] : memref<10240x128xf32, #tpu.memory_space<hbm>> -> memref<80x128xf32, #tpu.memory_space<hbm>>
      %dma_wait3A_82 = arith.constant 0 : i32
      %dma_wait3A_83 = tpu.memref_slice %arg5[%add3A_34, %dma_wait3A_82] : memref<10240x128xf32, #tpu.memory_space<hbm>> -> memref<80x128xf32, #tpu.memory_space<hbm>>
      tpu.wait_dma2 semaphore(%run_scoped3A : memref<!tpu.dma_semaphore, #tpu.memory_space<semaphore_mem>>) src(%dma_wait3A_83 : memref<80x128xf32, #tpu.memory_space<hbm>>) dst(%arg17 : memref<80x128xf32, #tpu.memory_space<vmem>>)
      tpu.yield
    }) : () -> ()
    %add3A_35 = arith.constant 560 : i32
    %add3A_36 = arith.addi %mul3A_4, %add3A_35 : i32
    "tpu.region"() ({
      %run_scoped3A = tpu.sem_alloc : memref<!tpu.dma_semaphore, #tpu.memory_space<semaphore_mem>>
      %dma_start3A = arith.constant 0 : i32
      %dma_start3A_77 = tpu.memref_slice %arg18[%add3A_36, %dma_start3A] : memref<10240x128xf32, #tpu.memory_space<vmem_shared>> -> memref<80x128xf32, #tpu.memory_space<vmem_shared>>
      %dma_start3A_78 = arith.constant 0 : i32
      %dma_start3A_79 = tpu.memref_slice %arg18[%add3A_36, %dma_start3A_78] : memref<10240x128xf32, #tpu.memory_space<vmem_shared>> -> memref<80x128xf32, #tpu.memory_space<vmem_shared>>
      tpu.enqueue_dma source(%arg17 : memref<80x128xf32, #tpu.memory_space<vmem>>) target(%dma_start3A_79 : memref<80x128xf32, #tpu.memory_space<vmem_shared>>) target_semaphore(%run_scoped3A : memref<!tpu.dma_semaphore, #tpu.memory_space<semaphore_mem>>)
      %dma_wait3A_80 = arith.constant 0 : i32
      %dma_wait3A_81 = tpu.memref_slice %arg18[%add3A_36, %dma_wait3A_80] : memref<10240x128xf32, #tpu.memory_space<vmem_shared>> -> memref<80x128xf32, #tpu.memory_space<vmem_shared>>
      %dma_wait3A_82 = arith.constant 0 : i32
      %dma_wait3A_83 = tpu.memref_slice %arg18[%add3A_36, %dma_wait3A_82] : memref<10240x128xf32, #tpu.memory_space<vmem_shared>> -> memref<80x128xf32, #tpu.memory_space<vmem_shared>>
      tpu.wait_dma2 semaphore(%run_scoped3A : memref<!tpu.dma_semaphore, #tpu.memory_space<semaphore_mem>>) src(%arg17 : memref<80x128xf32, #tpu.memory_space<vmem>>) dst(%dma_wait3A_83 : memref<80x128xf32, #tpu.memory_space<vmem_shared>>)
      tpu.yield
    }) : () -> ()
    %barrier3A = arith.constant 0 : index
    tpu.barrier barrier_id(%barrier3A)
    %scan3A = arith.constant 0 : i32
    %scan3A_37 = arith.constant 0 : i32
    %scan3A_38 = arith.constant 40 : i32
    %scan3A_39 = arith.addi %scan3A_37, %scan3A_38 : i32
    %scan3A_40 = arith.constant 1 : i32
    scf.for %scan3A_77 = %scan3A_37 to %scan3A_39 step %scan3A_40  : i32 {
      %mul3A_78 = arith.constant 2 : i32
      %mul3A_79 = arith.muli %scan3A_77, %mul3A_78 : i32
      %mul3A_80 = arith.constant 128 : i32
      %mul3A_81 = arith.muli %mul3A_79, %mul3A_80 : i32
      %add3A_82 = arith.addi %mul3A_2, %mul3A_81 : i32
      "tpu.region"() ({
        %run_scoped3A = tpu.sem_alloc : memref<!tpu.dma_semaphore, #tpu.memory_space<semaphore_mem>>
        %dma_start3A_110 = tpu.memref_slice %arg2[%add3A_82] : memref<327680xi32, #tpu.memory_space<hbm>> -> memref<128xi32, #tpu.memory_space<hbm>>
        %dma_start3A_111 = tpu.memref_slice %arg2[%add3A_82] : memref<327680xi32, #tpu.memory_space<hbm>> -> memref<128xi32, #tpu.memory_space<hbm>>
        tpu.enqueue_dma source(%dma_start3A_111 : memref<128xi32, #tpu.memory_space<hbm>>) target(%arg7 : memref<128xi32, #tpu.memory_space<vmem>>) target_semaphore(%run_scoped3A : memref<!tpu.dma_semaphore, #tpu.memory_space<semaphore_mem>>)
        %dma_wait3A_112 = tpu.memref_slice %arg2[%add3A_82] : memref<327680xi32, #tpu.memory_space<hbm>> -> memref<128xi32, #tpu.memory_space<hbm>>
        %dma_wait3A_113 = tpu.memref_slice %arg2[%add3A_82] : memref<327680xi32, #tpu.memory_space<hbm>> -> memref<128xi32, #tpu.memory_space<hbm>>
        tpu.wait_dma2 semaphore(%run_scoped3A : memref<!tpu.dma_semaphore, #tpu.memory_space<semaphore_mem>>) src(%dma_wait3A_113 : memref<128xi32, #tpu.memory_space<hbm>>) dst(%arg7 : memref<128xi32, #tpu.memory_space<vmem>>)
        tpu.yield
      }) : () -> ()
      "tpu.region"() ({
        %run_scoped3A = tpu.sem_alloc : memref<!tpu.dma_semaphore, #tpu.memory_space<semaphore_mem>>
        %dma_start3A_110 = tpu.memref_slice %arg3[%add3A_82] : memref<327680xi32, #tpu.memory_space<hbm>> -> memref<128xi32, #tpu.memory_space<hbm>>
        %dma_start3A_111 = tpu.memref_slice %arg3[%add3A_82] : memref<327680xi32, #tpu.memory_space<hbm>> -> memref<128xi32, #tpu.memory_space<hbm>>
        tpu.enqueue_dma source(%dma_start3A_111 : memref<128xi32, #tpu.memory_space<hbm>>) target(%arg8 : memref<128xi32, #tpu.memory_space<vmem>>) target_semaphore(%run_scoped3A : memref<!tpu.dma_semaphore, #tpu.memory_space<semaphore_mem>>)
        %dma_wait3A_112 = tpu.memref_slice %arg3[%add3A_82] : memref<327680xi32, #tpu.memory_space<hbm>> -> memref<128xi32, #tpu.memory_space<hbm>>
        %dma_wait3A_113 = tpu.memref_slice %arg3[%add3A_82] : memref<327680xi32, #tpu.memory_space<hbm>> -> memref<128xi32, #tpu.memory_space<hbm>>
        tpu.wait_dma2 semaphore(%run_scoped3A : memref<!tpu.dma_semaphore, #tpu.memory_space<semaphore_mem>>) src(%dma_wait3A_113 : memref<128xi32, #tpu.memory_space<hbm>>) dst(%arg8 : memref<128xi32, #tpu.memory_space<vmem>>)
        tpu.yield
      }) : () -> ()
      %dma_start3A = arith.constant 0 : i32
      %dma_start3A_83 = arith.constant 0 : i32
      %dma_start3A_84 = tpu.memref_slice %arg4[%dma_start3A, %dma_start3A_83] : memref<10000x128xf32, #tpu.memory_space<hbm>> -> memref<10000x128xf32, #tpu.memory_space<hbm>>
      tpu.enqueue_indirect_dma source(%dma_start3A_84 : memref<10000x128xf32, #tpu.memory_space<hbm>>) target(%arg15 : memref<128x128xf32, #tpu.memory_space<vmem>>) offsets(%arg7 : memref<128xi32, #tpu.memory_space<vmem>>) semaphore(%arg23 : memref<!tpu.dma_semaphore, #tpu.memory_space<semaphore_mem>>)
      %dma_wait3A_85 = arith.constant 0 : i32
      %dma_wait3A_86 = arith.constant 0 : i32
      %dma_wait3A_87 = tpu.memref_slice %arg4[%dma_wait3A_85, %dma_wait3A_86] : memref<10000x128xf32, #tpu.memory_space<hbm>> -> memref<10000x128xf32, #tpu.memory_space<hbm>>
      tpu.wait_indirect_dma semaphore(%arg23 : memref<!tpu.dma_semaphore, #tpu.memory_space<semaphore_mem>>) src(%dma_wait3A_87 : memref<10000x128xf32, #tpu.memory_space<hbm>>) dst(%arg15 : memref<128x128xf32, #tpu.memory_space<vmem>>)
      %gt3A = arith.constant 0 : i32
      %gt3A_88 = arith.cmpi sgt, %scan3A_77, %gt3A : i32
      %convert_element_type3A = arith.extui %gt3A_88 : i1 to i32
      %cond3A = arith.constant 0 : i32
      %cond3A_89 = arith.cmpi ne, %convert_element_type3A, %cond3A : i32
      scf.if %cond3A_89 {
        %dma_wait3A_110 = arith.constant 0 : i32
        %dma_wait3A_111 = arith.constant 0 : i32
        %dma_wait3A_112 = tpu.memref_slice %arg18[%dma_wait3A_110, %dma_wait3A_111] : memref<10240x128xf32, #tpu.memory_space<vmem_shared>> -> memref<10240x128xf32, #tpu.memory_space<vmem_shared>>
        tpu.wait_indirect_dma semaphore(%arg26 : memref<!tpu.dma_semaphore, #tpu.memory_space<semaphore_mem>>) src(%arg16 : memref<128x128xf32, #tpu.memory_space<vmem>>) dst(%dma_wait3A_112 : memref<10240x128xf32, #tpu.memory_space<vmem_shared>>)
      } else {
      }
      %dma_start3A_90 = arith.constant 0 : i32
      %dma_start3A_91 = arith.constant 0 : i32
      %dma_start3A_92 = tpu.memref_slice %arg18[%dma_start3A_90, %dma_start3A_91] : memref<10240x128xf32, #tpu.memory_space<vmem_shared>> -> memref<10240x128xf32, #tpu.memory_space<vmem_shared>>
      tpu.enqueue_indirect_dma source(%arg15 : memref<128x128xf32, #tpu.memory_space<vmem>>) target(%dma_start3A_92 : memref<10240x128xf32, #tpu.memory_space<vmem_shared>>) offsets(%arg8 : memref<128xi32, #tpu.memory_space<vmem>>) semaphore(%arg25 : memref<!tpu.dma_semaphore, #tpu.memory_space<semaphore_mem>>) {add = true}
      %add3A_93 = arith.constant 1 : i32
      %add3A_94 = arith.addi %mul3A_79, %add3A_93 : i32
      %mul3A_95 = arith.constant 128 : i32
      %mul3A_96 = arith.muli %add3A_94, %mul3A_95 : i32
      %add3A_97 = arith.addi %mul3A_2, %mul3A_96 : i32
      "tpu.region"() ({
        %run_scoped3A = tpu.sem_alloc : memref<!tpu.dma_semaphore, #tpu.memory_space<semaphore_mem>>
        %dma_start3A_110 = tpu.memref_slice %arg2[%add3A_97] : memref<327680xi32, #tpu.memory_space<hbm>> -> memref<128xi32, #tpu.memory_space<hbm>>
        %dma_start3A_111 = tpu.memref_slice %arg2[%add3A_97] : memref<327680xi32, #tpu.memory_space<hbm>> -> memref<128xi32, #tpu.memory_space<hbm>>
        tpu.enqueue_dma source(%dma_start3A_111 : memref<128xi32, #tpu.memory_space<hbm>>) target(%arg9 : memref<128xi32, #tpu.memory_space<vmem>>) target_semaphore(%run_scoped3A : memref<!tpu.dma_semaphore, #tpu.memory_space<semaphore_mem>>)
        %dma_wait3A_112 = tpu.memref_slice %arg2[%add3A_97] : memref<327680xi32, #tpu.memory_space<hbm>> -> memref<128xi32, #tpu.memory_space<hbm>>
        %dma_wait3A_113 = tpu.memref_slice %arg2[%add3A_97] : memref<327680xi32, #tpu.memory_space<hbm>> -> memref<128xi32, #tpu.memory_space<hbm>>
        tpu.wait_dma2 semaphore(%run_scoped3A : memref<!tpu.dma_semaphore, #tpu.memory_space<semaphore_mem>>) src(%dma_wait3A_113 : memref<128xi32, #tpu.memory_space<hbm>>) dst(%arg9 : memref<128xi32, #tpu.memory_space<vmem>>)
        tpu.yield
      }) : () -> ()
      "tpu.region"() ({
        %run_scoped3A = tpu.sem_alloc : memref<!tpu.dma_semaphore, #tpu.memory_space<semaphore_mem>>
        %dma_start3A_110 = tpu.memref_slice %arg3[%add3A_97] : memref<327680xi32, #tpu.memory_space<hbm>> -> memref<128xi32, #tpu.memory_space<hbm>>
        %dma_start3A_111 = tpu.memref_slice %arg3[%add3A_97] : memref<327680xi32, #tpu.memory_space<hbm>> -> memref<128xi32, #tpu.memory_space<hbm>>
        tpu.enqueue_dma source(%dma_start3A_111 : memref<128xi32, #tpu.memory_space<hbm>>) target(%arg10 : memref<128xi32, #tpu.memory_space<vmem>>) target_semaphore(%run_scoped3A : memref<!tpu.dma_semaphore, #tpu.memory_space<semaphore_mem>>)
        %dma_wait3A_112 = tpu.memref_slice %arg3[%add3A_97] : memref<327680xi32, #tpu.memory_space<hbm>> -> memref<128xi32, #tpu.memory_space<hbm>>
        %dma_wait3A_113 = tpu.memref_slice %arg3[%add3A_97] : memref<327680xi32, #tpu.memory_space<hbm>> -> memref<128xi32, #tpu.memory_space<hbm>>
        tpu.wait_dma2 semaphore(%run_scoped3A : memref<!tpu.dma_semaphore, #tpu.memory_space<semaphore_mem>>) src(%dma_wait3A_113 : memref<128xi32, #tpu.memory_space<hbm>>) dst(%arg10 : memref<128xi32, #tpu.memory_space<vmem>>)
        tpu.yield
      }) : () -> ()
      %dma_start3A_98 = arith.constant 0 : i32
      %dma_start3A_99 = arith.constant 0 : i32
      %dma_start3A_100 = tpu.memref_slice %arg4[%dma_start3A_98, %dma_start3A_99] : memref<10000x128xf32, #tpu.memory_space<hbm>> -> memref<10000x128xf32, #tpu.memory_space<hbm>>
      tpu.enqueue_indirect_dma source(%dma_start3A_100 : memref<10000x128xf32, #tpu.memory_space<hbm>>) target(%arg16 : memref<128x128xf32, #tpu.memory_space<vmem>>) offsets(%arg9 : memref<128xi32, #tpu.memory_space<vmem>>) semaphore(%arg24 : memref<!tpu.dma_semaphore, #tpu.memory_space<semaphore_mem>>)
      %dma_wait3A_101 = arith.constant 0 : i32
      %dma_wait3A_102 = arith.constant 0 : i32
      %dma_wait3A_103 = tpu.memref_slice %arg4[%dma_wait3A_101, %dma_wait3A_102] : memref<10000x128xf32, #tpu.memory_space<hbm>> -> memref<10000x128xf32, #tpu.memory_space<hbm>>
      tpu.wait_indirect_dma semaphore(%arg24 : memref<!tpu.dma_semaphore, #tpu.memory_space<semaphore_mem>>) src(%dma_wait3A_103 : memref<10000x128xf32, #tpu.memory_space<hbm>>) dst(%arg16 : memref<128x128xf32, #tpu.memory_space<vmem>>)
      %dma_wait3A_104 = arith.constant 0 : i32
      %dma_wait3A_105 = arith.constant 0 : i32
      %dma_wait3A_106 = tpu.memref_slice %arg18[%dma_wait3A_104, %dma_wait3A_105] : memref<10240x128xf32, #tpu.memory_space<vmem_shared>> -> memref<10240x128xf32, #tpu.memory_space<vmem_shared>>
      tpu.wait_indirect_dma semaphore(%arg25 : memref<!tpu.dma_semaphore, #tpu.memory_space<semaphore_mem>>) src(%arg15 : memref<128x128xf32, #tpu.memory_space<vmem>>) dst(%dma_wait3A_106 : memref<10240x128xf32, #tpu.memory_space<vmem_shared>>)
      %dma_start3A_107 = arith.constant 0 : i32
      %dma_start3A_108 = arith.constant 0 : i32
      %dma_start3A_109 = tpu.memref_slice %arg18[%dma_start3A_107, %dma_start3A_108] : memref<10240x128xf32, #tpu.memory_space<vmem_shared>> -> memref<10240x128xf32, #tpu.memory_space<vmem_shared>>
      tpu.enqueue_indirect_dma source(%arg16 : memref<128x128xf32, #tpu.memory_space<vmem>>) target(%dma_start3A_109 : memref<10240x128xf32, #tpu.memory_space<vmem_shared>>) offsets(%arg10 : memref<128xi32, #tpu.memory_space<vmem>>) semaphore(%arg26 : memref<!tpu.dma_semaphore, #tpu.memory_space<semaphore_mem>>) {add = true}
    }
    %scan3A_41 = arith.constant 40 : i32
    %dma_wait3A = arith.constant 0 : i32
    %dma_wait3A_42 = arith.constant 0 : i32
    %dma_wait3A_43 = tpu.memref_slice %arg18[%dma_wait3A, %dma_wait3A_42] : memref<10240x128xf32, #tpu.memory_space<vmem_shared>> -> memref<10240x128xf32, #tpu.memory_space<vmem_shared>>
    tpu.wait_indirect_dma semaphore(%arg26 : memref<!tpu.dma_semaphore, #tpu.memory_space<semaphore_mem>>) src(%arg16 : memref<128x128xf32, #tpu.memory_space<vmem>>) dst(%dma_wait3A_43 : memref<10240x128xf32, #tpu.memory_space<vmem_shared>>)
    %barrier3A_44 = arith.constant 0 : index
    tpu.barrier barrier_id(%barrier3A_44)
    %add3A_45 = arith.constant 0 : i32
    %add3A_46 = arith.addi %mul3A_4, %add3A_45 : i32
    "tpu.region"() ({
      %run_scoped3A = tpu.sem_alloc : memref<!tpu.dma_semaphore, #tpu.memory_space<semaphore_mem>>
      %dma_start3A = arith.constant 0 : i32
      %dma_start3A_77 = tpu.memref_slice %arg18[%add3A_46, %dma_start3A] : memref<10240x128xf32, #tpu.memory_space<vmem_shared>> -> memref<80x128xf32, #tpu.memory_space<vmem_shared>>
      %dma_start3A_78 = arith.constant 0 : i32
      %dma_start3A_79 = tpu.memref_slice %arg18[%add3A_46, %dma_start3A_78] : memref<10240x128xf32, #tpu.memory_space<vmem_shared>> -> memref<80x128xf32, #tpu.memory_space<vmem_shared>>
      tpu.enqueue_dma source(%dma_start3A_79 : memref<80x128xf32, #tpu.memory_space<vmem_shared>>) target(%arg17 : memref<80x128xf32, #tpu.memory_space<vmem>>) target_semaphore(%run_scoped3A : memref<!tpu.dma_semaphore, #tpu.memory_space<semaphore_mem>>)
      %dma_wait3A_80 = arith.constant 0 : i32
      %dma_wait3A_81 = tpu.memref_slice %arg18[%add3A_46, %dma_wait3A_80] : memref<10240x128xf32, #tpu.memory_space<vmem_shared>> -> memref<80x128xf32, #tpu.memory_space<vmem_shared>>
      %dma_wait3A_82 = arith.constant 0 : i32
      %dma_wait3A_83 = tpu.memref_slice %arg18[%add3A_46, %dma_wait3A_82] : memref<10240x128xf32, #tpu.memory_space<vmem_shared>> -> memref<80x128xf32, #tpu.memory_space<vmem_shared>>
      tpu.wait_dma2 semaphore(%run_scoped3A : memref<!tpu.dma_semaphore, #tpu.memory_space<semaphore_mem>>) src(%dma_wait3A_83 : memref<80x128xf32, #tpu.memory_space<vmem_shared>>) dst(%arg17 : memref<80x128xf32, #tpu.memory_space<vmem>>)
      tpu.yield
    }) : () -> ()
    %add3A_47 = arith.constant 0 : i32
    %add3A_48 = arith.addi %mul3A_4, %add3A_47 : i32
    "tpu.region"() ({
      %run_scoped3A = tpu.sem_alloc : memref<!tpu.dma_semaphore, #tpu.memory_space<semaphore_mem>>
      %dma_start3A = arith.constant 0 : i32
      %dma_start3A_77 = tpu.memref_slice %arg6[%arg0, %add3A_48, %dma_start3A] : memref<2x10240x128xf32, #tpu.memory_space<hbm>> -> memref<1x80x128xf32, #tpu.memory_space<hbm>>
      %dma_start3A_78 = tpu.memref_squeeze %dma_start3A_77 : memref<1x80x128xf32, #tpu.memory_space<hbm>> -> memref<80x128xf32, #tpu.memory_space<hbm>>
      %dma_start3A_79 = arith.constant 0 : i32
      %dma_start3A_80 = tpu.memref_slice %arg6[%arg0, %add3A_48, %dma_start3A_79] : memref<2x10240x128xf32, #tpu.memory_space<hbm>> -> memref<1x80x128xf32, #tpu.memory_space<hbm>>
      %dma_start3A_81 = tpu.memref_squeeze %dma_start3A_80 : memref<1x80x128xf32, #tpu.memory_space<hbm>> -> memref<80x128xf32, #tpu.memory_space<hbm>>
      tpu.enqueue_dma source(%arg17 : memref<80x128xf32, #tpu.memory_space<vmem>>) target(%dma_start3A_81 : memref<80x128xf32, #tpu.memory_space<hbm>>) target_semaphore(%run_scoped3A : memref<!tpu.dma_semaphore, #tpu.memory_space<semaphore_mem>>)
      %dma_wait3A_82 = arith.constant 0 : i32
      %dma_wait3A_83 = tpu.memref_slice %arg6[%arg0, %add3A_48, %dma_wait3A_82] : memref<2x10240x128xf32, #tpu.memory_space<hbm>> -> memref<1x80x128xf32, #tpu.memory_space<hbm>>
      %dma_wait3A_84 = tpu.memref_squeeze %dma_wait3A_83 : memref<1x80x128xf32, #tpu.memory_space<hbm>> -> memref<80x128xf32, #tpu.memory_space<hbm>>
      %dma_wait3A_85 = arith.constant 0 : i32
      %dma_wait3A_86 = tpu.memref_slice %arg6[%arg0, %add3A_48, %dma_wait3A_85] : memref<2x10240x128xf32, #tpu.memory_space<hbm>> -> memref<1x80x128xf32, #tpu.memory_space<hbm>>
      %dma_wait3A_87 = tpu.memref_squeeze %dma_wait3A_86 : memref<1x80x128xf32, #tpu.memory_space<hbm>> -> memref<80x128xf32, #tpu.memory_space<hbm>>
      tpu.wait_dma2 semaphore(%run_scoped3A : memref<!tpu.dma_semaphore, #tpu.memory_space<semaphore_mem>>) src(%arg17 : memref<80x128xf32, #tpu.memory_space<vmem>>) dst(%dma_wait3A_87 : memref<80x128xf32, #tpu.memory_space<hbm>>)
      tpu.yield
    }) : () -> ()
    %add3A_49 = arith.constant 80 : i32
    %add3A_50 = arith.addi %mul3A_4, %add3A_49 : i32
    "tpu.region"() ({
      %run_scoped3A = tpu.sem_alloc : memref<!tpu.dma_semaphore, #tpu.memory_space<semaphore_mem>>
      %dma_start3A = arith.constant 0 : i32
      %dma_start3A_77 = tpu.memref_slice %arg18[%add3A_50, %dma_start3A] : memref<10240x128xf32, #tpu.memory_space<vmem_shared>> -> memref<80x128xf32, #tpu.memory_space<vmem_shared>>
      %dma_start3A_78 = arith.constant 0 : i32
      %dma_start3A_79 = tpu.memref_slice %arg18[%add3A_50, %dma_start3A_78] : memref<10240x128xf32, #tpu.memory_space<vmem_shared>> -> memref<80x128xf32, #tpu.memory_space<vmem_shared>>
      tpu.enqueue_dma source(%dma_start3A_79 : memref<80x128xf32, #tpu.memory_space<vmem_shared>>) target(%arg17 : memref<80x128xf32, #tpu.memory_space<vmem>>) target_semaphore(%run_scoped3A : memref<!tpu.dma_semaphore, #tpu.memory_space<semaphore_mem>>)
      %dma_wait3A_80 = arith.constant 0 : i32
      %dma_wait3A_81 = tpu.memref_slice %arg18[%add3A_50, %dma_wait3A_80] : memref<10240x128xf32, #tpu.memory_space<vmem_shared>> -> memref<80x128xf32, #tpu.memory_space<vmem_shared>>
      %dma_wait3A_82 = arith.constant 0 : i32
      %dma_wait3A_83 = tpu.memref_slice %arg18[%add3A_50, %dma_wait3A_82] : memref<10240x128xf32, #tpu.memory_space<vmem_shared>> -> memref<80x128xf32, #tpu.memory_space<vmem_shared>>
      tpu.wait_dma2 semaphore(%run_scoped3A : memref<!tpu.dma_semaphore, #tpu.memory_space<semaphore_mem>>) src(%dma_wait3A_83 : memref<80x128xf32, #tpu.memory_space<vmem_shared>>) dst(%arg17 : memref<80x128xf32, #tpu.memory_space<vmem>>)
      tpu.yield
    }) : () -> ()
    %add3A_51 = arith.constant 80 : i32
    %add3A_52 = arith.addi %mul3A_4, %add3A_51 : i32
    "tpu.region"() ({
      %run_scoped3A = tpu.sem_alloc : memref<!tpu.dma_semaphore, #tpu.memory_space<semaphore_mem>>
      %dma_start3A = arith.constant 0 : i32
      %dma_start3A_77 = tpu.memref_slice %arg6[%arg0, %add3A_52, %dma_start3A] : memref<2x10240x128xf32, #tpu.memory_space<hbm>> -> memref<1x80x128xf32, #tpu.memory_space<hbm>>
      %dma_start3A_78 = tpu.memref_squeeze %dma_start3A_77 : memref<1x80x128xf32, #tpu.memory_space<hbm>> -> memref<80x128xf32, #tpu.memory_space<hbm>>
      %dma_start3A_79 = arith.constant 0 : i32
      %dma_start3A_80 = tpu.memref_slice %arg6[%arg0, %add3A_52, %dma_start3A_79] : memref<2x10240x128xf32, #tpu.memory_space<hbm>> -> memref<1x80x128xf32, #tpu.memory_space<hbm>>
      %dma_start3A_81 = tpu.memref_squeeze %dma_start3A_80 : memref<1x80x128xf32, #tpu.memory_space<hbm>> -> memref<80x128xf32, #tpu.memory_space<hbm>>
      tpu.enqueue_dma source(%arg17 : memref<80x128xf32, #tpu.memory_space<vmem>>) target(%dma_start3A_81 : memref<80x128xf32, #tpu.memory_space<hbm>>) target_semaphore(%run_scoped3A : memref<!tpu.dma_semaphore, #tpu.memory_space<semaphore_mem>>)
      %dma_wait3A_82 = arith.constant 0 : i32
      %dma_wait3A_83 = tpu.memref_slice %arg6[%arg0, %add3A_52, %dma_wait3A_82] : memref<2x10240x128xf32, #tpu.memory_space<hbm>> -> memref<1x80x128xf32, #tpu.memory_space<hbm>>
      %dma_wait3A_84 = tpu.memref_squeeze %dma_wait3A_83 : memref<1x80x128xf32, #tpu.memory_space<hbm>> -> memref<80x128xf32, #tpu.memory_space<hbm>>
      %dma_wait3A_85 = arith.constant 0 : i32
      %dma_wait3A_86 = tpu.memref_slice %arg6[%arg0, %add3A_52, %dma_wait3A_85] : memref<2x10240x128xf32, #tpu.memory_space<hbm>> -> memref<1x80x128xf32, #tpu.memory_space<hbm>>
      %dma_wait3A_87 = tpu.memref_squeeze %dma_wait3A_86 : memref<1x80x128xf32, #tpu.memory_space<hbm>> -> memref<80x128xf32, #tpu.memory_space<hbm>>
      tpu.wait_dma2 semaphore(%run_scoped3A : memref<!tpu.dma_semaphore, #tpu.memory_space<semaphore_mem>>) src(%arg17 : memref<80x128xf32, #tpu.memory_space<vmem>>) dst(%dma_wait3A_87 : memref<80x128xf32, #tpu.memory_space<hbm>>)
      tpu.yield
    }) : () -> ()
    %add3A_53 = arith.constant 160 : i32
    %add3A_54 = arith.addi %mul3A_4, %add3A_53 : i32
    "tpu.region"() ({
      %run_scoped3A = tpu.sem_alloc : memref<!tpu.dma_semaphore, #tpu.memory_space<semaphore_mem>>
      %dma_start3A = arith.constant 0 : i32
      %dma_start3A_77 = tpu.memref_slice %arg18[%add3A_54, %dma_start3A] : memref<10240x128xf32, #tpu.memory_space<vmem_shared>> -> memref<80x128xf32, #tpu.memory_space<vmem_shared>>
      %dma_start3A_78 = arith.constant 0 : i32
      %dma_start3A_79 = tpu.memref_slice %arg18[%add3A_54, %dma_start3A_78] : memref<10240x128xf32, #tpu.memory_space<vmem_shared>> -> memref<80x128xf32, #tpu.memory_space<vmem_shared>>
      tpu.enqueue_dma source(%dma_start3A_79 : memref<80x128xf32, #tpu.memory_space<vmem_shared>>) target(%arg17 : memref<80x128xf32, #tpu.memory_space<vmem>>) target_semaphore(%run_scoped3A : memref<!tpu.dma_semaphore, #tpu.memory_space<semaphore_mem>>)
      %dma_wait3A_80 = arith.constant 0 : i32
      %dma_wait3A_81 = tpu.memref_slice %arg18[%add3A_54, %dma_wait3A_80] : memref<10240x128xf32, #tpu.memory_space<vmem_shared>> -> memref<80x128xf32, #tpu.memory_space<vmem_shared>>
      %dma_wait3A_82 = arith.constant 0 : i32
      %dma_wait3A_83 = tpu.memref_slice %arg18[%add3A_54, %dma_wait3A_82] : memref<10240x128xf32, #tpu.memory_space<vmem_shared>> -> memref<80x128xf32, #tpu.memory_space<vmem_shared>>
      tpu.wait_dma2 semaphore(%run_scoped3A : memref<!tpu.dma_semaphore, #tpu.memory_space<semaphore_mem>>) src(%dma_wait3A_83 : memref<80x128xf32, #tpu.memory_space<vmem_shared>>) dst(%arg17 : memref<80x128xf32, #tpu.memory_space<vmem>>)
      tpu.yield
    }) : () -> ()
    %add3A_55 = arith.constant 160 : i32
    %add3A_56 = arith.addi %mul3A_4, %add3A_55 : i32
    "tpu.region"() ({
      %run_scoped3A = tpu.sem_alloc : memref<!tpu.dma_semaphore, #tpu.memory_space<semaphore_mem>>
      %dma_start3A = arith.constant 0 : i32
      %dma_start3A_77 = tpu.memref_slice %arg6[%arg0, %add3A_56, %dma_start3A] : memref<2x10240x128xf32, #tpu.memory_space<hbm>> -> memref<1x80x128xf32, #tpu.memory_space<hbm>>
      %dma_start3A_78 = tpu.memref_squeeze %dma_start3A_77 : memref<1x80x128xf32, #tpu.memory_space<hbm>> -> memref<80x128xf32, #tpu.memory_space<hbm>>
      %dma_start3A_79 = arith.constant 0 : i32
      %dma_start3A_80 = tpu.memref_slice %arg6[%arg0, %add3A_56, %dma_start3A_79] : memref<2x10240x128xf32, #tpu.memory_space<hbm>> -> memref<1x80x128xf32, #tpu.memory_space<hbm>>
      %dma_start3A_81 = tpu.memref_squeeze %dma_start3A_80 : memref<1x80x128xf32, #tpu.memory_space<hbm>> -> memref<80x128xf32, #tpu.memory_space<hbm>>
      tpu.enqueue_dma source(%arg17 : memref<80x128xf32, #tpu.memory_space<vmem>>) target(%dma_start3A_81 : memref<80x128xf32, #tpu.memory_space<hbm>>) target_semaphore(%run_scoped3A : memref<!tpu.dma_semaphore, #tpu.memory_space<semaphore_mem>>)
      %dma_wait3A_82 = arith.constant 0 : i32
      %dma_wait3A_83 = tpu.memref_slice %arg6[%arg0, %add3A_56, %dma_wait3A_82] : memref<2x10240x128xf32, #tpu.memory_space<hbm>> -> memref<1x80x128xf32, #tpu.memory_space<hbm>>
      %dma_wait3A_84 = tpu.memref_squeeze %dma_wait3A_83 : memref<1x80x128xf32, #tpu.memory_space<hbm>> -> memref<80x128xf32, #tpu.memory_space<hbm>>
      %dma_wait3A_85 = arith.constant 0 : i32
      %dma_wait3A_86 = tpu.memref_slice %arg6[%arg0, %add3A_56, %dma_wait3A_85] : memref<2x10240x128xf32, #tpu.memory_space<hbm>> -> memref<1x80x128xf32, #tpu.memory_space<hbm>>
      %dma_wait3A_87 = tpu.memref_squeeze %dma_wait3A_86 : memref<1x80x128xf32, #tpu.memory_space<hbm>> -> memref<80x128xf32, #tpu.memory_space<hbm>>
      tpu.wait_dma2 semaphore(%run_scoped3A : memref<!tpu.dma_semaphore, #tpu.memory_space<semaphore_mem>>) src(%arg17 : memref<80x128xf32, #tpu.memory_space<vmem>>) dst(%dma_wait3A_87 : memref<80x128xf32, #tpu.memory_space<hbm>>)
      tpu.yield
    }) : () -> ()
    %add3A_57 = arith.constant 240 : i32
    %add3A_58 = arith.addi %mul3A_4, %add3A_57 : i32
    "tpu.region"() ({
      %run_scoped3A = tpu.sem_alloc : memref<!tpu.dma_semaphore, #tpu.memory_space<semaphore_mem>>
      %dma_start3A = arith.constant 0 : i32
      %dma_start3A_77 = tpu.memref_slice %arg18[%add3A_58, %dma_start3A] : memref<10240x128xf32, #tpu.memory_space<vmem_shared>> -> memref<80x128xf32, #tpu.memory_space<vmem_shared>>
      %dma_start3A_78 = arith.constant 0 : i32
      %dma_start3A_79 = tpu.memref_slice %arg18[%add3A_58, %dma_start3A_78] : memref<10240x128xf32, #tpu.memory_space<vmem_shared>> -> memref<80x128xf32, #tpu.memory_space<vmem_shared>>
      tpu.enqueue_dma source(%dma_start3A_79 : memref<80x128xf32, #tpu.memory_space<vmem_shared>>) target(%arg17 : memref<80x128xf32, #tpu.memory_space<vmem>>) target_semaphore(%run_scoped3A : memref<!tpu.dma_semaphore, #tpu.memory_space<semaphore_mem>>)
      %dma_wait3A_80 = arith.constant 0 : i32
      %dma_wait3A_81 = tpu.memref_slice %arg18[%add3A_58, %dma_wait3A_80] : memref<10240x128xf32, #tpu.memory_space<vmem_shared>> -> memref<80x128xf32, #tpu.memory_space<vmem_shared>>
      %dma_wait3A_82 = arith.constant 0 : i32
      %dma_wait3A_83 = tpu.memref_slice %arg18[%add3A_58, %dma_wait3A_82] : memref<10240x128xf32, #tpu.memory_space<vmem_shared>> -> memref<80x128xf32, #tpu.memory_space<vmem_shared>>
      tpu.wait_dma2 semaphore(%run_scoped3A : memref<!tpu.dma_semaphore, #tpu.memory_space<semaphore_mem>>) src(%dma_wait3A_83 : memref<80x128xf32, #tpu.memory_space<vmem_shared>>) dst(%arg17 : memref<80x128xf32, #tpu.memory_space<vmem>>)
      tpu.yield
    }) : () -> ()
    %add3A_59 = arith.constant 240 : i32
    %add3A_60 = arith.addi %mul3A_4, %add3A_59 : i32
    "tpu.region"() ({
      %run_scoped3A = tpu.sem_alloc : memref<!tpu.dma_semaphore, #tpu.memory_space<semaphore_mem>>
      %dma_start3A = arith.constant 0 : i32
      %dma_start3A_77 = tpu.memref_slice %arg6[%arg0, %add3A_60, %dma_start3A] : memref<2x10240x128xf32, #tpu.memory_space<hbm>> -> memref<1x80x128xf32, #tpu.memory_space<hbm>>
      %dma_start3A_78 = tpu.memref_squeeze %dma_start3A_77 : memref<1x80x128xf32, #tpu.memory_space<hbm>> -> memref<80x128xf32, #tpu.memory_space<hbm>>
      %dma_start3A_79 = arith.constant 0 : i32
      %dma_start3A_80 = tpu.memref_slice %arg6[%arg0, %add3A_60, %dma_start3A_79] : memref<2x10240x128xf32, #tpu.memory_space<hbm>> -> memref<1x80x128xf32, #tpu.memory_space<hbm>>
      %dma_start3A_81 = tpu.memref_squeeze %dma_start3A_80 : memref<1x80x128xf32, #tpu.memory_space<hbm>> -> memref<80x128xf32, #tpu.memory_space<hbm>>
      tpu.enqueue_dma source(%arg17 : memref<80x128xf32, #tpu.memory_space<vmem>>) target(%dma_start3A_81 : memref<80x128xf32, #tpu.memory_space<hbm>>) target_semaphore(%run_scoped3A : memref<!tpu.dma_semaphore, #tpu.memory_space<semaphore_mem>>)
      %dma_wait3A_82 = arith.constant 0 : i32
      %dma_wait3A_83 = tpu.memref_slice %arg6[%arg0, %add3A_60, %dma_wait3A_82] : memref<2x10240x128xf32, #tpu.memory_space<hbm>> -> memref<1x80x128xf32, #tpu.memory_space<hbm>>
      %dma_wait3A_84 = tpu.memref_squeeze %dma_wait3A_83 : memref<1x80x128xf32, #tpu.memory_space<hbm>> -> memref<80x128xf32, #tpu.memory_space<hbm>>
      %dma_wait3A_85 = arith.constant 0 : i32
      %dma_wait3A_86 = tpu.memref_slice %arg6[%arg0, %add3A_60, %dma_wait3A_85] : memref<2x10240x128xf32, #tpu.memory_space<hbm>> -> memref<1x80x128xf32, #tpu.memory_space<hbm>>
      %dma_wait3A_87 = tpu.memref_squeeze %dma_wait3A_86 : memref<1x80x128xf32, #tpu.memory_space<hbm>> -> memref<80x128xf32, #tpu.memory_space<hbm>>
      tpu.wait_dma2 semaphore(%run_scoped3A : memref<!tpu.dma_semaphore, #tpu.memory_space<semaphore_mem>>) src(%arg17 : memref<80x128xf32, #tpu.memory_space<vmem>>) dst(%dma_wait3A_87 : memref<80x128xf32, #tpu.memory_space<hbm>>)
      tpu.yield
    }) : () -> ()
    %add3A_61 = arith.constant 320 : i32
    %add3A_62 = arith.addi %mul3A_4, %add3A_61 : i32
    "tpu.region"() ({
      %run_scoped3A = tpu.sem_alloc : memref<!tpu.dma_semaphore, #tpu.memory_space<semaphore_mem>>
      %dma_start3A = arith.constant 0 : i32
      %dma_start3A_77 = tpu.memref_slice %arg18[%add3A_62, %dma_start3A] : memref<10240x128xf32, #tpu.memory_space<vmem_shared>> -> memref<80x128xf32, #tpu.memory_space<vmem_shared>>
      %dma_start3A_78 = arith.constant 0 : i32
      %dma_start3A_79 = tpu.memref_slice %arg18[%add3A_62, %dma_start3A_78] : memref<10240x128xf32, #tpu.memory_space<vmem_shared>> -> memref<80x128xf32, #tpu.memory_space<vmem_shared>>
      tpu.enqueue_dma source(%dma_start3A_79 : memref<80x128xf32, #tpu.memory_space<vmem_shared>>) target(%arg17 : memref<80x128xf32, #tpu.memory_space<vmem>>) target_semaphore(%run_scoped3A : memref<!tpu.dma_semaphore, #tpu.memory_space<semaphore_mem>>)
      %dma_wait3A_80 = arith.constant 0 : i32
      %dma_wait3A_81 = tpu.memref_slice %arg18[%add3A_62, %dma_wait3A_80] : memref<10240x128xf32, #tpu.memory_space<vmem_shared>> -> memref<80x128xf32, #tpu.memory_space<vmem_shared>>
      %dma_wait3A_82 = arith.constant 0 : i32
      %dma_wait3A_83 = tpu.memref_slice %arg18[%add3A_62, %dma_wait3A_82] : memref<10240x128xf32, #tpu.memory_space<vmem_shared>> -> memref<80x128xf32, #tpu.memory_space<vmem_shared>>
      tpu.wait_dma2 semaphore(%run_scoped3A : memref<!tpu.dma_semaphore, #tpu.memory_space<semaphore_mem>>) src(%dma_wait3A_83 : memref<80x128xf32, #tpu.memory_space<vmem_shared>>) dst(%arg17 : memref<80x128xf32, #tpu.memory_space<vmem>>)
      tpu.yield
    }) : () -> ()
    %add3A_63 = arith.constant 320 : i32
    %add3A_64 = arith.addi %mul3A_4, %add3A_63 : i32
    "tpu.region"() ({
      %run_scoped3A = tpu.sem_alloc : memref<!tpu.dma_semaphore, #tpu.memory_space<semaphore_mem>>
      %dma_start3A = arith.constant 0 : i32
      %dma_start3A_77 = tpu.memref_slice %arg6[%arg0, %add3A_64, %dma_start3A] : memref<2x10240x128xf32, #tpu.memory_space<hbm>> -> memref<1x80x128xf32, #tpu.memory_space<hbm>>
      %dma_start3A_78 = tpu.memref_squeeze %dma_start3A_77 : memref<1x80x128xf32, #tpu.memory_space<hbm>> -> memref<80x128xf32, #tpu.memory_space<hbm>>
      %dma_start3A_79 = arith.constant 0 : i32
      %dma_start3A_80 = tpu.memref_slice %arg6[%arg0, %add3A_64, %dma_start3A_79] : memref<2x10240x128xf32, #tpu.memory_space<hbm>> -> memref<1x80x128xf32, #tpu.memory_space<hbm>>
      %dma_start3A_81 = tpu.memref_squeeze %dma_start3A_80 : memref<1x80x128xf32, #tpu.memory_space<hbm>> -> memref<80x128xf32, #tpu.memory_space<hbm>>
      tpu.enqueue_dma source(%arg17 : memref<80x128xf32, #tpu.memory_space<vmem>>) target(%dma_start3A_81 : memref<80x128xf32, #tpu.memory_space<hbm>>) target_semaphore(%run_scoped3A : memref<!tpu.dma_semaphore, #tpu.memory_space<semaphore_mem>>)
      %dma_wait3A_82 = arith.constant 0 : i32
      %dma_wait3A_83 = tpu.memref_slice %arg6[%arg0, %add3A_64, %dma_wait3A_82] : memref<2x10240x128xf32, #tpu.memory_space<hbm>> -> memref<1x80x128xf32, #tpu.memory_space<hbm>>
      %dma_wait3A_84 = tpu.memref_squeeze %dma_wait3A_83 : memref<1x80x128xf32, #tpu.memory_space<hbm>> -> memref<80x128xf32, #tpu.memory_space<hbm>>
      %dma_wait3A_85 = arith.constant 0 : i32
      %dma_wait3A_86 = tpu.memref_slice %arg6[%arg0, %add3A_64, %dma_wait3A_85] : memref<2x10240x128xf32, #tpu.memory_space<hbm>> -> memref<1x80x128xf32, #tpu.memory_space<hbm>>
      %dma_wait3A_87 = tpu.memref_squeeze %dma_wait3A_86 : memref<1x80x128xf32, #tpu.memory_space<hbm>> -> memref<80x128xf32, #tpu.memory_space<hbm>>
      tpu.wait_dma2 semaphore(%run_scoped3A : memref<!tpu.dma_semaphore, #tpu.memory_space<semaphore_mem>>) src(%arg17 : memref<80x128xf32, #tpu.memory_space<vmem>>) dst(%dma_wait3A_87 : memref<80x128xf32, #tpu.memory_space<hbm>>)
      tpu.yield
    }) : () -> ()
    %add3A_65 = arith.constant 400 : i32
    %add3A_66 = arith.addi %mul3A_4, %add3A_65 : i32
    "tpu.region"() ({
      %run_scoped3A = tpu.sem_alloc : memref<!tpu.dma_semaphore, #tpu.memory_space<semaphore_mem>>
      %dma_start3A = arith.constant 0 : i32
      %dma_start3A_77 = tpu.memref_slice %arg18[%add3A_66, %dma_start3A] : memref<10240x128xf32, #tpu.memory_space<vmem_shared>> -> memref<80x128xf32, #tpu.memory_space<vmem_shared>>
      %dma_start3A_78 = arith.constant 0 : i32
      %dma_start3A_79 = tpu.memref_slice %arg18[%add3A_66, %dma_start3A_78] : memref<10240x128xf32, #tpu.memory_space<vmem_shared>> -> memref<80x128xf32, #tpu.memory_space<vmem_shared>>
      tpu.enqueue_dma source(%dma_start3A_79 : memref<80x128xf32, #tpu.memory_space<vmem_shared>>) target(%arg17 : memref<80x128xf32, #tpu.memory_space<vmem>>) target_semaphore(%run_scoped3A : memref<!tpu.dma_semaphore, #tpu.memory_space<semaphore_mem>>)
      %dma_wait3A_80 = arith.constant 0 : i32
      %dma_wait3A_81 = tpu.memref_slice %arg18[%add3A_66, %dma_wait3A_80] : memref<10240x128xf32, #tpu.memory_space<vmem_shared>> -> memref<80x128xf32, #tpu.memory_space<vmem_shared>>
      %dma_wait3A_82 = arith.constant 0 : i32
      %dma_wait3A_83 = tpu.memref_slice %arg18[%add3A_66, %dma_wait3A_82] : memref<10240x128xf32, #tpu.memory_space<vmem_shared>> -> memref<80x128xf32, #tpu.memory_space<vmem_shared>>
      tpu.wait_dma2 semaphore(%run_scoped3A : memref<!tpu.dma_semaphore, #tpu.memory_space<semaphore_mem>>) src(%dma_wait3A_83 : memref<80x128xf32, #tpu.memory_space<vmem_shared>>) dst(%arg17 : memref<80x128xf32, #tpu.memory_space<vmem>>)
      tpu.yield
    }) : () -> ()
    %add3A_67 = arith.constant 400 : i32
    %add3A_68 = arith.addi %mul3A_4, %add3A_67 : i32
    "tpu.region"() ({
      %run_scoped3A = tpu.sem_alloc : memref<!tpu.dma_semaphore, #tpu.memory_space<semaphore_mem>>
      %dma_start3A = arith.constant 0 : i32
      %dma_start3A_77 = tpu.memref_slice %arg6[%arg0, %add3A_68, %dma_start3A] : memref<2x10240x128xf32, #tpu.memory_space<hbm>> -> memref<1x80x128xf32, #tpu.memory_space<hbm>>
      %dma_start3A_78 = tpu.memref_squeeze %dma_start3A_77 : memref<1x80x128xf32, #tpu.memory_space<hbm>> -> memref<80x128xf32, #tpu.memory_space<hbm>>
      %dma_start3A_79 = arith.constant 0 : i32
      %dma_start3A_80 = tpu.memref_slice %arg6[%arg0, %add3A_68, %dma_start3A_79] : memref<2x10240x128xf32, #tpu.memory_space<hbm>> -> memref<1x80x128xf32, #tpu.memory_space<hbm>>
      %dma_start3A_81 = tpu.memref_squeeze %dma_start3A_80 : memref<1x80x128xf32, #tpu.memory_space<hbm>> -> memref<80x128xf32, #tpu.memory_space<hbm>>
      tpu.enqueue_dma source(%arg17 : memref<80x128xf32, #tpu.memory_space<vmem>>) target(%dma_start3A_81 : memref<80x128xf32, #tpu.memory_space<hbm>>) target_semaphore(%run_scoped3A : memref<!tpu.dma_semaphore, #tpu.memory_space<semaphore_mem>>)
      %dma_wait3A_82 = arith.constant 0 : i32
      %dma_wait3A_83 = tpu.memref_slice %arg6[%arg0, %add3A_68, %dma_wait3A_82] : memref<2x10240x128xf32, #tpu.memory_space<hbm>> -> memref<1x80x128xf32, #tpu.memory_space<hbm>>
      %dma_wait3A_84 = tpu.memref_squeeze %dma_wait3A_83 : memref<1x80x128xf32, #tpu.memory_space<hbm>> -> memref<80x128xf32, #tpu.memory_space<hbm>>
      %dma_wait3A_85 = arith.constant 0 : i32
      %dma_wait3A_86 = tpu.memref_slice %arg6[%arg0, %add3A_68, %dma_wait3A_85] : memref<2x10240x128xf32, #tpu.memory_space<hbm>> -> memref<1x80x128xf32, #tpu.memory_space<hbm>>
      %dma_wait3A_87 = tpu.memref_squeeze %dma_wait3A_86 : memref<1x80x128xf32, #tpu.memory_space<hbm>> -> memref<80x128xf32, #tpu.memory_space<hbm>>
      tpu.wait_dma2 semaphore(%run_scoped3A : memref<!tpu.dma_semaphore, #tpu.memory_space<semaphore_mem>>) src(%arg17 : memref<80x128xf32, #tpu.memory_space<vmem>>) dst(%dma_wait3A_87 : memref<80x128xf32, #tpu.memory_space<hbm>>)
      tpu.yield
    }) : () -> ()
    %add3A_69 = arith.constant 480 : i32
    %add3A_70 = arith.addi %mul3A_4, %add3A_69 : i32
    "tpu.region"() ({
      %run_scoped3A = tpu.sem_alloc : memref<!tpu.dma_semaphore, #tpu.memory_space<semaphore_mem>>
      %dma_start3A = arith.constant 0 : i32
      %dma_start3A_77 = tpu.memref_slice %arg18[%add3A_70, %dma_start3A] : memref<10240x128xf32, #tpu.memory_space<vmem_shared>> -> memref<80x128xf32, #tpu.memory_space<vmem_shared>>
      %dma_start3A_78 = arith.constant 0 : i32
      %dma_start3A_79 = tpu.memref_slice %arg18[%add3A_70, %dma_start3A_78] : memref<10240x128xf32, #tpu.memory_space<vmem_shared>> -> memref<80x128xf32, #tpu.memory_space<vmem_shared>>
      tpu.enqueue_dma source(%dma_start3A_79 : memref<80x128xf32, #tpu.memory_space<vmem_shared>>) target(%arg17 : memref<80x128xf32, #tpu.memory_space<vmem>>) target_semaphore(%run_scoped3A : memref<!tpu.dma_semaphore, #tpu.memory_space<semaphore_mem>>)
      %dma_wait3A_80 = arith.constant 0 : i32
      %dma_wait3A_81 = tpu.memref_slice %arg18[%add3A_70, %dma_wait3A_80] : memref<10240x128xf32, #tpu.memory_space<vmem_shared>> -> memref<80x128xf32, #tpu.memory_space<vmem_shared>>
      %dma_wait3A_82 = arith.constant 0 : i32
      %dma_wait3A_83 = tpu.memref_slice %arg18[%add3A_70, %dma_wait3A_82] : memref<10240x128xf32, #tpu.memory_space<vmem_shared>> -> memref<80x128xf32, #tpu.memory_space<vmem_shared>>
      tpu.wait_dma2 semaphore(%run_scoped3A : memref<!tpu.dma_semaphore, #tpu.memory_space<semaphore_mem>>) src(%dma_wait3A_83 : memref<80x128xf32, #tpu.memory_space<vmem_shared>>) dst(%arg17 : memref<80x128xf32, #tpu.memory_space<vmem>>)
      tpu.yield
    }) : () -> ()
    %add3A_71 = arith.constant 480 : i32
    %add3A_72 = arith.addi %mul3A_4, %add3A_71 : i32
    "tpu.region"() ({
      %run_scoped3A = tpu.sem_alloc : memref<!tpu.dma_semaphore, #tpu.memory_space<semaphore_mem>>
      %dma_start3A = arith.constant 0 : i32
      %dma_start3A_77 = tpu.memref_slice %arg6[%arg0, %add3A_72, %dma_start3A] : memref<2x10240x128xf32, #tpu.memory_space<hbm>> -> memref<1x80x128xf32, #tpu.memory_space<hbm>>
      %dma_start3A_78 = tpu.memref_squeeze %dma_start3A_77 : memref<1x80x128xf32, #tpu.memory_space<hbm>> -> memref<80x128xf32, #tpu.memory_space<hbm>>
      %dma_start3A_79 = arith.constant 0 : i32
      %dma_start3A_80 = tpu.memref_slice %arg6[%arg0, %add3A_72, %dma_start3A_79] : memref<2x10240x128xf32, #tpu.memory_space<hbm>> -> memref<1x80x128xf32, #tpu.memory_space<hbm>>
      %dma_start3A_81 = tpu.memref_squeeze %dma_start3A_80 : memref<1x80x128xf32, #tpu.memory_space<hbm>> -> memref<80x128xf32, #tpu.memory_space<hbm>>
      tpu.enqueue_dma source(%arg17 : memref<80x128xf32, #tpu.memory_space<vmem>>) target(%dma_start3A_81 : memref<80x128xf32, #tpu.memory_space<hbm>>) target_semaphore(%run_scoped3A : memref<!tpu.dma_semaphore, #tpu.memory_space<semaphore_mem>>)
      %dma_wait3A_82 = arith.constant 0 : i32
      %dma_wait3A_83 = tpu.memref_slice %arg6[%arg0, %add3A_72, %dma_wait3A_82] : memref<2x10240x128xf32, #tpu.memory_space<hbm>> -> memref<1x80x128xf32, #tpu.memory_space<hbm>>
      %dma_wait3A_84 = tpu.memref_squeeze %dma_wait3A_83 : memref<1x80x128xf32, #tpu.memory_space<hbm>> -> memref<80x128xf32, #tpu.memory_space<hbm>>
      %dma_wait3A_85 = arith.constant 0 : i32
      %dma_wait3A_86 = tpu.memref_slice %arg6[%arg0, %add3A_72, %dma_wait3A_85] : memref<2x10240x128xf32, #tpu.memory_space<hbm>> -> memref<1x80x128xf32, #tpu.memory_space<hbm>>
      %dma_wait3A_87 = tpu.memref_squeeze %dma_wait3A_86 : memref<1x80x128xf32, #tpu.memory_space<hbm>> -> memref<80x128xf32, #tpu.memory_space<hbm>>
      tpu.wait_dma2 semaphore(%run_scoped3A : memref<!tpu.dma_semaphore, #tpu.memory_space<semaphore_mem>>) src(%arg17 : memref<80x128xf32, #tpu.memory_space<vmem>>) dst(%dma_wait3A_87 : memref<80x128xf32, #tpu.memory_space<hbm>>)
      tpu.yield
    }) : () -> ()
    %add3A_73 = arith.constant 560 : i32
    %add3A_74 = arith.addi %mul3A_4, %add3A_73 : i32
    "tpu.region"() ({
      %run_scoped3A = tpu.sem_alloc : memref<!tpu.dma_semaphore, #tpu.memory_space<semaphore_mem>>
      %dma_start3A = arith.constant 0 : i32
      %dma_start3A_77 = tpu.memref_slice %arg18[%add3A_74, %dma_start3A] : memref<10240x128xf32, #tpu.memory_space<vmem_shared>> -> memref<80x128xf32, #tpu.memory_space<vmem_shared>>
      %dma_start3A_78 = arith.constant 0 : i32
      %dma_start3A_79 = tpu.memref_slice %arg18[%add3A_74, %dma_start3A_78] : memref<10240x128xf32, #tpu.memory_space<vmem_shared>> -> memref<80x128xf32, #tpu.memory_space<vmem_shared>>
      tpu.enqueue_dma source(%dma_start3A_79 : memref<80x128xf32, #tpu.memory_space<vmem_shared>>) target(%arg17 : memref<80x128xf32, #tpu.memory_space<vmem>>) target_semaphore(%run_scoped3A : memref<!tpu.dma_semaphore, #tpu.memory_space<semaphore_mem>>)
      %dma_wait3A_80 = arith.constant 0 : i32
      %dma_wait3A_81 = tpu.memref_slice %arg18[%add3A_74, %dma_wait3A_80] : memref<10240x128xf32, #tpu.memory_space<vmem_shared>> -> memref<80x128xf32, #tpu.memory_space<vmem_shared>>
      %dma_wait3A_82 = arith.constant 0 : i32
      %dma_wait3A_83 = tpu.memref_slice %arg18[%add3A_74, %dma_wait3A_82] : memref<10240x128xf32, #tpu.memory_space<vmem_shared>> -> memref<80x128xf32, #tpu.memory_space<vmem_shared>>
      tpu.wait_dma2 semaphore(%run_scoped3A : memref<!tpu.dma_semaphore, #tpu.memory_space<semaphore_mem>>) src(%dma_wait3A_83 : memref<80x128xf32, #tpu.memory_space<vmem_shared>>) dst(%arg17 : memref<80x128xf32, #tpu.memory_space<vmem>>)
      tpu.yield
    }) : () -> ()
    %add3A_75 = arith.constant 560 : i32
    %add3A_76 = arith.addi %mul3A_4, %add3A_75 : i32
    "tpu.region"() ({
      %run_scoped3A = tpu.sem_alloc : memref<!tpu.dma_semaphore, #tpu.memory_space<semaphore_mem>>
      %dma_start3A = arith.constant 0 : i32
      %dma_start3A_77 = tpu.memref_slice %arg6[%arg0, %add3A_76, %dma_start3A] : memref<2x10240x128xf32, #tpu.memory_space<hbm>> -> memref<1x80x128xf32, #tpu.memory_space<hbm>>
      %dma_start3A_78 = tpu.memref_squeeze %dma_start3A_77 : memref<1x80x128xf32, #tpu.memory_space<hbm>> -> memref<80x128xf32, #tpu.memory_space<hbm>>
      %dma_start3A_79 = arith.constant 0 : i32
      %dma_start3A_80 = tpu.memref_slice %arg6[%arg0, %add3A_76, %dma_start3A_79] : memref<2x10240x128xf32, #tpu.memory_space<hbm>> -> memref<1x80x128xf32, #tpu.memory_space<hbm>>
      %dma_start3A_81 = tpu.memref_squeeze %dma_start3A_80 : memref<1x80x128xf32, #tpu.memory_space<hbm>> -> memref<80x128xf32, #tpu.memory_space<hbm>>
      tpu.enqueue_dma source(%arg17 : memref<80x128xf32, #tpu.memory_space<vmem>>) target(%dma_start3A_81 : memref<80x128xf32, #tpu.memory_space<hbm>>) target_semaphore(%run_scoped3A : memref<!tpu.dma_semaphore, #tpu.memory_space<semaphore_mem>>)
      %dma_wait3A_82 = arith.constant 0 : i32
      %dma_wait3A_83 = tpu.memref_slice %arg6[%arg0, %add3A_76, %dma_wait3A_82] : memref<2x10240x128xf32, #tpu.memory_space<hbm>> -> memref<1x80x128xf32, #tpu.memory_space<hbm>>
      %dma_wait3A_84 = tpu.memref_squeeze %dma_wait3A_83 : memref<1x80x128xf32, #tpu.memory_space<hbm>> -> memref<80x128xf32, #tpu.memory_space<hbm>>
      %dma_wait3A_85 = arith.constant 0 : i32
      %dma_wait3A_86 = tpu.memref_slice %arg6[%arg0, %add3A_76, %dma_wait3A_85] : memref<2x10240x128xf32, #tpu.memory_space<hbm>> -> memref<1x80x128xf32, #tpu.memory_space<hbm>>
      %dma_wait3A_87 = tpu.memref_squeeze %dma_wait3A_86 : memref<1x80x128xf32, #tpu.memory_space<hbm>> -> memref<80x128xf32, #tpu.memory_space<hbm>>
      tpu.wait_dma2 semaphore(%run_scoped3A : memref<!tpu.dma_semaphore, #tpu.memory_space<semaphore_mem>>) src(%arg17 : memref<80x128xf32, #tpu.memory_space<vmem>>) dst(%dma_wait3A_87 : memref<80x128xf32, #tpu.memory_space<hbm>>)
      tpu.yield
    }) : () -> ()
    return
  }
}

#map = affine_map<(d0, d1) -> (0, 0)>
#map1 = affine_map<(d0, d1) -> (0)>
module attributes {stable_mosaic.version = 14 : i64} {
  func.func @k(%arg0: i32, %arg1: i32, %arg2: memref<20000x128xf32, #tpu.memory_space<hbm>>, %arg3: memref<100352xi32, #tpu.memory_space<hbm>>, %arg4: memref<100352x128xf32, #tpu.memory_space<hbm>>, %arg5: memref<112xi32, #tpu.memory_space<vmem>>, %arg6: memref<112x128xf32, #tpu.memory_space<vmem>>, %arg7: memref<!tpu.dma_semaphore, #tpu.memory_space<semaphore_mem>>) attributes {dimension_semantics = [#tpu.dimension_semantics<core_parallel>, #tpu.dimension_semantics<subcore_parallel>], iteration_bounds = array<i64: 2, 16>, scalar_prefetch = 0 : i64, scratch_operands = 3 : i64, tpu.core_type = #tpu.core_type<sc_vector_subcore>, window_params = [{transform_indices = #map}, {transform_indices = #map1}, {transform_indices = #map}]} {
    %mul3A = arith.constant 2 : i32
    %mul3A_0 = arith.muli %arg1, %mul3A : i32
    %add3A = arith.addi %mul3A_0, %arg0 : i32
    %scan3A = arith.constant 0 : i32
    %scan3A_1 = arith.constant 0 : i32
    %scan3A_2 = arith.constant 28 : i32
    %scan3A_3 = arith.addi %scan3A_1, %scan3A_2 : i32
    %scan3A_4 = arith.constant 1 : i32
    scf.for %scan3A_6 = %scan3A_1 to %scan3A_3 step %scan3A_4  : i32 {
      %mul3A_7 = arith.constant 3136 : i32
      %mul3A_8 = arith.muli %add3A, %mul3A_7 : i32
      %mul3A_9 = arith.constant 112 : i32
      %mul3A_10 = arith.muli %scan3A_6, %mul3A_9 : i32
      %add3A_11 = arith.addi %mul3A_8, %mul3A_10 : i32
      "tpu.region"() ({
        %run_scoped3A = tpu.sem_alloc : memref<!tpu.dma_semaphore, #tpu.memory_space<semaphore_mem>>
        %dma_start3A_16 = tpu.memref_slice %arg3[%add3A_11] : memref<100352xi32, #tpu.memory_space<hbm>> -> memref<112xi32, #tpu.memory_space<hbm>>
        %dma_start3A_17 = tpu.memref_slice %arg3[%add3A_11] : memref<100352xi32, #tpu.memory_space<hbm>> -> memref<112xi32, #tpu.memory_space<hbm>>
        tpu.enqueue_dma source(%dma_start3A_17 : memref<112xi32, #tpu.memory_space<hbm>>) target(%arg5 : memref<112xi32, #tpu.memory_space<vmem>>) target_semaphore(%run_scoped3A : memref<!tpu.dma_semaphore, #tpu.memory_space<semaphore_mem>>)
        %dma_wait3A_18 = tpu.memref_slice %arg3[%add3A_11] : memref<100352xi32, #tpu.memory_space<hbm>> -> memref<112xi32, #tpu.memory_space<hbm>>
        %dma_wait3A_19 = tpu.memref_slice %arg3[%add3A_11] : memref<100352xi32, #tpu.memory_space<hbm>> -> memref<112xi32, #tpu.memory_space<hbm>>
        tpu.wait_dma2 semaphore(%run_scoped3A : memref<!tpu.dma_semaphore, #tpu.memory_space<semaphore_mem>>) src(%dma_wait3A_19 : memref<112xi32, #tpu.memory_space<hbm>>) dst(%arg5 : memref<112xi32, #tpu.memory_space<vmem>>)
        tpu.yield
      }) : () -> ()
      %dma_start3A = arith.constant 0 : i32
      %dma_start3A_12 = arith.constant 0 : i32
      %dma_start3A_13 = tpu.memref_slice %arg2[%dma_start3A, %dma_start3A_12] : memref<20000x128xf32, #tpu.memory_space<hbm>> -> memref<20000x128xf32, #tpu.memory_space<hbm>>
      tpu.enqueue_indirect_dma source(%dma_start3A_13 : memref<20000x128xf32, #tpu.memory_space<hbm>>) target(%arg6 : memref<112x128xf32, #tpu.memory_space<vmem>>) offsets(%arg5 : memref<112xi32, #tpu.memory_space<vmem>>) semaphore(%arg7 : memref<!tpu.dma_semaphore, #tpu.memory_space<semaphore_mem>>)
      %dma_wait3A = arith.constant 0 : i32
      %dma_wait3A_14 = arith.constant 0 : i32
      %dma_wait3A_15 = tpu.memref_slice %arg2[%dma_wait3A, %dma_wait3A_14] : memref<20000x128xf32, #tpu.memory_space<hbm>> -> memref<20000x128xf32, #tpu.memory_space<hbm>>
      tpu.wait_indirect_dma semaphore(%arg7 : memref<!tpu.dma_semaphore, #tpu.memory_space<semaphore_mem>>) src(%dma_wait3A_15 : memref<20000x128xf32, #tpu.memory_space<hbm>>) dst(%arg6 : memref<112x128xf32, #tpu.memory_space<vmem>>)
      "tpu.region"() ({
        %run_scoped3A = tpu.sem_alloc : memref<!tpu.dma_semaphore, #tpu.memory_space<semaphore_mem>>
        %dma_start3A_16 = arith.constant 0 : i32
        %dma_start3A_17 = tpu.memref_slice %arg4[%add3A_11, %dma_start3A_16] : memref<100352x128xf32, #tpu.memory_space<hbm>> -> memref<112x128xf32, #tpu.memory_space<hbm>>
        %dma_start3A_18 = arith.constant 0 : i32
        %dma_start3A_19 = tpu.memref_slice %arg4[%add3A_11, %dma_start3A_18] : memref<100352x128xf32, #tpu.memory_space<hbm>> -> memref<112x128xf32, #tpu.memory_space<hbm>>
        tpu.enqueue_dma source(%arg6 : memref<112x128xf32, #tpu.memory_space<vmem>>) target(%dma_start3A_19 : memref<112x128xf32, #tpu.memory_space<hbm>>) target_semaphore(%run_scoped3A : memref<!tpu.dma_semaphore, #tpu.memory_space<semaphore_mem>>)
        %dma_wait3A_20 = arith.constant 0 : i32
        %dma_wait3A_21 = tpu.memref_slice %arg4[%add3A_11, %dma_wait3A_20] : memref<100352x128xf32, #tpu.memory_space<hbm>> -> memref<112x128xf32, #tpu.memory_space<hbm>>
        %dma_wait3A_22 = arith.constant 0 : i32
        %dma_wait3A_23 = tpu.memref_slice %arg4[%add3A_11, %dma_wait3A_22] : memref<100352x128xf32, #tpu.memory_space<hbm>> -> memref<112x128xf32, #tpu.memory_space<hbm>>
        tpu.wait_dma2 semaphore(%run_scoped3A : memref<!tpu.dma_semaphore, #tpu.memory_space<semaphore_mem>>) src(%arg6 : memref<112x128xf32, #tpu.memory_space<vmem>>) dst(%dma_wait3A_23 : memref<112x128xf32, #tpu.memory_space<hbm>>)
        tpu.yield
      }) : () -> ()
    }
    %scan3A_5 = arith.constant 28 : i32
    return
  }
}

module attributes {stable_mosaic.version = 14 : i64} {
  func.func @body(%arg0: i32, %arg1: memref<10000x128xf32, #tpu.memory_space<vmem>>, %arg2: memref<128x128xf32, #tpu.memory_space<vmem>>, %arg3: memref<1x128xf32, #tpu.memory_space<vmem>>, %arg4: memref<2x10000x16xf32, #tpu.memory_space<vmem>>, %arg5: memref<128x128xf32, #tpu.memory_space<vmem>>, %arg6: memref<10000x128xf32, #tpu.memory_space<vmem>>, %arg7: memref<10000x16xf32, #tpu.memory_space<vmem>>) attributes {dimension_semantics = [#tpu.dimension_semantics<arbitrary>], iteration_bounds = array<i64: 1>, scalar_prefetch = 0 : i64, scratch_operands = 0 : i64, tpu.core_type = #tpu.core_type<tc>, window_params = [{pipeline_mode = #tpu.pipeline_mode<synchronous>, transform_indices = @transform_0, window_bounds = array<i64: 10000, 128>}, {pipeline_mode = #tpu.pipeline_mode<synchronous>, transform_indices = @transform_1, window_bounds = array<i64: 128, 128>}, {pipeline_mode = #tpu.pipeline_mode<synchronous>, transform_indices = @transform_2, window_bounds = array<i64: 1, 128>}, {transform_indices = @transform_3, window_bounds = array<i64: 2, 10000, 16>}, {pipeline_mode = #tpu.pipeline_mode<synchronous>, transform_indices = @transform_4, window_bounds = array<i64: 128, 128>}, {pipeline_mode = #tpu.pipeline_mode<synchronous>, transform_indices = @transform_5, window_bounds = array<i64: 10000, 128>}, {pipeline_mode = #tpu.pipeline_mode<synchronous>, transform_indices = @transform_6, window_bounds = array<i64: 10000, 16>}]} {
    %get3A = arith.constant 0 : index
    %get3A_0 = arith.constant 0 : index
    %get3A_1 = arith.constant 0 : index
    %get3A_2 = vector.load %arg4[%get3A, %get3A_0, %get3A_1] : memref<2x10000x16xf32, #tpu.memory_space<vmem>>, vector<1x10000x16xf32>
    %get3A_3 = vector.shape_cast %get3A_2 : vector<1x10000x16xf32> to vector<10000x16xf32>
    %get3A_4 = arith.constant 1 : index
    %get3A_5 = arith.constant 0 : index
    %get3A_6 = arith.constant 0 : index
    %get3A_7 = vector.load %arg4[%get3A_4, %get3A_5, %get3A_6] : memref<2x10000x16xf32, #tpu.memory_space<vmem>>, vector<1x10000x16xf32>
    %get3A_8 = vector.shape_cast %get3A_7 : vector<1x10000x16xf32> to vector<10000x16xf32>
    %add3A = arith.addf %get3A_3, %get3A_8 : vector<10000x16xf32>
    %add3A_9 = arith.constant 1.000000e+00 : f32
    %add3A_10 = vector.broadcast %add3A_9 : f32 to vector<10000x16xf32>
    %add3A_11 = arith.addf %add3A, %add3A_10 : vector<10000x16xf32>
    %rsqrt3A = math.rsqrt %add3A_11 : vector<10000x16xf32>
    %swap3A = arith.constant 0 : index
    %swap3A_12 = arith.constant 0 : index
    %swap3A_13 = vector.load %arg7[%swap3A, %swap3A_12] : memref<10000x16xf32, #tpu.memory_space<vmem>>, vector<10000x16xf32>
    tpu.vector_store %arg7[%swap3A, %swap3A_12], %rsqrt3A {strides = array<i32>} : memref<10000x16xf32, #tpu.memory_space<vmem>>, vector<10000x16xf32>,
    %get3A_14 = arith.constant 0 : index
    %get3A_15 = arith.constant 0 : index
    %get3A_16 = vector.load %arg1[%get3A_14, %get3A_15] : memref<10000x128xf32, #tpu.memory_space<vmem>>, vector<10000x128xf32>
    %get3A_17 = arith.constant 0 : index
    %get3A_18 = arith.constant 0 : index
    %get3A_19 = vector.load %arg2[%get3A_17, %get3A_18] : memref<128x128xf32, #tpu.memory_space<vmem>>, vector<128x128xf32>
    %dot_general3A = arith.constant dense<0.000000e+00> : vector<10000x128xf32>
    %dot_general3A_20 = tpu.matmul %get3A_16, %get3A_19, %dot_general3A {dimension_numbers = #tpu.dot_dimension_numbers<[1], [0], [0], [1], [0, 0, 1, 1], [], []>, transpose_lhs_hint = false} : vector<10000x128xf32>, vector<128x128xf32>, vector<10000x128xf32> -> vector<10000x128xf32>
    %get3A_21 = arith.constant 0 : index
    %get3A_22 = arith.constant 0 : index
    %get3A_23 = vector.load %arg3[%get3A_21, %get3A_22] : memref<1x128xf32, #tpu.memory_space<vmem>>, vector<1x128xf32>
    %add3A_24 = vector.broadcast %get3A_23 : vector<1x128xf32> to vector<10000x128xf32>
    %add3A_25 = arith.addf %dot_general3A_20, %add3A_24 : vector<10000x128xf32>
    %get3A_26 = arith.constant 0 : index
    %get3A_27 = arith.constant 0 : index
    %get3A_28 = vector.load %arg5[%get3A_26, %get3A_27] : memref<128x128xf32, #tpu.memory_space<vmem>>, vector<128x128xf32>
    %dot_general3A_29 = arith.constant dense<0.000000e+00> : vector<10000x128xf32>
    %dot_general3A_30 = tpu.matmul %add3A_25, %get3A_28, %dot_general3A_29 {dimension_numbers = #tpu.dot_dimension_numbers<[1], [0], [0], [1], [0, 0, 1, 1], [], []>, transpose_lhs_hint = false} : vector<10000x128xf32>, vector<128x128xf32>, vector<10000x128xf32> -> vector<10000x128xf32>
    %slice3A = vector.extract_strided_slice %rsqrt3A {offsets = [0, 0], sizes = [10000, 1], strides = [1, 1]} : vector<10000x16xf32> to vector<10000x1xf32>
    %mul3A = vector.broadcast %slice3A : vector<10000x1xf32> to vector<10000x128xf32>
    %mul3A_31 = arith.mulf %dot_general3A_30, %mul3A : vector<10000x128xf32>
    %swap3A_32 = arith.constant 0 : index
    %swap3A_33 = arith.constant 0 : index
    %swap3A_34 = vector.load %arg6[%swap3A_32, %swap3A_33] : memref<10000x128xf32, #tpu.memory_space<vmem>>, vector<10000x128xf32>
    tpu.vector_store %arg6[%swap3A_32, %swap3A_33], %mul3A_31 {strides = array<i32>} : memref<10000x128xf32, #tpu.memory_space<vmem>>, vector<10000x128xf32>,
    return
  }
  func.func @transform_0(%arg0: i32) -> (i32, i32) {
    %c0_i32 = arith.constant 0 : i32
    %c0_i32_0 = arith.constant 0 : i32
    %c0_i32_1 = arith.constant 0 : i32
    return %c0_i32, %c0_i32_0 : i32, i32
  }
  func.func @transform_1(%arg0: i32) -> (i32, i32) {
    %c0_i32 = arith.constant 0 : i32
    %c0_i32_0 = arith.constant 0 : i32
    %c0_i32_1 = arith.constant 0 : i32
    return %c0_i32, %c0_i32_0 : i32, i32
  }
  func.func @transform_2(%arg0: i32) -> (i32, i32) {
    %c0_i32 = arith.constant 0 : i32
    %c0_i32_0 = arith.constant 0 : i32
    %c0_i32_1 = arith.constant 0 : i32
    return %c0_i32, %c0_i32_0 : i32, i32
  }
  func.func @transform_3(%arg0: i32) -> (i32, i32, i32) {
    %c0_i32 = arith.constant 0 : i32
    %c0_i32_0 = arith.constant 0 : i32
    %c0_i32_1 = arith.constant 0 : i32
    %c0_i32_2 = arith.constant 0 : i32
    return %c0_i32, %c0_i32_0, %c0_i32_1 : i32, i32, i32
  }
  func.func @transform_4(%arg0: i32) -> (i32, i32) {
    %c0_i32 = arith.constant 0 : i32
    %c0_i32_0 = arith.constant 0 : i32
    %c0_i32_1 = arith.constant 0 : i32
    return %c0_i32, %c0_i32_0 : i32, i32
  }
  func.func @transform_5(%arg0: i32) -> (i32, i32) {
    %c0_i32 = arith.constant 0 : i32
    %c0_i32_0 = arith.constant 0 : i32
    %c0_i32_1 = arith.constant 0 : i32
    return %c0_i32, %c0_i32_0 : i32, i32
  }
  func.func @transform_6(%arg0: i32) -> (i32, i32) {
    %c0_i32 = arith.constant 0 : i32
    %c0_i32_0 = arith.constant 0 : i32
    %c0_i32_1 = arith.constant 0 : i32
    return %c0_i32, %c0_i32_0 : i32, i32
  }
}

module attributes {stable_mosaic.version = 14 : i64} {
  func.func @body(%arg0: i32, %arg1: memref<2x10000x128xf32, #tpu.memory_space<vmem>>, %arg2: memref<10000x128xf32, #tpu.memory_space<vmem>>, %arg3: memref<10000x16xf32, #tpu.memory_space<vmem>>, %arg4: memref<1x128xf32, #tpu.memory_space<vmem>>, %arg5: memref<1x128xf32, #tpu.memory_space<vmem>>, %arg6: memref<1x128xf32, #tpu.memory_space<vmem>>, %arg7: memref<128x128xf32, #tpu.memory_space<vmem>>, %arg8: memref<10000x128xf32, #tpu.memory_space<vmem>>) attributes {dimension_semantics = [#tpu.dimension_semantics<arbitrary>], iteration_bounds = array<i64: 1>, scalar_prefetch = 0 : i64, scratch_operands = 0 : i64, tpu.core_type = #tpu.core_type<tc>, window_params = [{transform_indices = @transform_0, window_bounds = array<i64: 2, 10000, 128>}, {pipeline_mode = #tpu.pipeline_mode<synchronous>, transform_indices = @transform_1, window_bounds = array<i64: 10000, 128>}, {pipeline_mode = #tpu.pipeline_mode<synchronous>, transform_indices = @transform_2, window_bounds = array<i64: 10000, 16>}, {pipeline_mode = #tpu.pipeline_mode<synchronous>, transform_indices = @transform_3, window_bounds = array<i64: 1, 128>}, {pipeline_mode = #tpu.pipeline_mode<synchronous>, transform_indices = @transform_4, window_bounds = array<i64: 1, 128>}, {pipeline_mode = #tpu.pipeline_mode<synchronous>, transform_indices = @transform_5, window_bounds = array<i64: 1, 128>}, {pipeline_mode = #tpu.pipeline_mode<synchronous>, transform_indices = @transform_6, window_bounds = array<i64: 128, 128>}, {pipeline_mode = #tpu.pipeline_mode<synchronous>, transform_indices = @transform_7, window_bounds = array<i64: 10000, 128>}]} {
    %get3A = arith.constant 0 : index
    %get3A_0 = arith.constant 0 : index
    %get3A_1 = vector.load %arg3[%get3A, %get3A_0] : memref<10000x16xf32, #tpu.memory_space<vmem>>, vector<10000x16xf32>
    %slice3A = vector.extract_strided_slice %get3A_1 {offsets = [0, 0], sizes = [10000, 1], strides = [1, 1]} : vector<10000x16xf32> to vector<10000x1xf32>
    %get3A_2 = arith.constant 0 : index
    %get3A_3 = arith.constant 0 : index
    %get3A_4 = arith.constant 0 : index
    %get3A_5 = vector.load %arg1[%get3A_2, %get3A_3, %get3A_4] : memref<2x10000x128xf32, #tpu.memory_space<vmem>>, vector<1x10000x128xf32>
    %get3A_6 = vector.shape_cast %get3A_5 : vector<1x10000x128xf32> to vector<10000x128xf32>
    %get3A_7 = arith.constant 1 : index
    %get3A_8 = arith.constant 0 : index
    %get3A_9 = arith.constant 0 : index
    %get3A_10 = vector.load %arg1[%get3A_7, %get3A_8, %get3A_9] : memref<2x10000x128xf32, #tpu.memory_space<vmem>>, vector<1x10000x128xf32>
    %get3A_11 = vector.shape_cast %get3A_10 : vector<1x10000x128xf32> to vector<10000x128xf32>
    %get3A_12 = arith.constant 0 : index
    %get3A_13 = arith.constant 0 : index
    %get3A_14 = vector.load %arg2[%get3A_12, %get3A_13] : memref<10000x128xf32, #tpu.memory_space<vmem>>, vector<10000x128xf32>
    %get3A_15 = arith.constant 0 : index
    %get3A_16 = arith.constant 0 : index
    %get3A_17 = vector.load %arg4[%get3A_15, %get3A_16] : memref<1x128xf32, #tpu.memory_space<vmem>>, vector<1x128xf32>
    %get3A_18 = arith.constant 0 : index
    %get3A_19 = arith.constant 0 : index
    %get3A_20 = vector.load %arg5[%get3A_18, %get3A_19] : memref<1x128xf32, #tpu.memory_space<vmem>>, vector<1x128xf32>
    %get3A_21 = arith.constant 0 : index
    %get3A_22 = arith.constant 0 : index
    %get3A_23 = vector.load %arg6[%get3A_21, %get3A_22] : memref<1x128xf32, #tpu.memory_space<vmem>>, vector<1x128xf32>
    %add3A = arith.addf %get3A_6, %get3A_11 : vector<10000x128xf32>
    %add3A_24 = arith.addf %add3A, %get3A_14 : vector<10000x128xf32>
    %mul3A = vector.broadcast %slice3A : vector<10000x1xf32> to vector<10000x128xf32>
    %mul3A_25 = arith.mulf %add3A_24, %mul3A : vector<10000x128xf32>
    %add3A_26 = vector.broadcast %get3A_17 : vector<1x128xf32> to vector<10000x128xf32>
    %add3A_27 = arith.addf %mul3A_25, %add3A_26 : vector<10000x128xf32>
    %reduce_sum3A = arith.constant dense<0.000000e+00> : vector<128xf32>
    %reduce_sum3A_28 = vector.multi_reduction <add>, %add3A_27, %reduce_sum3A [0] : vector<10000x128xf32> to vector<128xf32>
    %broadcast_in_dim3A = vector.shape_cast %reduce_sum3A_28 : vector<128xf32> to vector<1x128xf32>
    %div3A = arith.constant 1.000000e+04 : f32
    %div3A_29 = vector.broadcast %div3A : f32 to vector<1x128xf32>
    %div3A_30 = arith.divf %broadcast_in_dim3A, %div3A_29 : vector<1x128xf32>
    %sub3A = vector.broadcast %div3A_30 : vector<1x128xf32> to vector<10000x128xf32>
    %sub3A_31 = arith.subf %add3A_27, %sub3A : vector<10000x128xf32>
    %mul3A_32 = arith.mulf %sub3A_31, %sub3A_31 : vector<10000x128xf32>
    %reduce_sum3A_33 = arith.constant dense<0.000000e+00> : vector<128xf32>
    %reduce_sum3A_34 = vector.multi_reduction <add>, %mul3A_32, %reduce_sum3A_33 [0] : vector<10000x128xf32> to vector<128xf32>
    %broadcast_in_dim3A_35 = vector.shape_cast %reduce_sum3A_34 : vector<128xf32> to vector<1x128xf32>
    %div3A_36 = arith.constant 1.000000e+04 : f32
    %div3A_37 = vector.broadcast %div3A_36 : f32 to vector<1x128xf32>
    %div3A_38 = arith.divf %broadcast_in_dim3A_35, %div3A_37 : vector<1x128xf32>
    %add3A_39 = arith.constant 9.99999974E-6 : f32
    %add3A_40 = vector.broadcast %add3A_39 : f32 to vector<1x128xf32>
    %add3A_41 = arith.addf %div3A_38, %add3A_40 : vector<1x128xf32>
    %rsqrt3A = math.rsqrt %add3A_41 : vector<1x128xf32>
    %mul3A_42 = vector.broadcast %rsqrt3A : vector<1x128xf32> to vector<10000x128xf32>
    %mul3A_43 = arith.mulf %sub3A_31, %mul3A_42 : vector<10000x128xf32>
    %mul3A_44 = vector.broadcast %get3A_20 : vector<1x128xf32> to vector<10000x128xf32>
    %mul3A_45 = arith.mulf %mul3A_43, %mul3A_44 : vector<10000x128xf32>
    %add3A_46 = vector.broadcast %get3A_23 : vector<1x128xf32> to vector<10000x128xf32>
    %add3A_47 = arith.addf %mul3A_45, %add3A_46 : vector<10000x128xf32>
    %max3A = arith.constant 0.000000e+00 : f32
    %max3A_48 = vector.broadcast %max3A : f32 to vector<10000x128xf32>
    %max3A_49 = arith.maximumf %add3A_47, %max3A_48 : vector<10000x128xf32>
    %get3A_50 = arith.constant 0 : index
    %get3A_51 = arith.constant 0 : index
    %get3A_52 = vector.load %arg7[%get3A_50, %get3A_51] : memref<128x128xf32, #tpu.memory_space<vmem>>, vector<128x128xf32>
    %dot_general3A = arith.constant dense<0.000000e+00> : vector<10000x128xf32>
    %dot_general3A_53 = tpu.matmul %max3A_49, %get3A_52, %dot_general3A {dimension_numbers = #tpu.dot_dimension_numbers<[1], [0], [0], [1], [0, 0, 1, 1], [], []>, transpose_lhs_hint = false} : vector<10000x128xf32>, vector<128x128xf32>, vector<10000x128xf32> -> vector<10000x128xf32>
    %mul3A_54 = vector.broadcast %slice3A : vector<10000x1xf32> to vector<10000x128xf32>
    %mul3A_55 = arith.mulf %dot_general3A_53, %mul3A_54 : vector<10000x128xf32>
    %swap3A = arith.constant 0 : index
    %swap3A_56 = arith.constant 0 : index
    %swap3A_57 = vector.load %arg8[%swap3A, %swap3A_56] : memref<10000x128xf32, #tpu.memory_space<vmem>>, vector<10000x128xf32>
    tpu.vector_store %arg8[%swap3A, %swap3A_56], %mul3A_55 {strides = array<i32>} : memref<10000x128xf32, #tpu.memory_space<vmem>>, vector<10000x128xf32>,
    return
  }
  func.func @transform_0(%arg0: i32) -> (i32, i32, i32) {
    %c0_i32 = arith.constant 0 : i32
    %c0_i32_0 = arith.constant 0 : i32
    %c0_i32_1 = arith.constant 0 : i32
    %c0_i32_2 = arith.constant 0 : i32
    return %c0_i32, %c0_i32_0, %c0_i32_1 : i32, i32, i32
  }
  func.func @transform_1(%arg0: i32) -> (i32, i32) {
    %c0_i32 = arith.constant 0 : i32
    %c0_i32_0 = arith.constant 0 : i32
    %c0_i32_1 = arith.constant 0 : i32
    return %c0_i32, %c0_i32_0 : i32, i32
  }
  func.func @transform_2(%arg0: i32) -> (i32, i32) {
    %c0_i32 = arith.constant 0 : i32
    %c0_i32_0 = arith.constant 0 : i32
    %c0_i32_1 = arith.constant 0 : i32
    return %c0_i32, %c0_i32_0 : i32, i32
  }
  func.func @transform_3(%arg0: i32) -> (i32, i32) {
    %c0_i32 = arith.constant 0 : i32
    %c0_i32_0 = arith.constant 0 : i32
    %c0_i32_1 = arith.constant 0 : i32
    return %c0_i32, %c0_i32_0 : i32, i32
  }
  func.func @transform_4(%arg0: i32) -> (i32, i32) {
    %c0_i32 = arith.constant 0 : i32
    %c0_i32_0 = arith.constant 0 : i32
    %c0_i32_1 = arith.constant 0 : i32
    return %c0_i32, %c0_i32_0 : i32, i32
  }
  func.func @transform_5(%arg0: i32) -> (i32, i32) {
    %c0_i32 = arith.constant 0 : i32
    %c0_i32_0 = arith.constant 0 : i32
    %c0_i32_1 = arith.constant 0 : i32
    return %c0_i32, %c0_i32_0 : i32, i32
  }
  func.func @transform_6(%arg0: i32) -> (i32, i32) {
    %c0_i32 = arith.constant 0 : i32
    %c0_i32_0 = arith.constant 0 : i32
    %c0_i32_1 = arith.constant 0 : i32
    return %c0_i32, %c0_i32_0 : i32, i32
  }
  func.func @transform_7(%arg0: i32) -> (i32, i32) {
    %c0_i32 = arith.constant 0 : i32
    %c0_i32_0 = arith.constant 0 : i32
    %c0_i32_1 = arith.constant 0 : i32
    return %c0_i32, %c0_i32_0 : i32, i32
  }
}

module attributes {stable_mosaic.version = 14 : i64} {
  func.func @body(%arg0: i32, %arg1: memref<2x10000x128xf32, #tpu.memory_space<vmem>>, %arg2: memref<10000x128xf32, #tpu.memory_space<vmem>>, %arg3: memref<10000x16xf32, #tpu.memory_space<vmem>>, %arg4: memref<1x128xf32, #tpu.memory_space<vmem>>, %arg5: memref<1x128xf32, #tpu.memory_space<vmem>>, %arg6: memref<1x128xf32, #tpu.memory_space<vmem>>, %arg7: memref<128x128xf32, #tpu.memory_space<vmem>>, %arg8: memref<128x128xf32, #tpu.memory_space<vmem>>, %arg9: memref<20000x128xf32, #tpu.memory_space<vmem>>) attributes {dimension_semantics = [#tpu.dimension_semantics<arbitrary>], iteration_bounds = array<i64: 1>, scalar_prefetch = 0 : i64, scratch_operands = 0 : i64, tpu.core_type = #tpu.core_type<tc>, window_params = [{transform_indices = @transform_0, window_bounds = array<i64: 2, 10000, 128>}, {pipeline_mode = #tpu.pipeline_mode<synchronous>, transform_indices = @transform_1, window_bounds = array<i64: 10000, 128>}, {pipeline_mode = #tpu.pipeline_mode<synchronous>, transform_indices = @transform_2, window_bounds = array<i64: 10000, 16>}, {pipeline_mode = #tpu.pipeline_mode<synchronous>, transform_indices = @transform_3, window_bounds = array<i64: 1, 128>}, {pipeline_mode = #tpu.pipeline_mode<synchronous>, transform_indices = @transform_4, window_bounds = array<i64: 1, 128>}, {pipeline_mode = #tpu.pipeline_mode<synchronous>, transform_indices = @transform_5, window_bounds = array<i64: 1, 128>}, {pipeline_mode = #tpu.pipeline_mode<synchronous>, transform_indices = @transform_6, window_bounds = array<i64: 128, 128>}, {pipeline_mode = #tpu.pipeline_mode<synchronous>, transform_indices = @transform_7, window_bounds = array<i64: 128, 128>}, {pipeline_mode = #tpu.pipeline_mode<synchronous>, transform_indices = @transform_8, window_bounds = array<i64: 20000, 128>}]} {
    %get3A = arith.constant 0 : index
    %get3A_0 = arith.constant 0 : index
    %get3A_1 = vector.load %arg3[%get3A, %get3A_0] : memref<10000x16xf32, #tpu.memory_space<vmem>>, vector<10000x16xf32>
    %slice3A = vector.extract_strided_slice %get3A_1 {offsets = [0, 0], sizes = [10000, 1], strides = [1, 1]} : vector<10000x16xf32> to vector<10000x1xf32>
    %get3A_2 = arith.constant 0 : index
    %get3A_3 = arith.constant 0 : index
    %get3A_4 = arith.constant 0 : index
    %get3A_5 = vector.load %arg1[%get3A_2, %get3A_3, %get3A_4] : memref<2x10000x128xf32, #tpu.memory_space<vmem>>, vector<1x10000x128xf32>
    %get3A_6 = vector.shape_cast %get3A_5 : vector<1x10000x128xf32> to vector<10000x128xf32>
    %get3A_7 = arith.constant 1 : index
    %get3A_8 = arith.constant 0 : index
    %get3A_9 = arith.constant 0 : index
    %get3A_10 = vector.load %arg1[%get3A_7, %get3A_8, %get3A_9] : memref<2x10000x128xf32, #tpu.memory_space<vmem>>, vector<1x10000x128xf32>
    %get3A_11 = vector.shape_cast %get3A_10 : vector<1x10000x128xf32> to vector<10000x128xf32>
    %get3A_12 = arith.constant 0 : index
    %get3A_13 = arith.constant 0 : index
    %get3A_14 = vector.load %arg2[%get3A_12, %get3A_13] : memref<10000x128xf32, #tpu.memory_space<vmem>>, vector<10000x128xf32>
    %get3A_15 = arith.constant 0 : index
    %get3A_16 = arith.constant 0 : index
    %get3A_17 = vector.load %arg4[%get3A_15, %get3A_16] : memref<1x128xf32, #tpu.memory_space<vmem>>, vector<1x128xf32>
    %get3A_18 = arith.constant 0 : index
    %get3A_19 = arith.constant 0 : index
    %get3A_20 = vector.load %arg5[%get3A_18, %get3A_19] : memref<1x128xf32, #tpu.memory_space<vmem>>, vector<1x128xf32>
    %get3A_21 = arith.constant 0 : index
    %get3A_22 = arith.constant 0 : index
    %get3A_23 = vector.load %arg6[%get3A_21, %get3A_22] : memref<1x128xf32, #tpu.memory_space<vmem>>, vector<1x128xf32>
    %add3A = arith.addf %get3A_6, %get3A_11 : vector<10000x128xf32>
    %add3A_24 = arith.addf %add3A, %get3A_14 : vector<10000x128xf32>
    %mul3A = vector.broadcast %slice3A : vector<10000x1xf32> to vector<10000x128xf32>
    %mul3A_25 = arith.mulf %add3A_24, %mul3A : vector<10000x128xf32>
    %add3A_26 = vector.broadcast %get3A_17 : vector<1x128xf32> to vector<10000x128xf32>
    %add3A_27 = arith.addf %mul3A_25, %add3A_26 : vector<10000x128xf32>
    %reduce_sum3A = arith.constant dense<0.000000e+00> : vector<128xf32>
    %reduce_sum3A_28 = vector.multi_reduction <add>, %add3A_27, %reduce_sum3A [0] : vector<10000x128xf32> to vector<128xf32>
    %broadcast_in_dim3A = vector.shape_cast %reduce_sum3A_28 : vector<128xf32> to vector<1x128xf32>
    %div3A = arith.constant 1.000000e+04 : f32
    %div3A_29 = vector.broadcast %div3A : f32 to vector<1x128xf32>
    %div3A_30 = arith.divf %broadcast_in_dim3A, %div3A_29 : vector<1x128xf32>
    %sub3A = vector.broadcast %div3A_30 : vector<1x128xf32> to vector<10000x128xf32>
    %sub3A_31 = arith.subf %add3A_27, %sub3A : vector<10000x128xf32>
    %mul3A_32 = arith.mulf %sub3A_31, %sub3A_31 : vector<10000x128xf32>
    %reduce_sum3A_33 = arith.constant dense<0.000000e+00> : vector<128xf32>
    %reduce_sum3A_34 = vector.multi_reduction <add>, %mul3A_32, %reduce_sum3A_33 [0] : vector<10000x128xf32> to vector<128xf32>
    %broadcast_in_dim3A_35 = vector.shape_cast %reduce_sum3A_34 : vector<128xf32> to vector<1x128xf32>
    %div3A_36 = arith.constant 1.000000e+04 : f32
    %div3A_37 = vector.broadcast %div3A_36 : f32 to vector<1x128xf32>
    %div3A_38 = arith.divf %broadcast_in_dim3A_35, %div3A_37 : vector<1x128xf32>
    %add3A_39 = arith.constant 9.99999974E-6 : f32
    %add3A_40 = vector.broadcast %add3A_39 : f32 to vector<1x128xf32>
    %add3A_41 = arith.addf %div3A_38, %add3A_40 : vector<1x128xf32>
    %rsqrt3A = math.rsqrt %add3A_41 : vector<1x128xf32>
    %mul3A_42 = vector.broadcast %rsqrt3A : vector<1x128xf32> to vector<10000x128xf32>
    %mul3A_43 = arith.mulf %sub3A_31, %mul3A_42 : vector<10000x128xf32>
    %mul3A_44 = vector.broadcast %get3A_20 : vector<1x128xf32> to vector<10000x128xf32>
    %mul3A_45 = arith.mulf %mul3A_43, %mul3A_44 : vector<10000x128xf32>
    %add3A_46 = vector.broadcast %get3A_23 : vector<1x128xf32> to vector<10000x128xf32>
    %add3A_47 = arith.addf %mul3A_45, %add3A_46 : vector<10000x128xf32>
    %max3A = arith.constant 0.000000e+00 : f32
    %max3A_48 = vector.broadcast %max3A : f32 to vector<10000x128xf32>
    %max3A_49 = arith.maximumf %add3A_47, %max3A_48 : vector<10000x128xf32>
    %get3A_50 = arith.constant 0 : index
    %get3A_51 = arith.constant 0 : index
    %get3A_52 = vector.load %arg7[%get3A_50, %get3A_51] : memref<128x128xf32, #tpu.memory_space<vmem>>, vector<128x128xf32>
    %dot_general3A = arith.constant dense<0.000000e+00> : vector<10000x128xf32>
    %dot_general3A_53 = tpu.matmul %max3A_49, %get3A_52, %dot_general3A {dimension_numbers = #tpu.dot_dimension_numbers<[1], [0], [0], [1], [0, 0, 1, 1], [], []>, transpose_lhs_hint = false} : vector<10000x128xf32>, vector<128x128xf32>, vector<10000x128xf32> -> vector<10000x128xf32>
    %swap3A = arith.constant 0 : index
    %swap3A_54 = arith.constant 0 : index
    %swap3A_55 = vector.load %arg9[%swap3A, %swap3A_54] : memref<20000x128xf32, #tpu.memory_space<vmem>>, vector<10000x128xf32>
    tpu.vector_store %arg9[%swap3A, %swap3A_54], %dot_general3A_53 {strides = array<i32>} : memref<20000x128xf32, #tpu.memory_space<vmem>>, vector<10000x128xf32>,
    %get3A_56 = arith.constant 0 : index
    %get3A_57 = arith.constant 0 : index
    %get3A_58 = vector.load %arg8[%get3A_56, %get3A_57] : memref<128x128xf32, #tpu.memory_space<vmem>>, vector<128x128xf32>
    %dot_general3A_59 = arith.constant dense<0.000000e+00> : vector<10000x128xf32>
    %dot_general3A_60 = tpu.matmul %max3A_49, %get3A_58, %dot_general3A_59 {dimension_numbers = #tpu.dot_dimension_numbers<[1], [0], [0], [1], [0, 0, 1, 1], [], []>, transpose_lhs_hint = false} : vector<10000x128xf32>, vector<128x128xf32>, vector<10000x128xf32> -> vector<10000x128xf32>
    %swap3A_61 = arith.constant 10000 : index
    %swap3A_62 = arith.constant 0 : index
    %swap3A_63 = vector.load %arg9[%swap3A_61, %swap3A_62] : memref<20000x128xf32, #tpu.memory_space<vmem>>, vector<10000x128xf32>
    tpu.vector_store %arg9[%swap3A_61, %swap3A_62], %dot_general3A_60 {strides = array<i32>} : memref<20000x128xf32, #tpu.memory_space<vmem>>, vector<10000x128xf32>,
    return
  }
  func.func @transform_0(%arg0: i32) -> (i32, i32, i32) {
    %c0_i32 = arith.constant 0 : i32
    %c0_i32_0 = arith.constant 0 : i32
    %c0_i32_1 = arith.constant 0 : i32
    %c0_i32_2 = arith.constant 0 : i32
    return %c0_i32, %c0_i32_0, %c0_i32_1 : i32, i32, i32
  }
  func.func @transform_1(%arg0: i32) -> (i32, i32) {
    %c0_i32 = arith.constant 0 : i32
    %c0_i32_0 = arith.constant 0 : i32
    %c0_i32_1 = arith.constant 0 : i32
    return %c0_i32, %c0_i32_0 : i32, i32
  }
  func.func @transform_2(%arg0: i32) -> (i32, i32) {
    %c0_i32 = arith.constant 0 : i32
    %c0_i32_0 = arith.constant 0 : i32
    %c0_i32_1 = arith.constant 0 : i32
    return %c0_i32, %c0_i32_0 : i32, i32
  }
  func.func @transform_3(%arg0: i32) -> (i32, i32) {
    %c0_i32 = arith.constant 0 : i32
    %c0_i32_0 = arith.constant 0 : i32
    %c0_i32_1 = arith.constant 0 : i32
    return %c0_i32, %c0_i32_0 : i32, i32
  }
  func.func @transform_4(%arg0: i32) -> (i32, i32) {
    %c0_i32 = arith.constant 0 : i32
    %c0_i32_0 = arith.constant 0 : i32
    %c0_i32_1 = arith.constant 0 : i32
    return %c0_i32, %c0_i32_0 : i32, i32
  }
  func.func @transform_5(%arg0: i32) -> (i32, i32) {
    %c0_i32 = arith.constant 0 : i32
    %c0_i32_0 = arith.constant 0 : i32
    %c0_i32_1 = arith.constant 0 : i32
    return %c0_i32, %c0_i32_0 : i32, i32
  }
  func.func @transform_6(%arg0: i32) -> (i32, i32) {
    %c0_i32 = arith.constant 0 : i32
    %c0_i32_0 = arith.constant 0 : i32
    %c0_i32_1 = arith.constant 0 : i32
    return %c0_i32, %c0_i32_0 : i32, i32
  }
  func.func @transform_7(%arg0: i32) -> (i32, i32) {
    %c0_i32 = arith.constant 0 : i32
    %c0_i32_0 = arith.constant 0 : i32
    %c0_i32_1 = arith.constant 0 : i32
    return %c0_i32, %c0_i32_0 : i32, i32
  }
  func.func @transform_8(%arg0: i32) -> (i32, i32) {
    %c0_i32 = arith.constant 0 : i32
    %c0_i32_0 = arith.constant 0 : i32
    %c0_i32_1 = arith.constant 0 : i32
    return %c0_i32, %c0_i32_0 : i32, i32
  }
}

module attributes {stable_mosaic.version = 14 : i64} {
  func.func @body(%arg0: i32, %arg1: memref<2000x128xf32, #tpu.memory_space<vmem>>, %arg2: memref<2000x128xf32, #tpu.memory_space<vmem>>, %arg3: memref<2000x16xf32, #tpu.memory_space<vmem>>, %arg4: memref<16x128xf32, #tpu.memory_space<vmem>>, %arg5: memref<1x128xf32, #tpu.memory_space<vmem>>, %arg6: memref<128x64xf32, #tpu.memory_space<vmem>>, %arg7: memref<1x64xf32, #tpu.memory_space<vmem>>, %arg8: memref<64x1xf32, #tpu.memory_space<vmem>>, %arg9: memref<1x1xf32, #tpu.memory_space<vmem>>, %arg10: memref<2000x1xf32, #tpu.memory_space<vmem>>) attributes {dimension_semantics = [#tpu.dimension_semantics<arbitrary>], iteration_bounds = array<i64: 25>, scalar_prefetch = 0 : i64, scratch_operands = 0 : i64, tpu.core_type = #tpu.core_type<tc>, window_params = [{transform_indices = @transform_0, window_bounds = array<i64: 2000, 128>}, {transform_indices = @transform_1, window_bounds = array<i64: 2000, 128>}, {transform_indices = @transform_2, window_bounds = array<i64: 2000, 16>}, {pipeline_mode = #tpu.pipeline_mode<synchronous>, transform_indices = @transform_3, window_bounds = array<i64: 16, 128>}, {pipeline_mode = #tpu.pipeline_mode<synchronous>, transform_indices = @transform_4, window_bounds = array<i64: 1, 128>}, {pipeline_mode = #tpu.pipeline_mode<synchronous>, transform_indices = @transform_5, window_bounds = array<i64: 128, 64>}, {pipeline_mode = #tpu.pipeline_mode<synchronous>, transform_indices = @transform_6, window_bounds = array<i64: 1, 64>}, {pipeline_mode = #tpu.pipeline_mode<synchronous>, transform_indices = @transform_7, window_bounds = array<i64: 64, 1>}, {pipeline_mode = #tpu.pipeline_mode<synchronous>, transform_indices = @transform_8, window_bounds = array<i64: 1, 1>}, {transform_indices = @transform_9, window_bounds = array<i64: 2000, 1>}]} {
    %get3A = arith.constant 0 : index
    %get3A_0 = arith.constant 0 : index
    %get3A_1 = vector.load %arg1[%get3A, %get3A_0] : memref<2000x128xf32, #tpu.memory_space<vmem>>, vector<2000x128xf32>
    %get3A_2 = arith.constant 0 : index
    %get3A_3 = arith.constant 0 : index
    %get3A_4 = vector.load %arg2[%get3A_2, %get3A_3] : memref<2000x128xf32, #tpu.memory_space<vmem>>, vector<2000x128xf32>
    %add3A = arith.addf %get3A_1, %get3A_4 : vector<2000x128xf32>
    %get3A_5 = arith.constant 0 : index
    %get3A_6 = arith.constant 0 : index
    %get3A_7 = vector.load %arg3[%get3A_5, %get3A_6] : memref<2000x16xf32, #tpu.memory_space<vmem>>, vector<2000x16xf32>
    %get3A_8 = arith.constant 0 : index
    %get3A_9 = arith.constant 0 : index
    %get3A_10 = vector.load %arg4[%get3A_8, %get3A_9] : memref<16x128xf32, #tpu.memory_space<vmem>>, vector<16x128xf32>
    %dot_general3A = arith.constant dense<0.000000e+00> : vector<2000x128xf32>
    %dot_general3A_11 = tpu.matmul %get3A_7, %get3A_10, %dot_general3A {dimension_numbers = #tpu.dot_dimension_numbers<[1], [0], [0], [1], [0, 0, 1, 1], [], []>, transpose_lhs_hint = false} : vector<2000x16xf32>, vector<16x128xf32>, vector<2000x128xf32> -> vector<2000x128xf32>
    %add3A_12 = arith.addf %add3A, %dot_general3A_11 : vector<2000x128xf32>
    %get3A_13 = arith.constant 0 : index
    %get3A_14 = arith.constant 0 : index
    %get3A_15 = vector.load %arg5[%get3A_13, %get3A_14] : memref<1x128xf32, #tpu.memory_space<vmem>>, vector<1x128xf32>
    %add3A_16 = vector.broadcast %get3A_15 : vector<1x128xf32> to vector<2000x128xf32>
    %add3A_17 = arith.addf %add3A_12, %add3A_16 : vector<2000x128xf32>
    %max3A = arith.constant 0.000000e+00 : f32
    %max3A_18 = vector.broadcast %max3A : f32 to vector<2000x128xf32>
    %max3A_19 = arith.maximumf %add3A_17, %max3A_18 : vector<2000x128xf32>
    %get3A_20 = arith.constant 0 : index
    %get3A_21 = arith.constant 0 : index
    %get3A_22 = vector.load %arg6[%get3A_20, %get3A_21] : memref<128x64xf32, #tpu.memory_space<vmem>>, vector<128x64xf32>
    %dot_general3A_23 = arith.constant dense<0.000000e+00> : vector<2000x64xf32>
    %dot_general3A_24 = tpu.matmul %max3A_19, %get3A_22, %dot_general3A_23 {dimension_numbers = #tpu.dot_dimension_numbers<[1], [0], [0], [1], [0, 0, 1, 1], [], []>, transpose_lhs_hint = false} : vector<2000x128xf32>, vector<128x64xf32>, vector<2000x64xf32> -> vector<2000x64xf32>
    %get3A_25 = arith.constant 0 : index
    %get3A_26 = arith.constant 0 : index
    %get3A_27 = vector.load %arg7[%get3A_25, %get3A_26] : memref<1x64xf32, #tpu.memory_space<vmem>>, vector<1x64xf32>
    %add3A_28 = vector.broadcast %get3A_27 : vector<1x64xf32> to vector<2000x64xf32>
    %add3A_29 = arith.addf %dot_general3A_24, %add3A_28 : vector<2000x64xf32>
    %max3A_30 = arith.constant 0.000000e+00 : f32
    %max3A_31 = vector.broadcast %max3A_30 : f32 to vector<2000x64xf32>
    %max3A_32 = arith.maximumf %add3A_29, %max3A_31 : vector<2000x64xf32>
    %get3A_33 = arith.constant 0 : index
    %get3A_34 = arith.constant 0 : index
    %get3A_35 = vector.load %arg8[%get3A_33, %get3A_34] : memref<64x1xf32, #tpu.memory_space<vmem>>, vector<64x1xf32>
    %dot_general3A_36 = arith.constant dense<0.000000e+00> : vector<2000x1xf32>
    %dot_general3A_37 = tpu.matmul %max3A_32, %get3A_35, %dot_general3A_36 {dimension_numbers = #tpu.dot_dimension_numbers<[1], [0], [0], [1], [0, 0, 1, 1], [], []>, transpose_lhs_hint = false} : vector<2000x64xf32>, vector<64x1xf32>, vector<2000x1xf32> -> vector<2000x1xf32>
    %get3A_38 = arith.constant 0 : index
    %get3A_39 = arith.constant 0 : index
    %get3A_40 = vector.load %arg9[%get3A_38, %get3A_39] : memref<1x1xf32, #tpu.memory_space<vmem>>, vector<1x1xf32>
    %add3A_41 = vector.broadcast %get3A_40 : vector<1x1xf32> to vector<2000x1xf32>
    %add3A_42 = arith.addf %dot_general3A_37, %add3A_41 : vector<2000x1xf32>
    %swap3A = arith.constant 0 : index
    %swap3A_43 = arith.constant 0 : index
    %swap3A_44 = vector.load %arg10[%swap3A, %swap3A_43] : memref<2000x1xf32, #tpu.memory_space<vmem>>, vector<2000x1xf32>
    tpu.vector_store %arg10[%swap3A, %swap3A_43], %add3A_42 {strides = array<i32>} : memref<2000x1xf32, #tpu.memory_space<vmem>>, vector<2000x1xf32>,
    return
  }
  func.func @transform_0(%arg0: i32) -> (i32, i32) {
    %c0_i32 = arith.constant 0 : i32
    %c0_i32_0 = arith.constant 0 : i32
    return %arg0, %c0_i32 : i32, i32
  }
  func.func @transform_1(%arg0: i32) -> (i32, i32) {
    %add3A = arith.constant 25 : i32
    %add3A_0 = arith.addi %arg0, %add3A : i32
    %c0_i32 = arith.constant 0 : i32
    %c0_i32_1 = arith.constant 0 : i32
    return %add3A_0, %c0_i32 : i32, i32
  }
  func.func @transform_2(%arg0: i32) -> (i32, i32) {
    %c0_i32 = arith.constant 0 : i32
    %c0_i32_0 = arith.constant 0 : i32
    return %arg0, %c0_i32 : i32, i32
  }
  func.func @transform_3(%arg0: i32) -> (i32, i32) {
    %c0_i32 = arith.constant 0 : i32
    %c0_i32_0 = arith.constant 0 : i32
    %c0_i32_1 = arith.constant 0 : i32
    return %c0_i32, %c0_i32_0 : i32, i32
  }
  func.func @transform_4(%arg0: i32) -> (i32, i32) {
    %c0_i32 = arith.constant 0 : i32
    %c0_i32_0 = arith.constant 0 : i32
    %c0_i32_1 = arith.constant 0 : i32
    return %c0_i32, %c0_i32_0 : i32, i32
  }
  func.func @transform_5(%arg0: i32) -> (i32, i32) {
    %c0_i32 = arith.constant 0 : i32
    %c0_i32_0 = arith.constant 0 : i32
    %c0_i32_1 = arith.constant 0 : i32
    return %c0_i32, %c0_i32_0 : i32, i32
  }
  func.func @transform_6(%arg0: i32) -> (i32, i32) {
    %c0_i32 = arith.constant 0 : i32
    %c0_i32_0 = arith.constant 0 : i32
    %c0_i32_1 = arith.constant 0 : i32
    return %c0_i32, %c0_i32_0 : i32, i32
  }
  func.func @transform_7(%arg0: i32) -> (i32, i32) {
    %c0_i32 = arith.constant 0 : i32
    %c0_i32_0 = arith.constant 0 : i32
    %c0_i32_1 = arith.constant 0 : i32
    return %c0_i32, %c0_i32_0 : i32, i32
  }
  func.func @transform_8(%arg0: i32) -> (i32, i32) {
    %c0_i32 = arith.constant 0 : i32
    %c0_i32_0 = arith.constant 0 : i32
    %c0_i32_1 = arith.constant 0 : i32
    return %c0_i32, %c0_i32_0 : i32, i32
  }
  func.func @transform_9(%arg0: i32) -> (i32, i32) {
    %c0_i32 = arith.constant 0 : i32
    %c0_i32_0 = arith.constant 0 : i32
    return %arg0, %c0_i32 : i32, i32
  }
}

</mosaic_0001>

<sc_bundles>
// kernel: kernel.12.cloned.1.call-start
scs
__scs_entry_jumppad:
0x0: {  	(pc) =	sbr.rel $0x88, $3  }
0x1: {  	(tag) =	ssettag $0x0;
	lr =	simm.s32 $0x1  }
0x2: {  	[smem:$0x3F91] =	sst lr;
	_ =	strace $0xD0000000  }
0x3: {  	_ = 	snop  }
0x4: {  	_ = 	snop  }
0x5: {  	_ = 	snop  }
0x6: {  	_ = 	snop  }
0x7: {  	_ = 	snop  }
__scs_overlays_trampoline_lowered:
0x8: {  	[smem:$0x3FA0] =	sst s0  }
0x9: {  	[smem:$0x3FA1] =	sst s1  }
0xa: {  	[smem:$0x3FA2] =	sst s2  }
0xb: {  	[smem:$0x3FA3] =	sst s3  }
0xc: {  	[smem:$0x3FA4] =	sst s4  }
0xd: {  	[smem:$0x3FA5] =	sst s5  }
0xe: {  	[smem:$0x3FA6] =	sst s6  }
0xf: {  	[smem:$0x3FA7] =	sst s7  }
0x10: {  	[smem:$0x3FA8] =	sst s8  }
0x11: {  	[smem:$0x3FA9] =	sst s9;
	s0 =	simm.s32 @!p0 $0x0  }
0x12: {  	s1 =	sld [smem:$0x3F8F];
	s0 =	simm.s32 @p0 $0x1  }
0x13: {  	[smem:$0x3FAA] =	sst s0;
	s0 =	simm.s32 @!p1 $0x0  }
0x14: {  	s2 =	sld [smem:$0x3F8E];
	s0 =	simm.s32 @p1 $0x1  }
0x15: {  	[smem:$0x3FAB] =	sst s0;
	s0 =	simm.s32 @!p2 $0x0  }
0x16: {  	s3 =	sld [smem:$0x3FDB];
	s0 =	simm.s32 @p2 $0x1  }
0x17: {  	s4 =	simm.s32 $0x1BF5;
	[smem:$0x3FAD] =	sst s0  }
0x18: {  	s0 =	sld [smem:$0x3F90];
	_ =	swait.ge [sflag:s4], $0x0  }
0x19: {  	s7 =	sld [smem:$0x3F91]  }
0x1a: {  	s8 =	sadd.s32 $0xFFFFE003, lr  }
0x1b: {  	s9 =	sadd.s32 $0xFFFFFEF7, lr;
	s5 =	simm.s32 $0xFFFFFFFF;
	p2 =	slt.u32 s8, $0xFFFFF086  }
0x1c: {  	p1 =	slt.u32 s9, $0xF7A;
	s5 =	simm.s32 @!p2 $0x0  }
0x1d: {  	s5 =	simm.s32 @p1 $0x1;
	p0 =	seq.s32 s7, s2  }
0x1e: {  	s7 =	smul.u32 @!p0 $0xF7A, s2;
	p2 =	seq.s32 @!p0 s5, $0x0  }
0x1f: {  	s9 =	smul.u32 $0xF7A, s1;
	s8 =	simm.s32 @!p0 $0x1BF5;
	p2 =	por !p2, p0  }
0x20: {  	[sflag:s8] =	ssyncset.s32 @!p0 $0xFFFFF086;
	s6 =	sadd.s32 @!p0 s3, s7;
	s7 =	simm.s32 @!p0 $0x108  }
0x21: {  	s3 =	sadd.s32 s3, s9;
	s6 =	sadd.s32 @!p0 $0x88, s6;
	s7 =	simm.s32 @p2 $0x1082  }
0x22: {  	[simem:s7], [sflag:s8] =	dma.local @!p0 [hbm:s6], $0xF7A  }
0x23: {  	s9 =	sor.u32 $0xD0000000, s2;
	s6 =	simm.s32 $0x108;
	_ =	swait.ge @!p0 [sflag:s8], $0x0  }
0x24: {  	s3 =	sadd.s32 $0x88, s3;
	s6 =	simm.s32 @!p1 $0x1082;
	[sflag:s4] =	ssyncset.s32 $0xFFFFF086  }
0x25: {  	[simem:s6], [sflag:s4] =	dma.local [hbm:s3], $0xF7A  }
0x26: {  	[smem:$0x3F91] =	sst s1;
	(tag) =	ssettag s2;
	_ =	strace s9  }
0x27: {  	s1 =	sld [smem:$0x3FA1]  }
0x28: {  	s2 =	sld [smem:$0x3FA2]  }
0x29: {  	s4 =	sld [smem:$0x3FA4]  }
0x2a: {  	p0 =	seq.s32 s5, $0x0;
	s5 =	sld [smem:$0x3FA5]  }
0x2b: {  	s6 =	sld [smem:$0x3FA6]  }
0x2c: {  	s7 =	sld [smem:$0x3FA7]  }
0x2d: {  	s3 =	simm.s32 $0x108;
	s8 =	sld [smem:$0x3FA8]  }
0x2e: {  	s3 =	simm.s32 @!p0 $0x1082;
	s9 =	sld [smem:$0x3FA9]  }
0x2f: {  	lr =	sadd.s32 s0, s3;
	s0 =	sld [smem:$0x3FA0]  }
0x30: {  	s3 =	sld [smem:$0x3FA3]  }
0x31: {  	[smem:$0x3FAC] =	sst s10  }
0x32: {  	s10 =	sld [smem:$0x3FAA];
	_ =	sdelay $0x3  }
0x33: {  	p0 =	seq.s32 s10, $0x1;
	s10 =	sld [smem:$0x3FAC];
	_ =	sdelay $0x3  }
0x34: {  	[smem:$0x3FAC] =	sst s10  }
0x35: {  	s10 =	sld [smem:$0x3FAB];
	_ =	sdelay $0x3  }
0x36: {  	p1 =	seq.s32 s10, $0x1;
	s10 =	sld [smem:$0x3FAC];
	_ =	sdelay $0x3  }
0x37: {  	[smem:$0x3FAC] =	sst s10  }
0x38: {  	s10 =	sld [smem:$0x3FAD]  }
0x39: {  	_ = 	snop;
	(pc) =	sbr.ind lr, $3  }
0x3a: {  	_ = 	snop  }
0x3b: {  	_ = 	snop  }
0x3c: {  	p2 =	seq.s32 s10, $0x1;
	s10 =	sld [smem:$0x3FAC]  }
0x3d: {  	_ =	shalt  }
0x3e: {  	_ =	shalt  }
0x3f: {  	_ =	shalt  }
0x40: {  	_ =	shalt  }
0x41: {  	_ =	shalt  }
0x42: {  	_ =	shalt  }
0x43: {  	_ =	shalt  }
0x44: {  	_ =	shalt  }
0x45: {  	_ =	shalt  }
0x46: {  	_ =	shalt  }
0x47: {  	_ =	shalt  }
0x48: {  	_ =	shalt  }
0x49: {  	_ =	shalt  }
0x4a: {  	_ =	shalt  }
0x4b: {  	_ =	shalt  }
0x4c: {  	_ =	shalt  }
0x4d: {  	_ =	shalt  }
0x4e: {  	_ =	shalt  }
0x4f: {  	_ =	shalt  }
0x50: {  	_ =	shalt  }
0x51: {  	_ =	shalt  }
0x52: {  	_ =	shalt  }
0x53: {  	_ =	shalt  }
0x54: {  	_ =	shalt  }
0x55: {  	_ =	shalt  }
0x56: {  	_ =	shalt  }
0x57: {  	_ =	shalt  }
0x58: {  	_ =	shalt  }
0x59: {  	_ =	shalt  }
0x5a: {  	_ =	shalt  }
0x5b: {  	_ =	shalt  }
0x5c: {  	_ =	shalt  }
0x5d: {  	_ =	shalt  }
0x5e: {  	_ =	shalt  }
0x5f: {  	_ =	shalt  }
0x60: {  	_ =	shalt  }
0x61: {  	_ =	shalt  }
0x62: {  	_ =	shalt  }
0x63: {  	_ =	shalt  }
0x64: {  	_ =	shalt  }
0x65: {  	_ =	shalt  }
0x66: {  	_ =	shalt  }
0x67: {  	_ =	shalt  }
0x68: {  	_ =	shalt  }
0x69: {  	_ =	shalt  }
0x6a: {  	_ =	shalt  }
0x6b: {  	_ =	shalt  }
0x6c: {  	_ =	shalt  }
0x6d: {  	_ =	shalt  }
0x6e: {  	_ =	shalt  }
0x6f: {  	_ =	shalt  }
0x70: {  	_ =	shalt  }
0x71: {  	_ =	shalt  }
0x72: {  	_ =	shalt  }
0x73: {  	_ =	shalt  }
0x74: {  	_ =	shalt  }
0x75: {  	_ =	shalt  }
0x76: {  	_ =	shalt  }
0x77: {  	_ =	shalt  }
0x78: {  	_ =	shalt  }
0x79: {  	_ =	shalt  }
0x7a: {  	_ =	shalt  }
0x7b: {  	_ =	shalt  }
0x7c: {  	_ =	shalt  }
0x7d: {  	_ =	shalt  }
0x7e: {  	_ =	shalt  }
0x7f: {  	_ =	shalt  }
0x80: {  	_ =	shalt  }
0x81: {  	_ =	shalt  }
0x82: {  	_ =	shalt  }
0x83: {  	_ =	shalt  }
0x84: {  	_ =	shalt  }
0x85: {  	_ =	shalt  }
0x86: {  	_ =	shalt  }
0x87: {  	_ =	shalt  }
.Lfunc_end0:
.L_simem_size_0:
called_computation_lowered:
.L_overlay_start_0:
0x88: {  	s2 =	sld [smem:$0x3FD9]  }
0x89: {  	s3 =	sld [smem:$0x3FFE];
	_ =	sdelay $0x1  }
0x8a: {  	s1 =	srdreg.scid  }
0x8b: {  	s0 =	sand.u32 $0x1, s1  }
0x8c: {  	s17 =	sshll.u32 s0, $0xA;
	s2 =	sadd.s32 s3, s2  }
0x8d: {  	s2 =	sadd.s32 s2, s17  }
0x8e: {  	[smem:$0x3FB8] =	sst s2  }
0x8f: {  	_ = 	snop  }
0x90: {  	s2 =	sld [smem:$0x3FD0];
	(tm) =	ssettm $0x1  }
0x91: {  	s18 =	sld [smem:$0x3FFB];
	_ =	sdelay $0x3  }
0x92: {  	_ =	strace s18  }
0x93: {  	s3 =	sld [smem:$0x3FFC];
	_ =	sdelay $0x3  }
0x94: {  	_ =	strace s3  }
0x95: {  	s3 =	sld [smem:$0x3FFD];
	_ =	sdelay $0x3  }
0x96: {  	_ =	strace s3  }
0x97: {  	_ =	strace $0x8FFFFFFF  }
0x98: {  	s19 =	sld [smem:$0x3FDB];
	_ =	sdelay $0x1  }
0x99: {  	s4 =	simm.s32 $_scs_section_size  }
0x9a: {  	s5 =	simm.s32 $_size__tile_overlayer_lowered;
	s6 =	simm.s32 $_tile_overlayer_lowered  }
0x9b: {  	s22 =	simm.s32 $0x1BFF;
	s21 =	sshll.u32 s6, $0x1;
	s3 =	sadd.s32 s4, s19  }
0x9c: {  	s7 =	simm.s32 $0x0;
	s20 =	sshll.u32 s5, $0x1;
	s5 =	sadd.s32 s21, s3  }
0x9d: {  	[timem:s7], [sflag:s22] =	dma.local [hbm:s5], s20  }
0x9e: {  	_ =	swait.ge [sflag:s22], s20  }
0x9f: {  	s4 =	ssub.s32 $0x0, s20;
	[sflag:s22] =	ssyncset.done $0x0  }
0xa0: {  	[sflag:s22] =	ssyncadd.s32 s4;
	_ =	sdelay $0x1  }
0xa1: {  	s23 =	simm.s32 $0x1B8B  }
0xa2: {  	_ =	swait.ge [sflag:s23], $0x1  }
0xa3: {  	[sflag:s23] =	ssyncset.done $0x0  }
0xa4: {  	s25 =	simm.s32 $0x1B8E;
	s24 =	sld [smem:$0x3FFE];
	[sflag:s23] =	ssyncadd.s32 $0xFFFFFFFF  }
0xa5: {  	s26 =	simm.s32 $execute0_lowered;
	[smem:$0x3FD2] =	sst s25  }
0xa6: {  	s5 =	sshll.u32 s26, $0x1;
	_ =	strace $0x80000046;
	[dreg:$0x1] =	wrdreg $0xFFFFFFFF  }
0xa7: {  	s28 =	simm.s32 $_size_execute0_lowered;
	s3 =	sadd.s32 s3, s5;
	[dreg:$0x0] =	wrdreg $0x0  }
0xa8: {  	s5 =	sshll.u32 s28, $0x1;
	[dreg:$0x2] =	wrdreg s3  }
0xa9: {  	[dreg:$0x3] =	wrdreg s5  }
0xaa: {  	[dreg:$0x4] =	wrdreg $0xC0  }
0xab: {  	_ =	task [dreg:s7], $0x5FFFF  }
0xac: {  	[dreg:$0x1] =	wrdreg $0xFFFFFFFF  }
0xad: {  	[dreg:$0x0] =	wrdreg $0x60  }
0xae: {  	[dreg:$0x2] =	wrdreg s24  }
0xaf: {  	[dreg:$0x3] =	wrdreg s2  }
0xb0: {  	[dreg:$0x4] =	wrdreg $0x50800  }
0xb1: {  	[dreg:$0x5] =	wrdreg $0x9  }
0xb2: {  	_ =	task.clear_ibuf [dreg:s7], $0x6FFFF;
	_ =	strace $0x90000046  }
0xb3: {  	s29 =	simm.s32 $0x9;
	_ =	strace $0x80000048  }
0xb4: {  	_ =	swait.ge [sflag:s29], $0x1  }
0xb5: {  	[sflag:s29] =	ssyncadd.s32 $0xFFFFFFFF  }
0xb6: {  	_ =	strace $0x90000048  }
0xb7: {  	_ =	sfence  }
0xb8: {  	s30 =	sld [smem:$0x0];
	_ =	sdelay $0x2  }
0xb9: {  	s31 =	sshll.u32 s1, $0xD;
	s1 =	sshrl.u32 s1, $0x2  }
0xba: {  	s3 =	sand.u32 $0x4000, s31;
	s1 =	sadd.s32 s1, s30  }
0xbb: {  	s0 =	sor.u32 s3, s0;
	s1 =	sshll.u32 s1, $0x11  }
0xbc: {  	s0 =	sor.u32 s1, s0  }
0xbd: {  	s0 =	sadd.s32 $0x8F2B, s0  }
0xbe: {  	[sflag:s0] =	ssyncadd.remote.s32 $0x1  }
0xbf: {  	_ =	sfence.sel $0xFFFF  }
0xc0: {  	[dreg:$0x0] =	wrdreg $0xFFFFFFFF;
	(pc) =	sbr.abs _section_cstart, $3  }
0xc1: {  	[dreg:$0x1] =	wrdreg $0xFFFFFFFF  }
0xc2: {  	_ =	task.clear_ibuf [dreg:s7], $0x2FFFF;
	_ =	strace $0x9FFFFFFF  }
0xc3: {  	(tm) =	ssettm $0x7FFFFFFF  }
tec
execute0_lowered:
.L_overlay_start_1:
0x0: {  	(tag) =	ssettag $0x1  }
0x1: {  	s19 =	stileid.u32  }
0x2: {  	s9 =	smul.u32 $0x4E20, s19  }
0x3: {  	s0 =	srdreg.scid;
	s4 =	smul.u32 $0x280, s19  }
0x4: {  	s3 =	sand.u32 $0x1, s0;
	s5 =	smul.u32 $0x14000, s19  }
0x5: {  	s2 =	rddreg [dreg:$0x0];
	s1 =	smul.u32 $0x2710, s3  }
0x6: {  	s16 =	sadd.s32 $0x35C00, s2;
	s10 =	ssub.s32 $0x2, s3;
	s3 =	smul.u32 $0x140000, s3  }
0x7: {  	s6 =	sshrl.u32 s10, $0x1;
	s7 =	sshrl.u32 s5, $0x3;
	s8 =	sor.u32 $0x50, s4  }
0x8: {  	s13 =	sadd.s32 $0xA0, s4;
	s14 =	sadd.s32 $0xF0, s4;
	s18 =	sadd.s32 $0x140, s4  }
0x9: {  	s21 =	sadd.s32 $0x190, s4;
	s22 =	sadd.s32 $0x1E0, s4;
	s4 =	sadd.s32 $0x230, s4  }
0xa: {  	s0 =	sadd.s32 s1, s9;
	s1 =	simm.s32 $0x0;
	s9 =	sadd.s32 $0xDC00, s2  }
0xb: {  	s12 =	sshll.u32 s8, $0x4;
	s17 =	sshll.u32 s8, $0x7;
	s23 =	sshll.u32 s13, $0x7  }
0xc: {  	s15 =	sshll.u32 s14, $0x4;
	s24 =	sshll.u32 s14, $0x7;
	s20 =	sshll.u32 s18, $0x4  }
0xd: {  	s25 =	sshll.u32 s18, $0x7;
	s26 =	sshll.u32 s21, $0x7;
	s28 =	sshll.u32 s22, $0x7  }
0xe: {  	s29 =	sshll.u32 s4, $0x7;
	s4 =	sshll.u32 s4, $0x4;
	s5 =	sadd.s32 s5, s3  }
0xf: {  	s0 =	sshrl.u32 s0, $0x3;
	[smem:$0x7FF] =	sst s1;
	s11 =	sadd.s32 s9, s7  }
0x10: {  	s7 =	sshll.u32 s21, $0x4;
	s0 =	sadd.s32 s0, s2;
	s2 =	ssub.s32 s10, s6  }
0x11: {  	[dreg:$0x4] =	wrdreg s11;
	s6 =	sadd.s32 s9, s12;
	s11 =	sadd.s32 s9, s7  }
0x12: {  	s10 =	sshll.u32 s22, $0x4;
	s12 =	sshrl.u32 s5, $0x3;
	s22 =	sadd.s32 s3, s25  }
0x13: {  	s7 =	sadd.s32 s3, s26;
	[dreg:$0x5] =	wrdreg s6;
	s6 =	sshll.u32 s13, $0x4  }
0x14: {  	[dreg:$0x9] =	wrdreg s11;
	s8 =	sadd.s32 s9, s10;
	s13 =	sadd.s32 s3, s17  }
0x15: {  	s10 =	sadd.s32 s16, s12;
	s30 =	smax.u32 s2, $0x1;
	s31 =	sadd.s32 $0x3E00, s0  }
0x16: {  	s0 =	simm.s32 $0x1;
	s2 =	simm.s32 $0x50;
	s6 =	sadd.s32 s9, s6  }
0x17: {  	s14 =	sshrl.u32 s13, $0x3;
	[dreg:$0x6] =	wrdreg s6;
	s6 =	sadd.s32 s9, s15  }
0x18: {  	s15 =	sadd.s32 s3, s23;
	s11 =	sadd.s32 s16, s14;
	[dreg:$0x7] =	wrdreg s6  }
0x19: {  	s6 =	sadd.s32 s9, s20;
	s9 =	sadd.s32 s9, s4;
	s18 =	sshrl.u32 s15, $0x3  }
0x1a: {  	s20 =	sadd.s32 s3, s24;
	s15 =	sshrl.u32 s7, $0x3;
	[dreg:$0x8] =	wrdreg s6  }
0x1b: {  	s12 =	sadd.s32 s16, s18;
	s21 =	sshrl.u32 s20, $0x3;
	s6 =	sshrl.u32 s22, $0x3  }
0x1c: {  	s18 =	sadd.s32 s3, s28;
	s15 =	sadd.s32 s16, s15;
	s3 =	sadd.s32 s3, s29  }
0x1d: {  	s13 =	sadd.s32 s16, s21;
	s14 =	sadd.s32 s16, s6;
	s20 =	sshrl.u32 s18, $0x3  }
0x1e: {  	s18 =	rddreg [dreg:$0x2];
	s21 =	smul.u32 $0x50000, s19;
	s3 =	sshrl.u32 s3, $0x3  }
0x1f: {  	_ =	strace $0x80000047;
	s19 =	sadd.s32 s16, s20;
	s20 =	sadd.s32 s16, s3  }
0x20: {  	s23 =	sadd.s32 s23, s18;
	s24 =	sadd.s32 s24, s18;
	s25 =	sadd.s32 s25, s18  }
0x21: {  	s26 =	sadd.s32 s26, s18;
	s28 =	sadd.s32 s28, s18;
	s29 =	sadd.s32 s29, s18  }
0x22: {  	s16 =	simm.s32 $0x80;
	s3 =	simm.s32 $0x0;
	s22 =	sshrl.u32 s21, $0x2  }
0x23: {  	s21 =	sadd.s32 s22, s18;
	s22 =	sadd.s32 s17, s18;
	s17 =	simm.s32 $0x2880  }
.LBB2_1:
0x24: {  	s4 =	rddreg [dreg:$0x1]  }
0x25: {  	[tilespmem:s16], [sflag:$0x1] =	stream.linear.gather [hbm4b:s4+s1], $0x2800, $0x38;
	[tilespmem:$0x7880] =	vst v63  }
0x26: {  	_ =	swait.ge [sflag:s0], $0x2800  }
0x27: {  	[sflag:s0] =	ssyncset.done $0x0  }
0x28: {  	s7 =	rddreg [dreg:$0x4];
	[sflag:s0] =	ssyncadd.s32 $0xFFFFD800  }
0x29: {  	[tilespmem:s17], [sflag:$0x1] =	stream.linear.gather [hbm4b:s7+s1], $0x2800, $0x38;
	[tilespmem:$0x7880] =	vst v63  }
0x2a: {  	_ =	swait.ge [sflag:s0], $0x2800  }
0x2b: {  	[sflag:s0] =	ssyncset.done $0x0  }
0x2c: {  	[sflag:s0] =	ssyncadd.s32 $0xFFFFD800  }
0x2d: {  	[spmem:s21] =	stream.linear.scatter [tilespmem:s17], [sflag:$0x1], $0x2800, $0x38;
	[tilespmem:$0x7880] =	vst v63  }
0x2e: {  	_ =	swait.ge [sflag:s0], $0x2800  }
0x2f: {  	[sflag:s0] =	ssyncset.done $0x0  }
0x30: {  	s5 =	rddreg [dreg:$0x5];
	[sflag:s0] =	ssyncadd.s32 $0xFFFFD800  }
0x31: {  	[tilespmem:s17], [sflag:$0x1] =	stream.linear.gather [hbm4b:s5+s1], $0x2800, $0x38;
	[tilespmem:$0x7880] =	vst v63  }
0x32: {  	_ =	swait.ge [sflag:s0], $0x2800  }
0x33: {  	[sflag:s0] =	ssyncset.done $0x0  }
0x34: {  	[sflag:s0] =	ssyncadd.s32 $0xFFFFD800  }
0x35: {  	[spmem:s22] =	stream.linear.scatter [tilespmem:s17], [sflag:$0x1], $0x2800, $0x38;
	[tilespmem:$0x7880] =	vst v63  }
0x36: {  	_ =	swait.ge [sflag:s0], $0x2800  }
0x37: {  	[sflag:s0] =	ssyncset.done $0x0  }
0x38: {  	s6 =	rddreg [dreg:$0x6];
	[sflag:s0] =	ssyncadd.s32 $0xFFFFD800  }
0x39: {  	[tilespmem:s17], [sflag:$0x1] =	stream.linear.gather [hbm4b:s6+s1], $0x2800, $0x38;
	[tilespmem:$0x7880] =	vst v63  }
0x3a: {  	_ =	swait.ge [sflag:s0], $0x2800  }
0x3b: {  	[sflag:s0] =	ssyncset.done $0x0  }
0x3c: {  	[sflag:s0] =	ssyncadd.s32 $0xFFFFD800  }
0x3d: {  	[spmem:s23] =	stream.linear.scatter [tilespmem:s17], [sflag:$0x1], $0x2800, $0x38;
	[tilespmem:$0x7880] =	vst v63  }
0x3e: {  	_ =	swait.ge [sflag:s0], $0x2800  }
0x3f: {  	[sflag:s0] =	ssyncset.done $0x0  }
0x40: {  	s7 =	rddreg [dreg:$0x7];
	[sflag:s0] =	ssyncadd.s32 $0xFFFFD800  }
0x41: {  	[tilespmem:s17], [sflag:$0x1] =	stream.linear.gather [hbm4b:s7+s1], $0x2800, $0x38;
	[tilespmem:$0x7880] =	vst v63  }
0x42: {  	_ =	swait.ge [sflag:s0], $0x2800  }
0x43: {  	[sflag:s0] =	ssyncset.done $0x0  }
0x44: {  	[sflag:s0] =	ssyncadd.s32 $0xFFFFD800  }
0x45: {  	[spmem:s24] =	stream.linear.scatter [tilespmem:s17], [sflag:$0x1], $0x2800, $0x38;
	[tilespmem:$0x7880] =	vst v63  }
0x46: {  	_ =	swait.ge [sflag:s0], $0x2800  }
0x47: {  	[sflag:s0] =	ssyncset.done $0x0  }
0x48: {  	s5 =	rddreg [dreg:$0x8];
	[sflag:s0] =	ssyncadd.s32 $0xFFFFD800  }
0x49: {  	[tilespmem:s17], [sflag:$0x1] =	stream.linear.gather [hbm4b:s5+s1], $0x2800, $0x38;
	[tilespmem:$0x7880] =	vst v63  }
0x4a: {  	_ =	swait.ge [sflag:s0], $0x2800  }
0x4b: {  	[sflag:s0] =	ssyncset.done $0x0  }
0x4c: {  	[sflag:s0] =	ssyncadd.s32 $0xFFFFD800  }
0x4d: {  	[spmem:s25] =	stream.linear.scatter [tilespmem:s17], [sflag:$0x1], $0x2800, $0x38;
	[tilespmem:$0x7880] =	vst v63  }
0x4e: {  	_ =	swait.ge [sflag:s0], $0x2800  }
0x4f: {  	[sflag:s0] =	ssyncset.done $0x0  }
0x50: {  	s6 =	rddreg [dreg:$0x9];
	[sflag:s0] =	ssyncadd.s32 $0xFFFFD800  }
0x51: {  	[tilespmem:s17], [sflag:$0x1] =	stream.linear.gather [hbm4b:s6+s1], $0x2800, $0x38;
	[tilespmem:$0x7880] =	vst v63  }
0x52: {  	_ =	swait.ge [sflag:s0], $0x2800  }
0x53: {  	[sflag:s0] =	ssyncset.done $0x0  }
0x54: {  	[sflag:s0] =	ssyncadd.s32 $0xFFFFD800  }
0x55: {  	[spmem:s26] =	stream.linear.scatter [tilespmem:s17], [sflag:$0x1], $0x2800, $0x38;
	[tilespmem:$0x7880] =	vst v63  }
0x56: {  	_ =	swait.ge [sflag:s0], $0x2800  }
0x57: {  	[sflag:s0] =	ssyncset.done $0x0  }
0x58: {  	[sflag:s0] =	ssyncadd.s32 $0xFFFFD800  }
0x59: {  	[tilespmem:s17], [sflag:$0x1] =	stream.linear.gather [hbm4b:s8+s1], $0x2800, $0x38;
	[tilespmem:$0x7880] =	vst v63  }
0x5a: {  	_ =	swait.ge [sflag:s0], $0x2800  }
0x5b: {  	[sflag:s0] =	ssyncset.done $0x0  }
0x5c: {  	[sflag:s0] =	ssyncadd.s32 $0xFFFFD800  }
0x5d: {  	[spmem:s28] =	stream.linear.scatter [tilespmem:s17], [sflag:$0x1], $0x2800, $0x38;
	[tilespmem:$0x7880] =	vst v63  }
0x5e: {  	_ =	swait.ge [sflag:s0], $0x2800  }
0x5f: {  	[sflag:s0] =	ssyncset.done $0x0  }
0x60: {  	[sflag:s0] =	ssyncadd.s32 $0xFFFFD800  }
0x61: {  	[tilespmem:s17], [sflag:$0x1] =	stream.linear.gather [hbm4b:s9+s1], $0x2800, $0x38;
	[tilespmem:$0x7880] =	vst v63  }
0x62: {  	_ =	swait.ge [sflag:s0], $0x2800  }
0x63: {  	[sflag:s0] =	ssyncset.done $0x0  }
0x64: {  	[sflag:s0] =	ssyncadd.s32 $0xFFFFD800  }
0x65: {  	[spmem:s29] =	stream.linear.scatter [tilespmem:s17], [sflag:$0x1], $0x2800, $0x38;
	[tilespmem:$0x7880] =	vst v63  }
0x66: {  	_ =	swait.ge [sflag:s0], $0x2800  }
0x67: {  	[sflag:s0] =	ssyncset.done $0x0  }
0x68: {  	[sflag:s0] =	ssyncadd.s32 $0xFFFFD800  }
0x69: {  	s7 =	sadd.s32 $0x0, s31;
	[bflag:$0x0] =	sbarrier.arrive $0xFFFF  }
0x6a: {  	[tilespmem:s1], [sflag:$0x1] =	stream.linear.gather [hbm4b:s7+s1], $0x50, $0x38;
	[tilespmem:$0x7880] =	vst v63  }
0x6b: {  	_ =	swait.ge [sflag:s0], $0x50  }
0x6c: {  	[sflag:s0] =	ssyncset.done $0x0  }
0x6d: {  	[sflag:s0] =	ssyncadd.s32 $0xFFFFFFB0  }
0x6e: {  	[spmem:s18] =	stream.indirect.scatter.add.f32 [tilespmem:s16], [sflag:$0x1], $0x10, s1, s2, $0xb8;
	[tilespmem:$0x7880] =	vst v63  }
0x6f: {  	_ =	swait.ge [sflag:s0], $0x500  }
0x70: {  	s4 =	simm.s32 $0xA;
	s5 =	simm.s32 $0x14;
	[sflag:s0] =	ssyncset.done $0x0  }
.LBB2_2:
0x71: {  	s6 =	sadd.s32 s4, s31  }
0x72: {  	[sflag:s0] =	ssyncadd.s32 $0xFFFFFB00;
	s4 =	smov.u32 s5;
	s7 =	sadd.s32 $0xA, s5  }
0x73: {  	[tilespmem:s1], [sflag:$0x1] =	stream.linear.gather [hbm4b:s6+s1], $0x50, $0x38;
	[tilespmem:$0x7880] =	vst v63  }
0x74: {  	p0 =	sne.s32 s5, $0x4D8;
	_ =	swait.ge [sflag:s0], $0x50  }
.Ltmp0:
0x75: {  	[sflag:s0] =	ssyncset.done $0x0;
	(pc) =	sbr.rel @p0 .LBB2_2-.Ltmp0, $4  }
0x76: {  	[sflag:s0] =	ssyncadd.s32 $0xFFFFFFB0  }
0x77: {  	[spmem:s18] =	stream.indirect.scatter.add.f32 [tilespmem:s16], [sflag:$0x1], $0x10, s1, s2, $0xb8;
	[tilespmem:$0x7880] =	vst v63  }
0x78: {  	_ =	swait.ge [sflag:s0], $0x500  }
0x79: {  	s5 =	smov.u32 s7;
	[sflag:s0] =	ssyncset.done $0x0  }
0x7a: {  	s4 =	sadd.s32 s4, s31;
	[sflag:s0] =	ssyncadd.s32 $0xFFFFFB00  }
0x7b: {  	[tilespmem:s1], [sflag:$0x1] =	stream.linear.gather [hbm4b:s4+s1], $0x50, $0x38;
	[tilespmem:$0x7880] =	vst v63  }
0x7c: {  	_ =	swait.ge [sflag:s0], $0x50  }
0x7d: {  	[sflag:s0] =	ssyncset.done $0x0  }
0x7e: {  	[sflag:s0] =	ssyncadd.s32 $0xFFFFFFB0  }
0x7f: {  	[spmem:s18] =	stream.indirect.scatter.add.f32 [tilespmem:s16], [sflag:$0x1], $0x10, s1, s2, $0xb8;
	[tilespmem:$0x7880] =	vst v63  }
0x80: {  	_ =	swait.ge [sflag:s0], $0x500  }
0x81: {  	[sflag:s0] =	ssyncset.done $0x0  }
0x82: {  	[sflag:s0] =	ssyncadd.s32 $0xFFFFFB00  }
0x83: {  	[bflag:$0x0] =	sbarrier.arrive $0xFFFF  }
0x84: {  	[tilespmem:s17], [sflag:$0x1] =	stream.linear.gather [spmem:s21], $0x2800, $0x38;
	[tilespmem:$0x7880] =	vst v63  }
0x85: {  	_ =	swait.ge [sflag:s0], $0x2800  }
0x86: {  	[sflag:s0] =	ssyncset.done $0x0  }
0x87: {  	[sflag:s0] =	ssyncadd.s32 $0xFFFFD800  }
0x88: {  	[hbm4b:s10+s1] =	stream.linear.scatter [tilespmem:s17], [sflag:$0x1], $0x2800, $0x38;
	[tilespmem:$0x7880] =	vst v63  }
0x89: {  	_ =	swait.ge [sflag:s0], $0x2800  }
0x8a: {  	[sflag:s0] =	ssyncset.done $0x0  }
0x8b: {  	[sflag:s0] =	ssyncadd.s32 $0xFFFFD800  }
0x8c: {  	[tilespmem:s17], [sflag:$0x1] =	stream.linear.gather [spmem:s22], $0x2800, $0x38;
	[tilespmem:$0x7880] =	vst v63  }
0x8d: {  	_ =	swait.ge [sflag:s0], $0x2800  }
0x8e: {  	[sflag:s0] =	ssyncset.done $0x0  }
0x8f: {  	[sflag:s0] =	ssyncadd.s32 $0xFFFFD800  }
0x90: {  	[hbm4b:s11+s1] =	stream.linear.scatter [tilespmem:s17], [sflag:$0x1], $0x2800, $0x38;
	[tilespmem:$0x7880] =	vst v63  }
0x91: {  	_ =	swait.ge [sflag:s0], $0x2800  }
0x92: {  	[sflag:s0] =	ssyncset.done $0x0  }
0x93: {  	[sflag:s0] =	ssyncadd.s32 $0xFFFFD800  }
0x94: {  	[tilespmem:s17], [sflag:$0x1] =	stream.linear.gather [spmem:s23], $0x2800, $0x38;
	[tilespmem:$0x7880] =	vst v63  }
0x95: {  	_ =	swait.ge [sflag:s0], $0x2800  }
0x96: {  	[sflag:s0] =	ssyncset.done $0x0  }
0x97: {  	[sflag:s0] =	ssyncadd.s32 $0xFFFFD800  }
0x98: {  	[hbm4b:s12+s1] =	stream.linear.scatter [tilespmem:s17], [sflag:$0x1], $0x2800, $0x38;
	[tilespmem:$0x7880] =	vst v63  }
0x99: {  	_ =	swait.ge [sflag:s0], $0x2800  }
0x9a: {  	[sflag:s0] =	ssyncset.done $0x0  }
0x9b: {  	[sflag:s0] =	ssyncadd.s32 $0xFFFFD800  }
0x9c: {  	[tilespmem:s17], [sflag:$0x1] =	stream.linear.gather [spmem:s24], $0x2800, $0x38;
	[tilespmem:$0x7880] =	vst v63  }
0x9d: {  	_ =	swait.ge [sflag:s0], $0x2800  }
0x9e: {  	[sflag:s0] =	ssyncset.done $0x0  }
0x9f: {  	[sflag:s0] =	ssyncadd.s32 $0xFFFFD800  }
0xa0: {  	[hbm4b:s13+s1] =	stream.linear.scatter [tilespmem:s17], [sflag:$0x1], $0x2800, $0x38;
	[tilespmem:$0x7880] =	vst v63  }
0xa1: {  	_ =	swait.ge [sflag:s0], $0x2800  }
0xa2: {  	[sflag:s0] =	ssyncset.done $0x0  }
0xa3: {  	[sflag:s0] =	ssyncadd.s32 $0xFFFFD800  }
0xa4: {  	[tilespmem:s17], [sflag:$0x1] =	stream.linear.gather [spmem:s25], $0x2800, $0x38;
	[tilespmem:$0x7880] =	vst v63  }
0xa5: {  	_ =	swait.ge [sflag:s0], $0x2800  }
0xa6: {  	[sflag:s0] =	ssyncset.done $0x0  }
0xa7: {  	[sflag:s0] =	ssyncadd.s32 $0xFFFFD800  }
0xa8: {  	[hbm4b:s14+s1] =	stream.linear.scatter [tilespmem:s17], [sflag:$0x1], $0x2800, $0x38;
	[tilespmem:$0x7880] =	vst v63  }
0xa9: {  	_ =	swait.ge [sflag:s0], $0x2800  }
0xaa: {  	[sflag:s0] =	ssyncset.done $0x0  }
0xab: {  	[sflag:s0] =	ssyncadd.s32 $0xFFFFD800  }
0xac: {  	[tilespmem:s17], [sflag:$0x1] =	stream.linear.gather [spmem:s26], $0x2800, $0x38;
	[tilespmem:$0x7880] =	vst v63  }
0xad: {  	_ =	swait.ge [sflag:s0], $0x2800  }
0xae: {  	[sflag:s0] =	ssyncset.done $0x0  }
0xaf: {  	[sflag:s0] =	ssyncadd.s32 $0xFFFFD800  }
0xb0: {  	[hbm4b:s15+s1] =	stream.linear.scatter [tilespmem:s17], [sflag:$0x1], $0x2800, $0x38;
	[tilespmem:$0x7880] =	vst v63  }
0xb1: {  	_ =	swait.ge [sflag:s0], $0x2800  }
0xb2: {  	[sflag:s0] =	ssyncset.done $0x0  }
0xb3: {  	[sflag:s0] =	ssyncadd.s32 $0xFFFFD800  }
0xb4: {  	[tilespmem:s17], [sflag:$0x1] =	stream.linear.gather [spmem:s28], $0x2800, $0x38;
	[tilespmem:$0x7880] =	vst v63  }
0xb5: {  	_ =	swait.ge [sflag:s0], $0x2800  }
0xb6: {  	[sflag:s0] =	ssyncset.done $0x0  }
0xb7: {  	[sflag:s0] =	ssyncadd.s32 $0xFFFFD800  }
0xb8: {  	[hbm4b:s19+s1] =	stream.linear.scatter [tilespmem:s17], [sflag:$0x1], $0x2800, $0x38;
	[tilespmem:$0x7880] =	vst v63  }
0xb9: {  	_ =	swait.ge [sflag:s0], $0x2800  }
0xba: {  	[sflag:s0] =	ssyncset.done $0x0  }
0xbb: {  	[sflag:s0] =	ssyncadd.s32 $0xFFFFD800  }
0xbc: {  	[tilespmem:s17], [sflag:$0x1] =	stream.linear.gather [spmem:s29], $0x2800, $0x38;
	[tilespmem:$0x7880] =	vst v63  }
0xbd: {  	s3 =	sadd.s32 $0x1, s3;
	_ =	swait.ge [sflag:s0], $0x2800  }
0xbe: {  	p0 =	sne.s32 s3, s30;
	[sflag:s0] =	ssyncset.done $0x0  }
.Ltmp1:
0xbf: {  	[sflag:s0] =	ssyncadd.s32 $0xFFFFD800;
	(pc) =	sbr.rel @p0 .LBB2_1-.Ltmp1, $4  }
0xc0: {  	[hbm4b:s20+s1] =	stream.linear.scatter [tilespmem:s17], [sflag:$0x1], $0x2800, $0x38;
	[tilespmem:$0x7880] =	vst v63  }
0xc1: {  	_ =	swait.ge [sflag:s0], $0x2800  }
0xc2: {  	[sflag:s0] =	ssyncset.done $0x0  }
0xc3: {  	[sflag:s0] =	ssyncadd.s32 $0xFFFFD800  }
0xc4: {  	_ =	sfence.sel $0x180000  }
0xc5: {  	[bflag:$0x0] =	sbarrier.arrive $0xFFFF  }
0xc6: {  	_ =	strace $0x90000047  }
0xc7: {  	s0 =	stileid.u32;
	[bflag:$0x2] =	sbarrier.arrive $0xFFFF  }
0xc8: {  	p0 =	sne.s32 s0, $0x0;
	s0 =	rddreg [dreg:$0x3]  }
0xc9: {  	s0 =	sadd.s32 @!p0 $0x100000, s0  }
0xca: {  	[sflag:s0] =	ssyncadd.tile.s32 @!p0 $0x1;
	_ =	shalt  }
.Lfunc_end2:
_tile_overlayer_lowered:
.L_overlay_start_2:
0xcb: {  	(tag) =	ssettag $0x2  }
0xcc: {  	s0 =	rddreg [dreg:$0x0];
	s2 =	stileid.u32  }
0xcd: {  	s1 =	rddreg [dreg:$0x1];
	p0 =	sne.s32 s2, $0x0  }
0xce: {  	s3 =	rddreg [dreg:$0x2];
	[bflag:$0x3] =	sbarrier.arrive $0xFFFF;
	s2 =	simm.s32 @!p0 $0x1C01  }
0xcf: {  	[timem:s3], [sflag:s2] =	dma.local @!p0 [hbm:s0], s1  }
0xd0: {  	s0 =	simm.s32 @!p0 $0x1  }
0xd1: {  	_ =	swait.ge @!p0 [sflag:s0], s1  }
0xd2: {  	s1 =	ssub.s32 @!p0 $0x0, s1;
	[sflag:s0] =	ssyncset.done @!p0 $0x0  }
0xd3: {  	[sflag:s0] =	ssyncadd.s32 @!p0 s1  }
0xd4: {  	[bflag:$0x3] =	sbarrier.arrive $0xFFFF  }
0xd5: {  	_ =	shalt  }

// kernel: kernel.15.cloned.1.call-start
scs
__scs_entry_jumppad:
0x0: {  	(pc) =	sbr.rel $0x88, $3  }
0x1: {  	(tag) =	ssettag $0x0;
	lr =	simm.s32 $0x1  }
0x2: {  	[smem:$0x3F91] =	sst lr;
	_ =	strace $0xD0000000  }
0x3: {  	_ = 	snop  }
0x4: {  	_ = 	snop  }
0x5: {  	_ = 	snop  }
0x6: {  	_ = 	snop  }
0x7: {  	_ = 	snop  }
__scs_overlays_trampoline_lowered:
0x8: {  	[smem:$0x3FA0] =	sst s0  }
0x9: {  	[smem:$0x3FA1] =	sst s1  }
0xa: {  	[smem:$0x3FA2] =	sst s2  }
0xb: {  	[smem:$0x3FA3] =	sst s3  }
0xc: {  	[smem:$0x3FA4] =	sst s4  }
0xd: {  	[smem:$0x3FA5] =	sst s5  }
0xe: {  	[smem:$0x3FA6] =	sst s6  }
0xf: {  	[smem:$0x3FA7] =	sst s7  }
0x10: {  	[smem:$0x3FA8] =	sst s8  }
0x11: {  	[smem:$0x3FA9] =	sst s9;
	s0 =	simm.s32 @!p0 $0x0  }
0x12: {  	s1 =	sld [smem:$0x3F8F];
	s0 =	simm.s32 @p0 $0x1  }
0x13: {  	[smem:$0x3FAA] =	sst s0;
	s0 =	simm.s32 @!p1 $0x0  }
0x14: {  	s2 =	sld [smem:$0x3F8E];
	s0 =	simm.s32 @p1 $0x1  }
0x15: {  	[smem:$0x3FAB] =	sst s0;
	s0 =	simm.s32 @!p2 $0x0  }
0x16: {  	s3 =	sld [smem:$0x3FDB];
	s0 =	simm.s32 @p2 $0x1  }
0x17: {  	s4 =	simm.s32 $0x1BF5;
	[smem:$0x3FAD] =	sst s0  }
0x18: {  	s0 =	sld [smem:$0x3F90];
	_ =	swait.ge [sflag:s4], $0x0  }
0x19: {  	s7 =	sld [smem:$0x3F91]  }
0x1a: {  	s8 =	sadd.s32 $0xFFFFE003, lr  }
0x1b: {  	s9 =	sadd.s32 $0xFFFFFEF7, lr;
	s5 =	simm.s32 $0xFFFFFFFF;
	p2 =	slt.u32 s8, $0xFFFFF086  }
0x1c: {  	p1 =	slt.u32 s9, $0xF7A;
	s5 =	simm.s32 @!p2 $0x0  }
0x1d: {  	s5 =	simm.s32 @p1 $0x1;
	p0 =	seq.s32 s7, s2  }
0x1e: {  	s7 =	smul.u32 @!p0 $0xF7A, s2;
	p2 =	seq.s32 @!p0 s5, $0x0  }
0x1f: {  	s9 =	smul.u32 $0xF7A, s1;
	s8 =	simm.s32 @!p0 $0x1BF5;
	p2 =	por !p2, p0  }
0x20: {  	[sflag:s8] =	ssyncset.s32 @!p0 $0xFFFFF086;
	s6 =	sadd.s32 @!p0 s3, s7;
	s7 =	simm.s32 @!p0 $0x108  }
0x21: {  	s3 =	sadd.s32 s3, s9;
	s6 =	sadd.s32 @!p0 $0x88, s6;
	s7 =	simm.s32 @p2 $0x1082  }
0x22: {  	[simem:s7], [sflag:s8] =	dma.local @!p0 [hbm:s6], $0xF7A  }
0x23: {  	s9 =	sor.u32 $0xD0000000, s2;
	s6 =	simm.s32 $0x108;
	_ =	swait.ge @!p0 [sflag:s8], $0x0  }
0x24: {  	s3 =	sadd.s32 $0x88, s3;
	s6 =	simm.s32 @!p1 $0x1082;
	[sflag:s4] =	ssyncset.s32 $0xFFFFF086  }
0x25: {  	[simem:s6], [sflag:s4] =	dma.local [hbm:s3], $0xF7A  }
0x26: {  	[smem:$0x3F91] =	sst s1;
	(tag) =	ssettag s2;
	_ =	strace s9  }
0x27: {  	s1 =	sld [smem:$0x3FA1]  }
0x28: {  	s2 =	sld [smem:$0x3FA2]  }
0x29: {  	s4 =	sld [smem:$0x3FA4]  }
0x2a: {  	p0 =	seq.s32 s5, $0x0;
	s5 =	sld [smem:$0x3FA5]  }
0x2b: {  	s6 =	sld [smem:$0x3FA6]  }
0x2c: {  	s7 =	sld [smem:$0x3FA7]  }
0x2d: {  	s3 =	simm.s32 $0x108;
	s8 =	sld [smem:$0x3FA8]  }
0x2e: {  	s3 =	simm.s32 @!p0 $0x1082;
	s9 =	sld [smem:$0x3FA9]  }
0x2f: {  	lr =	sadd.s32 s0, s3;
	s0 =	sld [smem:$0x3FA0]  }
0x30: {  	s3 =	sld [smem:$0x3FA3]  }
0x31: {  	[smem:$0x3FAC] =	sst s10  }
0x32: {  	s10 =	sld [smem:$0x3FAA];
	_ =	sdelay $0x3  }
0x33: {  	p0 =	seq.s32 s10, $0x1;
	s10 =	sld [smem:$0x3FAC];
	_ =	sdelay $0x3  }
0x34: {  	[smem:$0x3FAC] =	sst s10  }
0x35: {  	s10 =	sld [smem:$0x3FAB];
	_ =	sdelay $0x3  }
0x36: {  	p1 =	seq.s32 s10, $0x1;
	s10 =	sld [smem:$0x3FAC];
	_ =	sdelay $0x3  }
0x37: {  	[smem:$0x3FAC] =	sst s10  }
0x38: {  	s10 =	sld [smem:$0x3FAD]  }
0x39: {  	_ = 	snop;
	(pc) =	sbr.ind lr, $3  }
0x3a: {  	_ = 	snop  }
0x3b: {  	_ = 	snop  }
0x3c: {  	p2 =	seq.s32 s10, $0x1;
	s10 =	sld [smem:$0x3FAC]  }
0x3d: {  	_ =	shalt  }
0x3e: {  	_ =	shalt  }
0x3f: {  	_ =	shalt  }
0x40: {  	_ =	shalt  }
0x41: {  	_ =	shalt  }
0x42: {  	_ =	shalt  }
0x43: {  	_ =	shalt  }
0x44: {  	_ =	shalt  }
0x45: {  	_ =	shalt  }
0x46: {  	_ =	shalt  }
0x47: {  	_ =	shalt  }
0x48: {  	_ =	shalt  }
0x49: {  	_ =	shalt  }
0x4a: {  	_ =	shalt  }
0x4b: {  	_ =	shalt  }
0x4c: {  	_ =	shalt  }
0x4d: {  	_ =	shalt  }
0x4e: {  	_ =	shalt  }
0x4f: {  	_ =	shalt  }
0x50: {  	_ =	shalt  }
0x51: {  	_ =	shalt  }
0x52: {  	_ =	shalt  }
0x53: {  	_ =	shalt  }
0x54: {  	_ =	shalt  }
0x55: {  	_ =	shalt  }
0x56: {  	_ =	shalt  }
0x57: {  	_ =	shalt  }
0x58: {  	_ =	shalt  }
0x59: {  	_ =	shalt  }
0x5a: {  	_ =	shalt  }
0x5b: {  	_ =	shalt  }
0x5c: {  	_ =	shalt  }
0x5d: {  	_ =	shalt  }
0x5e: {  	_ =	shalt  }
0x5f: {  	_ =	shalt  }
0x60: {  	_ =	shalt  }
0x61: {  	_ =	shalt  }
0x62: {  	_ =	shalt  }
0x63: {  	_ =	shalt  }
0x64: {  	_ =	shalt  }
0x65: {  	_ =	shalt  }
0x66: {  	_ =	shalt  }
0x67: {  	_ =	shalt  }
0x68: {  	_ =	shalt  }
0x69: {  	_ =	shalt  }
0x6a: {  	_ =	shalt  }
0x6b: {  	_ =	shalt  }
0x6c: {  	_ =	shalt  }
0x6d: {  	_ =	shalt  }
0x6e: {  	_ =	shalt  }
0x6f: {  	_ =	shalt  }
0x70: {  	_ =	shalt  }
0x71: {  	_ =	shalt  }
0x72: {  	_ =	shalt  }
0x73: {  	_ =	shalt  }
0x74: {  	_ =	shalt  }
0x75: {  	_ =	shalt  }
0x76: {  	_ =	shalt  }
0x77: {  	_ =	shalt  }
0x78: {  	_ =	shalt  }
0x79: {  	_ =	shalt  }
0x7a: {  	_ =	shalt  }
0x7b: {  	_ =	shalt  }
0x7c: {  	_ =	shalt  }
0x7d: {  	_ =	shalt  }
0x7e: {  	_ =	shalt  }
0x7f: {  	_ =	shalt  }
0x80: {  	_ =	shalt  }
0x81: {  	_ =	shalt  }
0x82: {  	_ =	shalt  }
0x83: {  	_ =	shalt  }
0x84: {  	_ =	shalt  }
0x85: {  	_ =	shalt  }
0x86: {  	_ =	shalt  }
0x87: {  	_ =	shalt  }
.Lfunc_end0:
.L_simem_size_0:
called_computation.1_lowered:
.L_overlay_start_0:
0x88: {  	s2 =	sld [smem:$0x3FD9]  }
0x89: {  	s3 =	sld [smem:$0x3FFE];
	_ =	sdelay $0x1  }
0x8a: {  	s1 =	srdreg.scid  }
0x8b: {  	s0 =	sand.u32 $0x1, s1  }
0x8c: {  	s16 =	sshll.u32 s0, $0xA;
	s2 =	sadd.s32 s3, s2  }
0x8d: {  	s2 =	sadd.s32 s2, s16  }
0x8e: {  	[smem:$0x3FB8] =	sst s2  }
0x8f: {  	_ = 	snop  }
0x90: {  	(tm) =	ssettm $0x1  }
0x91: {  	s17 =	sld [smem:$0x3FFB];
	_ =	sdelay $0x3  }
0x92: {  	_ =	strace s17  }
0x93: {  	s2 =	sld [smem:$0x3FFC];
	_ =	sdelay $0x3  }
0x94: {  	_ =	strace s2  }
0x95: {  	s2 =	sld [smem:$0x3FFD];
	_ =	sdelay $0x3  }
0x96: {  	_ =	strace s2  }
0x97: {  	_ =	strace $0x8FFFFFFF  }
0x98: {  	s18 =	sld [smem:$0x3FDB];
	_ =	sdelay $0x1  }
0x99: {  	s19 =	simm.s32 $_scs_section_size  }
0x9a: {  	s4 =	simm.s32 $_size__tile_overlayer_lowered;
	s5 =	simm.s32 $_tile_overlayer_lowered  }
0x9b: {  	s22 =	simm.s32 $0x1BFF;
	s21 =	sshll.u32 s5, $0x1;
	s2 =	sadd.s32 s19, s18  }
0x9c: {  	s6 =	simm.s32 $0x0;
	s20 =	sshll.u32 s4, $0x1;
	s4 =	sadd.s32 s21, s2  }
0x9d: {  	[timem:s6], [sflag:s22] =	dma.local [hbm:s4], s20  }
0x9e: {  	_ =	swait.ge [sflag:s22], s20  }
0x9f: {  	s3 =	ssub.s32 $0x0, s20;
	[sflag:s22] =	ssyncset.done $0x0  }
0xa0: {  	[sflag:s22] =	ssyncadd.s32 s3;
	_ =	sdelay $0x1  }
0xa1: {  	s23 =	simm.s32 $0x1B8B  }
0xa2: {  	_ =	swait.ge [sflag:s23], $0x1  }
0xa3: {  	[sflag:s23] =	ssyncset.done $0x0  }
0xa4: {  	s25 =	simm.s32 $0x1B8E;
	s24 =	sld [smem:$0x3FFE];
	[sflag:s23] =	ssyncadd.s32 $0xFFFFFFFF  }
0xa5: {  	s26 =	simm.s32 $execute0_lowered;
	[smem:$0x3FD2] =	sst s25  }
0xa6: {  	s4 =	sshll.u32 s26, $0x1;
	_ =	strace $0x80000049;
	[dreg:$0x1] =	wrdreg $0xFFFFFFFF  }
0xa7: {  	s28 =	simm.s32 $_size_execute0_lowered;
	s2 =	sadd.s32 s2, s4;
	[dreg:$0x0] =	wrdreg $0x0  }
0xa8: {  	s4 =	sshll.u32 s28, $0x1;
	[dreg:$0x2] =	wrdreg s2  }
0xa9: {  	[dreg:$0x3] =	wrdreg s4  }
0xaa: {  	[dreg:$0x4] =	wrdreg $0xC0  }
0xab: {  	_ =	task [dreg:s6], $0x5FFFF  }
0xac: {  	[dreg:$0x1] =	wrdreg $0xFFFFFFFF  }
0xad: {  	[dreg:$0x0] =	wrdreg $0x60  }
0xae: {  	[dreg:$0x2] =	wrdreg s24  }
0xaf: {  	[dreg:$0x3] =	wrdreg $0xAA000  }
0xb0: {  	[dreg:$0x4] =	wrdreg $0x9  }
0xb1: {  	_ =	task.clear_ibuf [dreg:s6], $0x5FFFF;
	_ =	strace $0x90000049  }
0xb2: {  	s29 =	simm.s32 $0x9;
	_ =	strace $0x8000004B  }
0xb3: {  	_ =	swait.ge [sflag:s29], $0x1  }
0xb4: {  	[sflag:s29] =	ssyncadd.s32 $0xFFFFFFFF  }
0xb5: {  	_ =	strace $0x9000004B  }
0xb6: {  	_ =	sfence  }
0xb7: {  	s30 =	sld [smem:$0x0];
	_ =	sdelay $0x2  }
0xb8: {  	s31 =	sshll.u32 s1, $0xD;
	s1 =	sshrl.u32 s1, $0x2  }
0xb9: {  	s3 =	sand.u32 $0x4000, s31;
	s1 =	sadd.s32 s1, s30  }
0xba: {  	s0 =	sor.u32 s3, s0;
	s1 =	sshll.u32 s1, $0x11  }
0xbb: {  	s0 =	sor.u32 s1, s0  }
0xbc: {  	s0 =	sadd.s32 $0x8F2B, s0  }
0xbd: {  	[sflag:s0] =	ssyncadd.remote.s32 $0x1  }
0xbe: {  	_ =	sfence.sel $0xFFFF  }
0xbf: {  	[dreg:$0x0] =	wrdreg $0xFFFFFFFF;
	(pc) =	sbr.abs _section_cstart, $3  }
0xc0: {  	[dreg:$0x1] =	wrdreg $0xFFFFFFFF  }
0xc1: {  	_ =	task.clear_ibuf [dreg:s6], $0x2FFFF;
	_ =	strace $0x9FFFFFFF  }
0xc2: {  	(tm) =	ssettm $0x7FFFFFFF  }
0xc3: {  	_ =	shalt  }
tec
execute0_lowered:
.L_overlay_start_1:
0x0: {  	(tag) =	ssettag $0x1  }
0x1: {  	s1 =	srdreg.scid;
	s18 =	stileid.u32  }
0x2: {  	s0 =	rddreg [dreg:$0x0];
	s9 =	sand.u32 $0x1, s1;
	s8 =	smul.u32 $0x280, s18  }
0x3: {  	s10 =	sadd.s32 $0x2B000, s0;
	s3 =	sshll.u32 s18, $0x1;
	s11 =	smul.u32 $0x14000, s18  }
0x4: {  	s12 =	sadd.s32 $0x99C00, s0;
	s1 =	ssub.s32 $0x2, s9;
	s15 =	sor.u32 s9, s3  }
0x5: {  	s29 =	sadd.s32 $0x3E00, s0;
	s2 =	sshrl.u32 s1, $0x1;
	s7 =	smul.u32 $0x2800, s15  }
0x6: {  	s16 =	sshrl.u32 s11, $0x3;
	s17 =	sor.u32 $0x50, s8;
	s4 =	sadd.s32 $0xA0, s8  }
0x7: {  	s22 =	sadd.s32 $0xF0, s8;
	s6 =	sadd.s32 $0x140, s8;
	s14 =	sadd.s32 $0x190, s8  }
0x8: {  	s25 =	sadd.s32 $0x1E0, s8;
	s15 =	sadd.s32 $0x230, s8;
	s5 =	ssub.s32 s1, s2  }
0x9: {  	s1 =	sadd.s32 s10, s16;
	s19 =	sshll.u32 s17, $0x4;
	s21 =	sshll.u32 s4, $0x4  }
0xa: {  	s2 =	sshll.u32 s4, $0x7;
	s4 =	sshll.u32 s22, $0x4;
	s13 =	sshll.u32 s6, $0x4  }
0xb: {  	s24 =	sshll.u32 s14, $0x4;
	s26 =	sshll.u32 s25, $0x4;
	s16 =	smul.u32 $0x140000, s9  }
0xc: {  	s8 =	sshll.u32 s25, $0x7;
	[dreg:$0x3] =	wrdreg s1;
	s20 =	sadd.s32 s10, s19  }
0xd: {  	s9 =	smul.u32 $0x2800, s9;
	s3 =	sadd.s32 s10, s21;
	[dreg:$0x4] =	wrdreg s20  }
0xe: {  	s1 =	sshll.u32 s17, $0x7;
	s4 =	sadd.s32 s10, s4;
	[dreg:$0x5] =	wrdreg s3  }
0xf: {  	s23 =	sadd.s32 s10, s13;
	s13 =	sadd.s32 s10, s24;
	[dreg:$0x6] =	wrdreg s4  }
0x10: {  	s5 =	smax.u32 s5, $0x1;
	s3 =	sshll.u32 s22, $0x7;
	[dreg:$0x7] =	wrdreg s23  }
0x11: {  	s4 =	sshll.u32 s6, $0x7;
	s6 =	sshll.u32 s14, $0x7;
	[dreg:$0x8] =	wrdreg s13  }
0x12: {  	s14 =	sadd.s32 s10, s26;
	s13 =	sshll.u32 s15, $0x7;
	s15 =	sshll.u32 s15, $0x4  }
0x13: {  	s11 =	sadd.s32 s11, s16;
	s17 =	sadd.s32 s16, s1;
	s22 =	sadd.s32 s16, s2  }
0x14: {  	[dreg:$0x9] =	wrdreg s14;
	s10 =	sadd.s32 s10, s15;
	s19 =	sshrl.u32 s11, $0x3  }
0x15: {  	s20 =	sshrl.u32 s17, $0x3;
	s23 =	sadd.s32 s16, s3;
	s24 =	sadd.s32 s16, s4  }
0x16: {  	s15 =	sadd.s32 s16, s6;
	s17 =	sadd.s32 s16, s8;
	[dreg:$0xa] =	wrdreg s10  }
0x17: {  	s10 =	sadd.s32 s12, s19;
	s21 =	sadd.s32 s12, s20;
	s25 =	sshrl.u32 s23, $0x3  }
0x18: {  	s26 =	sshrl.u32 s24, $0x3;
	s11 =	sshrl.u32 s17, $0x3;
	s19 =	sadd.s32 s16, s13  }
0x19: {  	s20 =	smul.u32 $0x5000, s18;
	s17 =	simm.s32 $0x0;
	s23 =	sshrl.u32 s7, $0x3  }
0x1a: {  	s7 =	sor.u32 $0x80, s7;
	s24 =	sadd.s32 $0x8FC00, s0;
	[dreg:$0xb] =	wrdreg s10  }
0x1b: {  	[dreg:$0xc] =	wrdreg s21;
	s10 =	sshrl.u32 s22, $0x3;
	s14 =	sadd.s32 s12, s26  }
0x1c: {  	s21 =	sadd.s32 s12, s11;
	s22 =	sshrl.u32 s19, $0x3;
	[smem:$0x7FF] =	sst s17  }
0x1d: {  	s11 =	sadd.s32 s24, s23;
	s7 =	sshrl.u32 s7, $0x3;
	[dreg:$0xf] =	wrdreg s14  }
0x1e: {  	s10 =	sadd.s32 s12, s10;
	[dreg:$0x11] =	wrdreg s21;
	s9 =	sadd.s32 s9, s20  }
0x1f: {  	[dreg:$0x14] =	wrdreg s11;
	s21 =	smul.u32 $0x50000, s18;
	s11 =	simm.s32 $0x100  }
0x20: {  	s14 =	simm.s32 $0x2;
	s18 =	simm.s32 $0x0;
	[dreg:$0xd] =	wrdreg s10  }
0x21: {  	s10 =	sadd.s32 s12, s25;
	s20 =	sor.u32 $0x100, s9;
	s25 =	rddreg [dreg:$0x1]  }
0x22: {  	[dreg:$0xe] =	wrdreg s10;
	s10 =	sshrl.u32 s15, $0x3;
	s15 =	sor.u32 $0x180, s9  }
0x23: {  	s31 =	sadd.s32 s1, s25;
	s1 =	sadd.s32 s4, s25;
	s4 =	sadd.s32 s13, s25  }
0x24: {  	s9 =	simm.s32 $0x200;
	s13 =	simm.s32 $0x4200;
	s10 =	sadd.s32 s12, s10  }
0x25: {  	s19 =	sshrl.u32 s15, $0x3;
	s15 =	simm.s32 $0x3;
	[dreg:$0x10] =	wrdreg s10  }
0x26: {  	s10 =	sadd.s32 s12, s22;
	s22 =	sadd.s32 s19, s24;
	s12 =	simm.s32 $0x180  }
0x27: {  	[dreg:$0x12] =	wrdreg s10;
	s10 =	sadd.s32 $0x85C00, s0;
	s0 =	sadd.s32 s3, s25  }
0x28: {  	s3 =	sadd.s32 s8, s25;
	s8 =	simm.s32 $0x80;
	s26 =	sadd.s32 s10, s23  }
0x29: {  	s16 =	sadd.s32 s10, s7;
	s7 =	sadd.s32 s24, s7;
	[dreg:$0x13] =	wrdreg s26  }
0x2a: {  	s23 =	sadd.s32 s19, s10;
	[dreg:$0x16] =	wrdreg s7;
	s7 =	sshrl.u32 s20, $0x3  }
0x2b: {  	[dreg:$0x15] =	wrdreg s16;
	s16 =	simm.s32 $0x4;
	s26 =	sadd.s32 s7, s24  }
0x2c: {  	s28 =	sadd.s32 s7, s10;
	_ =	strace $0x8000004A;
	s24 =	sshrl.u32 s21, $0x2  }
0x2d: {  	s7 =	simm.s32 $0x5;
	s10 =	simm.s32 $0x1;
	s30 =	sadd.s32 s24, s25  }
0x2e: {  	s24 =	sadd.s32 s2, s25;
	s2 =	sadd.s32 s6, s25;
	s6 =	simm.s32 $0x8200  }
.LBB2_1:
0x2f: {  	s19 =	rddreg [dreg:$0x3]  }
0x30: {  	[tilespmem:s6], [sflag:$0x5] =	stream.linear.gather [hbm4b:s19+s17], $0x2800, $0x38;
	[tilespmem:$0x1EA00] =	vst v63  }
0x31: {  	_ =	swait.ge [sflag:s7], $0x2800  }
0x32: {  	[sflag:s7] =	ssyncset.done $0x0  }
0x33: {  	[sflag:s7] =	ssyncadd.s32 $0xFFFFD800  }
0x34: {  	[spmem:s30] =	stream.linear.scatter [tilespmem:s6], [sflag:$0x5], $0x2800, $0x38;
	[tilespmem:$0x1EA00] =	vst v63  }
0x35: {  	_ =	swait.ge [sflag:s7], $0x2800  }
0x36: {  	[sflag:s7] =	ssyncset.done $0x0  }
0x37: {  	s21 =	rddreg [dreg:$0x4];
	[sflag:s7] =	ssyncadd.s32 $0xFFFFD800  }
0x38: {  	[tilespmem:s6], [sflag:$0x5] =	stream.linear.gather [hbm4b:s21+s17], $0x2800, $0x38;
	[tilespmem:$0x1EA00] =	vst v63  }
0x39: {  	_ =	swait.ge [sflag:s7], $0x2800  }
0x3a: {  	[sflag:s7] =	ssyncset.done $0x0  }
0x3b: {  	[sflag:s7] =	ssyncadd.s32 $0xFFFFD800  }
0x3c: {  	[spmem:s31] =	stream.linear.scatter [tilespmem:s6], [sflag:$0x5], $0x2800, $0x38;
	[tilespmem:$0x1EA00] =	vst v63  }
0x3d: {  	_ =	swait.ge [sflag:s7], $0x2800  }
0x3e: {  	[sflag:s7] =	ssyncset.done $0x0  }
0x3f: {  	s20 =	rddreg [dreg:$0x5];
	[sflag:s7] =	ssyncadd.s32 $0xFFFFD800  }
0x40: {  	[tilespmem:s6], [sflag:$0x5] =	stream.linear.gather [hbm4b:s20+s17], $0x2800, $0x38;
	[tilespmem:$0x1EA00] =	vst v63  }
0x41: {  	_ =	swait.ge [sflag:s7], $0x2800  }
0x42: {  	[sflag:s7] =	ssyncset.done $0x0  }
0x43: {  	[sflag:s7] =	ssyncadd.s32 $0xFFFFD800  }
0x44: {  	[spmem:s24] =	stream.linear.scatter [tilespmem:s6], [sflag:$0x5], $0x2800, $0x38;
	[tilespmem:$0x1EA00] =	vst v63  }
0x45: {  	_ =	swait.ge [sflag:s7], $0x2800  }
0x46: {  	[sflag:s7] =	ssyncset.done $0x0  }
0x47: {  	s21 =	rddreg [dreg:$0x6];
	[sflag:s7] =	ssyncadd.s32 $0xFFFFD800  }
0x48: {  	[tilespmem:s6], [sflag:$0x5] =	stream.linear.gather [hbm4b:s21+s17], $0x2800, $0x38;
	[tilespmem:$0x1EA00] =	vst v63  }
0x49: {  	_ =	swait.ge [sflag:s7], $0x2800  }
0x4a: {  	[sflag:s7] =	ssyncset.done $0x0  }
0x4b: {  	[sflag:s7] =	ssyncadd.s32 $0xFFFFD800  }
0x4c: {  	[spmem:s0] =	stream.linear.scatter [tilespmem:s6], [sflag:$0x5], $0x2800, $0x38;
	[tilespmem:$0x1EA00] =	vst v63  }
0x4d: {  	_ =	swait.ge [sflag:s7], $0x2800  }
0x4e: {  	[sflag:s7] =	ssyncset.done $0x0  }
0x4f: {  	s20 =	rddreg [dreg:$0x7];
	[sflag:s7] =	ssyncadd.s32 $0xFFFFD800  }
0x50: {  	[tilespmem:s6], [sflag:$0x5] =	stream.linear.gather [hbm4b:s20+s17], $0x2800, $0x38;
	[tilespmem:$0x1EA00] =	vst v63  }
0x51: {  	_ =	swait.ge [sflag:s7], $0x2800  }
0x52: {  	[sflag:s7] =	ssyncset.done $0x0  }
0x53: {  	[sflag:s7] =	ssyncadd.s32 $0xFFFFD800  }
0x54: {  	[spmem:s1] =	stream.linear.scatter [tilespmem:s6], [sflag:$0x5], $0x2800, $0x38;
	[tilespmem:$0x1EA00] =	vst v63  }
0x55: {  	_ =	swait.ge [sflag:s7], $0x2800  }
0x56: {  	[sflag:s7] =	ssyncset.done $0x0  }
0x57: {  	s21 =	rddreg [dreg:$0x8];
	[sflag:s7] =	ssyncadd.s32 $0xFFFFD800  }
0x58: {  	[tilespmem:s6], [sflag:$0x5] =	stream.linear.gather [hbm4b:s21+s17], $0x2800, $0x38;
	[tilespmem:$0x1EA00] =	vst v63  }
0x59: {  	_ =	swait.ge [sflag:s7], $0x2800  }
0x5a: {  	[sflag:s7] =	ssyncset.done $0x0  }
0x5b: {  	[sflag:s7] =	ssyncadd.s32 $0xFFFFD800  }
0x5c: {  	[spmem:s2] =	stream.linear.scatter [tilespmem:s6], [sflag:$0x5], $0x2800, $0x38;
	[tilespmem:$0x1EA00] =	vst v63  }
0x5d: {  	_ =	swait.ge [sflag:s7], $0x2800  }
0x5e: {  	[sflag:s7] =	ssyncset.done $0x0  }
0x5f: {  	s20 =	rddreg [dreg:$0x9];
	[sflag:s7] =	ssyncadd.s32 $0xFFFFD800  }
0x60: {  	[tilespmem:s6], [sflag:$0x5] =	stream.linear.gather [hbm4b:s20+s17], $0x2800, $0x38;
	[tilespmem:$0x1EA00] =	vst v63  }
0x61: {  	_ =	swait.ge [sflag:s7], $0x2800  }
0x62: {  	[sflag:s7] =	ssyncset.done $0x0  }
0x63: {  	[sflag:s7] =	ssyncadd.s32 $0xFFFFD800  }
0x64: {  	[spmem:s3] =	stream.linear.scatter [tilespmem:s6], [sflag:$0x5], $0x2800, $0x38;
	[tilespmem:$0x1EA00] =	vst v63  }
0x65: {  	_ =	swait.ge [sflag:s7], $0x2800  }
0x66: {  	[sflag:s7] =	ssyncset.done $0x0  }
0x67: {  	s21 =	rddreg [dreg:$0xa];
	[sflag:s7] =	ssyncadd.s32 $0xFFFFD800  }
0x68: {  	[tilespmem:s6], [sflag:$0x5] =	stream.linear.gather [hbm4b:s21+s17], $0x2800, $0x38;
	[tilespmem:$0x1EA00] =	vst v63  }
0x69: {  	_ =	swait.ge [sflag:s7], $0x2800  }
0x6a: {  	[sflag:s7] =	ssyncset.done $0x0  }
0x6b: {  	[sflag:s7] =	ssyncadd.s32 $0xFFFFD800  }
0x6c: {  	[spmem:s4] =	stream.linear.scatter [tilespmem:s6], [sflag:$0x5], $0x2800, $0x38;
	[tilespmem:$0x1EA00] =	vst v63  }
0x6d: {  	_ =	swait.ge [sflag:s7], $0x2800  }
0x6e: {  	[sflag:s7] =	ssyncset.done $0x0  }
0x6f: {  	[sflag:s7] =	ssyncadd.s32 $0xFFFFD800  }
0x70: {  	[bflag:$0x0] =	sbarrier.arrive $0xFFFF  }
0x71: {  	s20 =	rddreg [dreg:$0x13]  }
0x72: {  	[tilespmem:s17], [sflag:$0x5] =	stream.linear.gather [hbm4b:s20+s17], $0x80, $0x38;
	[tilespmem:$0x1EA00] =	vst v63  }
0x73: {  	_ =	swait.ge [sflag:s7], $0x80  }
0x74: {  	[sflag:s7] =	ssyncset.done $0x0  }
0x75: {  	s21 =	rddreg [dreg:$0x14];
	[sflag:s7] =	ssyncadd.s32 $0xFFFFFF80  }
0x76: {  	[tilespmem:s8], [sflag:$0x5] =	stream.linear.gather [hbm4b:s21+s17], $0x80, $0x38;
	[tilespmem:$0x1EA00] =	vst v63  }
0x77: {  	_ =	swait.ge [sflag:s7], $0x80  }
0x78: {  	[sflag:s7] =	ssyncset.done $0x0  }
0x79: {  	[sflag:s7] =	ssyncadd.s32 $0xFFFFFF80  }
0x7a: {  	[tilespmem:s9], [sflag:$0x1] =	stream.indirect.gather [hbm4b:s29+s8], $0x80, s17, s8, $0xb8;
	[tilespmem:$0x1EA00] =	vst v63  }
0x7b: {  	_ =	swait.ge [sflag:s10], $0x4000  }
0x7c: {  	[sflag:s10] =	ssyncset.done $0x0  }
0x7d: {  	[sflag:s10] =	ssyncadd.s32 $0xFFFFC000  }
0x7e: {  	[spmem:s25] =	stream.indirect.scatter.add.f32 [tilespmem:s9], [sflag:$0x3], $0x80, s8, s8, $0xb8;
	[tilespmem:$0x1EA00] =	vst v63  }
0x7f: {  	s20 =	rddreg [dreg:$0x15]  }
0x80: {  	[tilespmem:s11], [sflag:$0x5] =	stream.linear.gather [hbm4b:s20+s17], $0x80, $0x38;
	[tilespmem:$0x1EA00] =	vst v63  }
0x81: {  	_ =	swait.ge [sflag:s7], $0x80  }
0x82: {  	[sflag:s7] =	ssyncset.done $0x0  }
0x83: {  	s21 =	rddreg [dreg:$0x16];
	[sflag:s7] =	ssyncadd.s32 $0xFFFFFF80  }
0x84: {  	[tilespmem:s12], [sflag:$0x5] =	stream.linear.gather [hbm4b:s21+s17], $0x80, $0x38;
	[tilespmem:$0x1EA00] =	vst v63  }
0x85: {  	_ =	swait.ge [sflag:s7], $0x80  }
0x86: {  	[sflag:s7] =	ssyncset.done $0x0  }
0x87: {  	[sflag:s7] =	ssyncadd.s32 $0xFFFFFF80  }
0x88: {  	[tilespmem:s13], [sflag:$0x2] =	stream.indirect.gather [hbm4b:s29+s8], $0x80, s11, s8, $0xb8;
	[tilespmem:$0x1EA00] =	vst v63  }
0x89: {  	_ =	swait.ge [sflag:s14], $0x4000  }
0x8a: {  	[sflag:s14] =	ssyncset.done $0x0  }
0x8b: {  	[sflag:s14] =	ssyncadd.s32 $0xFFFFC000  }
0x8c: {  	_ =	swait.ge [sflag:s15], $0x4000  }
0x8d: {  	[sflag:s15] =	ssyncset.done $0x0  }
0x8e: {  	[sflag:s15] =	ssyncadd.s32 $0xFFFFC000  }
0x8f: {  	[spmem:s25] =	stream.indirect.scatter.add.f32 [tilespmem:s13], [sflag:$0x4], $0x80, s12, s8, $0xb8;
	[tilespmem:$0x1EA00] =	vst v63  }
0x90: {  	s20 =	sadd.s32 $0x0, s28  }
0x91: {  	[tilespmem:s17], [sflag:$0x5] =	stream.linear.gather [hbm4b:s20+s17], $0x80, $0x38;
	[tilespmem:$0x1EA00] =	vst v63  }
0x92: {  	_ =	swait.ge [sflag:s7], $0x80  }
0x93: {  	[sflag:s7] =	ssyncset.done $0x0  }
0x94: {  	s21 =	sadd.s32 $0x0, s26;
	[sflag:s7] =	ssyncadd.s32 $0xFFFFFF80  }
0x95: {  	[tilespmem:s8], [sflag:$0x5] =	stream.linear.gather [hbm4b:s21+s17], $0x80, $0x38;
	[tilespmem:$0x1EA00] =	vst v63  }
0x96: {  	_ =	swait.ge [sflag:s7], $0x80  }
0x97: {  	[sflag:s7] =	ssyncset.done $0x0  }
0x98: {  	[sflag:s7] =	ssyncadd.s32 $0xFFFFFF80  }
0x99: {  	[tilespmem:s9], [sflag:$0x1] =	stream.indirect.gather [hbm4b:s29+s8], $0x80, s17, s8, $0xb8;
	[tilespmem:$0x1EA00] =	vst v63  }
0x9a: {  	_ =	swait.ge [sflag:s10], $0x4000  }
0x9b: {  	[sflag:s10] =	ssyncset.done $0x0  }
0x9c: {  	[sflag:s10] =	ssyncadd.s32 $0xFFFFC000  }
0x9d: {  	_ =	swait.ge [sflag:s16], $0x4000  }
0x9e: {  	[sflag:s16] =	ssyncset.done $0x0  }
0x9f: {  	[sflag:s16] =	ssyncadd.s32 $0xFFFFC000  }
0xa0: {  	[spmem:s25] =	stream.indirect.scatter.add.f32 [tilespmem:s9], [sflag:$0x3], $0x80, s8, s8, $0xb8;
	[tilespmem:$0x1EA00] =	vst v63  }
0xa1: {  	s20 =	sadd.s32 $0x0, s23  }
0xa2: {  	[tilespmem:s11], [sflag:$0x5] =	stream.linear.gather [hbm4b:s20+s17], $0x80, $0x38;
	[tilespmem:$0x1EA00] =	vst v63  }
0xa3: {  	_ =	swait.ge [sflag:s7], $0x80  }
0xa4: {  	[sflag:s7] =	ssyncset.done $0x0  }
0xa5: {  	s21 =	sadd.s32 $0x0, s22;
	[sflag:s7] =	ssyncadd.s32 $0xFFFFFF80  }
0xa6: {  	[tilespmem:s12], [sflag:$0x5] =	stream.linear.gather [hbm4b:s21+s17], $0x80, $0x38;
	[tilespmem:$0x1EA00] =	vst v63  }
0xa7: {  	_ =	swait.ge [sflag:s7], $0x80  }
0xa8: {  	[sflag:s7] =	ssyncset.done $0x0  }
0xa9: {  	[sflag:s7] =	ssyncadd.s32 $0xFFFFFF80  }
0xaa: {  	[tilespmem:s13], [sflag:$0x2] =	stream.indirect.gather [hbm4b:s29+s8], $0x80, s11, s8, $0xb8;
	[tilespmem:$0x1EA00] =	vst v63  }
0xab: {  	_ =	swait.ge [sflag:s14], $0x4000  }
0xac: {  	[sflag:s14] =	ssyncset.done $0x0  }
0xad: {  	[sflag:s14] =	ssyncadd.s32 $0xFFFFC000  }
0xae: {  	_ =	swait.ge [sflag:s15], $0x4000  }
0xaf: {  	[sflag:s15] =	ssyncset.done $0x0  }
0xb0: {  	s19 =	simm.s32 $0x20;
	[sflag:s15] =	ssyncadd.s32 $0xFFFFC000  }
.LBB2_2:
0xb1: {  	[spmem:s25] =	stream.indirect.scatter.add.f32 [tilespmem:s13], [sflag:$0x4], $0x80, s12, s8, $0xb8;
	[tilespmem:$0x1EA00] =	vst v63  }
0xb2: {  	s20 =	smov.u32 s19  }
0xb3: {  	p0 =	sne.s32 s19, $0x4C0;
	s19 =	sadd.s32 $0x20, s19;
	s21 =	sadd.s32 s20, s28  }
0xb4: {  	[tilespmem:s17], [sflag:$0x5] =	stream.linear.gather [hbm4b:s21+s17], $0x80, $0x38;
	[tilespmem:$0x1EA00] =	vst v63  }
0xb5: {  	_ =	swait.ge [sflag:s7], $0x80  }
0xb6: {  	[sflag:s7] =	ssyncset.done $0x0  }
0xb7: {  	s21 =	sadd.s32 s20, s26;
	[sflag:s7] =	ssyncadd.s32 $0xFFFFFF80  }
0xb8: {  	[tilespmem:s8], [sflag:$0x5] =	stream.linear.gather [hbm4b:s21+s17], $0x80, $0x38;
	[tilespmem:$0x1EA00] =	vst v63  }
0xb9: {  	_ =	swait.ge [sflag:s7], $0x80  }
0xba: {  	[sflag:s7] =	ssyncset.done $0x0  }
0xbb: {  	[sflag:s7] =	ssyncadd.s32 $0xFFFFFF80  }
0xbc: {  	[tilespmem:s9], [sflag:$0x1] =	stream.indirect.gather [hbm4b:s29+s8], $0x80, s17, s8, $0xb8;
	[tilespmem:$0x1EA00] =	vst v63  }
0xbd: {  	_ =	swait.ge [sflag:s10], $0x4000  }
0xbe: {  	[sflag:s10] =	ssyncset.done $0x0  }
0xbf: {  	[sflag:s10] =	ssyncadd.s32 $0xFFFFC000  }
0xc0: {  	_ =	swait.ge [sflag:s16], $0x4000  }
0xc1: {  	[sflag:s16] =	ssyncset.done $0x0  }
0xc2: {  	[sflag:s16] =	ssyncadd.s32 $0xFFFFC000  }
0xc3: {  	[spmem:s25] =	stream.indirect.scatter.add.f32 [tilespmem:s9], [sflag:$0x3], $0x80, s8, s8, $0xb8;
	[tilespmem:$0x1EA00] =	vst v63  }
0xc4: {  	s21 =	sadd.s32 s20, s23  }
0xc5: {  	[tilespmem:s11], [sflag:$0x5] =	stream.linear.gather [hbm4b:s21+s17], $0x80, $0x38;
	[tilespmem:$0x1EA00] =	vst v63  }
0xc6: {  	_ =	swait.ge [sflag:s7], $0x80  }
0xc7: {  	[sflag:s7] =	ssyncset.done $0x0  }
0xc8: {  	s20 =	sadd.s32 s20, s22;
	[sflag:s7] =	ssyncadd.s32 $0xFFFFFF80  }
0xc9: {  	[tilespmem:s12], [sflag:$0x5] =	stream.linear.gather [hbm4b:s20+s17], $0x80, $0x38;
	[tilespmem:$0x1EA00] =	vst v63  }
0xca: {  	_ =	swait.ge [sflag:s7], $0x80  }
0xcb: {  	[sflag:s7] =	ssyncset.done $0x0  }
0xcc: {  	[sflag:s7] =	ssyncadd.s32 $0xFFFFFF80  }
0xcd: {  	[tilespmem:s13], [sflag:$0x2] =	stream.indirect.gather [hbm4b:s29+s8], $0x80, s11, s8, $0xb8;
	[tilespmem:$0x1EA00] =	vst v63  }
0xce: {  	_ =	swait.ge [sflag:s14], $0x4000  }
.Ltmp0:
0xcf: {  	[sflag:s14] =	ssyncset.done $0x0;
	(pc) =	sbr.rel @p0 .LBB2_2-.Ltmp0, $4  }
0xd0: {  	[sflag:s14] =	ssyncadd.s32 $0xFFFFC000  }
0xd1: {  	_ =	swait.ge [sflag:s15], $0x4000  }
0xd2: {  	[sflag:s15] =	ssyncset.done $0x0  }
0xd3: {  	[sflag:s15] =	ssyncadd.s32 $0xFFFFC000  }
0xd4: {  	[spmem:s25] =	stream.indirect.scatter.add.f32 [tilespmem:s13], [sflag:$0x4], $0x80, s12, s8, $0xb8;
	[tilespmem:$0x1EA00] =	vst v63  }
0xd5: {  	_ =	swait.ge [sflag:s16], $0x4000  }
0xd6: {  	[sflag:s16] =	ssyncset.done $0x0  }
0xd7: {  	[sflag:s16] =	ssyncadd.s32 $0xFFFFC000  }
0xd8: {  	[bflag:$0x0] =	sbarrier.arrive $0xFFFF  }
0xd9: {  	[tilespmem:s6], [sflag:$0x5] =	stream.linear.gather [spmem:s30], $0x2800, $0x38;
	[tilespmem:$0x1EA00] =	vst v63  }
0xda: {  	_ =	swait.ge [sflag:s7], $0x2800  }
0xdb: {  	[sflag:s7] =	ssyncset.done $0x0  }
0xdc: {  	s19 =	rddreg [dreg:$0xb];
	[sflag:s7] =	ssyncadd.s32 $0xFFFFD800  }
0xdd: {  	[hbm4b:s19+s17] =	stream.linear.scatter [tilespmem:s6], [sflag:$0x5], $0x2800, $0x38;
	[tilespmem:$0x1EA00] =	vst v63  }
0xde: {  	_ =	swait.ge [sflag:s7], $0x2800  }
0xdf: {  	[sflag:s7] =	ssyncset.done $0x0  }
0xe0: {  	[sflag:s7] =	ssyncadd.s32 $0xFFFFD800  }
0xe1: {  	[tilespmem:s6], [sflag:$0x5] =	stream.linear.gather [spmem:s31], $0x2800, $0x38;
	[tilespmem:$0x1EA00] =	vst v63  }
0xe2: {  	_ =	swait.ge [sflag:s7], $0x2800  }
0xe3: {  	[sflag:s7] =	ssyncset.done $0x0  }
0xe4: {  	s21 =	rddreg [dreg:$0xc];
	[sflag:s7] =	ssyncadd.s32 $0xFFFFD800  }
0xe5: {  	[hbm4b:s21+s17] =	stream.linear.scatter [tilespmem:s6], [sflag:$0x5], $0x2800, $0x38;
	[tilespmem:$0x1EA00] =	vst v63  }
0xe6: {  	_ =	swait.ge [sflag:s7], $0x2800  }
0xe7: {  	[sflag:s7] =	ssyncset.done $0x0  }
0xe8: {  	[sflag:s7] =	ssyncadd.s32 $0xFFFFD800  }
0xe9: {  	[tilespmem:s6], [sflag:$0x5] =	stream.linear.gather [spmem:s24], $0x2800, $0x38;
	[tilespmem:$0x1EA00] =	vst v63  }
0xea: {  	_ =	swait.ge [sflag:s7], $0x2800  }
0xeb: {  	[sflag:s7] =	ssyncset.done $0x0  }
0xec: {  	s20 =	rddreg [dreg:$0xd];
	[sflag:s7] =	ssyncadd.s32 $0xFFFFD800  }
0xed: {  	[hbm4b:s20+s17] =	stream.linear.scatter [tilespmem:s6], [sflag:$0x5], $0x2800, $0x38;
	[tilespmem:$0x1EA00] =	vst v63  }
0xee: {  	_ =	swait.ge [sflag:s7], $0x2800  }
0xef: {  	[sflag:s7] =	ssyncset.done $0x0  }
0xf0: {  	[sflag:s7] =	ssyncadd.s32 $0xFFFFD800  }
0xf1: {  	[tilespmem:s6], [sflag:$0x5] =	stream.linear.gather [spmem:s0], $0x2800, $0x38;
	[tilespmem:$0x1EA00] =	vst v63  }
0xf2: {  	_ =	swait.ge [sflag:s7], $0x2800  }
0xf3: {  	[sflag:s7] =	ssyncset.done $0x0  }
0xf4: {  	s21 =	rddreg [dreg:$0xe];
	[sflag:s7] =	ssyncadd.s32 $0xFFFFD800  }
0xf5: {  	[hbm4b:s21+s17] =	stream.linear.scatter [tilespmem:s6], [sflag:$0x5], $0x2800, $0x38;
	[tilespmem:$0x1EA00] =	vst v63  }
0xf6: {  	_ =	swait.ge [sflag:s7], $0x2800  }
0xf7: {  	[sflag:s7] =	ssyncset.done $0x0  }
0xf8: {  	[sflag:s7] =	ssyncadd.s32 $0xFFFFD800  }
0xf9: {  	[tilespmem:s6], [sflag:$0x5] =	stream.linear.gather [spmem:s1], $0x2800, $0x38;
	[tilespmem:$0x1EA00] =	vst v63  }
0xfa: {  	_ =	swait.ge [sflag:s7], $0x2800  }
0xfb: {  	[sflag:s7] =	ssyncset.done $0x0  }
0xfc: {  	s20 =	rddreg [dreg:$0xf];
	[sflag:s7] =	ssyncadd.s32 $0xFFFFD800  }
0xfd: {  	[hbm4b:s20+s17] =	stream.linear.scatter [tilespmem:s6], [sflag:$0x5], $0x2800, $0x38;
	[tilespmem:$0x1EA00] =	vst v63  }
0xfe: {  	_ =	swait.ge [sflag:s7], $0x2800  }
0xff: {  	[sflag:s7] =	ssyncset.done $0x0  }
0x100: {  	[sflag:s7] =	ssyncadd.s32 $0xFFFFD800  }
0x101: {  	[tilespmem:s6], [sflag:$0x5] =	stream.linear.gather [spmem:s2], $0x2800, $0x38;
	[tilespmem:$0x1EA00] =	vst v63  }
0x102: {  	_ =	swait.ge [sflag:s7], $0x2800  }
0x103: {  	[sflag:s7] =	ssyncset.done $0x0  }
0x104: {  	s21 =	rddreg [dreg:$0x10];
	[sflag:s7] =	ssyncadd.s32 $0xFFFFD800  }
0x105: {  	[hbm4b:s21+s17] =	stream.linear.scatter [tilespmem:s6], [sflag:$0x5], $0x2800, $0x38;
	[tilespmem:$0x1EA00] =	vst v63  }
0x106: {  	_ =	swait.ge [sflag:s7], $0x2800  }
0x107: {  	[sflag:s7] =	ssyncset.done $0x0  }
0x108: {  	[sflag:s7] =	ssyncadd.s32 $0xFFFFD800  }
0x109: {  	[tilespmem:s6], [sflag:$0x5] =	stream.linear.gather [spmem:s3], $0x2800, $0x38;
	[tilespmem:$0x1EA00] =	vst v63  }
0x10a: {  	_ =	swait.ge [sflag:s7], $0x2800  }
0x10b: {  	[sflag:s7] =	ssyncset.done $0x0  }
0x10c: {  	s20 =	rddreg [dreg:$0x11];
	[sflag:s7] =	ssyncadd.s32 $0xFFFFD800  }
0x10d: {  	[hbm4b:s20+s17] =	stream.linear.scatter [tilespmem:s6], [sflag:$0x5], $0x2800, $0x38;
	[tilespmem:$0x1EA00] =	vst v63  }
0x10e: {  	_ =	swait.ge [sflag:s7], $0x2800  }
0x10f: {  	[sflag:s7] =	ssyncset.done $0x0  }
0x110: {  	[sflag:s7] =	ssyncadd.s32 $0xFFFFD800  }
0x111: {  	[tilespmem:s6], [sflag:$0x5] =	stream.linear.gather [spmem:s4], $0x2800, $0x38;
	[tilespmem:$0x1EA00] =	vst v63  }
0x112: {  	s18 =	sadd.s32 $0x1, s18;
	_ =	swait.ge [sflag:s7], $0x2800  }
0x113: {  	p0 =	sne.s32 s18, s5;
	[sflag:s7] =	ssyncset.done $0x0  }
.Ltmp1:
0x114: {  	s21 =	rddreg [dreg:$0x12];
	[sflag:s7] =	ssyncadd.s32 $0xFFFFD800;
	(pc) =	sbr.rel @p0 .LBB2_1-.Ltmp1, $4  }
0x115: {  	[hbm4b:s21+s17] =	stream.linear.scatter [tilespmem:s6], [sflag:$0x5], $0x2800, $0x38;
	[tilespmem:$0x1EA00] =	vst v63  }
0x116: {  	_ =	swait.ge [sflag:s7], $0x2800  }
0x117: {  	[sflag:s7] =	ssyncset.done $0x0  }
0x118: {  	[sflag:s7] =	ssyncadd.s32 $0xFFFFD800  }
0x119: {  	_ =	sfence.sel $0x180000  }
0x11a: {  	[bflag:$0x0] =	sbarrier.arrive $0xFFFF  }
0x11b: {  	_ =	strace $0x9000004A  }
0x11c: {  	s0 =	stileid.u32;
	[bflag:$0x2] =	sbarrier.arrive $0xFFFF  }
0x11d: {  	p0 =	sne.s32 s0, $0x0;
	s0 =	rddreg [dreg:$0x2]  }
0x11e: {  	s0 =	sadd.s32 @!p0 $0x100000, s0  }
0x11f: {  	[sflag:s0] =	ssyncadd.tile.s32 @!p0 $0x1;
	_ =	shalt  }
.Lfunc_end2:
_tile_overlayer_lowered:
.L_overlay_start_2:
0x120: {  	(tag) =	ssettag $0x2  }
0x121: {  	s0 =	rddreg [dreg:$0x0];
	s2 =	stileid.u32  }
0x122: {  	s1 =	rddreg [dreg:$0x1];
	p0 =	sne.s32 s2, $0x0  }
0x123: {  	s3 =	rddreg [dreg:$0x2];
	[bflag:$0x3] =	sbarrier.arrive $0xFFFF;
	s2 =	simm.s32 @!p0 $0x1C05  }
0x124: {  	[timem:s3], [sflag:s2] =	dma.local @!p0 [hbm:s0], s1  }
0x125: {  	s0 =	simm.s32 @!p0 $0x5  }
0x126: {  	_ =	swait.ge @!p0 [sflag:s0], s1  }
0x127: {  	s1 =	ssub.s32 @!p0 $0x0, s1;
	[sflag:s0] =	ssyncset.done @!p0 $0x0  }
0x128: {  	[sflag:s0] =	ssyncadd.s32 @!p0 s1  }
0x129: {  	[bflag:$0x3] =	sbarrier.arrive $0xFFFF  }
0x12a: {  	_ =	shalt  }

// kernel: kernel.18.cloned.1.call-start
scs
__scs_entry_jumppad:
0x0: {  	(pc) =	sbr.rel $0x88, $3  }
0x1: {  	(tag) =	ssettag $0x0;
	lr =	simm.s32 $0x1  }
0x2: {  	[smem:$0x3F91] =	sst lr;
	_ =	strace $0xD0000000  }
0x3: {  	_ = 	snop  }
0x4: {  	_ = 	snop  }
0x5: {  	_ = 	snop  }
0x6: {  	_ = 	snop  }
0x7: {  	_ = 	snop  }
__scs_overlays_trampoline_lowered:
0x8: {  	[smem:$0x3FA0] =	sst s0  }
0x9: {  	[smem:$0x3FA1] =	sst s1  }
0xa: {  	[smem:$0x3FA2] =	sst s2  }
0xb: {  	[smem:$0x3FA3] =	sst s3  }
0xc: {  	[smem:$0x3FA4] =	sst s4  }
0xd: {  	[smem:$0x3FA5] =	sst s5  }
0xe: {  	[smem:$0x3FA6] =	sst s6  }
0xf: {  	[smem:$0x3FA7] =	sst s7  }
0x10: {  	[smem:$0x3FA8] =	sst s8  }
0x11: {  	[smem:$0x3FA9] =	sst s9;
	s0 =	simm.s32 @!p0 $0x0  }
0x12: {  	s1 =	sld [smem:$0x3F8F];
	s0 =	simm.s32 @p0 $0x1  }
0x13: {  	[smem:$0x3FAA] =	sst s0;
	s0 =	simm.s32 @!p1 $0x0  }
0x14: {  	s2 =	sld [smem:$0x3F8E];
	s0 =	simm.s32 @p1 $0x1  }
0x15: {  	[smem:$0x3FAB] =	sst s0;
	s0 =	simm.s32 @!p2 $0x0  }
0x16: {  	s3 =	sld [smem:$0x3FDB];
	s0 =	simm.s32 @p2 $0x1  }
0x17: {  	s4 =	simm.s32 $0x1BF5;
	[smem:$0x3FAD] =	sst s0  }
0x18: {  	s0 =	sld [smem:$0x3F90];
	_ =	swait.ge [sflag:s4], $0x0  }
0x19: {  	s7 =	sld [smem:$0x3F91]  }
0x1a: {  	s8 =	sadd.s32 $0xFFFFE003, lr  }
0x1b: {  	s9 =	sadd.s32 $0xFFFFFEF7, lr;
	s5 =	simm.s32 $0xFFFFFFFF;
	p2 =	slt.u32 s8, $0xFFFFF086  }
0x1c: {  	p1 =	slt.u32 s9, $0xF7A;
	s5 =	simm.s32 @!p2 $0x0  }
0x1d: {  	s5 =	simm.s32 @p1 $0x1;
	p0 =	seq.s32 s7, s2  }
0x1e: {  	s7 =	smul.u32 @!p0 $0xF7A, s2;
	p2 =	seq.s32 @!p0 s5, $0x0  }
0x1f: {  	s9 =	smul.u32 $0xF7A, s1;
	s8 =	simm.s32 @!p0 $0x1BF5;
	p2 =	por !p2, p0  }
0x20: {  	[sflag:s8] =	ssyncset.s32 @!p0 $0xFFFFF086;
	s6 =	sadd.s32 @!p0 s3, s7;
	s7 =	simm.s32 @!p0 $0x108  }
0x21: {  	s3 =	sadd.s32 s3, s9;
	s6 =	sadd.s32 @!p0 $0x88, s6;
	s7 =	simm.s32 @p2 $0x1082  }
0x22: {  	[simem:s7], [sflag:s8] =	dma.local @!p0 [hbm:s6], $0xF7A  }
0x23: {  	s9 =	sor.u32 $0xD0000000, s2;
	s6 =	simm.s32 $0x108;
	_ =	swait.ge @!p0 [sflag:s8], $0x0  }
0x24: {  	s3 =	sadd.s32 $0x88, s3;
	s6 =	simm.s32 @!p1 $0x1082;
	[sflag:s4] =	ssyncset.s32 $0xFFFFF086  }
0x25: {  	[simem:s6], [sflag:s4] =	dma.local [hbm:s3], $0xF7A  }
0x26: {  	[smem:$0x3F91] =	sst s1;
	(tag) =	ssettag s2;
	_ =	strace s9  }
0x27: {  	s1 =	sld [smem:$0x3FA1]  }
0x28: {  	s2 =	sld [smem:$0x3FA2]  }
0x29: {  	s4 =	sld [smem:$0x3FA4]  }
0x2a: {  	p0 =	seq.s32 s5, $0x0;
	s5 =	sld [smem:$0x3FA5]  }
0x2b: {  	s6 =	sld [smem:$0x3FA6]  }
0x2c: {  	s7 =	sld [smem:$0x3FA7]  }
0x2d: {  	s3 =	simm.s32 $0x108;
	s8 =	sld [smem:$0x3FA8]  }
0x2e: {  	s3 =	simm.s32 @!p0 $0x1082;
	s9 =	sld [smem:$0x3FA9]  }
0x2f: {  	lr =	sadd.s32 s0, s3;
	s0 =	sld [smem:$0x3FA0]  }
0x30: {  	s3 =	sld [smem:$0x3FA3]  }
0x31: {  	[smem:$0x3FAC] =	sst s10  }
0x32: {  	s10 =	sld [smem:$0x3FAA];
	_ =	sdelay $0x3  }
0x33: {  	p0 =	seq.s32 s10, $0x1;
	s10 =	sld [smem:$0x3FAC];
	_ =	sdelay $0x3  }
0x34: {  	[smem:$0x3FAC] =	sst s10  }
0x35: {  	s10 =	sld [smem:$0x3FAB];
	_ =	sdelay $0x3  }
0x36: {  	p1 =	seq.s32 s10, $0x1;
	s10 =	sld [smem:$0x3FAC];
	_ =	sdelay $0x3  }
0x37: {  	[smem:$0x3FAC] =	sst s10  }
0x38: {  	s10 =	sld [smem:$0x3FAD]  }
0x39: {  	_ = 	snop;
	(pc) =	sbr.ind lr, $3  }
0x3a: {  	_ = 	snop  }
0x3b: {  	_ = 	snop  }
0x3c: {  	p2 =	seq.s32 s10, $0x1;
	s10 =	sld [smem:$0x3FAC]  }
0x3d: {  	_ =	shalt  }
0x3e: {  	_ =	shalt  }
0x3f: {  	_ =	shalt  }
0x40: {  	_ =	shalt  }
0x41: {  	_ =	shalt  }
0x42: {  	_ =	shalt  }
0x43: {  	_ =	shalt  }
0x44: {  	_ =	shalt  }
0x45: {  	_ =	shalt  }
0x46: {  	_ =	shalt  }
0x47: {  	_ =	shalt  }
0x48: {  	_ =	shalt  }
0x49: {  	_ =	shalt  }
0x4a: {  	_ =	shalt  }
0x4b: {  	_ =	shalt  }
0x4c: {  	_ =	shalt  }
0x4d: {  	_ =	shalt  }
0x4e: {  	_ =	shalt  }
0x4f: {  	_ =	shalt  }
0x50: {  	_ =	shalt  }
0x51: {  	_ =	shalt  }
0x52: {  	_ =	shalt  }
0x53: {  	_ =	shalt  }
0x54: {  	_ =	shalt  }
0x55: {  	_ =	shalt  }
0x56: {  	_ =	shalt  }
0x57: {  	_ =	shalt  }
0x58: {  	_ =	shalt  }
0x59: {  	_ =	shalt  }
0x5a: {  	_ =	shalt  }
0x5b: {  	_ =	shalt  }
0x5c: {  	_ =	shalt  }
0x5d: {  	_ =	shalt  }
0x5e: {  	_ =	shalt  }
0x5f: {  	_ =	shalt  }
0x60: {  	_ =	shalt  }
0x61: {  	_ =	shalt  }
0x62: {  	_ =	shalt  }
0x63: {  	_ =	shalt  }
0x64: {  	_ =	shalt  }
0x65: {  	_ =	shalt  }
0x66: {  	_ =	shalt  }
0x67: {  	_ =	shalt  }
0x68: {  	_ =	shalt  }
0x69: {  	_ =	shalt  }
0x6a: {  	_ =	shalt  }
0x6b: {  	_ =	shalt  }
0x6c: {  	_ =	shalt  }
0x6d: {  	_ =	shalt  }
0x6e: {  	_ =	shalt  }
0x6f: {  	_ =	shalt  }
0x70: {  	_ =	shalt  }
0x71: {  	_ =	shalt  }
0x72: {  	_ =	shalt  }
0x73: {  	_ =	shalt  }
0x74: {  	_ =	shalt  }
0x75: {  	_ =	shalt  }
0x76: {  	_ =	shalt  }
0x77: {  	_ =	shalt  }
0x78: {  	_ =	shalt  }
0x79: {  	_ =	shalt  }
0x7a: {  	_ =	shalt  }
0x7b: {  	_ =	shalt  }
0x7c: {  	_ =	shalt  }
0x7d: {  	_ =	shalt  }
0x7e: {  	_ =	shalt  }
0x7f: {  	_ =	shalt  }
0x80: {  	_ =	shalt  }
0x81: {  	_ =	shalt  }
0x82: {  	_ =	shalt  }
0x83: {  	_ =	shalt  }
0x84: {  	_ =	shalt  }
0x85: {  	_ =	shalt  }
0x86: {  	_ =	shalt  }
0x87: {  	_ =	shalt  }
.Lfunc_end0:
.L_simem_size_0:
called_computation.2_lowered:
.L_overlay_start_0:
0x88: {  	s2 =	sld [smem:$0x3FD9]  }
0x89: {  	s3 =	sld [smem:$0x3FFE];
	_ =	sdelay $0x1  }
0x8a: {  	s1 =	srdreg.scid  }
0x8b: {  	s0 =	sand.u32 $0x1, s1  }
0x8c: {  	s16 =	sshll.u32 s0, $0xA;
	s2 =	sadd.s32 s3, s2  }
0x8d: {  	s2 =	sadd.s32 s2, s16  }
0x8e: {  	[smem:$0x3FB8] =	sst s2  }
0x8f: {  	_ = 	snop  }
0x90: {  	(tm) =	ssettm $0x1  }
0x91: {  	s17 =	sld [smem:$0x3FFB];
	_ =	sdelay $0x3  }
0x92: {  	_ =	strace s17  }
0x93: {  	s2 =	sld [smem:$0x3FFC];
	_ =	sdelay $0x3  }
0x94: {  	_ =	strace s2  }
0x95: {  	s2 =	sld [smem:$0x3FFD];
	_ =	sdelay $0x3  }
0x96: {  	_ =	strace s2  }
0x97: {  	_ =	strace $0x8FFFFFFF  }
0x98: {  	s18 =	sld [smem:$0x3FDB];
	_ =	sdelay $0x1  }
0x99: {  	s19 =	simm.s32 $_scs_section_size  }
0x9a: {  	s4 =	simm.s32 $_size__tile_overlayer_lowered;
	s5 =	simm.s32 $_tile_overlayer_lowered  }
0x9b: {  	s22 =	simm.s32 $0x1BFF;
	s21 =	sshll.u32 s5, $0x1;
	s2 =	sadd.s32 s19, s18  }
0x9c: {  	s6 =	simm.s32 $0x0;
	s20 =	sshll.u32 s4, $0x1;
	s4 =	sadd.s32 s21, s2  }
0x9d: {  	[timem:s6], [sflag:s22] =	dma.local [hbm:s4], s20  }
0x9e: {  	_ =	swait.ge [sflag:s22], s20  }
0x9f: {  	s3 =	ssub.s32 $0x0, s20;
	[sflag:s22] =	ssyncset.done $0x0  }
0xa0: {  	[sflag:s22] =	ssyncadd.s32 s3;
	_ =	sdelay $0x1  }
0xa1: {  	s23 =	simm.s32 $0x1B8B  }
0xa2: {  	_ =	swait.ge [sflag:s23], $0x1  }
0xa3: {  	[sflag:s23] =	ssyncset.done $0x0  }
0xa4: {  	s25 =	simm.s32 $0x1B8E;
	s24 =	sld [smem:$0x3FFE];
	[sflag:s23] =	ssyncadd.s32 $0xFFFFFFFF  }
0xa5: {  	s26 =	simm.s32 $execute0_lowered;
	[smem:$0x3FD2] =	sst s25  }
0xa6: {  	s4 =	sshll.u32 s26, $0x1;
	_ =	strace $0x8000004C;
	[dreg:$0x1] =	wrdreg $0xFFFFFFFF  }
0xa7: {  	s28 =	simm.s32 $_size_execute0_lowered;
	s2 =	sadd.s32 s2, s4;
	[dreg:$0x0] =	wrdreg $0x0  }
0xa8: {  	s4 =	sshll.u32 s28, $0x1;
	[dreg:$0x2] =	wrdreg s2  }
0xa9: {  	[dreg:$0x3] =	wrdreg s4  }
0xaa: {  	[dreg:$0x4] =	wrdreg $0xC0  }
0xab: {  	_ =	task [dreg:s6], $0x5FFFF  }
0xac: {  	[dreg:$0x1] =	wrdreg $0xFFFFFFFF  }
0xad: {  	[dreg:$0x0] =	wrdreg $0x60  }
0xae: {  	[dreg:$0x2] =	wrdreg s24  }
0xaf: {  	[dreg:$0x3] =	wrdreg $0xAA000  }
0xb0: {  	[dreg:$0x4] =	wrdreg $0x9  }
0xb1: {  	_ =	task.clear_ibuf [dreg:s6], $0x5FFFF;
	_ =	strace $0x9000004C  }
0xb2: {  	s29 =	simm.s32 $0x9;
	_ =	strace $0x8000004E  }
0xb3: {  	_ =	swait.ge [sflag:s29], $0x1  }
0xb4: {  	[sflag:s29] =	ssyncadd.s32 $0xFFFFFFFF  }
0xb5: {  	_ =	strace $0x9000004E  }
0xb6: {  	_ =	sfence  }
0xb7: {  	s30 =	sld [smem:$0x0];
	_ =	sdelay $0x2  }
0xb8: {  	s31 =	sshll.u32 s1, $0xD;
	s1 =	sshrl.u32 s1, $0x2  }
0xb9: {  	s3 =	sand.u32 $0x4000, s31;
	s1 =	sadd.s32 s1, s30  }
0xba: {  	s0 =	sor.u32 s3, s0;
	s1 =	sshll.u32 s1, $0x11  }
0xbb: {  	s0 =	sor.u32 s1, s0  }
0xbc: {  	s0 =	sadd.s32 $0x8F2B, s0  }
0xbd: {  	[sflag:s0] =	ssyncadd.remote.s32 $0x1  }
0xbe: {  	_ =	sfence.sel $0xFFFF  }
0xbf: {  	[dreg:$0x0] =	wrdreg $0xFFFFFFFF;
	(pc) =	sbr.abs _section_cstart, $3  }
0xc0: {  	[dreg:$0x1] =	wrdreg $0xFFFFFFFF  }
0xc1: {  	_ =	task.clear_ibuf [dreg:s6], $0x2FFFF;
	_ =	strace $0x9FFFFFFF  }
0xc2: {  	(tm) =	ssettm $0x7FFFFFFF  }
0xc3: {  	_ =	shalt  }
tec
execute0_lowered:
.L_overlay_start_1:
0x0: {  	(tag) =	ssettag $0x1  }
0x1: {  	s1 =	srdreg.scid;
	s18 =	stileid.u32  }
0x2: {  	s0 =	rddreg [dreg:$0x0];
	s9 =	sand.u32 $0x1, s1;
	s8 =	smul.u32 $0x280, s18  }
0x3: {  	s10 =	sadd.s32 $0x2B000, s0;
	s3 =	sshll.u32 s18, $0x1;
	s11 =	smul.u32 $0x14000, s18  }
0x4: {  	s12 =	sadd.s32 $0x99C00, s0;
	s1 =	ssub.s32 $0x2, s9;
	s15 =	sor.u32 s9, s3  }
0x5: {  	s29 =	sadd.s32 $0x3E00, s0;
	s2 =	sshrl.u32 s1, $0x1;
	s7 =	smul.u32 $0x2800, s15  }
0x6: {  	s16 =	sshrl.u32 s11, $0x3;
	s17 =	sor.u32 $0x50, s8;
	s4 =	sadd.s32 $0xA0, s8  }
0x7: {  	s22 =	sadd.s32 $0xF0, s8;
	s6 =	sadd.s32 $0x140, s8;
	s14 =	sadd.s32 $0x190, s8  }
0x8: {  	s25 =	sadd.s32 $0x1E0, s8;
	s15 =	sadd.s32 $0x230, s8;
	s5 =	ssub.s32 s1, s2  }
0x9: {  	s1 =	sadd.s32 s10, s16;
	s19 =	sshll.u32 s17, $0x4;
	s21 =	sshll.u32 s4, $0x4  }
0xa: {  	s2 =	sshll.u32 s4, $0x7;
	s4 =	sshll.u32 s22, $0x4;
	s13 =	sshll.u32 s6, $0x4  }
0xb: {  	s24 =	sshll.u32 s14, $0x4;
	s26 =	sshll.u32 s25, $0x4;
	s16 =	smul.u32 $0x140000, s9  }
0xc: {  	s8 =	sshll.u32 s25, $0x7;
	[dreg:$0x3] =	wrdreg s1;
	s20 =	sadd.s32 s10, s19  }
0xd: {  	s9 =	smul.u32 $0x2800, s9;
	s3 =	sadd.s32 s10, s21;
	[dreg:$0x4] =	wrdreg s20  }
0xe: {  	s1 =	sshll.u32 s17, $0x7;
	s4 =	sadd.s32 s10, s4;
	[dreg:$0x5] =	wrdreg s3  }
0xf: {  	s23 =	sadd.s32 s10, s13;
	s13 =	sadd.s32 s10, s24;
	[dreg:$0x6] =	wrdreg s4  }
0x10: {  	s5 =	smax.u32 s5, $0x1;
	s3 =	sshll.u32 s22, $0x7;
	[dreg:$0x7] =	wrdreg s23  }
0x11: {  	s4 =	sshll.u32 s6, $0x7;
	s6 =	sshll.u32 s14, $0x7;
	[dreg:$0x8] =	wrdreg s13  }
0x12: {  	s14 =	sadd.s32 s10, s26;
	s13 =	sshll.u32 s15, $0x7;
	s15 =	sshll.u32 s15, $0x4  }
0x13: {  	s11 =	sadd.s32 s11, s16;
	s17 =	sadd.s32 s16, s1;
	s22 =	sadd.s32 s16, s2  }
0x14: {  	[dreg:$0x9] =	wrdreg s14;
	s10 =	sadd.s32 s10, s15;
	s19 =	sshrl.u32 s11, $0x3  }
0x15: {  	s20 =	sshrl.u32 s17, $0x3;
	s23 =	sadd.s32 s16, s3;
	s24 =	sadd.s32 s16, s4  }
0x16: {  	s15 =	sadd.s32 s16, s6;
	s17 =	sadd.s32 s16, s8;
	[dreg:$0xa] =	wrdreg s10  }
0x17: {  	s10 =	sadd.s32 s12, s19;
	s21 =	sadd.s32 s12, s20;
	s25 =	sshrl.u32 s23, $0x3  }
0x18: {  	s26 =	sshrl.u32 s24, $0x3;
	s11 =	sshrl.u32 s17, $0x3;
	s19 =	sadd.s32 s16, s13  }
0x19: {  	s20 =	smul.u32 $0x5000, s18;
	s17 =	simm.s32 $0x0;
	s23 =	sshrl.u32 s7, $0x3  }
0x1a: {  	s7 =	sor.u32 $0x80, s7;
	s24 =	sadd.s32 $0x8FC00, s0;
	[dreg:$0xb] =	wrdreg s10  }
0x1b: {  	[dreg:$0xc] =	wrdreg s21;
	s10 =	sshrl.u32 s22, $0x3;
	s14 =	sadd.s32 s12, s26  }
0x1c: {  	s21 =	sadd.s32 s12, s11;
	s22 =	sshrl.u32 s19, $0x3;
	[smem:$0x7FF] =	sst s17  }
0x1d: {  	s11 =	sadd.s32 s24, s23;
	s7 =	sshrl.u32 s7, $0x3;
	[dreg:$0xf] =	wrdreg s14  }
0x1e: {  	s10 =	sadd.s32 s12, s10;
	[dreg:$0x11] =	wrdreg s21;
	s9 =	sadd.s32 s9, s20  }
0x1f: {  	[dreg:$0x14] =	wrdreg s11;
	s21 =	smul.u32 $0x50000, s18;
	s11 =	simm.s32 $0x100  }
0x20: {  	s14 =	simm.s32 $0x2;
	s18 =	simm.s32 $0x0;
	[dreg:$0xd] =	wrdreg s10  }
0x21: {  	s10 =	sadd.s32 s12, s25;
	s20 =	sor.u32 $0x100, s9;
	s25 =	rddreg [dreg:$0x1]  }
0x22: {  	[dreg:$0xe] =	wrdreg s10;
	s10 =	sshrl.u32 s15, $0x3;
	s15 =	sor.u32 $0x180, s9  }
0x23: {  	s31 =	sadd.s32 s1, s25;
	s1 =	sadd.s32 s4, s25;
	s4 =	sadd.s32 s13, s25  }
0x24: {  	s9 =	simm.s32 $0x200;
	s13 =	simm.s32 $0x4200;
	s10 =	sadd.s32 s12, s10  }
0x25: {  	s19 =	sshrl.u32 s15, $0x3;
	s15 =	simm.s32 $0x3;
	[dreg:$0x10] =	wrdreg s10  }
0x26: {  	s10 =	sadd.s32 s12, s22;
	s22 =	sadd.s32 s19, s24;
	s12 =	simm.s32 $0x180  }
0x27: {  	[dreg:$0x12] =	wrdreg s10;
	s10 =	sadd.s32 $0x85C00, s0;
	s0 =	sadd.s32 s3, s25  }
0x28: {  	s3 =	sadd.s32 s8, s25;
	s8 =	simm.s32 $0x80;
	s26 =	sadd.s32 s10, s23  }
0x29: {  	s16 =	sadd.s32 s10, s7;
	s7 =	sadd.s32 s24, s7;
	[dreg:$0x13] =	wrdreg s26  }
0x2a: {  	s23 =	sadd.s32 s19, s10;
	[dreg:$0x16] =	wrdreg s7;
	s7 =	sshrl.u32 s20, $0x3  }
0x2b: {  	[dreg:$0x15] =	wrdreg s16;
	s16 =	simm.s32 $0x4;
	s26 =	sadd.s32 s7, s24  }
0x2c: {  	s28 =	sadd.s32 s7, s10;
	_ =	strace $0x8000004D;
	s24 =	sshrl.u32 s21, $0x2  }
0x2d: {  	s7 =	simm.s32 $0x5;
	s10 =	simm.s32 $0x1;
	s30 =	sadd.s32 s24, s25  }
0x2e: {  	s24 =	sadd.s32 s2, s25;
	s2 =	sadd.s32 s6, s25;
	s6 =	simm.s32 $0x8200  }
.LBB2_1:
0x2f: {  	s19 =	rddreg [dreg:$0x3]  }
0x30: {  	[tilespmem:s6], [sflag:$0x5] =	stream.linear.gather [hbm4b:s19+s17], $0x2800, $0x38;
	[tilespmem:$0x1EA00] =	vst v63  }
0x31: {  	_ =	swait.ge [sflag:s7], $0x2800  }
0x32: {  	[sflag:s7] =	ssyncset.done $0x0  }
0x33: {  	[sflag:s7] =	ssyncadd.s32 $0xFFFFD800  }
0x34: {  	[spmem:s30] =	stream.linear.scatter [tilespmem:s6], [sflag:$0x5], $0x2800, $0x38;
	[tilespmem:$0x1EA00] =	vst v63  }
0x35: {  	_ =	swait.ge [sflag:s7], $0x2800  }
0x36: {  	[sflag:s7] =	ssyncset.done $0x0  }
0x37: {  	s21 =	rddreg [dreg:$0x4];
	[sflag:s7] =	ssyncadd.s32 $0xFFFFD800  }
0x38: {  	[tilespmem:s6], [sflag:$0x5] =	stream.linear.gather [hbm4b:s21+s17], $0x2800, $0x38;
	[tilespmem:$0x1EA00] =	vst v63  }
0x39: {  	_ =	swait.ge [sflag:s7], $0x2800  }
0x3a: {  	[sflag:s7] =	ssyncset.done $0x0  }
0x3b: {  	[sflag:s7] =	ssyncadd.s32 $0xFFFFD800  }
0x3c: {  	[spmem:s31] =	stream.linear.scatter [tilespmem:s6], [sflag:$0x5], $0x2800, $0x38;
	[tilespmem:$0x1EA00] =	vst v63  }
0x3d: {  	_ =	swait.ge [sflag:s7], $0x2800  }
0x3e: {  	[sflag:s7] =	ssyncset.done $0x0  }
0x3f: {  	s20 =	rddreg [dreg:$0x5];
	[sflag:s7] =	ssyncadd.s32 $0xFFFFD800  }
0x40: {  	[tilespmem:s6], [sflag:$0x5] =	stream.linear.gather [hbm4b:s20+s17], $0x2800, $0x38;
	[tilespmem:$0x1EA00] =	vst v63  }
0x41: {  	_ =	swait.ge [sflag:s7], $0x2800  }
0x42: {  	[sflag:s7] =	ssyncset.done $0x0  }
0x43: {  	[sflag:s7] =	ssyncadd.s32 $0xFFFFD800  }
0x44: {  	[spmem:s24] =	stream.linear.scatter [tilespmem:s6], [sflag:$0x5], $0x2800, $0x38;
	[tilespmem:$0x1EA00] =	vst v63  }
0x45: {  	_ =	swait.ge [sflag:s7], $0x2800  }
0x46: {  	[sflag:s7] =	ssyncset.done $0x0  }
0x47: {  	s21 =	rddreg [dreg:$0x6];
	[sflag:s7] =	ssyncadd.s32 $0xFFFFD800  }
0x48: {  	[tilespmem:s6], [sflag:$0x5] =	stream.linear.gather [hbm4b:s21+s17], $0x2800, $0x38;
	[tilespmem:$0x1EA00] =	vst v63  }
0x49: {  	_ =	swait.ge [sflag:s7], $0x2800  }
0x4a: {  	[sflag:s7] =	ssyncset.done $0x0  }
0x4b: {  	[sflag:s7] =	ssyncadd.s32 $0xFFFFD800  }
0x4c: {  	[spmem:s0] =	stream.linear.scatter [tilespmem:s6], [sflag:$0x5], $0x2800, $0x38;
	[tilespmem:$0x1EA00] =	vst v63  }
0x4d: {  	_ =	swait.ge [sflag:s7], $0x2800  }
0x4e: {  	[sflag:s7] =	ssyncset.done $0x0  }
0x4f: {  	s20 =	rddreg [dreg:$0x7];
	[sflag:s7] =	ssyncadd.s32 $0xFFFFD800  }
0x50: {  	[tilespmem:s6], [sflag:$0x5] =	stream.linear.gather [hbm4b:s20+s17], $0x2800, $0x38;
	[tilespmem:$0x1EA00] =	vst v63  }
0x51: {  	_ =	swait.ge [sflag:s7], $0x2800  }
0x52: {  	[sflag:s7] =	ssyncset.done $0x0  }
0x53: {  	[sflag:s7] =	ssyncadd.s32 $0xFFFFD800  }
0x54: {  	[spmem:s1] =	stream.linear.scatter [tilespmem:s6], [sflag:$0x5], $0x2800, $0x38;
	[tilespmem:$0x1EA00] =	vst v63  }
0x55: {  	_ =	swait.ge [sflag:s7], $0x2800  }
0x56: {  	[sflag:s7] =	ssyncset.done $0x0  }
0x57: {  	s21 =	rddreg [dreg:$0x8];
	[sflag:s7] =	ssyncadd.s32 $0xFFFFD800  }
0x58: {  	[tilespmem:s6], [sflag:$0x5] =	stream.linear.gather [hbm4b:s21+s17], $0x2800, $0x38;
	[tilespmem:$0x1EA00] =	vst v63  }
0x59: {  	_ =	swait.ge [sflag:s7], $0x2800  }
0x5a: {  	[sflag:s7] =	ssyncset.done $0x0  }
0x5b: {  	[sflag:s7] =	ssyncadd.s32 $0xFFFFD800  }
0x5c: {  	[spmem:s2] =	stream.linear.scatter [tilespmem:s6], [sflag:$0x5], $0x2800, $0x38;
	[tilespmem:$0x1EA00] =	vst v63  }
0x5d: {  	_ =	swait.ge [sflag:s7], $0x2800  }
0x5e: {  	[sflag:s7] =	ssyncset.done $0x0  }
0x5f: {  	s20 =	rddreg [dreg:$0x9];
	[sflag:s7] =	ssyncadd.s32 $0xFFFFD800  }
0x60: {  	[tilespmem:s6], [sflag:$0x5] =	stream.linear.gather [hbm4b:s20+s17], $0x2800, $0x38;
	[tilespmem:$0x1EA00] =	vst v63  }
0x61: {  	_ =	swait.ge [sflag:s7], $0x2800  }
0x62: {  	[sflag:s7] =	ssyncset.done $0x0  }
0x63: {  	[sflag:s7] =	ssyncadd.s32 $0xFFFFD800  }
0x64: {  	[spmem:s3] =	stream.linear.scatter [tilespmem:s6], [sflag:$0x5], $0x2800, $0x38;
	[tilespmem:$0x1EA00] =	vst v63  }
0x65: {  	_ =	swait.ge [sflag:s7], $0x2800  }
0x66: {  	[sflag:s7] =	ssyncset.done $0x0  }
0x67: {  	s21 =	rddreg [dreg:$0xa];
	[sflag:s7] =	ssyncadd.s32 $0xFFFFD800  }
0x68: {  	[tilespmem:s6], [sflag:$0x5] =	stream.linear.gather [hbm4b:s21+s17], $0x2800, $0x38;
	[tilespmem:$0x1EA00] =	vst v63  }
0x69: {  	_ =	swait.ge [sflag:s7], $0x2800  }
0x6a: {  	[sflag:s7] =	ssyncset.done $0x0  }
0x6b: {  	[sflag:s7] =	ssyncadd.s32 $0xFFFFD800  }
0x6c: {  	[spmem:s4] =	stream.linear.scatter [tilespmem:s6], [sflag:$0x5], $0x2800, $0x38;
	[tilespmem:$0x1EA00] =	vst v63  }
0x6d: {  	_ =	swait.ge [sflag:s7], $0x2800  }
0x6e: {  	[sflag:s7] =	ssyncset.done $0x0  }
0x6f: {  	[sflag:s7] =	ssyncadd.s32 $0xFFFFD800  }
0x70: {  	[bflag:$0x0] =	sbarrier.arrive $0xFFFF  }
0x71: {  	s20 =	rddreg [dreg:$0x13]  }
0x72: {  	[tilespmem:s17], [sflag:$0x5] =	stream.linear.gather [hbm4b:s20+s17], $0x80, $0x38;
	[tilespmem:$0x1EA00] =	vst v63  }
0x73: {  	_ =	swait.ge [sflag:s7], $0x80  }
0x74: {  	[sflag:s7] =	ssyncset.done $0x0  }
0x75: {  	s21 =	rddreg [dreg:$0x14];
	[sflag:s7] =	ssyncadd.s32 $0xFFFFFF80  }
0x76: {  	[tilespmem:s8], [sflag:$0x5] =	stream.linear.gather [hbm4b:s21+s17], $0x80, $0x38;
	[tilespmem:$0x1EA00] =	vst v63  }
0x77: {  	_ =	swait.ge [sflag:s7], $0x80  }
0x78: {  	[sflag:s7] =	ssyncset.done $0x0  }
0x79: {  	[sflag:s7] =	ssyncadd.s32 $0xFFFFFF80  }
0x7a: {  	[tilespmem:s9], [sflag:$0x1] =	stream.indirect.gather [hbm4b:s29+s8], $0x80, s17, s8, $0xb8;
	[tilespmem:$0x1EA00] =	vst v63  }
0x7b: {  	_ =	swait.ge [sflag:s10], $0x4000  }
0x7c: {  	[sflag:s10] =	ssyncset.done $0x0  }
0x7d: {  	[sflag:s10] =	ssyncadd.s32 $0xFFFFC000  }
0x7e: {  	[spmem:s25] =	stream.indirect.scatter.add.f32 [tilespmem:s9], [sflag:$0x3], $0x80, s8, s8, $0xb8;
	[tilespmem:$0x1EA00] =	vst v63  }
0x7f: {  	s20 =	rddreg [dreg:$0x15]  }
0x80: {  	[tilespmem:s11], [sflag:$0x5] =	stream.linear.gather [hbm4b:s20+s17], $0x80, $0x38;
	[tilespmem:$0x1EA00] =	vst v63  }
0x81: {  	_ =	swait.ge [sflag:s7], $0x80  }
0x82: {  	[sflag:s7] =	ssyncset.done $0x0  }
0x83: {  	s21 =	rddreg [dreg:$0x16];
	[sflag:s7] =	ssyncadd.s32 $0xFFFFFF80  }
0x84: {  	[tilespmem:s12], [sflag:$0x5] =	stream.linear.gather [hbm4b:s21+s17], $0x80, $0x38;
	[tilespmem:$0x1EA00] =	vst v63  }
0x85: {  	_ =	swait.ge [sflag:s7], $0x80  }
0x86: {  	[sflag:s7] =	ssyncset.done $0x0  }
0x87: {  	[sflag:s7] =	ssyncadd.s32 $0xFFFFFF80  }
0x88: {  	[tilespmem:s13], [sflag:$0x2] =	stream.indirect.gather [hbm4b:s29+s8], $0x80, s11, s8, $0xb8;
	[tilespmem:$0x1EA00] =	vst v63  }
0x89: {  	_ =	swait.ge [sflag:s14], $0x4000  }
0x8a: {  	[sflag:s14] =	ssyncset.done $0x0  }
0x8b: {  	[sflag:s14] =	ssyncadd.s32 $0xFFFFC000  }
0x8c: {  	_ =	swait.ge [sflag:s15], $0x4000  }
0x8d: {  	[sflag:s15] =	ssyncset.done $0x0  }
0x8e: {  	[sflag:s15] =	ssyncadd.s32 $0xFFFFC000  }
0x8f: {  	[spmem:s25] =	stream.indirect.scatter.add.f32 [tilespmem:s13], [sflag:$0x4], $0x80, s12, s8, $0xb8;
	[tilespmem:$0x1EA00] =	vst v63  }
0x90: {  	s20 =	sadd.s32 $0x0, s28  }
0x91: {  	[tilespmem:s17], [sflag:$0x5] =	stream.linear.gather [hbm4b:s20+s17], $0x80, $0x38;
	[tilespmem:$0x1EA00] =	vst v63  }
0x92: {  	_ =	swait.ge [sflag:s7], $0x80  }
0x93: {  	[sflag:s7] =	ssyncset.done $0x0  }
0x94: {  	s21 =	sadd.s32 $0x0, s26;
	[sflag:s7] =	ssyncadd.s32 $0xFFFFFF80  }
0x95: {  	[tilespmem:s8], [sflag:$0x5] =	stream.linear.gather [hbm4b:s21+s17], $0x80, $0x38;
	[tilespmem:$0x1EA00] =	vst v63  }
0x96: {  	_ =	swait.ge [sflag:s7], $0x80  }
0x97: {  	[sflag:s7] =	ssyncset.done $0x0  }
0x98: {  	[sflag:s7] =	ssyncadd.s32 $0xFFFFFF80  }
0x99: {  	[tilespmem:s9], [sflag:$0x1] =	stream.indirect.gather [hbm4b:s29+s8], $0x80, s17, s8, $0xb8;
	[tilespmem:$0x1EA00] =	vst v63  }
0x9a: {  	_ =	swait.ge [sflag:s10], $0x4000  }
0x9b: {  	[sflag:s10] =	ssyncset.done $0x0  }
0x9c: {  	[sflag:s10] =	ssyncadd.s32 $0xFFFFC000  }
0x9d: {  	_ =	swait.ge [sflag:s16], $0x4000  }
0x9e: {  	[sflag:s16] =	ssyncset.done $0x0  }
0x9f: {  	[sflag:s16] =	ssyncadd.s32 $0xFFFFC000  }
0xa0: {  	[spmem:s25] =	stream.indirect.scatter.add.f32 [tilespmem:s9], [sflag:$0x3], $0x80, s8, s8, $0xb8;
	[tilespmem:$0x1EA00] =	vst v63  }
0xa1: {  	s20 =	sadd.s32 $0x0, s23  }
0xa2: {  	[tilespmem:s11], [sflag:$0x5] =	stream.linear.gather [hbm4b:s20+s17], $0x80, $0x38;
	[tilespmem:$0x1EA00] =	vst v63  }
0xa3: {  	_ =	swait.ge [sflag:s7], $0x80  }
0xa4: {  	[sflag:s7] =	ssyncset.done $0x0  }
0xa5: {  	s21 =	sadd.s32 $0x0, s22;
	[sflag:s7] =	ssyncadd.s32 $0xFFFFFF80  }
0xa6: {  	[tilespmem:s12], [sflag:$0x5] =	stream.linear.gather [hbm4b:s21+s17], $0x80, $0x38;
	[tilespmem:$0x1EA00] =	vst v63  }
0xa7: {  	_ =	swait.ge [sflag:s7], $0x80  }
0xa8: {  	[sflag:s7] =	ssyncset.done $0x0  }
0xa9: {  	[sflag:s7] =	ssyncadd.s32 $0xFFFFFF80  }
0xaa: {  	[tilespmem:s13], [sflag:$0x2] =	stream.indirect.gather [hbm4b:s29+s8], $0x80, s11, s8, $0xb8;
	[tilespmem:$0x1EA00] =	vst v63  }
0xab: {  	_ =	swait.ge [sflag:s14], $0x4000  }
0xac: {  	[sflag:s14] =	ssyncset.done $0x0  }
0xad: {  	[sflag:s14] =	ssyncadd.s32 $0xFFFFC000  }
0xae: {  	_ =	swait.ge [sflag:s15], $0x4000  }
0xaf: {  	[sflag:s15] =	ssyncset.done $0x0  }
0xb0: {  	s19 =	simm.s32 $0x20;
	[sflag:s15] =	ssyncadd.s32 $0xFFFFC000  }
.LBB2_2:
0xb1: {  	[spmem:s25] =	stream.indirect.scatter.add.f32 [tilespmem:s13], [sflag:$0x4], $0x80, s12, s8, $0xb8;
	[tilespmem:$0x1EA00] =	vst v63  }
0xb2: {  	s20 =	smov.u32 s19  }
0xb3: {  	p0 =	sne.s32 s19, $0x4C0;
	s19 =	sadd.s32 $0x20, s19;
	s21 =	sadd.s32 s20, s28  }
0xb4: {  	[tilespmem:s17], [sflag:$0x5] =	stream.linear.gather [hbm4b:s21+s17], $0x80, $0x38;
	[tilespmem:$0x1EA00] =	vst v63  }
0xb5: {  	_ =	swait.ge [sflag:s7], $0x80  }
0xb6: {  	[sflag:s7] =	ssyncset.done $0x0  }
0xb7: {  	s21 =	sadd.s32 s20, s26;
	[sflag:s7] =	ssyncadd.s32 $0xFFFFFF80  }
0xb8: {  	[tilespmem:s8], [sflag:$0x5] =	stream.linear.gather [hbm4b:s21+s17], $0x80, $0x38;
	[tilespmem:$0x1EA00] =	vst v63  }
0xb9: {  	_ =	swait.ge [sflag:s7], $0x80  }
0xba: {  	[sflag:s7] =	ssyncset.done $0x0  }
0xbb: {  	[sflag:s7] =	ssyncadd.s32 $0xFFFFFF80  }
0xbc: {  	[tilespmem:s9], [sflag:$0x1] =	stream.indirect.gather [hbm4b:s29+s8], $0x80, s17, s8, $0xb8;
	[tilespmem:$0x1EA00] =	vst v63  }
0xbd: {  	_ =	swait.ge [sflag:s10], $0x4000  }
0xbe: {  	[sflag:s10] =	ssyncset.done $0x0  }
0xbf: {  	[sflag:s10] =	ssyncadd.s32 $0xFFFFC000  }
0xc0: {  	_ =	swait.ge [sflag:s16], $0x4000  }
0xc1: {  	[sflag:s16] =	ssyncset.done $0x0  }
0xc2: {  	[sflag:s16] =	ssyncadd.s32 $0xFFFFC000  }
0xc3: {  	[spmem:s25] =	stream.indirect.scatter.add.f32 [tilespmem:s9], [sflag:$0x3], $0x80, s8, s8, $0xb8;
	[tilespmem:$0x1EA00] =	vst v63  }
0xc4: {  	s21 =	sadd.s32 s20, s23  }
0xc5: {  	[tilespmem:s11], [sflag:$0x5] =	stream.linear.gather [hbm4b:s21+s17], $0x80, $0x38;
	[tilespmem:$0x1EA00] =	vst v63  }
0xc6: {  	_ =	swait.ge [sflag:s7], $0x80  }
0xc7: {  	[sflag:s7] =	ssyncset.done $0x0  }
0xc8: {  	s20 =	sadd.s32 s20, s22;
	[sflag:s7] =	ssyncadd.s32 $0xFFFFFF80  }
0xc9: {  	[tilespmem:s12], [sflag:$0x5] =	stream.linear.gather [hbm4b:s20+s17], $0x80, $0x38;
	[tilespmem:$0x1EA00] =	vst v63  }
0xca: {  	_ =	swait.ge [sflag:s7], $0x80  }
0xcb: {  	[sflag:s7] =	ssyncset.done $0x0  }
0xcc: {  	[sflag:s7] =	ssyncadd.s32 $0xFFFFFF80  }
0xcd: {  	[tilespmem:s13], [sflag:$0x2] =	stream.indirect.gather [hbm4b:s29+s8], $0x80, s11, s8, $0xb8;
	[tilespmem:$0x1EA00] =	vst v63  }
0xce: {  	_ =	swait.ge [sflag:s14], $0x4000  }
.Ltmp0:
0xcf: {  	[sflag:s14] =	ssyncset.done $0x0;
	(pc) =	sbr.rel @p0 .LBB2_2-.Ltmp0, $4  }
0xd0: {  	[sflag:s14] =	ssyncadd.s32 $0xFFFFC000  }
0xd1: {  	_ =	swait.ge [sflag:s15], $0x4000  }
0xd2: {  	[sflag:s15] =	ssyncset.done $0x0  }
0xd3: {  	[sflag:s15] =	ssyncadd.s32 $0xFFFFC000  }
0xd4: {  	[spmem:s25] =	stream.indirect.scatter.add.f32 [tilespmem:s13], [sflag:$0x4], $0x80, s12, s8, $0xb8;
	[tilespmem:$0x1EA00] =	vst v63  }
0xd5: {  	_ =	swait.ge [sflag:s16], $0x4000  }
0xd6: {  	[sflag:s16] =	ssyncset.done $0x0  }
0xd7: {  	[sflag:s16] =	ssyncadd.s32 $0xFFFFC000  }
0xd8: {  	[bflag:$0x0] =	sbarrier.arrive $0xFFFF  }
0xd9: {  	[tilespmem:s6], [sflag:$0x5] =	stream.linear.gather [spmem:s30], $0x2800, $0x38;
	[tilespmem:$0x1EA00] =	vst v63  }
0xda: {  	_ =	swait.ge [sflag:s7], $0x2800  }
0xdb: {  	[sflag:s7] =	ssyncset.done $0x0  }
0xdc: {  	s19 =	rddreg [dreg:$0xb];
	[sflag:s7] =	ssyncadd.s32 $0xFFFFD800  }
0xdd: {  	[hbm4b:s19+s17] =	stream.linear.scatter [tilespmem:s6], [sflag:$0x5], $0x2800, $0x38;
	[tilespmem:$0x1EA00] =	vst v63  }
0xde: {  	_ =	swait.ge [sflag:s7], $0x2800  }
0xdf: {  	[sflag:s7] =	ssyncset.done $0x0  }
0xe0: {  	[sflag:s7] =	ssyncadd.s32 $0xFFFFD800  }
0xe1: {  	[tilespmem:s6], [sflag:$0x5] =	stream.linear.gather [spmem:s31], $0x2800, $0x38;
	[tilespmem:$0x1EA00] =	vst v63  }
0xe2: {  	_ =	swait.ge [sflag:s7], $0x2800  }
0xe3: {  	[sflag:s7] =	ssyncset.done $0x0  }
0xe4: {  	s21 =	rddreg [dreg:$0xc];
	[sflag:s7] =	ssyncadd.s32 $0xFFFFD800  }
0xe5: {  	[hbm4b:s21+s17] =	stream.linear.scatter [tilespmem:s6], [sflag:$0x5], $0x2800, $0x38;
	[tilespmem:$0x1EA00] =	vst v63  }
0xe6: {  	_ =	swait.ge [sflag:s7], $0x2800  }
0xe7: {  	[sflag:s7] =	ssyncset.done $0x0  }
0xe8: {  	[sflag:s7] =	ssyncadd.s32 $0xFFFFD800  }
0xe9: {  	[tilespmem:s6], [sflag:$0x5] =	stream.linear.gather [spmem:s24], $0x2800, $0x38;
	[tilespmem:$0x1EA00] =	vst v63  }
0xea: {  	_ =	swait.ge [sflag:s7], $0x2800  }
0xeb: {  	[sflag:s7] =	ssyncset.done $0x0  }
0xec: {  	s20 =	rddreg [dreg:$0xd];
	[sflag:s7] =	ssyncadd.s32 $0xFFFFD800  }
0xed: {  	[hbm4b:s20+s17] =	stream.linear.scatter [tilespmem:s6], [sflag:$0x5], $0x2800, $0x38;
	[tilespmem:$0x1EA00] =	vst v63  }
0xee: {  	_ =	swait.ge [sflag:s7], $0x2800  }
0xef: {  	[sflag:s7] =	ssyncset.done $0x0  }
0xf0: {  	[sflag:s7] =	ssyncadd.s32 $0xFFFFD800  }
0xf1: {  	[tilespmem:s6], [sflag:$0x5] =	stream.linear.gather [spmem:s0], $0x2800, $0x38;
	[tilespmem:$0x1EA00] =	vst v63  }
0xf2: {  	_ =	swait.ge [sflag:s7], $0x2800  }
0xf3: {  	[sflag:s7] =	ssyncset.done $0x0  }
0xf4: {  	s21 =	rddreg [dreg:$0xe];
	[sflag:s7] =	ssyncadd.s32 $0xFFFFD800  }
0xf5: {  	[hbm4b:s21+s17] =	stream.linear.scatter [tilespmem:s6], [sflag:$0x5], $0x2800, $0x38;
	[tilespmem:$0x1EA00] =	vst v63  }
0xf6: {  	_ =	swait.ge [sflag:s7], $0x2800  }
0xf7: {  	[sflag:s7] =	ssyncset.done $0x0  }
0xf8: {  	[sflag:s7] =	ssyncadd.s32 $0xFFFFD800  }
0xf9: {  	[tilespmem:s6], [sflag:$0x5] =	stream.linear.gather [spmem:s1], $0x2800, $0x38;
	[tilespmem:$0x1EA00] =	vst v63  }
0xfa: {  	_ =	swait.ge [sflag:s7], $0x2800  }
0xfb: {  	[sflag:s7] =	ssyncset.done $0x0  }
0xfc: {  	s20 =	rddreg [dreg:$0xf];
	[sflag:s7] =	ssyncadd.s32 $0xFFFFD800  }
0xfd: {  	[hbm4b:s20+s17] =	stream.linear.scatter [tilespmem:s6], [sflag:$0x5], $0x2800, $0x38;
	[tilespmem:$0x1EA00] =	vst v63  }
0xfe: {  	_ =	swait.ge [sflag:s7], $0x2800  }
0xff: {  	[sflag:s7] =	ssyncset.done $0x0  }
0x100: {  	[sflag:s7] =	ssyncadd.s32 $0xFFFFD800  }
0x101: {  	[tilespmem:s6], [sflag:$0x5] =	stream.linear.gather [spmem:s2], $0x2800, $0x38;
	[tilespmem:$0x1EA00] =	vst v63  }
0x102: {  	_ =	swait.ge [sflag:s7], $0x2800  }
0x103: {  	[sflag:s7] =	ssyncset.done $0x0  }
0x104: {  	s21 =	rddreg [dreg:$0x10];
	[sflag:s7] =	ssyncadd.s32 $0xFFFFD800  }
0x105: {  	[hbm4b:s21+s17] =	stream.linear.scatter [tilespmem:s6], [sflag:$0x5], $0x2800, $0x38;
	[tilespmem:$0x1EA00] =	vst v63  }
0x106: {  	_ =	swait.ge [sflag:s7], $0x2800  }
0x107: {  	[sflag:s7] =	ssyncset.done $0x0  }
0x108: {  	[sflag:s7] =	ssyncadd.s32 $0xFFFFD800  }
0x109: {  	[tilespmem:s6], [sflag:$0x5] =	stream.linear.gather [spmem:s3], $0x2800, $0x38;
	[tilespmem:$0x1EA00] =	vst v63  }
0x10a: {  	_ =	swait.ge [sflag:s7], $0x2800  }
0x10b: {  	[sflag:s7] =	ssyncset.done $0x0  }
0x10c: {  	s20 =	rddreg [dreg:$0x11];
	[sflag:s7] =	ssyncadd.s32 $0xFFFFD800  }
0x10d: {  	[hbm4b:s20+s17] =	stream.linear.scatter [tilespmem:s6], [sflag:$0x5], $0x2800, $0x38;
	[tilespmem:$0x1EA00] =	vst v63  }
0x10e: {  	_ =	swait.ge [sflag:s7], $0x2800  }
0x10f: {  	[sflag:s7] =	ssyncset.done $0x0  }
0x110: {  	[sflag:s7] =	ssyncadd.s32 $0xFFFFD800  }
0x111: {  	[tilespmem:s6], [sflag:$0x5] =	stream.linear.gather [spmem:s4], $0x2800, $0x38;
	[tilespmem:$0x1EA00] =	vst v63  }
0x112: {  	s18 =	sadd.s32 $0x1, s18;
	_ =	swait.ge [sflag:s7], $0x2800  }
0x113: {  	p0 =	sne.s32 s18, s5;
	[sflag:s7] =	ssyncset.done $0x0  }
.Ltmp1:
0x114: {  	s21 =	rddreg [dreg:$0x12];
	[sflag:s7] =	ssyncadd.s32 $0xFFFFD800;
	(pc) =	sbr.rel @p0 .LBB2_1-.Ltmp1, $4  }
0x115: {  	[hbm4b:s21+s17] =	stream.linear.scatter [tilespmem:s6], [sflag:$0x5], $0x2800, $0x38;
	[tilespmem:$0x1EA00] =	vst v63  }
0x116: {  	_ =	swait.ge [sflag:s7], $0x2800  }
0x117: {  	[sflag:s7] =	ssyncset.done $0x0  }
0x118: {  	[sflag:s7] =	ssyncadd.s32 $0xFFFFD800  }
0x119: {  	_ =	sfence.sel $0x180000  }
0x11a: {  	[bflag:$0x0] =	sbarrier.arrive $0xFFFF  }
0x11b: {  	_ =	strace $0x9000004D  }
0x11c: {  	s0 =	stileid.u32;
	[bflag:$0x2] =	sbarrier.arrive $0xFFFF  }
0x11d: {  	p0 =	sne.s32 s0, $0x0;
	s0 =	rddreg [dreg:$0x2]  }
0x11e: {  	s0 =	sadd.s32 @!p0 $0x100000, s0  }
0x11f: {  	[sflag:s0] =	ssyncadd.tile.s32 @!p0 $0x1;
	_ =	shalt  }
.Lfunc_end2:
_tile_overlayer_lowered:
.L_overlay_start_2:
0x120: {  	(tag) =	ssettag $0x2  }
0x121: {  	s0 =	rddreg [dreg:$0x0];
	s2 =	stileid.u32  }
0x122: {  	s1 =	rddreg [dreg:$0x1];
	p0 =	sne.s32 s2, $0x0  }
0x123: {  	s3 =	rddreg [dreg:$0x2];
	[bflag:$0x3] =	sbarrier.arrive $0xFFFF;
	s2 =	simm.s32 @!p0 $0x1C05  }
0x124: {  	[timem:s3], [sflag:s2] =	dma.local @!p0 [hbm:s0], s1  }
0x125: {  	s0 =	simm.s32 @!p0 $0x5  }
0x126: {  	_ =	swait.ge @!p0 [sflag:s0], s1  }
0x127: {  	s1 =	ssub.s32 @!p0 $0x0, s1;
	[sflag:s0] =	ssyncset.done @!p0 $0x0  }
0x128: {  	[sflag:s0] =	ssyncadd.s32 @!p0 s1  }
0x129: {  	[bflag:$0x3] =	sbarrier.arrive $0xFFFF  }
0x12a: {  	_ =	shalt  }

// kernel: kernel.21.cloned.1.call-start
scs
__scs_entry_jumppad:
0x0: {  	(pc) =	sbr.rel $0x88, $3  }
0x1: {  	(tag) =	ssettag $0x0;
	lr =	simm.s32 $0x1  }
0x2: {  	[smem:$0x3F91] =	sst lr;
	_ =	strace $0xD0000000  }
0x3: {  	_ = 	snop  }
0x4: {  	_ = 	snop  }
0x5: {  	_ = 	snop  }
0x6: {  	_ = 	snop  }
0x7: {  	_ = 	snop  }
__scs_overlays_trampoline_lowered:
0x8: {  	[smem:$0x3FA0] =	sst s0  }
0x9: {  	[smem:$0x3FA1] =	sst s1  }
0xa: {  	[smem:$0x3FA2] =	sst s2  }
0xb: {  	[smem:$0x3FA3] =	sst s3  }
0xc: {  	[smem:$0x3FA4] =	sst s4  }
0xd: {  	[smem:$0x3FA5] =	sst s5  }
0xe: {  	[smem:$0x3FA6] =	sst s6  }
0xf: {  	[smem:$0x3FA7] =	sst s7  }
0x10: {  	[smem:$0x3FA8] =	sst s8  }
0x11: {  	[smem:$0x3FA9] =	sst s9;
	s0 =	simm.s32 @!p0 $0x0  }
0x12: {  	s1 =	sld [smem:$0x3F8F];
	s0 =	simm.s32 @p0 $0x1  }
0x13: {  	[smem:$0x3FAA] =	sst s0;
	s0 =	simm.s32 @!p1 $0x0  }
0x14: {  	s2 =	sld [smem:$0x3F8E];
	s0 =	simm.s32 @p1 $0x1  }
0x15: {  	[smem:$0x3FAB] =	sst s0;
	s0 =	simm.s32 @!p2 $0x0  }
0x16: {  	s3 =	sld [smem:$0x3FDB];
	s0 =	simm.s32 @p2 $0x1  }
0x17: {  	s4 =	simm.s32 $0x1BF5;
	[smem:$0x3FAD] =	sst s0  }
0x18: {  	s0 =	sld [smem:$0x3F90];
	_ =	swait.ge [sflag:s4], $0x0  }
0x19: {  	s7 =	sld [smem:$0x3F91]  }
0x1a: {  	s8 =	sadd.s32 $0xFFFFE003, lr  }
0x1b: {  	s9 =	sadd.s32 $0xFFFFFEF7, lr;
	s5 =	simm.s32 $0xFFFFFFFF;
	p2 =	slt.u32 s8, $0xFFFFF086  }
0x1c: {  	p1 =	slt.u32 s9, $0xF7A;
	s5 =	simm.s32 @!p2 $0x0  }
0x1d: {  	s5 =	simm.s32 @p1 $0x1;
	p0 =	seq.s32 s7, s2  }
0x1e: {  	s7 =	smul.u32 @!p0 $0xF7A, s2;
	p2 =	seq.s32 @!p0 s5, $0x0  }
0x1f: {  	s9 =	smul.u32 $0xF7A, s1;
	s8 =	simm.s32 @!p0 $0x1BF5;
	p2 =	por !p2, p0  }
0x20: {  	[sflag:s8] =	ssyncset.s32 @!p0 $0xFFFFF086;
	s6 =	sadd.s32 @!p0 s3, s7;
	s7 =	simm.s32 @!p0 $0x108  }
0x21: {  	s3 =	sadd.s32 s3, s9;
	s6 =	sadd.s32 @!p0 $0x88, s6;
	s7 =	simm.s32 @p2 $0x1082  }
0x22: {  	[simem:s7], [sflag:s8] =	dma.local @!p0 [hbm:s6], $0xF7A  }
0x23: {  	s9 =	sor.u32 $0xD0000000, s2;
	s6 =	simm.s32 $0x108;
	_ =	swait.ge @!p0 [sflag:s8], $0x0  }
0x24: {  	s3 =	sadd.s32 $0x88, s3;
	s6 =	simm.s32 @!p1 $0x1082;
	[sflag:s4] =	ssyncset.s32 $0xFFFFF086  }
0x25: {  	[simem:s6], [sflag:s4] =	dma.local [hbm:s3], $0xF7A  }
0x26: {  	[smem:$0x3F91] =	sst s1;
	(tag) =	ssettag s2;
	_ =	strace s9  }
0x27: {  	s1 =	sld [smem:$0x3FA1]  }
0x28: {  	s2 =	sld [smem:$0x3FA2]  }
0x29: {  	s4 =	sld [smem:$0x3FA4]  }
0x2a: {  	p0 =	seq.s32 s5, $0x0;
	s5 =	sld [smem:$0x3FA5]  }
0x2b: {  	s6 =	sld [smem:$0x3FA6]  }
0x2c: {  	s7 =	sld [smem:$0x3FA7]  }
0x2d: {  	s3 =	simm.s32 $0x108;
	s8 =	sld [smem:$0x3FA8]  }
0x2e: {  	s3 =	simm.s32 @!p0 $0x1082;
	s9 =	sld [smem:$0x3FA9]  }
0x2f: {  	lr =	sadd.s32 s0, s3;
	s0 =	sld [smem:$0x3FA0]  }
0x30: {  	s3 =	sld [smem:$0x3FA3]  }
0x31: {  	[smem:$0x3FAC] =	sst s10  }
0x32: {  	s10 =	sld [smem:$0x3FAA];
	_ =	sdelay $0x3  }
0x33: {  	p0 =	seq.s32 s10, $0x1;
	s10 =	sld [smem:$0x3FAC];
	_ =	sdelay $0x3  }
0x34: {  	[smem:$0x3FAC] =	sst s10  }
0x35: {  	s10 =	sld [smem:$0x3FAB];
	_ =	sdelay $0x3  }
0x36: {  	p1 =	seq.s32 s10, $0x1;
	s10 =	sld [smem:$0x3FAC];
	_ =	sdelay $0x3  }
0x37: {  	[smem:$0x3FAC] =	sst s10  }
0x38: {  	s10 =	sld [smem:$0x3FAD]  }
0x39: {  	_ = 	snop;
	(pc) =	sbr.ind lr, $3  }
0x3a: {  	_ = 	snop  }
0x3b: {  	_ = 	snop  }
0x3c: {  	p2 =	seq.s32 s10, $0x1;
	s10 =	sld [smem:$0x3FAC]  }
0x3d: {  	_ =	shalt  }
0x3e: {  	_ =	shalt  }
0x3f: {  	_ =	shalt  }
0x40: {  	_ =	shalt  }
0x41: {  	_ =	shalt  }
0x42: {  	_ =	shalt  }
0x43: {  	_ =	shalt  }
0x44: {  	_ =	shalt  }
0x45: {  	_ =	shalt  }
0x46: {  	_ =	shalt  }
0x47: {  	_ =	shalt  }
0x48: {  	_ =	shalt  }
0x49: {  	_ =	shalt  }
0x4a: {  	_ =	shalt  }
0x4b: {  	_ =	shalt  }
0x4c: {  	_ =	shalt  }
0x4d: {  	_ =	shalt  }
0x4e: {  	_ =	shalt  }
0x4f: {  	_ =	shalt  }
0x50: {  	_ =	shalt  }
0x51: {  	_ =	shalt  }
0x52: {  	_ =	shalt  }
0x53: {  	_ =	shalt  }
0x54: {  	_ =	shalt  }
0x55: {  	_ =	shalt  }
0x56: {  	_ =	shalt  }
0x57: {  	_ =	shalt  }
0x58: {  	_ =	shalt  }
0x59: {  	_ =	shalt  }
0x5a: {  	_ =	shalt  }
0x5b: {  	_ =	shalt  }
0x5c: {  	_ =	shalt  }
0x5d: {  	_ =	shalt  }
0x5e: {  	_ =	shalt  }
0x5f: {  	_ =	shalt  }
0x60: {  	_ =	shalt  }
0x61: {  	_ =	shalt  }
0x62: {  	_ =	shalt  }
0x63: {  	_ =	shalt  }
0x64: {  	_ =	shalt  }
0x65: {  	_ =	shalt  }
0x66: {  	_ =	shalt  }
0x67: {  	_ =	shalt  }
0x68: {  	_ =	shalt  }
0x69: {  	_ =	shalt  }
0x6a: {  	_ =	shalt  }
0x6b: {  	_ =	shalt  }
0x6c: {  	_ =	shalt  }
0x6d: {  	_ =	shalt  }
0x6e: {  	_ =	shalt  }
0x6f: {  	_ =	shalt  }
0x70: {  	_ =	shalt  }
0x71: {  	_ =	shalt  }
0x72: {  	_ =	shalt  }
0x73: {  	_ =	shalt  }
0x74: {  	_ =	shalt  }
0x75: {  	_ =	shalt  }
0x76: {  	_ =	shalt  }
0x77: {  	_ =	shalt  }
0x78: {  	_ =	shalt  }
0x79: {  	_ =	shalt  }
0x7a: {  	_ =	shalt  }
0x7b: {  	_ =	shalt  }
0x7c: {  	_ =	shalt  }
0x7d: {  	_ =	shalt  }
0x7e: {  	_ =	shalt  }
0x7f: {  	_ =	shalt  }
0x80: {  	_ =	shalt  }
0x81: {  	_ =	shalt  }
0x82: {  	_ =	shalt  }
0x83: {  	_ =	shalt  }
0x84: {  	_ =	shalt  }
0x85: {  	_ =	shalt  }
0x86: {  	_ =	shalt  }
0x87: {  	_ =	shalt  }
.Lfunc_end0:
.L_simem_size_0:
called_computation.3_lowered:
.L_overlay_start_0:
0x88: {  	s2 =	sld [smem:$0x3FD9]  }
0x89: {  	s3 =	sld [smem:$0x3FFE];
	_ =	sdelay $0x1  }
0x8a: {  	s1 =	srdreg.scid  }
0x8b: {  	s0 =	sand.u32 $0x1, s1  }
0x8c: {  	s16 =	sshll.u32 s0, $0xA;
	s2 =	sadd.s32 s3, s2  }
0x8d: {  	s2 =	sadd.s32 s2, s16  }
0x8e: {  	[smem:$0x3FB8] =	sst s2  }
0x8f: {  	_ = 	snop  }
0x90: {  	(tm) =	ssettm $0x1  }
0x91: {  	s17 =	sld [smem:$0x3FFB];
	_ =	sdelay $0x3  }
0x92: {  	_ =	strace s17  }
0x93: {  	s2 =	sld [smem:$0x3FFC];
	_ =	sdelay $0x3  }
0x94: {  	_ =	strace s2  }
0x95: {  	s2 =	sld [smem:$0x3FFD];
	_ =	sdelay $0x3  }
0x96: {  	_ =	strace s2  }
0x97: {  	_ =	strace $0x8FFFFFFF  }
0x98: {  	s18 =	sld [smem:$0x3FDB];
	_ =	sdelay $0x1  }
0x99: {  	s19 =	simm.s32 $_scs_section_size  }
0x9a: {  	s4 =	simm.s32 $_size__tile_overlayer_lowered;
	s5 =	simm.s32 $_tile_overlayer_lowered  }
0x9b: {  	s22 =	simm.s32 $0x1BFF;
	s21 =	sshll.u32 s5, $0x1;
	s2 =	sadd.s32 s19, s18  }
0x9c: {  	s6 =	simm.s32 $0x0;
	s20 =	sshll.u32 s4, $0x1;
	s4 =	sadd.s32 s21, s2  }
0x9d: {  	[timem:s6], [sflag:s22] =	dma.local [hbm:s4], s20  }
0x9e: {  	_ =	swait.ge [sflag:s22], s20  }
0x9f: {  	s3 =	ssub.s32 $0x0, s20;
	[sflag:s22] =	ssyncset.done $0x0  }
0xa0: {  	[sflag:s22] =	ssyncadd.s32 s3;
	_ =	sdelay $0x1  }
0xa1: {  	s23 =	simm.s32 $0x1B8B  }
0xa2: {  	_ =	swait.ge [sflag:s23], $0x1  }
0xa3: {  	[sflag:s23] =	ssyncset.done $0x0  }
0xa4: {  	s25 =	simm.s32 $0x1B8E;
	s24 =	sld [smem:$0x3FFE];
	[sflag:s23] =	ssyncadd.s32 $0xFFFFFFFF  }
0xa5: {  	s26 =	simm.s32 $execute0_lowered;
	[smem:$0x3FD2] =	sst s25  }
0xa6: {  	s4 =	sshll.u32 s26, $0x1;
	_ =	strace $0x8000004F;
	[dreg:$0x1] =	wrdreg $0xFFFFFFFF  }
0xa7: {  	s28 =	simm.s32 $_size_execute0_lowered;
	s2 =	sadd.s32 s2, s4;
	[dreg:$0x0] =	wrdreg $0x0  }
0xa8: {  	s4 =	sshll.u32 s28, $0x1;
	[dreg:$0x2] =	wrdreg s2  }
0xa9: {  	[dreg:$0x3] =	wrdreg s4  }
0xaa: {  	[dreg:$0x4] =	wrdreg $0xC0  }
0xab: {  	_ =	task [dreg:s6], $0x5FFFF  }
0xac: {  	[dreg:$0x1] =	wrdreg $0xFFFFFFFF  }
0xad: {  	[dreg:$0x0] =	wrdreg $0x60  }
0xae: {  	[dreg:$0x2] =	wrdreg s24  }
0xaf: {  	[dreg:$0x3] =	wrdreg $0xAA000  }
0xb0: {  	[dreg:$0x4] =	wrdreg $0x9  }
0xb1: {  	_ =	task.clear_ibuf [dreg:s6], $0x5FFFF;
	_ =	strace $0x9000004F  }
0xb2: {  	s29 =	simm.s32 $0x9;
	_ =	strace $0x80000051  }
0xb3: {  	_ =	swait.ge [sflag:s29], $0x1  }
0xb4: {  	[sflag:s29] =	ssyncadd.s32 $0xFFFFFFFF  }
0xb5: {  	_ =	strace $0x90000051  }
0xb6: {  	_ =	sfence  }
0xb7: {  	s30 =	sld [smem:$0x0];
	_ =	sdelay $0x2  }
0xb8: {  	s31 =	sshll.u32 s1, $0xD;
	s1 =	sshrl.u32 s1, $0x2  }
0xb9: {  	s3 =	sand.u32 $0x4000, s31;
	s1 =	sadd.s32 s1, s30  }
0xba: {  	s0 =	sor.u32 s3, s0;
	s1 =	sshll.u32 s1, $0x11  }
0xbb: {  	s0 =	sor.u32 s1, s0  }
0xbc: {  	s0 =	sadd.s32 $0x8F2B, s0  }
0xbd: {  	[sflag:s0] =	ssyncadd.remote.s32 $0x1  }
0xbe: {  	_ =	sfence.sel $0xFFFF  }
0xbf: {  	[dreg:$0x0] =	wrdreg $0xFFFFFFFF;
	(pc) =	sbr.abs _section_cstart, $3  }
0xc0: {  	[dreg:$0x1] =	wrdreg $0xFFFFFFFF  }
0xc1: {  	_ =	task.clear_ibuf [dreg:s6], $0x2FFFF;
	_ =	strace $0x9FFFFFFF  }
0xc2: {  	(tm) =	ssettm $0x7FFFFFFF  }
0xc3: {  	_ =	shalt  }
tec
execute0_lowered:
.L_overlay_start_1:
0x0: {  	(tag) =	ssettag $0x1  }
0x1: {  	s1 =	srdreg.scid;
	s18 =	stileid.u32  }
0x2: {  	s0 =	rddreg [dreg:$0x0];
	s9 =	sand.u32 $0x1, s1;
	s8 =	smul.u32 $0x280, s18  }
0x3: {  	s10 =	sadd.s32 $0x2B000, s0;
	s3 =	sshll.u32 s18, $0x1;
	s11 =	smul.u32 $0x14000, s18  }
0x4: {  	s12 =	sadd.s32 $0x99C00, s0;
	s1 =	ssub.s32 $0x2, s9;
	s15 =	sor.u32 s9, s3  }
0x5: {  	s29 =	sadd.s32 $0x3E00, s0;
	s2 =	sshrl.u32 s1, $0x1;
	s7 =	smul.u32 $0x2800, s15  }
0x6: {  	s16 =	sshrl.u32 s11, $0x3;
	s17 =	sor.u32 $0x50, s8;
	s4 =	sadd.s32 $0xA0, s8  }
0x7: {  	s22 =	sadd.s32 $0xF0, s8;
	s6 =	sadd.s32 $0x140, s8;
	s14 =	sadd.s32 $0x190, s8  }
0x8: {  	s25 =	sadd.s32 $0x1E0, s8;
	s15 =	sadd.s32 $0x230, s8;
	s5 =	ssub.s32 s1, s2  }
0x9: {  	s1 =	sadd.s32 s10, s16;
	s19 =	sshll.u32 s17, $0x4;
	s21 =	sshll.u32 s4, $0x4  }
0xa: {  	s2 =	sshll.u32 s4, $0x7;
	s4 =	sshll.u32 s22, $0x4;
	s13 =	sshll.u32 s6, $0x4  }
0xb: {  	s24 =	sshll.u32 s14, $0x4;
	s26 =	sshll.u32 s25, $0x4;
	s16 =	smul.u32 $0x140000, s9  }
0xc: {  	s8 =	sshll.u32 s25, $0x7;
	[dreg:$0x3] =	wrdreg s1;
	s20 =	sadd.s32 s10, s19  }
0xd: {  	s9 =	smul.u32 $0x2800, s9;
	s3 =	sadd.s32 s10, s21;
	[dreg:$0x4] =	wrdreg s20  }
0xe: {  	s1 =	sshll.u32 s17, $0x7;
	s4 =	sadd.s32 s10, s4;
	[dreg:$0x5] =	wrdreg s3  }
0xf: {  	s23 =	sadd.s32 s10, s13;
	s13 =	sadd.s32 s10, s24;
	[dreg:$0x6] =	wrdreg s4  }
0x10: {  	s5 =	smax.u32 s5, $0x1;
	s3 =	sshll.u32 s22, $0x7;
	[dreg:$0x7] =	wrdreg s23  }
0x11: {  	s4 =	sshll.u32 s6, $0x7;
	s6 =	sshll.u32 s14, $0x7;
	[dreg:$0x8] =	wrdreg s13  }
0x12: {  	s14 =	sadd.s32 s10, s26;
	s13 =	sshll.u32 s15, $0x7;
	s15 =	sshll.u32 s15, $0x4  }
0x13: {  	s11 =	sadd.s32 s11, s16;
	s17 =	sadd.s32 s16, s1;
	s22 =	sadd.s32 s16, s2  }
0x14: {  	[dreg:$0x9] =	wrdreg s14;
	s10 =	sadd.s32 s10, s15;
	s19 =	sshrl.u32 s11, $0x3  }
0x15: {  	s20 =	sshrl.u32 s17, $0x3;
	s23 =	sadd.s32 s16, s3;
	s24 =	sadd.s32 s16, s4  }
0x16: {  	s15 =	sadd.s32 s16, s6;
	s17 =	sadd.s32 s16, s8;
	[dreg:$0xa] =	wrdreg s10  }
0x17: {  	s10 =	sadd.s32 s12, s19;
	s21 =	sadd.s32 s12, s20;
	s25 =	sshrl.u32 s23, $0x3  }
0x18: {  	s26 =	sshrl.u32 s24, $0x3;
	s11 =	sshrl.u32 s17, $0x3;
	s19 =	sadd.s32 s16, s13  }
0x19: {  	s20 =	smul.u32 $0x5000, s18;
	s17 =	simm.s32 $0x0;
	s23 =	sshrl.u32 s7, $0x3  }
0x1a: {  	s7 =	sor.u32 $0x80, s7;
	s24 =	sadd.s32 $0x8FC00, s0;
	[dreg:$0xb] =	wrdreg s10  }
0x1b: {  	[dreg:$0xc] =	wrdreg s21;
	s10 =	sshrl.u32 s22, $0x3;
	s14 =	sadd.s32 s12, s26  }
0x1c: {  	s21 =	sadd.s32 s12, s11;
	s22 =	sshrl.u32 s19, $0x3;
	[smem:$0x7FF] =	sst s17  }
0x1d: {  	s11 =	sadd.s32 s24, s23;
	s7 =	sshrl.u32 s7, $0x3;
	[dreg:$0xf] =	wrdreg s14  }
0x1e: {  	s10 =	sadd.s32 s12, s10;
	[dreg:$0x11] =	wrdreg s21;
	s9 =	sadd.s32 s9, s20  }
0x1f: {  	[dreg:$0x14] =	wrdreg s11;
	s21 =	smul.u32 $0x50000, s18;
	s11 =	simm.s32 $0x100  }
0x20: {  	s14 =	simm.s32 $0x2;
	s18 =	simm.s32 $0x0;
	[dreg:$0xd] =	wrdreg s10  }
0x21: {  	s10 =	sadd.s32 s12, s25;
	s20 =	sor.u32 $0x100, s9;
	s25 =	rddreg [dreg:$0x1]  }
0x22: {  	[dreg:$0xe] =	wrdreg s10;
	s10 =	sshrl.u32 s15, $0x3;
	s15 =	sor.u32 $0x180, s9  }
0x23: {  	s31 =	sadd.s32 s1, s25;
	s1 =	sadd.s32 s4, s25;
	s4 =	sadd.s32 s13, s25  }
0x24: {  	s9 =	simm.s32 $0x200;
	s13 =	simm.s32 $0x4200;
	s10 =	sadd.s32 s12, s10  }
0x25: {  	s19 =	sshrl.u32 s15, $0x3;
	s15 =	simm.s32 $0x3;
	[dreg:$0x10] =	wrdreg s10  }
0x26: {  	s10 =	sadd.s32 s12, s22;
	s22 =	sadd.s32 s19, s24;
	s12 =	simm.s32 $0x180  }
0x27: {  	[dreg:$0x12] =	wrdreg s10;
	s10 =	sadd.s32 $0x85C00, s0;
	s0 =	sadd.s32 s3, s25  }
0x28: {  	s3 =	sadd.s32 s8, s25;
	s8 =	simm.s32 $0x80;
	s26 =	sadd.s32 s10, s23  }
0x29: {  	s16 =	sadd.s32 s10, s7;
	s7 =	sadd.s32 s24, s7;
	[dreg:$0x13] =	wrdreg s26  }
0x2a: {  	s23 =	sadd.s32 s19, s10;
	[dreg:$0x16] =	wrdreg s7;
	s7 =	sshrl.u32 s20, $0x3  }
0x2b: {  	[dreg:$0x15] =	wrdreg s16;
	s16 =	simm.s32 $0x4;
	s26 =	sadd.s32 s7, s24  }
0x2c: {  	s28 =	sadd.s32 s7, s10;
	_ =	strace $0x80000050;
	s24 =	sshrl.u32 s21, $0x2  }
0x2d: {  	s7 =	simm.s32 $0x5;
	s10 =	simm.s32 $0x1;
	s30 =	sadd.s32 s24, s25  }
0x2e: {  	s24 =	sadd.s32 s2, s25;
	s2 =	sadd.s32 s6, s25;
	s6 =	simm.s32 $0x8200  }
.LBB2_1:
0x2f: {  	s19 =	rddreg [dreg:$0x3]  }
0x30: {  	[tilespmem:s6], [sflag:$0x5] =	stream.linear.gather [hbm4b:s19+s17], $0x2800, $0x38;
	[tilespmem:$0x1EA00] =	vst v63  }
0x31: {  	_ =	swait.ge [sflag:s7], $0x2800  }
0x32: {  	[sflag:s7] =	ssyncset.done $0x0  }
0x33: {  	[sflag:s7] =	ssyncadd.s32 $0xFFFFD800  }
0x34: {  	[spmem:s30] =	stream.linear.scatter [tilespmem:s6], [sflag:$0x5], $0x2800, $0x38;
	[tilespmem:$0x1EA00] =	vst v63  }
0x35: {  	_ =	swait.ge [sflag:s7], $0x2800  }
0x36: {  	[sflag:s7] =	ssyncset.done $0x0  }
0x37: {  	s21 =	rddreg [dreg:$0x4];
	[sflag:s7] =	ssyncadd.s32 $0xFFFFD800  }
0x38: {  	[tilespmem:s6], [sflag:$0x5] =	stream.linear.gather [hbm4b:s21+s17], $0x2800, $0x38;
	[tilespmem:$0x1EA00] =	vst v63  }
0x39: {  	_ =	swait.ge [sflag:s7], $0x2800  }
0x3a: {  	[sflag:s7] =	ssyncset.done $0x0  }
0x3b: {  	[sflag:s7] =	ssyncadd.s32 $0xFFFFD800  }
0x3c: {  	[spmem:s31] =	stream.linear.scatter [tilespmem:s6], [sflag:$0x5], $0x2800, $0x38;
	[tilespmem:$0x1EA00] =	vst v63  }
0x3d: {  	_ =	swait.ge [sflag:s7], $0x2800  }
0x3e: {  	[sflag:s7] =	ssyncset.done $0x0  }
0x3f: {  	s20 =	rddreg [dreg:$0x5];
	[sflag:s7] =	ssyncadd.s32 $0xFFFFD800  }
0x40: {  	[tilespmem:s6], [sflag:$0x5] =	stream.linear.gather [hbm4b:s20+s17], $0x2800, $0x38;
	[tilespmem:$0x1EA00] =	vst v63  }
0x41: {  	_ =	swait.ge [sflag:s7], $0x2800  }
0x42: {  	[sflag:s7] =	ssyncset.done $0x0  }
0x43: {  	[sflag:s7] =	ssyncadd.s32 $0xFFFFD800  }
0x44: {  	[spmem:s24] =	stream.linear.scatter [tilespmem:s6], [sflag:$0x5], $0x2800, $0x38;
	[tilespmem:$0x1EA00] =	vst v63  }
0x45: {  	_ =	swait.ge [sflag:s7], $0x2800  }
0x46: {  	[sflag:s7] =	ssyncset.done $0x0  }
0x47: {  	s21 =	rddreg [dreg:$0x6];
	[sflag:s7] =	ssyncadd.s32 $0xFFFFD800  }
0x48: {  	[tilespmem:s6], [sflag:$0x5] =	stream.linear.gather [hbm4b:s21+s17], $0x2800, $0x38;
	[tilespmem:$0x1EA00] =	vst v63  }
0x49: {  	_ =	swait.ge [sflag:s7], $0x2800  }
0x4a: {  	[sflag:s7] =	ssyncset.done $0x0  }
0x4b: {  	[sflag:s7] =	ssyncadd.s32 $0xFFFFD800  }
0x4c: {  	[spmem:s0] =	stream.linear.scatter [tilespmem:s6], [sflag:$0x5], $0x2800, $0x38;
	[tilespmem:$0x1EA00] =	vst v63  }
0x4d: {  	_ =	swait.ge [sflag:s7], $0x2800  }
0x4e: {  	[sflag:s7] =	ssyncset.done $0x0  }
0x4f: {  	s20 =	rddreg [dreg:$0x7];
	[sflag:s7] =	ssyncadd.s32 $0xFFFFD800  }
0x50: {  	[tilespmem:s6], [sflag:$0x5] =	stream.linear.gather [hbm4b:s20+s17], $0x2800, $0x38;
	[tilespmem:$0x1EA00] =	vst v63  }
0x51: {  	_ =	swait.ge [sflag:s7], $0x2800  }
0x52: {  	[sflag:s7] =	ssyncset.done $0x0  }
0x53: {  	[sflag:s7] =	ssyncadd.s32 $0xFFFFD800  }
0x54: {  	[spmem:s1] =	stream.linear.scatter [tilespmem:s6], [sflag:$0x5], $0x2800, $0x38;
	[tilespmem:$0x1EA00] =	vst v63  }
0x55: {  	_ =	swait.ge [sflag:s7], $0x2800  }
0x56: {  	[sflag:s7] =	ssyncset.done $0x0  }
0x57: {  	s21 =	rddreg [dreg:$0x8];
	[sflag:s7] =	ssyncadd.s32 $0xFFFFD800  }
0x58: {  	[tilespmem:s6], [sflag:$0x5] =	stream.linear.gather [hbm4b:s21+s17], $0x2800, $0x38;
	[tilespmem:$0x1EA00] =	vst v63  }
0x59: {  	_ =	swait.ge [sflag:s7], $0x2800  }
0x5a: {  	[sflag:s7] =	ssyncset.done $0x0  }
0x5b: {  	[sflag:s7] =	ssyncadd.s32 $0xFFFFD800  }
0x5c: {  	[spmem:s2] =	stream.linear.scatter [tilespmem:s6], [sflag:$0x5], $0x2800, $0x38;
	[tilespmem:$0x1EA00] =	vst v63  }
0x5d: {  	_ =	swait.ge [sflag:s7], $0x2800  }
0x5e: {  	[sflag:s7] =	ssyncset.done $0x0  }
0x5f: {  	s20 =	rddreg [dreg:$0x9];
	[sflag:s7] =	ssyncadd.s32 $0xFFFFD800  }
0x60: {  	[tilespmem:s6], [sflag:$0x5] =	stream.linear.gather [hbm4b:s20+s17], $0x2800, $0x38;
	[tilespmem:$0x1EA00] =	vst v63  }
0x61: {  	_ =	swait.ge [sflag:s7], $0x2800  }
0x62: {  	[sflag:s7] =	ssyncset.done $0x0  }
0x63: {  	[sflag:s7] =	ssyncadd.s32 $0xFFFFD800  }
0x64: {  	[spmem:s3] =	stream.linear.scatter [tilespmem:s6], [sflag:$0x5], $0x2800, $0x38;
	[tilespmem:$0x1EA00] =	vst v63  }
0x65: {  	_ =	swait.ge [sflag:s7], $0x2800  }
0x66: {  	[sflag:s7] =	ssyncset.done $0x0  }
0x67: {  	s21 =	rddreg [dreg:$0xa];
	[sflag:s7] =	ssyncadd.s32 $0xFFFFD800  }
0x68: {  	[tilespmem:s6], [sflag:$0x5] =	stream.linear.gather [hbm4b:s21+s17], $0x2800, $0x38;
	[tilespmem:$0x1EA00] =	vst v63  }
0x69: {  	_ =	swait.ge [sflag:s7], $0x2800  }
0x6a: {  	[sflag:s7] =	ssyncset.done $0x0  }
0x6b: {  	[sflag:s7] =	ssyncadd.s32 $0xFFFFD800  }
0x6c: {  	[spmem:s4] =	stream.linear.scatter [tilespmem:s6], [sflag:$0x5], $0x2800, $0x38;
	[tilespmem:$0x1EA00] =	vst v63  }
0x6d: {  	_ =	swait.ge [sflag:s7], $0x2800  }
0x6e: {  	[sflag:s7] =	ssyncset.done $0x0  }
0x6f: {  	[sflag:s7] =	ssyncadd.s32 $0xFFFFD800  }
0x70: {  	[bflag:$0x0] =	sbarrier.arrive $0xFFFF  }
0x71: {  	s20 =	rddreg [dreg:$0x13]  }
0x72: {  	[tilespmem:s17], [sflag:$0x5] =	stream.linear.gather [hbm4b:s20+s17], $0x80, $0x38;
	[tilespmem:$0x1EA00] =	vst v63  }
0x73: {  	_ =	swait.ge [sflag:s7], $0x80  }
0x74: {  	[sflag:s7] =	ssyncset.done $0x0  }
0x75: {  	s21 =	rddreg [dreg:$0x14];
	[sflag:s7] =	ssyncadd.s32 $0xFFFFFF80  }
0x76: {  	[tilespmem:s8], [sflag:$0x5] =	stream.linear.gather [hbm4b:s21+s17], $0x80, $0x38;
	[tilespmem:$0x1EA00] =	vst v63  }
0x77: {  	_ =	swait.ge [sflag:s7], $0x80  }
0x78: {  	[sflag:s7] =	ssyncset.done $0x0  }
0x79: {  	[sflag:s7] =	ssyncadd.s32 $0xFFFFFF80  }
0x7a: {  	[tilespmem:s9], [sflag:$0x1] =	stream.indirect.gather [hbm4b:s29+s8], $0x80, s17, s8, $0xb8;
	[tilespmem:$0x1EA00] =	vst v63  }
0x7b: {  	_ =	swait.ge [sflag:s10], $0x4000  }
0x7c: {  	[sflag:s10] =	ssyncset.done $0x0  }
0x7d: {  	[sflag:s10] =	ssyncadd.s32 $0xFFFFC000  }
0x7e: {  	[spmem:s25] =	stream.indirect.scatter.add.f32 [tilespmem:s9], [sflag:$0x3], $0x80, s8, s8, $0xb8;
	[tilespmem:$0x1EA00] =	vst v63  }
0x7f: {  	s20 =	rddreg [dreg:$0x15]  }
0x80: {  	[tilespmem:s11], [sflag:$0x5] =	stream.linear.gather [hbm4b:s20+s17], $0x80, $0x38;
	[tilespmem:$0x1EA00] =	vst v63  }
0x81: {  	_ =	swait.ge [sflag:s7], $0x80  }
0x82: {  	[sflag:s7] =	ssyncset.done $0x0  }
0x83: {  	s21 =	rddreg [dreg:$0x16];
	[sflag:s7] =	ssyncadd.s32 $0xFFFFFF80  }
0x84: {  	[tilespmem:s12], [sflag:$0x5] =	stream.linear.gather [hbm4b:s21+s17], $0x80, $0x38;
	[tilespmem:$0x1EA00] =	vst v63  }
0x85: {  	_ =	swait.ge [sflag:s7], $0x80  }
0x86: {  	[sflag:s7] =	ssyncset.done $0x0  }
0x87: {  	[sflag:s7] =	ssyncadd.s32 $0xFFFFFF80  }
0x88: {  	[tilespmem:s13], [sflag:$0x2] =	stream.indirect.gather [hbm4b:s29+s8], $0x80, s11, s8, $0xb8;
	[tilespmem:$0x1EA00] =	vst v63  }
0x89: {  	_ =	swait.ge [sflag:s14], $0x4000  }
0x8a: {  	[sflag:s14] =	ssyncset.done $0x0  }
0x8b: {  	[sflag:s14] =	ssyncadd.s32 $0xFFFFC000  }
0x8c: {  	_ =	swait.ge [sflag:s15], $0x4000  }
0x8d: {  	[sflag:s15] =	ssyncset.done $0x0  }
0x8e: {  	[sflag:s15] =	ssyncadd.s32 $0xFFFFC000  }
0x8f: {  	[spmem:s25] =	stream.indirect.scatter.add.f32 [tilespmem:s13], [sflag:$0x4], $0x80, s12, s8, $0xb8;
	[tilespmem:$0x1EA00] =	vst v63  }
0x90: {  	s20 =	sadd.s32 $0x0, s28  }
0x91: {  	[tilespmem:s17], [sflag:$0x5] =	stream.linear.gather [hbm4b:s20+s17], $0x80, $0x38;
	[tilespmem:$0x1EA00] =	vst v63  }
0x92: {  	_ =	swait.ge [sflag:s7], $0x80  }
0x93: {  	[sflag:s7] =	ssyncset.done $0x0  }
0x94: {  	s21 =	sadd.s32 $0x0, s26;
	[sflag:s7] =	ssyncadd.s32 $0xFFFFFF80  }
0x95: {  	[tilespmem:s8], [sflag:$0x5] =	stream.linear.gather [hbm4b:s21+s17], $0x80, $0x38;
	[tilespmem:$0x1EA00] =	vst v63  }
0x96: {  	_ =	swait.ge [sflag:s7], $0x80  }
0x97: {  	[sflag:s7] =	ssyncset.done $0x0  }
0x98: {  	[sflag:s7] =	ssyncadd.s32 $0xFFFFFF80  }
0x99: {  	[tilespmem:s9], [sflag:$0x1] =	stream.indirect.gather [hbm4b:s29+s8], $0x80, s17, s8, $0xb8;
	[tilespmem:$0x1EA00] =	vst v63  }
0x9a: {  	_ =	swait.ge [sflag:s10], $0x4000  }
0x9b: {  	[sflag:s10] =	ssyncset.done $0x0  }
0x9c: {  	[sflag:s10] =	ssyncadd.s32 $0xFFFFC000  }
0x9d: {  	_ =	swait.ge [sflag:s16], $0x4000  }
0x9e: {  	[sflag:s16] =	ssyncset.done $0x0  }
0x9f: {  	[sflag:s16] =	ssyncadd.s32 $0xFFFFC000  }
0xa0: {  	[spmem:s25] =	stream.indirect.scatter.add.f32 [tilespmem:s9], [sflag:$0x3], $0x80, s8, s8, $0xb8;
	[tilespmem:$0x1EA00] =	vst v63  }
0xa1: {  	s20 =	sadd.s32 $0x0, s23  }
0xa2: {  	[tilespmem:s11], [sflag:$0x5] =	stream.linear.gather [hbm4b:s20+s17], $0x80, $0x38;
	[tilespmem:$0x1EA00] =	vst v63  }
0xa3: {  	_ =	swait.ge [sflag:s7], $0x80  }
0xa4: {  	[sflag:s7] =	ssyncset.done $0x0  }
0xa5: {  	s21 =	sadd.s32 $0x0, s22;
	[sflag:s7] =	ssyncadd.s32 $0xFFFFFF80  }
0xa6: {  	[tilespmem:s12], [sflag:$0x5] =	stream.linear.gather [hbm4b:s21+s17], $0x80, $0x38;
	[tilespmem:$0x1EA00] =	vst v63  }
0xa7: {  	_ =	swait.ge [sflag:s7], $0x80  }
0xa8: {  	[sflag:s7] =	ssyncset.done $0x0  }
0xa9: {  	[sflag:s7] =	ssyncadd.s32 $0xFFFFFF80  }
0xaa: {  	[tilespmem:s13], [sflag:$0x2] =	stream.indirect.gather [hbm4b:s29+s8], $0x80, s11, s8, $0xb8;
	[tilespmem:$0x1EA00] =	vst v63  }
0xab: {  	_ =	swait.ge [sflag:s14], $0x4000  }
0xac: {  	[sflag:s14] =	ssyncset.done $0x0  }
0xad: {  	[sflag:s14] =	ssyncadd.s32 $0xFFFFC000  }
0xae: {  	_ =	swait.ge [sflag:s15], $0x4000  }
0xaf: {  	[sflag:s15] =	ssyncset.done $0x0  }
0xb0: {  	s19 =	simm.s32 $0x20;
	[sflag:s15] =	ssyncadd.s32 $0xFFFFC000  }
.LBB2_2:
0xb1: {  	[spmem:s25] =	stream.indirect.scatter.add.f32 [tilespmem:s13], [sflag:$0x4], $0x80, s12, s8, $0xb8;
	[tilespmem:$0x1EA00] =	vst v63  }
0xb2: {  	s20 =	smov.u32 s19  }
0xb3: {  	p0 =	sne.s32 s19, $0x4C0;
	s19 =	sadd.s32 $0x20, s19;
	s21 =	sadd.s32 s20, s28  }
0xb4: {  	[tilespmem:s17], [sflag:$0x5] =	stream.linear.gather [hbm4b:s21+s17], $0x80, $0x38;
	[tilespmem:$0x1EA00] =	vst v63  }
0xb5: {  	_ =	swait.ge [sflag:s7], $0x80  }
0xb6: {  	[sflag:s7] =	ssyncset.done $0x0  }
0xb7: {  	s21 =	sadd.s32 s20, s26;
	[sflag:s7] =	ssyncadd.s32 $0xFFFFFF80  }
0xb8: {  	[tilespmem:s8], [sflag:$0x5] =	stream.linear.gather [hbm4b:s21+s17], $0x80, $0x38;
	[tilespmem:$0x1EA00] =	vst v63  }
0xb9: {  	_ =	swait.ge [sflag:s7], $0x80  }
0xba: {  	[sflag:s7] =	ssyncset.done $0x0  }
0xbb: {  	[sflag:s7] =	ssyncadd.s32 $0xFFFFFF80  }
0xbc: {  	[tilespmem:s9], [sflag:$0x1] =	stream.indirect.gather [hbm4b:s29+s8], $0x80, s17, s8, $0xb8;
	[tilespmem:$0x1EA00] =	vst v63  }
0xbd: {  	_ =	swait.ge [sflag:s10], $0x4000  }
0xbe: {  	[sflag:s10] =	ssyncset.done $0x0  }
0xbf: {  	[sflag:s10] =	ssyncadd.s32 $0xFFFFC000  }
0xc0: {  	_ =	swait.ge [sflag:s16], $0x4000  }
0xc1: {  	[sflag:s16] =	ssyncset.done $0x0  }
0xc2: {  	[sflag:s16] =	ssyncadd.s32 $0xFFFFC000  }
0xc3: {  	[spmem:s25] =	stream.indirect.scatter.add.f32 [tilespmem:s9], [sflag:$0x3], $0x80, s8, s8, $0xb8;
	[tilespmem:$0x1EA00] =	vst v63  }
0xc4: {  	s21 =	sadd.s32 s20, s23  }
0xc5: {  	[tilespmem:s11], [sflag:$0x5] =	stream.linear.gather [hbm4b:s21+s17], $0x80, $0x38;
	[tilespmem:$0x1EA00] =	vst v63  }
0xc6: {  	_ =	swait.ge [sflag:s7], $0x80  }
0xc7: {  	[sflag:s7] =	ssyncset.done $0x0  }
0xc8: {  	s20 =	sadd.s32 s20, s22;
	[sflag:s7] =	ssyncadd.s32 $0xFFFFFF80  }
0xc9: {  	[tilespmem:s12], [sflag:$0x5] =	stream.linear.gather [hbm4b:s20+s17], $0x80, $0x38;
	[tilespmem:$0x1EA00] =	vst v63  }
0xca: {  	_ =	swait.ge [sflag:s7], $0x80  }
0xcb: {  	[sflag:s7] =	ssyncset.done $0x0  }
0xcc: {  	[sflag:s7] =	ssyncadd.s32 $0xFFFFFF80  }
0xcd: {  	[tilespmem:s13], [sflag:$0x2] =	stream.indirect.gather [hbm4b:s29+s8], $0x80, s11, s8, $0xb8;
	[tilespmem:$0x1EA00] =	vst v63  }
0xce: {  	_ =	swait.ge [sflag:s14], $0x4000  }
.Ltmp0:
0xcf: {  	[sflag:s14] =	ssyncset.done $0x0;
	(pc) =	sbr.rel @p0 .LBB2_2-.Ltmp0, $4  }
0xd0: {  	[sflag:s14] =	ssyncadd.s32 $0xFFFFC000  }
0xd1: {  	_ =	swait.ge [sflag:s15], $0x4000  }
0xd2: {  	[sflag:s15] =	ssyncset.done $0x0  }
0xd3: {  	[sflag:s15] =	ssyncadd.s32 $0xFFFFC000  }
0xd4: {  	[spmem:s25] =	stream.indirect.scatter.add.f32 [tilespmem:s13], [sflag:$0x4], $0x80, s12, s8, $0xb8;
	[tilespmem:$0x1EA00] =	vst v63  }
0xd5: {  	_ =	swait.ge [sflag:s16], $0x4000  }
0xd6: {  	[sflag:s16] =	ssyncset.done $0x0  }
0xd7: {  	[sflag:s16] =	ssyncadd.s32 $0xFFFFC000  }
0xd8: {  	[bflag:$0x0] =	sbarrier.arrive $0xFFFF  }
0xd9: {  	[tilespmem:s6], [sflag:$0x5] =	stream.linear.gather [spmem:s30], $0x2800, $0x38;
	[tilespmem:$0x1EA00] =	vst v63  }
0xda: {  	_ =	swait.ge [sflag:s7], $0x2800  }
0xdb: {  	[sflag:s7] =	ssyncset.done $0x0  }
0xdc: {  	s19 =	rddreg [dreg:$0xb];
	[sflag:s7] =	ssyncadd.s32 $0xFFFFD800  }
0xdd: {  	[hbm4b:s19+s17] =	stream.linear.scatter [tilespmem:s6], [sflag:$0x5], $0x2800, $0x38;
	[tilespmem:$0x1EA00] =	vst v63  }
0xde: {  	_ =	swait.ge [sflag:s7], $0x2800  }
0xdf: {  	[sflag:s7] =	ssyncset.done $0x0  }
0xe0: {  	[sflag:s7] =	ssyncadd.s32 $0xFFFFD800  }
0xe1: {  	[tilespmem:s6], [sflag:$0x5] =	stream.linear.gather [spmem:s31], $0x2800, $0x38;
	[tilespmem:$0x1EA00] =	vst v63  }
0xe2: {  	_ =	swait.ge [sflag:s7], $0x2800  }
0xe3: {  	[sflag:s7] =	ssyncset.done $0x0  }
0xe4: {  	s21 =	rddreg [dreg:$0xc];
	[sflag:s7] =	ssyncadd.s32 $0xFFFFD800  }
0xe5: {  	[hbm4b:s21+s17] =	stream.linear.scatter [tilespmem:s6], [sflag:$0x5], $0x2800, $0x38;
	[tilespmem:$0x1EA00] =	vst v63  }
0xe6: {  	_ =	swait.ge [sflag:s7], $0x2800  }
0xe7: {  	[sflag:s7] =	ssyncset.done $0x0  }
0xe8: {  	[sflag:s7] =	ssyncadd.s32 $0xFFFFD800  }
0xe9: {  	[tilespmem:s6], [sflag:$0x5] =	stream.linear.gather [spmem:s24], $0x2800, $0x38;
	[tilespmem:$0x1EA00] =	vst v63  }
0xea: {  	_ =	swait.ge [sflag:s7], $0x2800  }
0xeb: {  	[sflag:s7] =	ssyncset.done $0x0  }
0xec: {  	s20 =	rddreg [dreg:$0xd];
	[sflag:s7] =	ssyncadd.s32 $0xFFFFD800  }
0xed: {  	[hbm4b:s20+s17] =	stream.linear.scatter [tilespmem:s6], [sflag:$0x5], $0x2800, $0x38;
	[tilespmem:$0x1EA00] =	vst v63  }
0xee: {  	_ =	swait.ge [sflag:s7], $0x2800  }
0xef: {  	[sflag:s7] =	ssyncset.done $0x0  }
0xf0: {  	[sflag:s7] =	ssyncadd.s32 $0xFFFFD800  }
0xf1: {  	[tilespmem:s6], [sflag:$0x5] =	stream.linear.gather [spmem:s0], $0x2800, $0x38;
	[tilespmem:$0x1EA00] =	vst v63  }
0xf2: {  	_ =	swait.ge [sflag:s7], $0x2800  }
0xf3: {  	[sflag:s7] =	ssyncset.done $0x0  }
0xf4: {  	s21 =	rddreg [dreg:$0xe];
	[sflag:s7] =	ssyncadd.s32 $0xFFFFD800  }
0xf5: {  	[hbm4b:s21+s17] =	stream.linear.scatter [tilespmem:s6], [sflag:$0x5], $0x2800, $0x38;
	[tilespmem:$0x1EA00] =	vst v63  }
0xf6: {  	_ =	swait.ge [sflag:s7], $0x2800  }
0xf7: {  	[sflag:s7] =	ssyncset.done $0x0  }
0xf8: {  	[sflag:s7] =	ssyncadd.s32 $0xFFFFD800  }
0xf9: {  	[tilespmem:s6], [sflag:$0x5] =	stream.linear.gather [spmem:s1], $0x2800, $0x38;
	[tilespmem:$0x1EA00] =	vst v63  }
0xfa: {  	_ =	swait.ge [sflag:s7], $0x2800  }
0xfb: {  	[sflag:s7] =	ssyncset.done $0x0  }
0xfc: {  	s20 =	rddreg [dreg:$0xf];
	[sflag:s7] =	ssyncadd.s32 $0xFFFFD800  }
0xfd: {  	[hbm4b:s20+s17] =	stream.linear.scatter [tilespmem:s6], [sflag:$0x5], $0x2800, $0x38;
	[tilespmem:$0x1EA00] =	vst v63  }
0xfe: {  	_ =	swait.ge [sflag:s7], $0x2800  }
0xff: {  	[sflag:s7] =	ssyncset.done $0x0  }
0x100: {  	[sflag:s7] =	ssyncadd.s32 $0xFFFFD800  }
0x101: {  	[tilespmem:s6], [sflag:$0x5] =	stream.linear.gather [spmem:s2], $0x2800, $0x38;
	[tilespmem:$0x1EA00] =	vst v63  }
0x102: {  	_ =	swait.ge [sflag:s7], $0x2800  }
0x103: {  	[sflag:s7] =	ssyncset.done $0x0  }
0x104: {  	s21 =	rddreg [dreg:$0x10];
	[sflag:s7] =	ssyncadd.s32 $0xFFFFD800  }
0x105: {  	[hbm4b:s21+s17] =	stream.linear.scatter [tilespmem:s6], [sflag:$0x5], $0x2800, $0x38;
	[tilespmem:$0x1EA00] =	vst v63  }
0x106: {  	_ =	swait.ge [sflag:s7], $0x2800  }
0x107: {  	[sflag:s7] =	ssyncset.done $0x0  }
0x108: {  	[sflag:s7] =	ssyncadd.s32 $0xFFFFD800  }
0x109: {  	[tilespmem:s6], [sflag:$0x5] =	stream.linear.gather [spmem:s3], $0x2800, $0x38;
	[tilespmem:$0x1EA00] =	vst v63  }
0x10a: {  	_ =	swait.ge [sflag:s7], $0x2800  }
0x10b: {  	[sflag:s7] =	ssyncset.done $0x0  }
0x10c: {  	s20 =	rddreg [dreg:$0x11];
	[sflag:s7] =	ssyncadd.s32 $0xFFFFD800  }
0x10d: {  	[hbm4b:s20+s17] =	stream.linear.scatter [tilespmem:s6], [sflag:$0x5], $0x2800, $0x38;
	[tilespmem:$0x1EA00] =	vst v63  }
0x10e: {  	_ =	swait.ge [sflag:s7], $0x2800  }
0x10f: {  	[sflag:s7] =	ssyncset.done $0x0  }
0x110: {  	[sflag:s7] =	ssyncadd.s32 $0xFFFFD800  }
0x111: {  	[tilespmem:s6], [sflag:$0x5] =	stream.linear.gather [spmem:s4], $0x2800, $0x38;
	[tilespmem:$0x1EA00] =	vst v63  }
0x112: {  	s18 =	sadd.s32 $0x1, s18;
	_ =	swait.ge [sflag:s7], $0x2800  }
0x113: {  	p0 =	sne.s32 s18, s5;
	[sflag:s7] =	ssyncset.done $0x0  }
.Ltmp1:
0x114: {  	s21 =	rddreg [dreg:$0x12];
	[sflag:s7] =	ssyncadd.s32 $0xFFFFD800;
	(pc) =	sbr.rel @p0 .LBB2_1-.Ltmp1, $4  }
0x115: {  	[hbm4b:s21+s17] =	stream.linear.scatter [tilespmem:s6], [sflag:$0x5], $0x2800, $0x38;
	[tilespmem:$0x1EA00] =	vst v63  }
0x116: {  	_ =	swait.ge [sflag:s7], $0x2800  }
0x117: {  	[sflag:s7] =	ssyncset.done $0x0  }
0x118: {  	[sflag:s7] =	ssyncadd.s32 $0xFFFFD800  }
0x119: {  	_ =	sfence.sel $0x180000  }
0x11a: {  	[bflag:$0x0] =	sbarrier.arrive $0xFFFF  }
0x11b: {  	_ =	strace $0x90000050  }
0x11c: {  	s0 =	stileid.u32;
	[bflag:$0x2] =	sbarrier.arrive $0xFFFF  }
0x11d: {  	p0 =	sne.s32 s0, $0x0;
	s0 =	rddreg [dreg:$0x2]  }
0x11e: {  	s0 =	sadd.s32 @!p0 $0x100000, s0  }
0x11f: {  	[sflag:s0] =	ssyncadd.tile.s32 @!p0 $0x1;
	_ =	shalt  }
.Lfunc_end2:
_tile_overlayer_lowered:
.L_overlay_start_2:
0x120: {  	(tag) =	ssettag $0x2  }
0x121: {  	s0 =	rddreg [dreg:$0x0];
	s2 =	stileid.u32  }
0x122: {  	s1 =	rddreg [dreg:$0x1];
	p0 =	sne.s32 s2, $0x0  }
0x123: {  	s3 =	rddreg [dreg:$0x2];
	[bflag:$0x3] =	sbarrier.arrive $0xFFFF;
	s2 =	simm.s32 @!p0 $0x1C05  }
0x124: {  	[timem:s3], [sflag:s2] =	dma.local @!p0 [hbm:s0], s1  }
0x125: {  	s0 =	simm.s32 @!p0 $0x5  }
0x126: {  	_ =	swait.ge @!p0 [sflag:s0], s1  }
0x127: {  	s1 =	ssub.s32 @!p0 $0x0, s1;
	[sflag:s0] =	ssyncset.done @!p0 $0x0  }
0x128: {  	[sflag:s0] =	ssyncadd.s32 @!p0 s1  }
0x129: {  	[bflag:$0x3] =	sbarrier.arrive $0xFFFF  }
0x12a: {  	_ =	shalt  }

// kernel: kernel.24.cloned.1.call-start
scs
__scs_entry_jumppad:
0x0: {  	(pc) =	sbr.rel $0x88, $3  }
0x1: {  	(tag) =	ssettag $0x0;
	lr =	simm.s32 $0x1  }
0x2: {  	[smem:$0x3F91] =	sst lr;
	_ =	strace $0xD0000000  }
0x3: {  	_ = 	snop  }
0x4: {  	_ = 	snop  }
0x5: {  	_ = 	snop  }
0x6: {  	_ = 	snop  }
0x7: {  	_ = 	snop  }
__scs_overlays_trampoline_lowered:
0x8: {  	[smem:$0x3FA0] =	sst s0  }
0x9: {  	[smem:$0x3FA1] =	sst s1  }
0xa: {  	[smem:$0x3FA2] =	sst s2  }
0xb: {  	[smem:$0x3FA3] =	sst s3  }
0xc: {  	[smem:$0x3FA4] =	sst s4  }
0xd: {  	[smem:$0x3FA5] =	sst s5  }
0xe: {  	[smem:$0x3FA6] =	sst s6  }
0xf: {  	[smem:$0x3FA7] =	sst s7  }
0x10: {  	[smem:$0x3FA8] =	sst s8  }
0x11: {  	[smem:$0x3FA9] =	sst s9;
	s0 =	simm.s32 @!p0 $0x0  }
0x12: {  	s1 =	sld [smem:$0x3F8F];
	s0 =	simm.s32 @p0 $0x1  }
0x13: {  	[smem:$0x3FAA] =	sst s0;
	s0 =	simm.s32 @!p1 $0x0  }
0x14: {  	s2 =	sld [smem:$0x3F8E];
	s0 =	simm.s32 @p1 $0x1  }
0x15: {  	[smem:$0x3FAB] =	sst s0;
	s0 =	simm.s32 @!p2 $0x0  }
0x16: {  	s3 =	sld [smem:$0x3FDB];
	s0 =	simm.s32 @p2 $0x1  }
0x17: {  	s4 =	simm.s32 $0x1BF5;
	[smem:$0x3FAD] =	sst s0  }
0x18: {  	s0 =	sld [smem:$0x3F90];
	_ =	swait.ge [sflag:s4], $0x0  }
0x19: {  	s7 =	sld [smem:$0x3F91]  }
0x1a: {  	s8 =	sadd.s32 $0xFFFFE003, lr  }
0x1b: {  	s9 =	sadd.s32 $0xFFFFFEF7, lr;
	s5 =	simm.s32 $0xFFFFFFFF;
	p2 =	slt.u32 s8, $0xFFFFF086  }
0x1c: {  	p1 =	slt.u32 s9, $0xF7A;
	s5 =	simm.s32 @!p2 $0x0  }
0x1d: {  	s5 =	simm.s32 @p1 $0x1;
	p0 =	seq.s32 s7, s2  }
0x1e: {  	s7 =	smul.u32 @!p0 $0xF7A, s2;
	p2 =	seq.s32 @!p0 s5, $0x0  }
0x1f: {  	s9 =	smul.u32 $0xF7A, s1;
	s8 =	simm.s32 @!p0 $0x1BF5;
	p2 =	por !p2, p0  }
0x20: {  	[sflag:s8] =	ssyncset.s32 @!p0 $0xFFFFF086;
	s6 =	sadd.s32 @!p0 s3, s7;
	s7 =	simm.s32 @!p0 $0x108  }
0x21: {  	s3 =	sadd.s32 s3, s9;
	s6 =	sadd.s32 @!p0 $0x88, s6;
	s7 =	simm.s32 @p2 $0x1082  }
0x22: {  	[simem:s7], [sflag:s8] =	dma.local @!p0 [hbm:s6], $0xF7A  }
0x23: {  	s9 =	sor.u32 $0xD0000000, s2;
	s6 =	simm.s32 $0x108;
	_ =	swait.ge @!p0 [sflag:s8], $0x0  }
0x24: {  	s3 =	sadd.s32 $0x88, s3;
	s6 =	simm.s32 @!p1 $0x1082;
	[sflag:s4] =	ssyncset.s32 $0xFFFFF086  }
0x25: {  	[simem:s6], [sflag:s4] =	dma.local [hbm:s3], $0xF7A  }
0x26: {  	[smem:$0x3F91] =	sst s1;
	(tag) =	ssettag s2;
	_ =	strace s9  }
0x27: {  	s1 =	sld [smem:$0x3FA1]  }
0x28: {  	s2 =	sld [smem:$0x3FA2]  }
0x29: {  	s4 =	sld [smem:$0x3FA4]  }
0x2a: {  	p0 =	seq.s32 s5, $0x0;
	s5 =	sld [smem:$0x3FA5]  }
0x2b: {  	s6 =	sld [smem:$0x3FA6]  }
0x2c: {  	s7 =	sld [smem:$0x3FA7]  }
0x2d: {  	s3 =	simm.s32 $0x108;
	s8 =	sld [smem:$0x3FA8]  }
0x2e: {  	s3 =	simm.s32 @!p0 $0x1082;
	s9 =	sld [smem:$0x3FA9]  }
0x2f: {  	lr =	sadd.s32 s0, s3;
	s0 =	sld [smem:$0x3FA0]  }
0x30: {  	s3 =	sld [smem:$0x3FA3]  }
0x31: {  	[smem:$0x3FAC] =	sst s10  }
0x32: {  	s10 =	sld [smem:$0x3FAA];
	_ =	sdelay $0x3  }
0x33: {  	p0 =	seq.s32 s10, $0x1;
	s10 =	sld [smem:$0x3FAC];
	_ =	sdelay $0x3  }
0x34: {  	[smem:$0x3FAC] =	sst s10  }
0x35: {  	s10 =	sld [smem:$0x3FAB];
	_ =	sdelay $0x3  }
0x36: {  	p1 =	seq.s32 s10, $0x1;
	s10 =	sld [smem:$0x3FAC];
	_ =	sdelay $0x3  }
0x37: {  	[smem:$0x3FAC] =	sst s10  }
0x38: {  	s10 =	sld [smem:$0x3FAD]  }
0x39: {  	_ = 	snop;
	(pc) =	sbr.ind lr, $3  }
0x3a: {  	_ = 	snop  }
0x3b: {  	_ = 	snop  }
0x3c: {  	p2 =	seq.s32 s10, $0x1;
	s10 =	sld [smem:$0x3FAC]  }
0x3d: {  	_ =	shalt  }
0x3e: {  	_ =	shalt  }
0x3f: {  	_ =	shalt  }
0x40: {  	_ =	shalt  }
0x41: {  	_ =	shalt  }
0x42: {  	_ =	shalt  }
0x43: {  	_ =	shalt  }
0x44: {  	_ =	shalt  }
0x45: {  	_ =	shalt  }
0x46: {  	_ =	shalt  }
0x47: {  	_ =	shalt  }
0x48: {  	_ =	shalt  }
0x49: {  	_ =	shalt  }
0x4a: {  	_ =	shalt  }
0x4b: {  	_ =	shalt  }
0x4c: {  	_ =	shalt  }
0x4d: {  	_ =	shalt  }
0x4e: {  	_ =	shalt  }
0x4f: {  	_ =	shalt  }
0x50: {  	_ =	shalt  }
0x51: {  	_ =	shalt  }
0x52: {  	_ =	shalt  }
0x53: {  	_ =	shalt  }
0x54: {  	_ =	shalt  }
0x55: {  	_ =	shalt  }
0x56: {  	_ =	shalt  }
0x57: {  	_ =	shalt  }
0x58: {  	_ =	shalt  }
0x59: {  	_ =	shalt  }
0x5a: {  	_ =	shalt  }
0x5b: {  	_ =	shalt  }
0x5c: {  	_ =	shalt  }
0x5d: {  	_ =	shalt  }
0x5e: {  	_ =	shalt  }
0x5f: {  	_ =	shalt  }
0x60: {  	_ =	shalt  }
0x61: {  	_ =	shalt  }
0x62: {  	_ =	shalt  }
0x63: {  	_ =	shalt  }
0x64: {  	_ =	shalt  }
0x65: {  	_ =	shalt  }
0x66: {  	_ =	shalt  }
0x67: {  	_ =	shalt  }
0x68: {  	_ =	shalt  }
0x69: {  	_ =	shalt  }
0x6a: {  	_ =	shalt  }
0x6b: {  	_ =	shalt  }
0x6c: {  	_ =	shalt  }
0x6d: {  	_ =	shalt  }
0x6e: {  	_ =	shalt  }
0x6f: {  	_ =	shalt  }
0x70: {  	_ =	shalt  }
0x71: {  	_ =	shalt  }
0x72: {  	_ =	shalt  }
0x73: {  	_ =	shalt  }
0x74: {  	_ =	shalt  }
0x75: {  	_ =	shalt  }
0x76: {  	_ =	shalt  }
0x77: {  	_ =	shalt  }
0x78: {  	_ =	shalt  }
0x79: {  	_ =	shalt  }
0x7a: {  	_ =	shalt  }
0x7b: {  	_ =	shalt  }
0x7c: {  	_ =	shalt  }
0x7d: {  	_ =	shalt  }
0x7e: {  	_ =	shalt  }
0x7f: {  	_ =	shalt  }
0x80: {  	_ =	shalt  }
0x81: {  	_ =	shalt  }
0x82: {  	_ =	shalt  }
0x83: {  	_ =	shalt  }
0x84: {  	_ =	shalt  }
0x85: {  	_ =	shalt  }
0x86: {  	_ =	shalt  }
0x87: {  	_ =	shalt  }
.Lfunc_end0:
.L_simem_size_0:
called_computation.4_lowered:
.L_overlay_start_0:
0x88: {  	s2 =	sld [smem:$0x3FD9]  }
0x89: {  	s3 =	sld [smem:$0x3FFE];
	_ =	sdelay $0x1  }
0x8a: {  	s1 =	srdreg.scid  }
0x8b: {  	s0 =	sand.u32 $0x1, s1  }
0x8c: {  	s16 =	sshll.u32 s0, $0xA;
	s2 =	sadd.s32 s3, s2  }
0x8d: {  	s2 =	sadd.s32 s2, s16  }
0x8e: {  	[smem:$0x3FB8] =	sst s2  }
0x8f: {  	_ = 	snop  }
0x90: {  	(tm) =	ssettm $0x1  }
0x91: {  	s17 =	sld [smem:$0x3FFB];
	_ =	sdelay $0x3  }
0x92: {  	_ =	strace s17  }
0x93: {  	s2 =	sld [smem:$0x3FFC];
	_ =	sdelay $0x3  }
0x94: {  	_ =	strace s2  }
0x95: {  	s2 =	sld [smem:$0x3FFD];
	_ =	sdelay $0x3  }
0x96: {  	_ =	strace s2  }
0x97: {  	_ =	strace $0x8FFFFFFF  }
0x98: {  	s18 =	sld [smem:$0x3FDB];
	_ =	sdelay $0x1  }
0x99: {  	s19 =	simm.s32 $_scs_section_size  }
0x9a: {  	s4 =	simm.s32 $_size__tile_overlayer_lowered;
	s5 =	simm.s32 $_tile_overlayer_lowered  }
0x9b: {  	s22 =	simm.s32 $0x1BFF;
	s21 =	sshll.u32 s5, $0x1;
	s2 =	sadd.s32 s19, s18  }
0x9c: {  	s6 =	simm.s32 $0x0;
	s20 =	sshll.u32 s4, $0x1;
	s4 =	sadd.s32 s21, s2  }
0x9d: {  	[timem:s6], [sflag:s22] =	dma.local [hbm:s4], s20  }
0x9e: {  	_ =	swait.ge [sflag:s22], s20  }
0x9f: {  	s3 =	ssub.s32 $0x0, s20;
	[sflag:s22] =	ssyncset.done $0x0  }
0xa0: {  	[sflag:s22] =	ssyncadd.s32 s3;
	_ =	sdelay $0x1  }
0xa1: {  	s23 =	simm.s32 $0x1B8B  }
0xa2: {  	_ =	swait.ge [sflag:s23], $0x1  }
0xa3: {  	[sflag:s23] =	ssyncset.done $0x0  }
0xa4: {  	s25 =	simm.s32 $0x1B8E;
	s24 =	sld [smem:$0x3FFE];
	[sflag:s23] =	ssyncadd.s32 $0xFFFFFFFF  }
0xa5: {  	s26 =	simm.s32 $execute0_lowered;
	[smem:$0x3FD2] =	sst s25  }
0xa6: {  	s4 =	sshll.u32 s26, $0x1;
	_ =	strace $0x80000052;
	[dreg:$0x1] =	wrdreg $0xFFFFFFFF  }
0xa7: {  	s28 =	simm.s32 $_size_execute0_lowered;
	s2 =	sadd.s32 s2, s4;
	[dreg:$0x0] =	wrdreg $0x0  }
0xa8: {  	s4 =	sshll.u32 s28, $0x1;
	[dreg:$0x2] =	wrdreg s2  }
0xa9: {  	[dreg:$0x3] =	wrdreg s4  }
0xaa: {  	[dreg:$0x4] =	wrdreg $0xC0  }
0xab: {  	_ =	task [dreg:s6], $0x5FFFF  }
0xac: {  	[dreg:$0x1] =	wrdreg $0xFFFFFFFF  }
0xad: {  	[dreg:$0x0] =	wrdreg $0x60  }
0xae: {  	[dreg:$0x2] =	wrdreg s24  }
0xaf: {  	[dreg:$0x3] =	wrdreg $0x9  }
0xb0: {  	_ =	task.clear_ibuf [dreg:s6], $0x4FFFF;
	_ =	strace $0x90000052  }
0xb1: {  	s29 =	simm.s32 $0x9;
	_ =	strace $0x80000054  }
0xb2: {  	_ =	swait.ge [sflag:s29], $0x1  }
0xb3: {  	[sflag:s29] =	ssyncadd.s32 $0xFFFFFFFF  }
0xb4: {  	_ =	strace $0x90000054  }
0xb5: {  	_ =	sfence  }
0xb6: {  	s30 =	sld [smem:$0x0];
	_ =	sdelay $0x2  }
0xb7: {  	s31 =	sshll.u32 s1, $0xD;
	s1 =	sshrl.u32 s1, $0x2  }
0xb8: {  	s3 =	sand.u32 $0x4000, s31;
	s1 =	sadd.s32 s1, s30  }
0xb9: {  	s0 =	sor.u32 s3, s0;
	s1 =	sshll.u32 s1, $0x11  }
0xba: {  	s0 =	sor.u32 s1, s0  }
0xbb: {  	s0 =	sadd.s32 $0x8F2B, s0  }
0xbc: {  	[sflag:s0] =	ssyncadd.remote.s32 $0x1  }
0xbd: {  	_ =	sfence.sel $0xFFFF  }
0xbe: {  	[dreg:$0x0] =	wrdreg $0xFFFFFFFF;
	(pc) =	sbr.abs _section_cstart, $3  }
0xbf: {  	[dreg:$0x1] =	wrdreg $0xFFFFFFFF  }
0xc0: {  	_ =	task.clear_ibuf [dreg:s6], $0x2FFFF;
	_ =	strace $0x9FFFFFFF  }
0xc1: {  	(tm) =	ssettm $0x7FFFFFFF  }
tec
execute0_lowered:
.L_overlay_start_1:
0x0: {  	(tag) =	ssettag $0x1  }
0x1: {  	s4 =	rddreg [dreg:$0x0]  }
0x2: {  	s0 =	rddreg [dreg:$0x1]  }
0x3: {  	s3 =	srdreg.scid;
	s1 =	stileid.u32;
	s2 =	simm.s32 $0x0  }
0x4: {  	s10 =	simm.s32 $0x1;
	s11 =	simm.s32 $0x0;
	s6 =	smul.u32 $0x1880, s1  }
0x5: {  	s5 =	sand.u32 $0x1, s3;
	[smem:$0x7FF] =	sst s2;
	s8 =	smul.u32 $0x18800, s1  }
0x6: {  	s3 =	sadd.s32 $0x3E00, s4;
	s7 =	smul.u32 $0xC40, s5;
	s9 =	ssub.s32 $0x2, s5  }
0x7: {  	_ =	strace $0x80000053;
	s5 =	smul.u32 $0xC400, s5;
	s31 =	sshrl.u32 s9, $0x1  }
0x8: {  	s30 =	sadd.s32 s8, s4;
	s6 =	sadd.s32 s7, s6;
	s8 =	ssub.s32 s9, s31  }
0x9: {  	s5 =	sadd.s32 s5, s30;
	s7 =	simm.s32 $0x2;
	s6 =	sshrl.u32 s6, $0x3  }
0xa: {  	s9 =	simm.s32 $0x80;
	s5 =	sadd.s32 $0x56200, s5;
	s6 =	sadd.s32 s6, s4  }
0xb: {  	s4 =	smax.u32 s8, $0x1;
	s8 =	simm.s32 $0x70;
	s6 =	sadd.s32 $0x53000, s6  }
.LBB2_1:
0xc: {  	s12 =	sadd.s32 $0x0, s6  }
0xd: {  	[tilespmem:s2], [sflag:$0x2] =	stream.linear.gather [hbm4b:s12+s2], $0x70, $0x38;
	[tilespmem:$0x3880] =	vst v63  }
0xe: {  	_ =	swait.ge [sflag:s7], $0x70  }
0xf: {  	[sflag:s7] =	ssyncset.done $0x0  }
0x10: {  	[sflag:s7] =	ssyncadd.s32 $0xFFFFFF90  }
0x11: {  	[tilespmem:s9], [sflag:$0x1] =	stream.indirect.gather [hbm4b:s3+s8], $0x80, s2, s8, $0xb8;
	[tilespmem:$0x3880] =	vst v63  }
0x12: {  	_ =	swait.ge [sflag:s10], $0x3800  }
0x13: {  	[sflag:s10] =	ssyncset.done $0x0  }
0x14: {  	[sflag:s10] =	ssyncadd.s32 $0xFFFFC800  }
0x15: {  	[hbm4b:s5+s2] =	stream.linear.scatter [tilespmem:s9], [sflag:$0x2], $0x3800, $0x38;
	[tilespmem:$0x3880] =	vst v63  }
0x16: {  	s13 =	simm.s32 $0xE;
	_ =	swait.ge [sflag:s7], $0x3800  }
0x17: {  	s14 =	simm.s32 $0x1C;
	s12 =	sadd.s32 $0x700, s5;
	[sflag:s7] =	ssyncset.done $0x0  }
.LBB2_2:
0x18: {  	s15 =	sadd.s32 s13, s6  }
0x19: {  	[sflag:s7] =	ssyncadd.s32 $0xFFFFC800;
	s13 =	smov.u32 s14;
	s16 =	sadd.s32 $0xE, s14  }
0x1a: {  	[tilespmem:s2], [sflag:$0x2] =	stream.linear.gather [hbm4b:s15+s2], $0x70, $0x38;
	[tilespmem:$0x3880] =	vst v63  }
0x1b: {  	p0 =	sne.s32 s14, $0x17A;
	_ =	swait.ge [sflag:s7], $0x70  }
0x1c: {  	[sflag:s7] =	ssyncset.done $0x0  }
0x1d: {  	[sflag:s7] =	ssyncadd.s32 $0xFFFFFF90  }
0x1e: {  	[tilespmem:s9], [sflag:$0x1] =	stream.indirect.gather [hbm4b:s3+s8], $0x80, s2, s8, $0xb8;
	[tilespmem:$0x3880] =	vst v63  }
0x1f: {  	_ =	swait.ge [sflag:s10], $0x3800  }
.Ltmp0:
0x20: {  	[sflag:s10] =	ssyncset.done $0x0;
	(pc) =	sbr.rel @p0 .LBB2_2-.Ltmp0, $4  }
0x21: {  	[sflag:s10] =	ssyncadd.s32 $0xFFFFC800  }
0x22: {  	[hbm4b:s12+s2] =	stream.linear.scatter [tilespmem:s9], [sflag:$0x2], $0x3800, $0x38;
	[tilespmem:$0x3880] =	vst v63  }
0x23: {  	_ =	swait.ge [sflag:s7], $0x3800  }
0x24: {  	s14 =	smov.u32 s16;
	s12 =	sadd.s32 $0x700, s12;
	[sflag:s7] =	ssyncset.done $0x0  }
0x25: {  	s13 =	sadd.s32 s13, s6;
	[sflag:s7] =	ssyncadd.s32 $0xFFFFC800  }
0x26: {  	[tilespmem:s2], [sflag:$0x2] =	stream.linear.gather [hbm4b:s13+s2], $0x70, $0x38;
	[tilespmem:$0x3880] =	vst v63  }
0x27: {  	_ =	swait.ge [sflag:s7], $0x70  }
0x28: {  	[sflag:s7] =	ssyncset.done $0x0  }
0x29: {  	[sflag:s7] =	ssyncadd.s32 $0xFFFFFF90  }
0x2a: {  	[tilespmem:s9], [sflag:$0x1] =	stream.indirect.gather [hbm4b:s3+s8], $0x80, s2, s8, $0xb8;
	[tilespmem:$0x3880] =	vst v63  }
0x2b: {  	s11 =	sadd.s32 $0x1, s11;
	_ =	swait.ge [sflag:s10], $0x3800  }
0x2c: {  	p0 =	sne.s32 s11, s4;
	[sflag:s10] =	ssyncset.done $0x0  }
.Ltmp1:
0x2d: {  	[sflag:s10] =	ssyncadd.s32 $0xFFFFC800;
	(pc) =	sbr.rel @p0 .LBB2_1-.Ltmp1, $4  }
0x2e: {  	[hbm4b:s12+s2] =	stream.linear.scatter [tilespmem:s9], [sflag:$0x2], $0x3800, $0x38;
	[tilespmem:$0x3880] =	vst v63  }
0x2f: {  	_ =	swait.ge [sflag:s7], $0x3800  }
0x30: {  	[sflag:s7] =	ssyncset.done $0x0  }
0x31: {  	[sflag:s7] =	ssyncadd.s32 $0xFFFFC800  }
0x32: {  	_ =	sfence.sel $0x180000  }
0x33: {  	[bflag:$0x0] =	sbarrier.arrive $0xFFFF  }
0x34: {  	p0 =	sne.s32 s1, $0x0;
	_ =	strace $0x90000053  }
0x35: {  	s0 =	sadd.s32 @!p0 $0x100000, s0;
	[bflag:$0x2] =	sbarrier.arrive $0xFFFF  }
0x36: {  	[sflag:s0] =	ssyncadd.tile.s32 @!p0 $0x1;
	_ =	shalt  }
.Lfunc_end2:
_tile_overlayer_lowered:
.L_overlay_start_2:
0x37: {  	(tag) =	ssettag $0x2  }
0x38: {  	s0 =	rddreg [dreg:$0x0];
	s2 =	stileid.u32  }
0x39: {  	s1 =	rddreg [dreg:$0x1];
	p0 =	sne.s32 s2, $0x0  }
0x3a: {  	s3 =	rddreg [dreg:$0x2];
	[bflag:$0x3] =	sbarrier.arrive $0xFFFF;
	s2 =	simm.s32 @!p0 $0x1C02  }
0x3b: {  	[timem:s3], [sflag:s2] =	dma.local @!p0 [hbm:s0], s1  }
0x3c: {  	s0 =	simm.s32 @!p0 $0x2  }
0x3d: {  	_ =	swait.ge @!p0 [sflag:s0], s1  }
0x3e: {  	s1 =	ssub.s32 @!p0 $0x0, s1;
	[sflag:s0] =	ssyncset.done @!p0 $0x0  }
0x3f: {  	[sflag:s0] =	ssyncadd.s32 @!p0 s1  }
0x40: {  	[bflag:$0x3] =	sbarrier.arrive $0xFFFF  }
0x41: {  	_ =	shalt  }

</sc_bundles>
